<compile_context>
chip_gen: v7x
topology: tpu7x:2x2x1
jax: 0.10.2.dev20260603
libtpu: 0.0.44.dev20260713+nightly
codegen_flags: <defaults>
</compile_context>

<pallas_src>
import functools

import jax
import jax.numpy as jnp
from jax import lax
from jax.experimental import pallas as pl
from jax.experimental.pallas import tpu as pltpu
from jax.experimental.pallas import tpu_sc as plsc

_NC, _NS = 2, 16
_NW = _NC * _NS
_CS = 48
_L = 16
_OPAD = 512


def kernel(inputs):
    B, H, W, C = inputs.shape
    WW = W // 2
    xt = inputs.transpose(0, 1, 3, 2)
    n_units = B * (H // 2) * (C // _CS)
    units_w = n_units // _NW
    n_j = W // _L

    mesh = plsc.VectorSubcoreMesh(
        core_axis_name="c", subcore_axis_name="s",
        num_cores=_NC, num_subcores=_NS,
    )

    @functools.partial(
        pl.kernel,
        out_type=jax.ShapeDtypeStruct((B, C, H * WW), inputs.dtype),
        mesh=mesh,
        scratch_types=[
            *[pltpu.VMEM((_CS, W), inputs.dtype) for _ in range(4)],
            *[pltpu.VMEM((_CS, _OPAD), inputs.dtype) for _ in range(2)],
            *[pltpu.SemaphoreType.DMA for _ in range(6)],
        ],
        compiler_params=pltpu.CompilerParams(
            use_tc_tiling_on_sc=True, needs_layout_passes=False),
    )
    def seq_refresh(x_hbm, o_hbm, *rest):
        ina = rest[0:2]
        inb = rest[2:4]
        outb = rest[4:6]
        sa = rest[6:8]
        sb = rest[8:10]
        so = rest[10:12]
        wid = lax.axis_index("s") * _NC + lax.axis_index("c")

        def decode(u):
            g = wid * units_w + u
            b = g // (n_units // B)
            rem = g % (n_units // B)
            ch = rem // (H // 2)
            hp = rem % (H // 2)
            return b, 2 * hp, ch * _CS

        def start_in(u, k):
            b, h0, c0 = decode(u)
            pltpu.async_copy(x_hbm.at[b, h0, pl.ds(c0, _CS), :], ina[k], sa[k])
            pltpu.async_copy(x_hbm.at[b, h0 + 1, pl.ds(c0, _CS), :], inb[k], sb[k])

        def wait_in(u, k):
            b, h0, c0 = decode(u)
            pltpu.make_async_copy(
                x_hbm.at[b, h0, pl.ds(c0, _CS), :], ina[k], sa[k]).wait()
            pltpu.make_async_copy(
                x_hbm.at[b, h0 + 1, pl.ds(c0, _CS), :], inb[k], sb[k]).wait()

        def out_dst(u):
            b, h0, c0 = decode(u)
            return o_hbm.at[b, pl.ds(c0, _CS), pl.ds(h0 * WW, 2 * WW)]

        lane_par = lax.iota(jnp.int32, _L) % 2
        m_odd = lane_par == 1
        m_even = lane_par == 0

        def compact(k):
            @plsc.parallel_loop(0, _CS, unroll=2)
            def row(r):
                for j in range(n_j):
                    va = ina[k][r, pl.ds(_L * j, _L)]
                    plsc.store_compressed(
                        outb[k].at[r, pl.ds(8 * j, _L)], va, mask=m_odd)
                    vb = inb[k][r, pl.ds(_L * j, _L)]
                    plsc.store_compressed(
                        outb[k].at[r, pl.ds(WW + 8 * j, _L)], vb, mask=m_even)

        start_in(0, 0)
        start_in(1, 1)

        def step(t, _):
            for k in (0, 1):
                u = 2 * t + k
                wait_in(u, k)

                @pl.when(t > 0)
                def _wait_out():
                    pltpu.make_async_copy(outb[k].at[:, pl.ds(0, W)],
                                          out_dst(u - 2), so[k]).wait()

                compact(k)
                pltpu.async_copy(outb[k].at[:, pl.ds(0, W)], out_dst(u), so[k])

                @pl.when(t < units_w // 2 - 1)
                def _next_in():
                    start_in(u + 2, k)
            return _

        lax.fori_loop(0, units_w // 2, step, None)
        pltpu.make_async_copy(outb[0].at[:, pl.ds(0, W)],
                              out_dst(units_w - 2), so[0]).wait()
        pltpu.make_async_copy(outb[1].at[:, pl.ds(0, W)],
                              out_dst(units_w - 1), so[1]).wait()

    out_t = seq_refresh(xt)
    return out_t.transpose(0, 2, 1)

# --- scband reference (transcript-rebuilt; emitter-appended) ---
"""Pipeline reference for scband-seq-refresh-8512625181017 (READ-ONLY COPY).

The authoritative reference and input builder live on the scoring server;
editing this copy changes nothing except your own understanding.
"""

import jax, jax.numpy as jnp
import numpy as np


def setup_inputs(seed: int = 0) -> dict:
    key = jax.random.key(seed)
    inputs = jax.random.normal(key, (4, 384, 384, 96), dtype=jnp.float32)
    return {"inputs": inputs}


def reference(inputs):
    # Faithful translation of SeqRefresh.call:
    # for each row r of the HxW image:
    #   if r is odd  -> gather even column indices
    #   if r is even -> gather odd column indices
    # then concat all per-row gathers along axis 1 -> [B, H*(W//2), C]
    B, H, W, C = inputs.shape
    even_indices = jnp.arange(0, W, 2)
    odd_indices = jnp.arange(1, W, 2)
    row_ids = jnp.arange(H)
    # odd rows use even indices, even rows use odd indices
    idx = jnp.where((row_ids % 2 == 1)[:, None], even_indices[None, :], odd_indices[None, :])  # [H, W//2]
    gathered = jnp.take_along_axis(inputs, idx[None, :, :, None], axis=2)  # [B, H, W//2, C]
    # concatenating per-row [B, W//2, C] slices along axis 1 in row order == reshape
    merged_vector = gathered.reshape(B, H * (W // 2), C)
    return merged_vector

if __name__ == "__main__":
    import jax
    _d = setup_inputs()
    print(jax.jit(kernel)(*tuple(_d.values())))

</pallas_src>

<mosaic_0001>
#map = affine_map<(d0, d1) -> (0, 0, 0, 0)>
#map1 = affine_map<(d0, d1) -> (0, 0, 0)>
module attributes {stable_mosaic.version = 14 : i64} {
  func.func @seq_refresh(%arg0: i32, %arg1: i32, %arg2: memref<4x384x96x384xf32, #tpu.memory_space<hbm>>, %arg3: memref<4x96x73728xf32, #tpu.memory_space<hbm>>, %arg4: memref<48x384xf32, #tpu.memory_space<vmem>>, %arg5: memref<48x384xf32, #tpu.memory_space<vmem>>, %arg6: memref<48x384xf32, #tpu.memory_space<vmem>>, %arg7: memref<48x384xf32, #tpu.memory_space<vmem>>, %arg8: memref<48x512xf32, #tpu.memory_space<vmem>>, %arg9: memref<48x512xf32, #tpu.memory_space<vmem>>, %arg10: memref<!tpu.dma_semaphore, #tpu.memory_space<semaphore_mem>>, %arg11: memref<!tpu.dma_semaphore, #tpu.memory_space<semaphore_mem>>, %arg12: memref<!tpu.dma_semaphore, #tpu.memory_space<semaphore_mem>>, %arg13: memref<!tpu.dma_semaphore, #tpu.memory_space<semaphore_mem>>, %arg14: memref<!tpu.dma_semaphore, #tpu.memory_space<semaphore_mem>>, %arg15: memref<!tpu.dma_semaphore, #tpu.memory_space<semaphore_mem>>) attributes {dimension_semantics = [#tpu.dimension_semantics<core_parallel>, #tpu.dimension_semantics<subcore_parallel>], iteration_bounds = array<i64: 2, 16>, scalar_prefetch = 0 : i64, scratch_operands = 12 : i64, tpu.core_type = #tpu.core_type<sc_vector_subcore>, window_params = [{transform_indices = #map}, {transform_indices = #map1}]} {
    %mul3A = arith.constant 2 : i32
    %mul3A_0 = arith.muli %arg1, %mul3A : i32
    %add3A = arith.addi %mul3A_0, %arg0 : i32
    %iota3A = tpu.iota {dimensions = array<i32: 0>} : vector<16xi32>
    %jit3A = arith.constant 2 : i32
    %eq3A = arith.constant 0 : i32
    %eq3A_1 = arith.cmpi eq, %jit3A, %eq3A : i32
    %jit3A_2 = arith.constant 1 : i32
    %select_n3A = arith.select %eq3A_1, %jit3A_2, %jit3A : i32
    %rem3A = vector.broadcast %select_n3A : i32 to vector<16xi32>
    %rem3A_3 = arith.remsi %iota3A, %rem3A : vector<16xi32>
    %ne3A = arith.constant 0 : i32
    %ne3A_4 = vector.broadcast %ne3A : i32 to vector<16xi32>
    %ne3A_5 = arith.cmpi ne, %rem3A_3, %ne3A_4 : vector<16xi32>
    %lt3A = arith.constant 0 : i32
    %lt3A_6 = vector.broadcast %lt3A : i32 to vector<16xi32>
    %lt3A_7 = arith.cmpi slt, %rem3A_3, %lt3A_6 : vector<16xi32>
    %lt3A_8 = arith.constant 0 : i32
    %lt3A_9 = arith.cmpi slt, %select_n3A, %lt3A_8 : i32
    %ne3A_10 = vector.broadcast %lt3A_9 : i1 to vector<16xi1>
    %ne3A_11 = vector.broadcast %ne3A_10 : vector<16xi1> to vector<16xi1>
    %ne3A_12 = arith.xori %lt3A_7, %ne3A_11 : vector<16xi1>
    %and3A = arith.andi %ne3A_12, %ne3A_5 : vector<16xi1>
    %add3A_13 = vector.broadcast %select_n3A : i32 to vector<16xi32>
    %add3A_14 = arith.addi %rem3A_3, %add3A_13 : vector<16xi32>
    %select_n3A_15 = arith.select %and3A, %add3A_14, %rem3A_3 : vector<16xi1>, vector<16xi32>
    %eq3A_16 = arith.constant 1 : i32
    %eq3A_17 = vector.broadcast %eq3A_16 : i32 to vector<16xi32>
    %eq3A_18 = arith.cmpi eq, %select_n3A_15, %eq3A_17 : vector<16xi32>
    %eq3A_19 = arith.constant 0 : i32
    %eq3A_20 = vector.broadcast %eq3A_19 : i32 to vector<16xi32>
    %eq3A_21 = arith.cmpi eq, %select_n3A_15, %eq3A_20 : vector<16xi32>
    %mul3A_22 = arith.constant 48 : i32
    %mul3A_23 = arith.muli %add3A, %mul3A_22 : i32
    %add3A_24 = arith.constant 0 : i32
    %add3A_25 = arith.addi %mul3A_23, %add3A_24 : i32
    %jit3A_26 = arith.constant 384 : i32
    %div3A = arith.divsi %add3A_25, %jit3A_26 : i32
    %sign3A = arith.constant 0 : i32
    %sign3A_27 = arith.cmpi sgt, %add3A_25, %sign3A : i32
    %sign3A_28 = arith.extui %sign3A_27 : i1 to i32
    %sign3A_29 = arith.constant 0 : i32
    %sign3A_30 = arith.cmpi slt, %add3A_25, %sign3A_29 : i32
    %sign3A_31 = arith.extui %sign3A_30 : i1 to i32
    %sign3A_32 = arith.subi %sign3A_28, %sign3A_31 : i32
    %sign3A_33 = arith.constant 0 : i32
    %sign3A_34 = arith.cmpi sgt, %jit3A_26, %sign3A_33 : i32
    %sign3A_35 = arith.extui %sign3A_34 : i1 to i32
    %sign3A_36 = arith.constant 0 : i32
    %sign3A_37 = arith.cmpi slt, %jit3A_26, %sign3A_36 : i32
    %sign3A_38 = arith.extui %sign3A_37 : i1 to i32
    %sign3A_39 = arith.subi %sign3A_35, %sign3A_38 : i32
    %ne3A_40 = arith.cmpi ne, %sign3A_32, %sign3A_39 : i32
    %rem3A_41 = arith.remsi %add3A_25, %jit3A_26 : i32
    %ne3A_42 = arith.constant 0 : i32
    %ne3A_43 = arith.cmpi ne, %rem3A_41, %ne3A_42 : i32
    %and3A_44 = arith.andi %ne3A_40, %ne3A_43 : i1
    %sub3A = arith.constant 1 : i32
    %sub3A_45 = arith.subi %div3A, %sub3A : i32
    %select_n3A_46 = arith.select %and3A_44, %sub3A_45, %div3A : i32
    %jit3A_47 = arith.constant 384 : i32
    %eq3A_48 = arith.constant 0 : i32
    %eq3A_49 = arith.cmpi eq, %jit3A_47, %eq3A_48 : i32
    %jit3A_50 = arith.constant 1 : i32
    %select_n3A_51 = arith.select %eq3A_49, %jit3A_50, %jit3A_47 : i32
    %rem3A_52 = arith.remsi %add3A_25, %select_n3A_51 : i32
    %ne3A_53 = arith.constant 0 : i32
    %ne3A_54 = arith.cmpi ne, %rem3A_52, %ne3A_53 : i32
    %lt3A_55 = arith.constant 0 : i32
    %lt3A_56 = arith.cmpi slt, %rem3A_52, %lt3A_55 : i32
    %lt3A_57 = arith.constant 0 : i32
    %lt3A_58 = arith.cmpi slt, %select_n3A_51, %lt3A_57 : i32
    %ne3A_59 = arith.xori %lt3A_56, %lt3A_58 : i1
    %and3A_60 = arith.andi %ne3A_59, %ne3A_54 : i1
    %add3A_61 = arith.addi %rem3A_52, %select_n3A_51 : i32
    %select_n3A_62 = arith.select %and3A_60, %add3A_61, %rem3A_52 : i32
    %jit3A_63 = arith.constant 192 : i32
    %div3A_64 = arith.divsi %select_n3A_62, %jit3A_63 : i32
    %sign3A_65 = arith.constant 0 : i32
    %sign3A_66 = arith.cmpi sgt, %select_n3A_62, %sign3A_65 : i32
    %sign3A_67 = arith.extui %sign3A_66 : i1 to i32
    %sign3A_68 = arith.constant 0 : i32
    %sign3A_69 = arith.cmpi slt, %select_n3A_62, %sign3A_68 : i32
    %sign3A_70 = arith.extui %sign3A_69 : i1 to i32
    %sign3A_71 = arith.subi %sign3A_67, %sign3A_70 : i32
    %sign3A_72 = arith.constant 0 : i32
    %sign3A_73 = arith.cmpi sgt, %jit3A_63, %sign3A_72 : i32
    %sign3A_74 = arith.extui %sign3A_73 : i1 to i32
    %sign3A_75 = arith.constant 0 : i32
    %sign3A_76 = arith.cmpi slt, %jit3A_63, %sign3A_75 : i32
    %sign3A_77 = arith.extui %sign3A_76 : i1 to i32
    %sign3A_78 = arith.subi %sign3A_74, %sign3A_77 : i32
    %ne3A_79 = arith.cmpi ne, %sign3A_71, %sign3A_78 : i32
    %rem3A_80 = arith.remsi %select_n3A_62, %jit3A_63 : i32
    %ne3A_81 = arith.constant 0 : i32
    %ne3A_82 = arith.cmpi ne, %rem3A_80, %ne3A_81 : i32
    %and3A_83 = arith.andi %ne3A_79, %ne3A_82 : i1
    %sub3A_84 = arith.constant 1 : i32
    %sub3A_85 = arith.subi %div3A_64, %sub3A_84 : i32
    %select_n3A_86 = arith.select %and3A_83, %sub3A_85, %div3A_64 : i32
    %jit3A_87 = arith.constant 192 : i32
    %eq3A_88 = arith.constant 0 : i32
    %eq3A_89 = arith.cmpi eq, %jit3A_87, %eq3A_88 : i32
    %jit3A_90 = arith.constant 1 : i32
    %select_n3A_91 = arith.select %eq3A_89, %jit3A_90, %jit3A_87 : i32
    %rem3A_92 = arith.remsi %select_n3A_62, %select_n3A_91 : i32
    %ne3A_93 = arith.constant 0 : i32
    %ne3A_94 = arith.cmpi ne, %rem3A_92, %ne3A_93 : i32
    %lt3A_95 = arith.constant 0 : i32
    %lt3A_96 = arith.cmpi slt, %rem3A_92, %lt3A_95 : i32
    %lt3A_97 = arith.constant 0 : i32
    %lt3A_98 = arith.cmpi slt, %select_n3A_91, %lt3A_97 : i32
    %ne3A_99 = arith.xori %lt3A_96, %lt3A_98 : i1
    %and3A_100 = arith.andi %ne3A_99, %ne3A_94 : i1
    %add3A_101 = arith.addi %rem3A_92, %select_n3A_91 : i32
    %select_n3A_102 = arith.select %and3A_100, %add3A_101, %rem3A_92 : i32
    %mul3A_103 = arith.constant 2 : i32
    %mul3A_104 = arith.muli %mul3A_103, %select_n3A_102 : i32
    %mul3A_105 = arith.constant 48 : i32
    %mul3A_106 = arith.muli %select_n3A_86, %mul3A_105 : i32
    %dma_start3A = arith.constant 0 : i32
    %dma_start3A_107 = tpu.memref_slice %arg2[%select_n3A_46, %mul3A_104, %mul3A_106, %dma_start3A] : memref<4x384x96x384xf32, #tpu.memory_space<hbm>> -> memref<1x1x48x384xf32, #tpu.memory_space<hbm>>
    %dma_start3A_108 = tpu.memref_squeeze %dma_start3A_107 : memref<1x1x48x384xf32, #tpu.memory_space<hbm>> -> memref<48x384xf32, #tpu.memory_space<hbm>>
    %dma_start3A_109 = arith.constant 0 : i32
    %dma_start3A_110 = tpu.memref_slice %arg2[%select_n3A_46, %mul3A_104, %mul3A_106, %dma_start3A_109] : memref<4x384x96x384xf32, #tpu.memory_space<hbm>> -> memref<1x1x48x384xf32, #tpu.memory_space<hbm>>
    %dma_start3A_111 = tpu.memref_squeeze %dma_start3A_110 : memref<1x1x48x384xf32, #tpu.memory_space<hbm>> -> memref<48x384xf32, #tpu.memory_space<hbm>>
    tpu.enqueue_dma source(%dma_start3A_111 : memref<48x384xf32, #tpu.memory_space<hbm>>) target(%arg4 : memref<48x384xf32, #tpu.memory_space<vmem>>) target_semaphore(%arg10 : memref<!tpu.dma_semaphore, #tpu.memory_space<semaphore_mem>>)
    %add3A_112 = arith.constant 1 : i32
    %add3A_113 = arith.addi %mul3A_104, %add3A_112 : i32
    %dma_start3A_114 = arith.constant 0 : i32
    %dma_start3A_115 = tpu.memref_slice %arg2[%select_n3A_46, %add3A_113, %mul3A_106, %dma_start3A_114] : memref<4x384x96x384xf32, #tpu.memory_space<hbm>> -> memref<1x1x48x384xf32, #tpu.memory_space<hbm>>
    %dma_start3A_116 = tpu.memref_squeeze %dma_start3A_115 : memref<1x1x48x384xf32, #tpu.memory_space<hbm>> -> memref<48x384xf32, #tpu.memory_space<hbm>>
    %dma_start3A_117 = arith.constant 0 : i32
    %dma_start3A_118 = tpu.memref_slice %arg2[%select_n3A_46, %add3A_113, %mul3A_106, %dma_start3A_117] : memref<4x384x96x384xf32, #tpu.memory_space<hbm>> -> memref<1x1x48x384xf32, #tpu.memory_space<hbm>>
    %dma_start3A_119 = tpu.memref_squeeze %dma_start3A_118 : memref<1x1x48x384xf32, #tpu.memory_space<hbm>> -> memref<48x384xf32, #tpu.memory_space<hbm>>
    tpu.enqueue_dma source(%dma_start3A_119 : memref<48x384xf32, #tpu.memory_space<hbm>>) target(%arg6 : memref<48x384xf32, #tpu.memory_space<vmem>>) target_semaphore(%arg12 : memref<!tpu.dma_semaphore, #tpu.memory_space<semaphore_mem>>)
    %mul3A_120 = arith.constant 48 : i32
    %mul3A_121 = arith.muli %add3A, %mul3A_120 : i32
    %add3A_122 = arith.constant 1 : i32
    %add3A_123 = arith.addi %mul3A_121, %add3A_122 : i32
    %jit3A_124 = arith.constant 384 : i32
    %div3A_125 = arith.divsi %add3A_123, %jit3A_124 : i32
    %sign3A_126 = arith.constant 0 : i32
    %sign3A_127 = arith.cmpi sgt, %add3A_123, %sign3A_126 : i32
    %sign3A_128 = arith.extui %sign3A_127 : i1 to i32
    %sign3A_129 = arith.constant 0 : i32
    %sign3A_130 = arith.cmpi slt, %add3A_123, %sign3A_129 : i32
    %sign3A_131 = arith.extui %sign3A_130 : i1 to i32
    %sign3A_132 = arith.subi %sign3A_128, %sign3A_131 : i32
    %sign3A_133 = arith.constant 0 : i32
    %sign3A_134 = arith.cmpi sgt, %jit3A_124, %sign3A_133 : i32
    %sign3A_135 = arith.extui %sign3A_134 : i1 to i32
    %sign3A_136 = arith.constant 0 : i32
    %sign3A_137 = arith.cmpi slt, %jit3A_124, %sign3A_136 : i32
    %sign3A_138 = arith.extui %sign3A_137 : i1 to i32
    %sign3A_139 = arith.subi %sign3A_135, %sign3A_138 : i32
    %ne3A_140 = arith.cmpi ne, %sign3A_132, %sign3A_139 : i32
    %rem3A_141 = arith.remsi %add3A_123, %jit3A_124 : i32
    %ne3A_142 = arith.constant 0 : i32
    %ne3A_143 = arith.cmpi ne, %rem3A_141, %ne3A_142 : i32
    %and3A_144 = arith.andi %ne3A_140, %ne3A_143 : i1
    %sub3A_145 = arith.constant 1 : i32
    %sub3A_146 = arith.subi %div3A_125, %sub3A_145 : i32
    %select_n3A_147 = arith.select %and3A_144, %sub3A_146, %div3A_125 : i32
    %jit3A_148 = arith.constant 384 : i32
    %eq3A_149 = arith.constant 0 : i32
    %eq3A_150 = arith.cmpi eq, %jit3A_148, %eq3A_149 : i32
    %jit3A_151 = arith.constant 1 : i32
    %select_n3A_152 = arith.select %eq3A_150, %jit3A_151, %jit3A_148 : i32
    %rem3A_153 = arith.remsi %add3A_123, %select_n3A_152 : i32
    %ne3A_154 = arith.constant 0 : i32
    %ne3A_155 = arith.cmpi ne, %rem3A_153, %ne3A_154 : i32
    %lt3A_156 = arith.constant 0 : i32
    %lt3A_157 = arith.cmpi slt, %rem3A_153, %lt3A_156 : i32
    %lt3A_158 = arith.constant 0 : i32
    %lt3A_159 = arith.cmpi slt, %select_n3A_152, %lt3A_158 : i32
    %ne3A_160 = arith.xori %lt3A_157, %lt3A_159 : i1
    %and3A_161 = arith.andi %ne3A_160, %ne3A_155 : i1
    %add3A_162 = arith.addi %rem3A_153, %select_n3A_152 : i32
    %select_n3A_163 = arith.select %and3A_161, %add3A_162, %rem3A_153 : i32
    %jit3A_164 = arith.constant 192 : i32
    %div3A_165 = arith.divsi %select_n3A_163, %jit3A_164 : i32
    %sign3A_166 = arith.constant 0 : i32
    %sign3A_167 = arith.cmpi sgt, %select_n3A_163, %sign3A_166 : i32
    %sign3A_168 = arith.extui %sign3A_167 : i1 to i32
    %sign3A_169 = arith.constant 0 : i32
    %sign3A_170 = arith.cmpi slt, %select_n3A_163, %sign3A_169 : i32
    %sign3A_171 = arith.extui %sign3A_170 : i1 to i32
    %sign3A_172 = arith.subi %sign3A_168, %sign3A_171 : i32
    %sign3A_173 = arith.constant 0 : i32
    %sign3A_174 = arith.cmpi sgt, %jit3A_164, %sign3A_173 : i32
    %sign3A_175 = arith.extui %sign3A_174 : i1 to i32
    %sign3A_176 = arith.constant 0 : i32
    %sign3A_177 = arith.cmpi slt, %jit3A_164, %sign3A_176 : i32
    %sign3A_178 = arith.extui %sign3A_177 : i1 to i32
    %sign3A_179 = arith.subi %sign3A_175, %sign3A_178 : i32
    %ne3A_180 = arith.cmpi ne, %sign3A_172, %sign3A_179 : i32
    %rem3A_181 = arith.remsi %select_n3A_163, %jit3A_164 : i32
    %ne3A_182 = arith.constant 0 : i32
    %ne3A_183 = arith.cmpi ne, %rem3A_181, %ne3A_182 : i32
    %and3A_184 = arith.andi %ne3A_180, %ne3A_183 : i1
    %sub3A_185 = arith.constant 1 : i32
    %sub3A_186 = arith.subi %div3A_165, %sub3A_185 : i32
    %select_n3A_187 = arith.select %and3A_184, %sub3A_186, %div3A_165 : i32
    %jit3A_188 = arith.constant 192 : i32
    %eq3A_189 = arith.constant 0 : i32
    %eq3A_190 = arith.cmpi eq, %jit3A_188, %eq3A_189 : i32
    %jit3A_191 = arith.constant 1 : i32
    %select_n3A_192 = arith.select %eq3A_190, %jit3A_191, %jit3A_188 : i32
    %rem3A_193 = arith.remsi %select_n3A_163, %select_n3A_192 : i32
    %ne3A_194 = arith.constant 0 : i32
    %ne3A_195 = arith.cmpi ne, %rem3A_193, %ne3A_194 : i32
    %lt3A_196 = arith.constant 0 : i32
    %lt3A_197 = arith.cmpi slt, %rem3A_193, %lt3A_196 : i32
    %lt3A_198 = arith.constant 0 : i32
    %lt3A_199 = arith.cmpi slt, %select_n3A_192, %lt3A_198 : i32
    %ne3A_200 = arith.xori %lt3A_197, %lt3A_199 : i1
    %and3A_201 = arith.andi %ne3A_200, %ne3A_195 : i1
    %add3A_202 = arith.addi %rem3A_193, %select_n3A_192 : i32
    %select_n3A_203 = arith.select %and3A_201, %add3A_202, %rem3A_193 : i32
    %mul3A_204 = arith.constant 2 : i32
    %mul3A_205 = arith.muli %mul3A_204, %select_n3A_203 : i32
    %mul3A_206 = arith.constant 48 : i32
    %mul3A_207 = arith.muli %select_n3A_187, %mul3A_206 : i32
    %dma_start3A_208 = arith.constant 0 : i32
    %dma_start3A_209 = tpu.memref_slice %arg2[%select_n3A_147, %mul3A_205, %mul3A_207, %dma_start3A_208] : memref<4x384x96x384xf32, #tpu.memory_space<hbm>> -> memref<1x1x48x384xf32, #tpu.memory_space<hbm>>
    %dma_start3A_210 = tpu.memref_squeeze %dma_start3A_209 : memref<1x1x48x384xf32, #tpu.memory_space<hbm>> -> memref<48x384xf32, #tpu.memory_space<hbm>>
    %dma_start3A_211 = arith.constant 0 : i32
    %dma_start3A_212 = tpu.memref_slice %arg2[%select_n3A_147, %mul3A_205, %mul3A_207, %dma_start3A_211] : memref<4x384x96x384xf32, #tpu.memory_space<hbm>> -> memref<1x1x48x384xf32, #tpu.memory_space<hbm>>
    %dma_start3A_213 = tpu.memref_squeeze %dma_start3A_212 : memref<1x1x48x384xf32, #tpu.memory_space<hbm>> -> memref<48x384xf32, #tpu.memory_space<hbm>>
    tpu.enqueue_dma source(%dma_start3A_213 : memref<48x384xf32, #tpu.memory_space<hbm>>) target(%arg5 : memref<48x384xf32, #tpu.memory_space<vmem>>) target_semaphore(%arg11 : memref<!tpu.dma_semaphore, #tpu.memory_space<semaphore_mem>>)
    %add3A_214 = arith.constant 1 : i32
    %add3A_215 = arith.addi %mul3A_205, %add3A_214 : i32
    %dma_start3A_216 = arith.constant 0 : i32
    %dma_start3A_217 = tpu.memref_slice %arg2[%select_n3A_147, %add3A_215, %mul3A_207, %dma_start3A_216] : memref<4x384x96x384xf32, #tpu.memory_space<hbm>> -> memref<1x1x48x384xf32, #tpu.memory_space<hbm>>
    %dma_start3A_218 = tpu.memref_squeeze %dma_start3A_217 : memref<1x1x48x384xf32, #tpu.memory_space<hbm>> -> memref<48x384xf32, #tpu.memory_space<hbm>>
    %dma_start3A_219 = arith.constant 0 : i32
    %dma_start3A_220 = tpu.memref_slice %arg2[%select_n3A_147, %add3A_215, %mul3A_207, %dma_start3A_219] : memref<4x384x96x384xf32, #tpu.memory_space<hbm>> -> memref<1x1x48x384xf32, #tpu.memory_space<hbm>>
    %dma_start3A_221 = tpu.memref_squeeze %dma_start3A_220 : memref<1x1x48x384xf32, #tpu.memory_space<hbm>> -> memref<48x384xf32, #tpu.memory_space<hbm>>
    tpu.enqueue_dma source(%dma_start3A_221 : memref<48x384xf32, #tpu.memory_space<hbm>>) target(%arg7 : memref<48x384xf32, #tpu.memory_space<vmem>>) target_semaphore(%arg13 : memref<!tpu.dma_semaphore, #tpu.memory_space<semaphore_mem>>)
    %scan3A = arith.constant 0 : i32
    %scan3A_222 = arith.constant 24 : i32
    %scan3A_223 = arith.addi %scan3A, %scan3A_222 : i32
    %scan3A_224 = arith.constant 1 : i32
    scf.for %scan3A_425 = %scan3A to %scan3A_223 step %scan3A_224  : i32 {
      %mul3A_426 = arith.constant 2 : i32
      %mul3A_427 = arith.muli %mul3A_426, %scan3A_425 : i32
      %add3A_428 = arith.constant 0 : i32
      %add3A_429 = arith.addi %mul3A_427, %add3A_428 : i32
      %mul3A_430 = arith.constant 48 : i32
      %mul3A_431 = arith.muli %add3A, %mul3A_430 : i32
      %add3A_432 = arith.addi %mul3A_431, %add3A_429 : i32
      %jit3A_433 = arith.constant 384 : i32
      %div3A_434 = arith.divsi %add3A_432, %jit3A_433 : i32
      %sign3A_435 = arith.constant 0 : i32
      %sign3A_436 = arith.cmpi sgt, %add3A_432, %sign3A_435 : i32
      %sign3A_437 = arith.extui %sign3A_436 : i1 to i32
      %sign3A_438 = arith.constant 0 : i32
      %sign3A_439 = arith.cmpi slt, %add3A_432, %sign3A_438 : i32
      %sign3A_440 = arith.extui %sign3A_439 : i1 to i32
      %sign3A_441 = arith.subi %sign3A_437, %sign3A_440 : i32
      %sign3A_442 = arith.constant 0 : i32
      %sign3A_443 = arith.cmpi sgt, %jit3A_433, %sign3A_442 : i32
      %sign3A_444 = arith.extui %sign3A_443 : i1 to i32
      %sign3A_445 = arith.constant 0 : i32
      %sign3A_446 = arith.cmpi slt, %jit3A_433, %sign3A_445 : i32
      %sign3A_447 = arith.extui %sign3A_446 : i1 to i32
      %sign3A_448 = arith.subi %sign3A_444, %sign3A_447 : i32
      %ne3A_449 = arith.cmpi ne, %sign3A_441, %sign3A_448 : i32
      %rem3A_450 = arith.remsi %add3A_432, %jit3A_433 : i32
      %ne3A_451 = arith.constant 0 : i32
      %ne3A_452 = arith.cmpi ne, %rem3A_450, %ne3A_451 : i32
      %and3A_453 = arith.andi %ne3A_449, %ne3A_452 : i1
      %sub3A_454 = arith.constant 1 : i32
      %sub3A_455 = arith.subi %div3A_434, %sub3A_454 : i32
      %select_n3A_456 = arith.select %and3A_453, %sub3A_455, %div3A_434 : i32
      %jit3A_457 = arith.constant 384 : i32
      %eq3A_458 = arith.constant 0 : i32
      %eq3A_459 = arith.cmpi eq, %jit3A_457, %eq3A_458 : i32
      %jit3A_460 = arith.constant 1 : i32
      %select_n3A_461 = arith.select %eq3A_459, %jit3A_460, %jit3A_457 : i32
      %rem3A_462 = arith.remsi %add3A_432, %select_n3A_461 : i32
      %ne3A_463 = arith.constant 0 : i32
      %ne3A_464 = arith.cmpi ne, %rem3A_462, %ne3A_463 : i32
      %lt3A_465 = arith.constant 0 : i32
      %lt3A_466 = arith.cmpi slt, %rem3A_462, %lt3A_465 : i32
      %lt3A_467 = arith.constant 0 : i32
      %lt3A_468 = arith.cmpi slt, %select_n3A_461, %lt3A_467 : i32
      %ne3A_469 = arith.xori %lt3A_466, %lt3A_468 : i1
      %and3A_470 = arith.andi %ne3A_469, %ne3A_464 : i1
      %add3A_471 = arith.addi %rem3A_462, %select_n3A_461 : i32
      %select_n3A_472 = arith.select %and3A_470, %add3A_471, %rem3A_462 : i32
      %jit3A_473 = arith.constant 192 : i32
      %div3A_474 = arith.divsi %select_n3A_472, %jit3A_473 : i32
      %sign3A_475 = arith.constant 0 : i32
      %sign3A_476 = arith.cmpi sgt, %select_n3A_472, %sign3A_475 : i32
      %sign3A_477 = arith.extui %sign3A_476 : i1 to i32
      %sign3A_478 = arith.constant 0 : i32
      %sign3A_479 = arith.cmpi slt, %select_n3A_472, %sign3A_478 : i32
      %sign3A_480 = arith.extui %sign3A_479 : i1 to i32
      %sign3A_481 = arith.subi %sign3A_477, %sign3A_480 : i32
      %sign3A_482 = arith.constant 0 : i32
      %sign3A_483 = arith.cmpi sgt, %jit3A_473, %sign3A_482 : i32
      %sign3A_484 = arith.extui %sign3A_483 : i1 to i32
      %sign3A_485 = arith.constant 0 : i32
      %sign3A_486 = arith.cmpi slt, %jit3A_473, %sign3A_485 : i32
      %sign3A_487 = arith.extui %sign3A_486 : i1 to i32
      %sign3A_488 = arith.subi %sign3A_484, %sign3A_487 : i32
      %ne3A_489 = arith.cmpi ne, %sign3A_481, %sign3A_488 : i32
      %rem3A_490 = arith.remsi %select_n3A_472, %jit3A_473 : i32
      %ne3A_491 = arith.constant 0 : i32
      %ne3A_492 = arith.cmpi ne, %rem3A_490, %ne3A_491 : i32
      %and3A_493 = arith.andi %ne3A_489, %ne3A_492 : i1
      %sub3A_494 = arith.constant 1 : i32
      %sub3A_495 = arith.subi %div3A_474, %sub3A_494 : i32
      %select_n3A_496 = arith.select %and3A_493, %sub3A_495, %div3A_474 : i32
      %jit3A_497 = arith.constant 192 : i32
      %eq3A_498 = arith.constant 0 : i32
      %eq3A_499 = arith.cmpi eq, %jit3A_497, %eq3A_498 : i32
      %jit3A_500 = arith.constant 1 : i32
      %select_n3A_501 = arith.select %eq3A_499, %jit3A_500, %jit3A_497 : i32
      %rem3A_502 = arith.remsi %select_n3A_472, %select_n3A_501 : i32
      %ne3A_503 = arith.constant 0 : i32
      %ne3A_504 = arith.cmpi ne, %rem3A_502, %ne3A_503 : i32
      %lt3A_505 = arith.constant 0 : i32
      %lt3A_506 = arith.cmpi slt, %rem3A_502, %lt3A_505 : i32
      %lt3A_507 = arith.constant 0 : i32
      %lt3A_508 = arith.cmpi slt, %select_n3A_501, %lt3A_507 : i32
      %ne3A_509 = arith.xori %lt3A_506, %lt3A_508 : i1
      %and3A_510 = arith.andi %ne3A_509, %ne3A_504 : i1
      %add3A_511 = arith.addi %rem3A_502, %select_n3A_501 : i32
      %select_n3A_512 = arith.select %and3A_510, %add3A_511, %rem3A_502 : i32
      %mul3A_513 = arith.constant 2 : i32
      %mul3A_514 = arith.muli %mul3A_513, %select_n3A_512 : i32
      %mul3A_515 = arith.constant 48 : i32
      %mul3A_516 = arith.muli %select_n3A_496, %mul3A_515 : i32
      %dma_wait3A_517 = arith.constant 0 : i32
      %dma_wait3A_518 = tpu.memref_slice %arg2[%select_n3A_456, %mul3A_514, %mul3A_516, %dma_wait3A_517] : memref<4x384x96x384xf32, #tpu.memory_space<hbm>> -> memref<1x1x48x384xf32, #tpu.memory_space<hbm>>
      %dma_wait3A_519 = tpu.memref_squeeze %dma_wait3A_518 : memref<1x1x48x384xf32, #tpu.memory_space<hbm>> -> memref<48x384xf32, #tpu.memory_space<hbm>>
      %dma_wait3A_520 = arith.constant 0 : i32
      %dma_wait3A_521 = tpu.memref_slice %arg2[%select_n3A_456, %mul3A_514, %mul3A_516, %dma_wait3A_520] : memref<4x384x96x384xf32, #tpu.memory_space<hbm>> -> memref<1x1x48x384xf32, #tpu.memory_space<hbm>>
      %dma_wait3A_522 = tpu.memref_squeeze %dma_wait3A_521 : memref<1x1x48x384xf32, #tpu.memory_space<hbm>> -> memref<48x384xf32, #tpu.memory_space<hbm>>
      tpu.wait_dma2 semaphore(%arg10 : memref<!tpu.dma_semaphore, #tpu.memory_space<semaphore_mem>>) src(%dma_wait3A_522 : memref<48x384xf32, #tpu.memory_space<hbm>>) dst(%arg4 : memref<48x384xf32, #tpu.memory_space<vmem>>)
      %add3A_523 = arith.constant 1 : i32
      %add3A_524 = arith.addi %mul3A_514, %add3A_523 : i32
      %dma_wait3A_525 = arith.constant 0 : i32
      %dma_wait3A_526 = tpu.memref_slice %arg2[%select_n3A_456, %add3A_524, %mul3A_516, %dma_wait3A_525] : memref<4x384x96x384xf32, #tpu.memory_space<hbm>> -> memref<1x1x48x384xf32, #tpu.memory_space<hbm>>
      %dma_wait3A_527 = tpu.memref_squeeze %dma_wait3A_526 : memref<1x1x48x384xf32, #tpu.memory_space<hbm>> -> memref<48x384xf32, #tpu.memory_space<hbm>>
      %dma_wait3A_528 = arith.constant 0 : i32
      %dma_wait3A_529 = tpu.memref_slice %arg2[%select_n3A_456, %add3A_524, %mul3A_516, %dma_wait3A_528] : memref<4x384x96x384xf32, #tpu.memory_space<hbm>> -> memref<1x1x48x384xf32, #tpu.memory_space<hbm>>
      %dma_wait3A_530 = tpu.memref_squeeze %dma_wait3A_529 : memref<1x1x48x384xf32, #tpu.memory_space<hbm>> -> memref<48x384xf32, #tpu.memory_space<hbm>>
      tpu.wait_dma2 semaphore(%arg12 : memref<!tpu.dma_semaphore, #tpu.memory_space<semaphore_mem>>) src(%dma_wait3A_530 : memref<48x384xf32, #tpu.memory_space<hbm>>) dst(%arg6 : memref<48x384xf32, #tpu.memory_space<vmem>>)
      %gt3A = arith.constant 0 : i32
      %gt3A_531 = arith.cmpi sgt, %scan3A_425, %gt3A : i32
      %convert_element_type3A = arith.extui %gt3A_531 : i1 to i32
      %cond3A = arith.constant 0 : i32
      %cond3A_532 = arith.cmpi ne, %convert_element_type3A, %cond3A : i32
      scf.if %cond3A_532 {
        %sub3A_856 = arith.constant 2 : i32
        %sub3A_857 = arith.subi %add3A_429, %sub3A_856 : i32
        %mul3A_858 = arith.constant 48 : i32
        %mul3A_859 = arith.muli %add3A, %mul3A_858 : i32
        %add3A_860 = arith.addi %mul3A_859, %sub3A_857 : i32
        %jit3A_861 = arith.constant 384 : i32
        %div3A_862 = arith.divsi %add3A_860, %jit3A_861 : i32
        %sign3A_863 = arith.constant 0 : i32
        %sign3A_864 = arith.cmpi sgt, %add3A_860, %sign3A_863 : i32
        %sign3A_865 = arith.extui %sign3A_864 : i1 to i32
        %sign3A_866 = arith.constant 0 : i32
        %sign3A_867 = arith.cmpi slt, %add3A_860, %sign3A_866 : i32
        %sign3A_868 = arith.extui %sign3A_867 : i1 to i32
        %sign3A_869 = arith.subi %sign3A_865, %sign3A_868 : i32
        %sign3A_870 = arith.constant 0 : i32
        %sign3A_871 = arith.cmpi sgt, %jit3A_861, %sign3A_870 : i32
        %sign3A_872 = arith.extui %sign3A_871 : i1 to i32
        %sign3A_873 = arith.constant 0 : i32
        %sign3A_874 = arith.cmpi slt, %jit3A_861, %sign3A_873 : i32
        %sign3A_875 = arith.extui %sign3A_874 : i1 to i32
        %sign3A_876 = arith.subi %sign3A_872, %sign3A_875 : i32
        %ne3A_877 = arith.cmpi ne, %sign3A_869, %sign3A_876 : i32
        %rem3A_878 = arith.remsi %add3A_860, %jit3A_861 : i32
        %ne3A_879 = arith.constant 0 : i32
        %ne3A_880 = arith.cmpi ne, %rem3A_878, %ne3A_879 : i32
        %and3A_881 = arith.andi %ne3A_877, %ne3A_880 : i1
        %sub3A_882 = arith.constant 1 : i32
        %sub3A_883 = arith.subi %div3A_862, %sub3A_882 : i32
        %select_n3A_884 = arith.select %and3A_881, %sub3A_883, %div3A_862 : i32
        %jit3A_885 = arith.constant 384 : i32
        %eq3A_886 = arith.constant 0 : i32
        %eq3A_887 = arith.cmpi eq, %jit3A_885, %eq3A_886 : i32
        %jit3A_888 = arith.constant 1 : i32
        %select_n3A_889 = arith.select %eq3A_887, %jit3A_888, %jit3A_885 : i32
        %rem3A_890 = arith.remsi %add3A_860, %select_n3A_889 : i32
        %ne3A_891 = arith.constant 0 : i32
        %ne3A_892 = arith.cmpi ne, %rem3A_890, %ne3A_891 : i32
        %lt3A_893 = arith.constant 0 : i32
        %lt3A_894 = arith.cmpi slt, %rem3A_890, %lt3A_893 : i32
        %lt3A_895 = arith.constant 0 : i32
        %lt3A_896 = arith.cmpi slt, %select_n3A_889, %lt3A_895 : i32
        %ne3A_897 = arith.xori %lt3A_894, %lt3A_896 : i1
        %and3A_898 = arith.andi %ne3A_897, %ne3A_892 : i1
        %add3A_899 = arith.addi %rem3A_890, %select_n3A_889 : i32
        %select_n3A_900 = arith.select %and3A_898, %add3A_899, %rem3A_890 : i32
        %jit3A_901 = arith.constant 192 : i32
        %div3A_902 = arith.divsi %select_n3A_900, %jit3A_901 : i32
        %sign3A_903 = arith.constant 0 : i32
        %sign3A_904 = arith.cmpi sgt, %select_n3A_900, %sign3A_903 : i32
        %sign3A_905 = arith.extui %sign3A_904 : i1 to i32
        %sign3A_906 = arith.constant 0 : i32
        %sign3A_907 = arith.cmpi slt, %select_n3A_900, %sign3A_906 : i32
        %sign3A_908 = arith.extui %sign3A_907 : i1 to i32
        %sign3A_909 = arith.subi %sign3A_905, %sign3A_908 : i32
        %sign3A_910 = arith.constant 0 : i32
        %sign3A_911 = arith.cmpi sgt, %jit3A_901, %sign3A_910 : i32
        %sign3A_912 = arith.extui %sign3A_911 : i1 to i32
        %sign3A_913 = arith.constant 0 : i32
        %sign3A_914 = arith.cmpi slt, %jit3A_901, %sign3A_913 : i32
        %sign3A_915 = arith.extui %sign3A_914 : i1 to i32
        %sign3A_916 = arith.subi %sign3A_912, %sign3A_915 : i32
        %ne3A_917 = arith.cmpi ne, %sign3A_909, %sign3A_916 : i32
        %rem3A_918 = arith.remsi %select_n3A_900, %jit3A_901 : i32
        %ne3A_919 = arith.constant 0 : i32
        %ne3A_920 = arith.cmpi ne, %rem3A_918, %ne3A_919 : i32
        %and3A_921 = arith.andi %ne3A_917, %ne3A_920 : i1
        %sub3A_922 = arith.constant 1 : i32
        %sub3A_923 = arith.subi %div3A_902, %sub3A_922 : i32
        %select_n3A_924 = arith.select %and3A_921, %sub3A_923, %div3A_902 : i32
        %jit3A_925 = arith.constant 192 : i32
        %eq3A_926 = arith.constant 0 : i32
        %eq3A_927 = arith.cmpi eq, %jit3A_925, %eq3A_926 : i32
        %jit3A_928 = arith.constant 1 : i32
        %select_n3A_929 = arith.select %eq3A_927, %jit3A_928, %jit3A_925 : i32
        %rem3A_930 = arith.remsi %select_n3A_900, %select_n3A_929 : i32
        %ne3A_931 = arith.constant 0 : i32
        %ne3A_932 = arith.cmpi ne, %rem3A_930, %ne3A_931 : i32
        %lt3A_933 = arith.constant 0 : i32
        %lt3A_934 = arith.cmpi slt, %rem3A_930, %lt3A_933 : i32
        %lt3A_935 = arith.constant 0 : i32
        %lt3A_936 = arith.cmpi slt, %select_n3A_929, %lt3A_935 : i32
        %ne3A_937 = arith.xori %lt3A_934, %lt3A_936 : i1
        %and3A_938 = arith.andi %ne3A_937, %ne3A_932 : i1
        %add3A_939 = arith.addi %rem3A_930, %select_n3A_929 : i32
        %select_n3A_940 = arith.select %and3A_938, %add3A_939, %rem3A_930 : i32
        %mul3A_941 = arith.constant 2 : i32
        %mul3A_942 = arith.muli %mul3A_941, %select_n3A_940 : i32
        %mul3A_943 = arith.constant 48 : i32
        %mul3A_944 = arith.muli %select_n3A_924, %mul3A_943 : i32
        %mul3A_945 = arith.constant 192 : i32
        %mul3A_946 = arith.muli %mul3A_942, %mul3A_945 : i32
        %dma_wait3A_947 = arith.constant 0 : i32
        %dma_wait3A_948 = arith.constant 0 : i32
        %dma_wait3A_949 = tpu.memref_slice %arg8[%dma_wait3A_947, %dma_wait3A_948] : memref<48x512xf32, #tpu.memory_space<vmem>> -> memref<48x384xf32, #tpu.memory_space<vmem>>
        %dma_wait3A_950 = tpu.memref_slice %arg3[%select_n3A_884, %mul3A_944, %mul3A_946] : memref<4x96x73728xf32, #tpu.memory_space<hbm>> -> memref<1x48x384xf32, #tpu.memory_space<hbm>>
        %dma_wait3A_951 = tpu.memref_squeeze %dma_wait3A_950 : memref<1x48x384xf32, #tpu.memory_space<hbm>> -> memref<48x384xf32, #tpu.memory_space<hbm>>
        %dma_wait3A_952 = tpu.memref_slice %arg3[%select_n3A_884, %mul3A_944, %mul3A_946] : memref<4x96x73728xf32, #tpu.memory_space<hbm>> -> memref<1x48x384xf32, #tpu.memory_space<hbm>>
        %dma_wait3A_953 = tpu.memref_squeeze %dma_wait3A_952 : memref<1x48x384xf32, #tpu.memory_space<hbm>> -> memref<48x384xf32, #tpu.memory_space<hbm>>
        %dma_wait3A_954 = arith.constant 0 : i32
        %dma_wait3A_955 = arith.constant 0 : i32
        %dma_wait3A_956 = tpu.memref_slice %arg8[%dma_wait3A_954, %dma_wait3A_955] : memref<48x512xf32, #tpu.memory_space<vmem>> -> memref<48x384xf32, #tpu.memory_space<vmem>>
        tpu.wait_dma2 semaphore(%arg14 : memref<!tpu.dma_semaphore, #tpu.memory_space<semaphore_mem>>) src(%dma_wait3A_956 : memref<48x384xf32, #tpu.memory_space<vmem>>) dst(%dma_wait3A_953 : memref<48x384xf32, #tpu.memory_space<hbm>>)
      } else {
      }
      %parallel_loop3A = arith.constant 0 : i32
      %parallel_loop3A_533 = arith.constant 48 : i32
      %parallel_loop3A_534 = arith.constant 1 : i32
      scf.for %parallel_loop3A_856 = %parallel_loop3A to %parallel_loop3A_533 step %parallel_loop3A_534  : i32 {
        %parallel_loop3A_857 = arith.index_cast %parallel_loop3A_856 : i32 to index
        %parallel_loop3A_858 = arith.constant 0 : index
        %parallel_loop3A_859 = tpu.vector_load %arg4[%parallel_loop3A_857, %parallel_loop3A_858] {strides = array<i32>} : memref<48x384xf32, #tpu.memory_space<vmem>>, vector<16xf32>,
        %parallel_loop3A_860 = arith.index_cast %parallel_loop3A_856 : i32 to index
        %parallel_loop3A_861 = arith.constant 0 : index
        %parallel_loop3A_862 = tpu.vector_load %arg8[%parallel_loop3A_860, %parallel_loop3A_861] masked %eq3A_18 {strides = array<i32>} : memref<48x512xf32, #tpu.memory_space<vmem>>, vector<16xf32>, vector<16xi1>
        tpu.vector_store %arg8[%parallel_loop3A_860, %parallel_loop3A_861], %parallel_loop3A_859 masked %eq3A_18 {strides = array<i32>} : memref<48x512xf32, #tpu.memory_space<vmem>>, vector<16xf32>, vector<16xi1>
        %parallel_loop3A_863 = arith.index_cast %parallel_loop3A_856 : i32 to index
        %parallel_loop3A_864 = arith.constant 0 : index
        %parallel_loop3A_865 = tpu.vector_load %arg6[%parallel_loop3A_863, %parallel_loop3A_864] {strides = array<i32>} : memref<48x384xf32, #tpu.memory_space<vmem>>, vector<16xf32>,
        %parallel_loop3A_866 = arith.index_cast %parallel_loop3A_856 : i32 to index
        %parallel_loop3A_867 = arith.constant 192 : index
        %parallel_loop3A_868 = tpu.vector_load %arg8[%parallel_loop3A_866, %parallel_loop3A_867] masked %eq3A_21 {strides = array<i32>} : memref<48x512xf32, #tpu.memory_space<vmem>>, vector<16xf32>, vector<16xi1>
        tpu.vector_store %arg8[%parallel_loop3A_866, %parallel_loop3A_867], %parallel_loop3A_865 masked %eq3A_21 {strides = array<i32>} : memref<48x512xf32, #tpu.memory_space<vmem>>, vector<16xf32>, vector<16xi1>
        %parallel_loop3A_869 = arith.index_cast %parallel_loop3A_856 : i32 to index
        %parallel_loop3A_870 = arith.constant 16 : index
        %parallel_loop3A_871 = tpu.vector_load %arg4[%parallel_loop3A_869, %parallel_loop3A_870] {strides = array<i32>} : memref<48x384xf32, #tpu.memory_space<vmem>>, vector<16xf32>,
        %parallel_loop3A_872 = arith.index_cast %parallel_loop3A_856 : i32 to index
        %parallel_loop3A_873 = arith.constant 8 : index
        %parallel_loop3A_874 = tpu.vector_load %arg8[%parallel_loop3A_872, %parallel_loop3A_873] masked %eq3A_18 {strides = array<i32>} : memref<48x512xf32, #tpu.memory_space<vmem>>, vector<16xf32>, vector<16xi1>
        tpu.vector_store %arg8[%parallel_loop3A_872, %parallel_loop3A_873], %parallel_loop3A_871 masked %eq3A_18 {strides = array<i32>} : memref<48x512xf32, #tpu.memory_space<vmem>>, vector<16xf32>, vector<16xi1>
        %parallel_loop3A_875 = arith.index_cast %parallel_loop3A_856 : i32 to index
        %parallel_loop3A_876 = arith.constant 16 : index
        %parallel_loop3A_877 = tpu.vector_load %arg6[%parallel_loop3A_875, %parallel_loop3A_876] {strides = array<i32>} : memref<48x384xf32, #tpu.memory_space<vmem>>, vector<16xf32>,
        %parallel_loop3A_878 = arith.index_cast %parallel_loop3A_856 : i32 to index
        %parallel_loop3A_879 = arith.constant 200 : index
        %parallel_loop3A_880 = tpu.vector_load %arg8[%parallel_loop3A_878, %parallel_loop3A_879] masked %eq3A_21 {strides = array<i32>} : memref<48x512xf32, #tpu.memory_space<vmem>>, vector<16xf32>, vector<16xi1>
        tpu.vector_store %arg8[%parallel_loop3A_878, %parallel_loop3A_879], %parallel_loop3A_877 masked %eq3A_21 {strides = array<i32>} : memref<48x512xf32, #tpu.memory_space<vmem>>, vector<16xf32>, vector<16xi1>
        %parallel_loop3A_881 = arith.index_cast %parallel_loop3A_856 : i32 to index
        %parallel_loop3A_882 = arith.constant 32 : index
        %parallel_loop3A_883 = tpu.vector_load %arg4[%parallel_loop3A_881, %parallel_loop3A_882] {strides = array<i32>} : memref<48x384xf32, #tpu.memory_space<vmem>>, vector<16xf32>,
        %parallel_loop3A_884 = arith.index_cast %parallel_loop3A_856 : i32 to index
        %parallel_loop3A_885 = arith.constant 16 : index
        %parallel_loop3A_886 = tpu.vector_load %arg8[%parallel_loop3A_884, %parallel_loop3A_885] masked %eq3A_18 {strides = array<i32>} : memref<48x512xf32, #tpu.memory_space<vmem>>, vector<16xf32>, vector<16xi1>
        tpu.vector_store %arg8[%parallel_loop3A_884, %parallel_loop3A_885], %parallel_loop3A_883 masked %eq3A_18 {strides = array<i32>} : memref<48x512xf32, #tpu.memory_space<vmem>>, vector<16xf32>, vector<16xi1>
        %parallel_loop3A_887 = arith.index_cast %parallel_loop3A_856 : i32 to index
        %parallel_loop3A_888 = arith.constant 32 : index
        %parallel_loop3A_889 = tpu.vector_load %arg6[%parallel_loop3A_887, %parallel_loop3A_888] {strides = array<i32>} : memref<48x384xf32, #tpu.memory_space<vmem>>, vector<16xf32>,
        %parallel_loop3A_890 = arith.index_cast %parallel_loop3A_856 : i32 to index
        %parallel_loop3A_891 = arith.constant 208 : index
        %parallel_loop3A_892 = tpu.vector_load %arg8[%parallel_loop3A_890, %parallel_loop3A_891] masked %eq3A_21 {strides = array<i32>} : memref<48x512xf32, #tpu.memory_space<vmem>>, vector<16xf32>, vector<16xi1>
        tpu.vector_store %arg8[%parallel_loop3A_890, %parallel_loop3A_891], %parallel_loop3A_889 masked %eq3A_21 {strides = array<i32>} : memref<48x512xf32, #tpu.memory_space<vmem>>, vector<16xf32>, vector<16xi1>
        %parallel_loop3A_893 = arith.index_cast %parallel_loop3A_856 : i32 to index
        %parallel_loop3A_894 = arith.constant 48 : index
        %parallel_loop3A_895 = tpu.vector_load %arg4[%parallel_loop3A_893, %parallel_loop3A_894] {strides = array<i32>} : memref<48x384xf32, #tpu.memory_space<vmem>>, vector<16xf32>,
        %parallel_loop3A_896 = arith.index_cast %parallel_loop3A_856 : i32 to index
        %parallel_loop3A_897 = arith.constant 24 : index
        %parallel_loop3A_898 = tpu.vector_load %arg8[%parallel_loop3A_896, %parallel_loop3A_897] masked %eq3A_18 {strides = array<i32>} : memref<48x512xf32, #tpu.memory_space<vmem>>, vector<16xf32>, vector<16xi1>
        tpu.vector_store %arg8[%parallel_loop3A_896, %parallel_loop3A_897], %parallel_loop3A_895 masked %eq3A_18 {strides = array<i32>} : memref<48x512xf32, #tpu.memory_space<vmem>>, vector<16xf32>, vector<16xi1>
        %parallel_loop3A_899 = arith.index_cast %parallel_loop3A_856 : i32 to index
        %parallel_loop3A_900 = arith.constant 48 : index
        %parallel_loop3A_901 = tpu.vector_load %arg6[%parallel_loop3A_899, %parallel_loop3A_900] {strides = array<i32>} : memref<48x384xf32, #tpu.memory_space<vmem>>, vector<16xf32>,
        %parallel_loop3A_902 = arith.index_cast %parallel_loop3A_856 : i32 to index
        %parallel_loop3A_903 = arith.constant 216 : index
        %parallel_loop3A_904 = tpu.vector_load %arg8[%parallel_loop3A_902, %parallel_loop3A_903] masked %eq3A_21 {strides = array<i32>} : memref<48x512xf32, #tpu.memory_space<vmem>>, vector<16xf32>, vector<16xi1>
        tpu.vector_store %arg8[%parallel_loop3A_902, %parallel_loop3A_903], %parallel_loop3A_901 masked %eq3A_21 {strides = array<i32>} : memref<48x512xf32, #tpu.memory_space<vmem>>, vector<16xf32>, vector<16xi1>
        %parallel_loop3A_905 = arith.index_cast %parallel_loop3A_856 : i32 to index
        %parallel_loop3A_906 = arith.constant 64 : index
        %parallel_loop3A_907 = tpu.vector_load %arg4[%parallel_loop3A_905, %parallel_loop3A_906] {strides = array<i32>} : memref<48x384xf32, #tpu.memory_space<vmem>>, vector<16xf32>,
        %parallel_loop3A_908 = arith.index_cast %parallel_loop3A_856 : i32 to index
        %parallel_loop3A_909 = arith.constant 32 : index
        %parallel_loop3A_910 = tpu.vector_load %arg8[%parallel_loop3A_908, %parallel_loop3A_909] masked %eq3A_18 {strides = array<i32>} : memref<48x512xf32, #tpu.memory_space<vmem>>, vector<16xf32>, vector<16xi1>
        tpu.vector_store %arg8[%parallel_loop3A_908, %parallel_loop3A_909], %parallel_loop3A_907 masked %eq3A_18 {strides = array<i32>} : memref<48x512xf32, #tpu.memory_space<vmem>>, vector<16xf32>, vector<16xi1>
        %parallel_loop3A_911 = arith.index_cast %parallel_loop3A_856 : i32 to index
        %parallel_loop3A_912 = arith.constant 64 : index
        %parallel_loop3A_913 = tpu.vector_load %arg6[%parallel_loop3A_911, %parallel_loop3A_912] {strides = array<i32>} : memref<48x384xf32, #tpu.memory_space<vmem>>, vector<16xf32>,
        %parallel_loop3A_914 = arith.index_cast %parallel_loop3A_856 : i32 to index
        %parallel_loop3A_915 = arith.constant 224 : index
        %parallel_loop3A_916 = tpu.vector_load %arg8[%parallel_loop3A_914, %parallel_loop3A_915] masked %eq3A_21 {strides = array<i32>} : memref<48x512xf32, #tpu.memory_space<vmem>>, vector<16xf32>, vector<16xi1>
        tpu.vector_store %arg8[%parallel_loop3A_914, %parallel_loop3A_915], %parallel_loop3A_913 masked %eq3A_21 {strides = array<i32>} : memref<48x512xf32, #tpu.memory_space<vmem>>, vector<16xf32>, vector<16xi1>
        %parallel_loop3A_917 = arith.index_cast %parallel_loop3A_856 : i32 to index
        %parallel_loop3A_918 = arith.constant 80 : index
        %parallel_loop3A_919 = tpu.vector_load %arg4[%parallel_loop3A_917, %parallel_loop3A_918] {strides = array<i32>} : memref<48x384xf32, #tpu.memory_space<vmem>>, vector<16xf32>,
        %parallel_loop3A_920 = arith.index_cast %parallel_loop3A_856 : i32 to index
        %parallel_loop3A_921 = arith.constant 40 : index
        %parallel_loop3A_922 = tpu.vector_load %arg8[%parallel_loop3A_920, %parallel_loop3A_921] masked %eq3A_18 {strides = array<i32>} : memref<48x512xf32, #tpu.memory_space<vmem>>, vector<16xf32>, vector<16xi1>
        tpu.vector_store %arg8[%parallel_loop3A_920, %parallel_loop3A_921], %parallel_loop3A_919 masked %eq3A_18 {strides = array<i32>} : memref<48x512xf32, #tpu.memory_space<vmem>>, vector<16xf32>, vector<16xi1>
        %parallel_loop3A_923 = arith.index_cast %parallel_loop3A_856 : i32 to index
        %parallel_loop3A_924 = arith.constant 80 : index
        %parallel_loop3A_925 = tpu.vector_load %arg6[%parallel_loop3A_923, %parallel_loop3A_924] {strides = array<i32>} : memref<48x384xf32, #tpu.memory_space<vmem>>, vector<16xf32>,
        %parallel_loop3A_926 = arith.index_cast %parallel_loop3A_856 : i32 to index
        %parallel_loop3A_927 = arith.constant 232 : index
        %parallel_loop3A_928 = tpu.vector_load %arg8[%parallel_loop3A_926, %parallel_loop3A_927] masked %eq3A_21 {strides = array<i32>} : memref<48x512xf32, #tpu.memory_space<vmem>>, vector<16xf32>, vector<16xi1>
        tpu.vector_store %arg8[%parallel_loop3A_926, %parallel_loop3A_927], %parallel_loop3A_925 masked %eq3A_21 {strides = array<i32>} : memref<48x512xf32, #tpu.memory_space<vmem>>, vector<16xf32>, vector<16xi1>
        %parallel_loop3A_929 = arith.index_cast %parallel_loop3A_856 : i32 to index
        %parallel_loop3A_930 = arith.constant 96 : index
        %parallel_loop3A_931 = tpu.vector_load %arg4[%parallel_loop3A_929, %parallel_loop3A_930] {strides = array<i32>} : memref<48x384xf32, #tpu.memory_space<vmem>>, vector<16xf32>,
        %parallel_loop3A_932 = arith.index_cast %parallel_loop3A_856 : i32 to index
        %parallel_loop3A_933 = arith.constant 48 : index
        %parallel_loop3A_934 = tpu.vector_load %arg8[%parallel_loop3A_932, %parallel_loop3A_933] masked %eq3A_18 {strides = array<i32>} : memref<48x512xf32, #tpu.memory_space<vmem>>, vector<16xf32>, vector<16xi1>
        tpu.vector_store %arg8[%parallel_loop3A_932, %parallel_loop3A_933], %parallel_loop3A_931 masked %eq3A_18 {strides = array<i32>} : memref<48x512xf32, #tpu.memory_space<vmem>>, vector<16xf32>, vector<16xi1>
        %parallel_loop3A_935 = arith.index_cast %parallel_loop3A_856 : i32 to index
        %parallel_loop3A_936 = arith.constant 96 : index
        %parallel_loop3A_937 = tpu.vector_load %arg6[%parallel_loop3A_935, %parallel_loop3A_936] {strides = array<i32>} : memref<48x384xf32, #tpu.memory_space<vmem>>, vector<16xf32>,
        %parallel_loop3A_938 = arith.index_cast %parallel_loop3A_856 : i32 to index
        %parallel_loop3A_939 = arith.constant 240 : index
        %parallel_loop3A_940 = tpu.vector_load %arg8[%parallel_loop3A_938, %parallel_loop3A_939] masked %eq3A_21 {strides = array<i32>} : memref<48x512xf32, #tpu.memory_space<vmem>>, vector<16xf32>, vector<16xi1>
        tpu.vector_store %arg8[%parallel_loop3A_938, %parallel_loop3A_939], %parallel_loop3A_937 masked %eq3A_21 {strides = array<i32>} : memref<48x512xf32, #tpu.memory_space<vmem>>, vector<16xf32>, vector<16xi1>
        %parallel_loop3A_941 = arith.index_cast %parallel_loop3A_856 : i32 to index
        %parallel_loop3A_942 = arith.constant 112 : index
        %parallel_loop3A_943 = tpu.vector_load %arg4[%parallel_loop3A_941, %parallel_loop3A_942] {strides = array<i32>} : memref<48x384xf32, #tpu.memory_space<vmem>>, vector<16xf32>,
        %parallel_loop3A_944 = arith.index_cast %parallel_loop3A_856 : i32 to index
        %parallel_loop3A_945 = arith.constant 56 : index
        %parallel_loop3A_946 = tpu.vector_load %arg8[%parallel_loop3A_944, %parallel_loop3A_945] masked %eq3A_18 {strides = array<i32>} : memref<48x512xf32, #tpu.memory_space<vmem>>, vector<16xf32>, vector<16xi1>
        tpu.vector_store %arg8[%parallel_loop3A_944, %parallel_loop3A_945], %parallel_loop3A_943 masked %eq3A_18 {strides = array<i32>} : memref<48x512xf32, #tpu.memory_space<vmem>>, vector<16xf32>, vector<16xi1>
        %parallel_loop3A_947 = arith.index_cast %parallel_loop3A_856 : i32 to index
        %parallel_loop3A_948 = arith.constant 112 : index
        %parallel_loop3A_949 = tpu.vector_load %arg6[%parallel_loop3A_947, %parallel_loop3A_948] {strides = array<i32>} : memref<48x384xf32, #tpu.memory_space<vmem>>, vector<16xf32>,
        %parallel_loop3A_950 = arith.index_cast %parallel_loop3A_856 : i32 to index
        %parallel_loop3A_951 = arith.constant 248 : index
        %parallel_loop3A_952 = tpu.vector_load %arg8[%parallel_loop3A_950, %parallel_loop3A_951] masked %eq3A_21 {strides = array<i32>} : memref<48x512xf32, #tpu.memory_space<vmem>>, vector<16xf32>, vector<16xi1>
        tpu.vector_store %arg8[%parallel_loop3A_950, %parallel_loop3A_951], %parallel_loop3A_949 masked %eq3A_21 {strides = array<i32>} : memref<48x512xf32, #tpu.memory_space<vmem>>, vector<16xf32>, vector<16xi1>
        %parallel_loop3A_953 = arith.index_cast %parallel_loop3A_856 : i32 to index
        %parallel_loop3A_954 = arith.constant 128 : index
        %parallel_loop3A_955 = tpu.vector_load %arg4[%parallel_loop3A_953, %parallel_loop3A_954] {strides = array<i32>} : memref<48x384xf32, #tpu.memory_space<vmem>>, vector<16xf32>,
        %parallel_loop3A_956 = arith.index_cast %parallel_loop3A_856 : i32 to index
        %parallel_loop3A_957 = arith.constant 64 : index
        %parallel_loop3A_958 = tpu.vector_load %arg8[%parallel_loop3A_956, %parallel_loop3A_957] masked %eq3A_18 {strides = array<i32>} : memref<48x512xf32, #tpu.memory_space<vmem>>, vector<16xf32>, vector<16xi1>
        tpu.vector_store %arg8[%parallel_loop3A_956, %parallel_loop3A_957], %parallel_loop3A_955 masked %eq3A_18 {strides = array<i32>} : memref<48x512xf32, #tpu.memory_space<vmem>>, vector<16xf32>, vector<16xi1>
        %parallel_loop3A_959 = arith.index_cast %parallel_loop3A_856 : i32 to index
        %parallel_loop3A_960 = arith.constant 128 : index
        %parallel_loop3A_961 = tpu.vector_load %arg6[%parallel_loop3A_959, %parallel_loop3A_960] {strides = array<i32>} : memref<48x384xf32, #tpu.memory_space<vmem>>, vector<16xf32>,
        %parallel_loop3A_962 = arith.index_cast %parallel_loop3A_856 : i32 to index
        %parallel_loop3A_963 = arith.constant 256 : index
        %parallel_loop3A_964 = tpu.vector_load %arg8[%parallel_loop3A_962, %parallel_loop3A_963] masked %eq3A_21 {strides = array<i32>} : memref<48x512xf32, #tpu.memory_space<vmem>>, vector<16xf32>, vector<16xi1>
        tpu.vector_store %arg8[%parallel_loop3A_962, %parallel_loop3A_963], %parallel_loop3A_961 masked %eq3A_21 {strides = array<i32>} : memref<48x512xf32, #tpu.memory_space<vmem>>, vector<16xf32>, vector<16xi1>
        %parallel_loop3A_965 = arith.index_cast %parallel_loop3A_856 : i32 to index
        %parallel_loop3A_966 = arith.constant 144 : index
        %parallel_loop3A_967 = tpu.vector_load %arg4[%parallel_loop3A_965, %parallel_loop3A_966] {strides = array<i32>} : memref<48x384xf32, #tpu.memory_space<vmem>>, vector<16xf32>,
        %parallel_loop3A_968 = arith.index_cast %parallel_loop3A_856 : i32 to index
        %parallel_loop3A_969 = arith.constant 72 : index
        %parallel_loop3A_970 = tpu.vector_load %arg8[%parallel_loop3A_968, %parallel_loop3A_969] masked %eq3A_18 {strides = array<i32>} : memref<48x512xf32, #tpu.memory_space<vmem>>, vector<16xf32>, vector<16xi1>
        tpu.vector_store %arg8[%parallel_loop3A_968, %parallel_loop3A_969], %parallel_loop3A_967 masked %eq3A_18 {strides = array<i32>} : memref<48x512xf32, #tpu.memory_space<vmem>>, vector<16xf32>, vector<16xi1>
        %parallel_loop3A_971 = arith.index_cast %parallel_loop3A_856 : i32 to index
        %parallel_loop3A_972 = arith.constant 144 : index
        %parallel_loop3A_973 = tpu.vector_load %arg6[%parallel_loop3A_971, %parallel_loop3A_972] {strides = array<i32>} : memref<48x384xf32, #tpu.memory_space<vmem>>, vector<16xf32>,
        %parallel_loop3A_974 = arith.index_cast %parallel_loop3A_856 : i32 to index
        %parallel_loop3A_975 = arith.constant 264 : index
        %parallel_loop3A_976 = tpu.vector_load %arg8[%parallel_loop3A_974, %parallel_loop3A_975] masked %eq3A_21 {strides = array<i32>} : memref<48x512xf32, #tpu.memory_space<vmem>>, vector<16xf32>, vector<16xi1>
        tpu.vector_store %arg8[%parallel_loop3A_974, %parallel_loop3A_975], %parallel_loop3A_973 masked %eq3A_21 {strides = array<i32>} : memref<48x512xf32, #tpu.memory_space<vmem>>, vector<16xf32>, vector<16xi1>
        %parallel_loop3A_977 = arith.index_cast %parallel_loop3A_856 : i32 to index
        %parallel_loop3A_978 = arith.constant 160 : index
        %parallel_loop3A_979 = tpu.vector_load %arg4[%parallel_loop3A_977, %parallel_loop3A_978] {strides = array<i32>} : memref<48x384xf32, #tpu.memory_space<vmem>>, vector<16xf32>,
        %parallel_loop3A_980 = arith.index_cast %parallel_loop3A_856 : i32 to index
        %parallel_loop3A_981 = arith.constant 80 : index
        %parallel_loop3A_982 = tpu.vector_load %arg8[%parallel_loop3A_980, %parallel_loop3A_981] masked %eq3A_18 {strides = array<i32>} : memref<48x512xf32, #tpu.memory_space<vmem>>, vector<16xf32>, vector<16xi1>
        tpu.vector_store %arg8[%parallel_loop3A_980, %parallel_loop3A_981], %parallel_loop3A_979 masked %eq3A_18 {strides = array<i32>} : memref<48x512xf32, #tpu.memory_space<vmem>>, vector<16xf32>, vector<16xi1>
        %parallel_loop3A_983 = arith.index_cast %parallel_loop3A_856 : i32 to index
        %parallel_loop3A_984 = arith.constant 160 : index
        %parallel_loop3A_985 = tpu.vector_load %arg6[%parallel_loop3A_983, %parallel_loop3A_984] {strides = array<i32>} : memref<48x384xf32, #tpu.memory_space<vmem>>, vector<16xf32>,
        %parallel_loop3A_986 = arith.index_cast %parallel_loop3A_856 : i32 to index
        %parallel_loop3A_987 = arith.constant 272 : index
        %parallel_loop3A_988 = tpu.vector_load %arg8[%parallel_loop3A_986, %parallel_loop3A_987] masked %eq3A_21 {strides = array<i32>} : memref<48x512xf32, #tpu.memory_space<vmem>>, vector<16xf32>, vector<16xi1>
        tpu.vector_store %arg8[%parallel_loop3A_986, %parallel_loop3A_987], %parallel_loop3A_985 masked %eq3A_21 {strides = array<i32>} : memref<48x512xf32, #tpu.memory_space<vmem>>, vector<16xf32>, vector<16xi1>
        %parallel_loop3A_989 = arith.index_cast %parallel_loop3A_856 : i32 to index
        %parallel_loop3A_990 = arith.constant 176 : index
        %parallel_loop3A_991 = tpu.vector_load %arg4[%parallel_loop3A_989, %parallel_loop3A_990] {strides = array<i32>} : memref<48x384xf32, #tpu.memory_space<vmem>>, vector<16xf32>,
        %parallel_loop3A_992 = arith.index_cast %parallel_loop3A_856 : i32 to index
        %parallel_loop3A_993 = arith.constant 88 : index
        %parallel_loop3A_994 = tpu.vector_load %arg8[%parallel_loop3A_992, %parallel_loop3A_993] masked %eq3A_18 {strides = array<i32>} : memref<48x512xf32, #tpu.memory_space<vmem>>, vector<16xf32>, vector<16xi1>
        tpu.vector_store %arg8[%parallel_loop3A_992, %parallel_loop3A_993], %parallel_loop3A_991 masked %eq3A_18 {strides = array<i32>} : memref<48x512xf32, #tpu.memory_space<vmem>>, vector<16xf32>, vector<16xi1>
        %parallel_loop3A_995 = arith.index_cast %parallel_loop3A_856 : i32 to index
        %parallel_loop3A_996 = arith.constant 176 : index
        %parallel_loop3A_997 = tpu.vector_load %arg6[%parallel_loop3A_995, %parallel_loop3A_996] {strides = array<i32>} : memref<48x384xf32, #tpu.memory_space<vmem>>, vector<16xf32>,
        %parallel_loop3A_998 = arith.index_cast %parallel_loop3A_856 : i32 to index
        %parallel_loop3A_999 = arith.constant 280 : index
        %parallel_loop3A_1000 = tpu.vector_load %arg8[%parallel_loop3A_998, %parallel_loop3A_999] masked %eq3A_21 {strides = array<i32>} : memref<48x512xf32, #tpu.memory_space<vmem>>, vector<16xf32>, vector<16xi1>
        tpu.vector_store %arg8[%parallel_loop3A_998, %parallel_loop3A_999], %parallel_loop3A_997 masked %eq3A_21 {strides = array<i32>} : memref<48x512xf32, #tpu.memory_space<vmem>>, vector<16xf32>, vector<16xi1>
        %parallel_loop3A_1001 = arith.index_cast %parallel_loop3A_856 : i32 to index
        %parallel_loop3A_1002 = arith.constant 192 : index
        %parallel_loop3A_1003 = tpu.vector_load %arg4[%parallel_loop3A_1001, %parallel_loop3A_1002] {strides = array<i32>} : memref<48x384xf32, #tpu.memory_space<vmem>>, vector<16xf32>,
        %parallel_loop3A_1004 = arith.index_cast %parallel_loop3A_856 : i32 to index
        %parallel_loop3A_1005 = arith.constant 96 : index
        %parallel_loop3A_1006 = tpu.vector_load %arg8[%parallel_loop3A_1004, %parallel_loop3A_1005] masked %eq3A_18 {strides = array<i32>} : memref<48x512xf32, #tpu.memory_space<vmem>>, vector<16xf32>, vector<16xi1>
        tpu.vector_store %arg8[%parallel_loop3A_1004, %parallel_loop3A_1005], %parallel_loop3A_1003 masked %eq3A_18 {strides = array<i32>} : memref<48x512xf32, #tpu.memory_space<vmem>>, vector<16xf32>, vector<16xi1>
        %parallel_loop3A_1007 = arith.index_cast %parallel_loop3A_856 : i32 to index
        %parallel_loop3A_1008 = arith.constant 192 : index
        %parallel_loop3A_1009 = tpu.vector_load %arg6[%parallel_loop3A_1007, %parallel_loop3A_1008] {strides = array<i32>} : memref<48x384xf32, #tpu.memory_space<vmem>>, vector<16xf32>,
        %parallel_loop3A_1010 = arith.index_cast %parallel_loop3A_856 : i32 to index
        %parallel_loop3A_1011 = arith.constant 288 : index
        %parallel_loop3A_1012 = tpu.vector_load %arg8[%parallel_loop3A_1010, %parallel_loop3A_1011] masked %eq3A_21 {strides = array<i32>} : memref<48x512xf32, #tpu.memory_space<vmem>>, vector<16xf32>, vector<16xi1>
        tpu.vector_store %arg8[%parallel_loop3A_1010, %parallel_loop3A_1011], %parallel_loop3A_1009 masked %eq3A_21 {strides = array<i32>} : memref<48x512xf32, #tpu.memory_space<vmem>>, vector<16xf32>, vector<16xi1>
        %parallel_loop3A_1013 = arith.index_cast %parallel_loop3A_856 : i32 to index
        %parallel_loop3A_1014 = arith.constant 208 : index
        %parallel_loop3A_1015 = tpu.vector_load %arg4[%parallel_loop3A_1013, %parallel_loop3A_1014] {strides = array<i32>} : memref<48x384xf32, #tpu.memory_space<vmem>>, vector<16xf32>,
        %parallel_loop3A_1016 = arith.index_cast %parallel_loop3A_856 : i32 to index
        %parallel_loop3A_1017 = arith.constant 104 : index
        %parallel_loop3A_1018 = tpu.vector_load %arg8[%parallel_loop3A_1016, %parallel_loop3A_1017] masked %eq3A_18 {strides = array<i32>} : memref<48x512xf32, #tpu.memory_space<vmem>>, vector<16xf32>, vector<16xi1>
        tpu.vector_store %arg8[%parallel_loop3A_1016, %parallel_loop3A_1017], %parallel_loop3A_1015 masked %eq3A_18 {strides = array<i32>} : memref<48x512xf32, #tpu.memory_space<vmem>>, vector<16xf32>, vector<16xi1>
        %parallel_loop3A_1019 = arith.index_cast %parallel_loop3A_856 : i32 to index
        %parallel_loop3A_1020 = arith.constant 208 : index
        %parallel_loop3A_1021 = tpu.vector_load %arg6[%parallel_loop3A_1019, %parallel_loop3A_1020] {strides = array<i32>} : memref<48x384xf32, #tpu.memory_space<vmem>>, vector<16xf32>,
        %parallel_loop3A_1022 = arith.index_cast %parallel_loop3A_856 : i32 to index
        %parallel_loop3A_1023 = arith.constant 296 : index
        %parallel_loop3A_1024 = tpu.vector_load %arg8[%parallel_loop3A_1022, %parallel_loop3A_1023] masked %eq3A_21 {strides = array<i32>} : memref<48x512xf32, #tpu.memory_space<vmem>>, vector<16xf32>, vector<16xi1>
        tpu.vector_store %arg8[%parallel_loop3A_1022, %parallel_loop3A_1023], %parallel_loop3A_1021 masked %eq3A_21 {strides = array<i32>} : memref<48x512xf32, #tpu.memory_space<vmem>>, vector<16xf32>, vector<16xi1>
        %parallel_loop3A_1025 = arith.index_cast %parallel_loop3A_856 : i32 to index
        %parallel_loop3A_1026 = arith.constant 224 : index
        %parallel_loop3A_1027 = tpu.vector_load %arg4[%parallel_loop3A_1025, %parallel_loop3A_1026] {strides = array<i32>} : memref<48x384xf32, #tpu.memory_space<vmem>>, vector<16xf32>,
        %parallel_loop3A_1028 = arith.index_cast %parallel_loop3A_856 : i32 to index
        %parallel_loop3A_1029 = arith.constant 112 : index
        %parallel_loop3A_1030 = tpu.vector_load %arg8[%parallel_loop3A_1028, %parallel_loop3A_1029] masked %eq3A_18 {strides = array<i32>} : memref<48x512xf32, #tpu.memory_space<vmem>>, vector<16xf32>, vector<16xi1>
        tpu.vector_store %arg8[%parallel_loop3A_1028, %parallel_loop3A_1029], %parallel_loop3A_1027 masked %eq3A_18 {strides = array<i32>} : memref<48x512xf32, #tpu.memory_space<vmem>>, vector<16xf32>, vector<16xi1>
        %parallel_loop3A_1031 = arith.index_cast %parallel_loop3A_856 : i32 to index
        %parallel_loop3A_1032 = arith.constant 224 : index
        %parallel_loop3A_1033 = tpu.vector_load %arg6[%parallel_loop3A_1031, %parallel_loop3A_1032] {strides = array<i32>} : memref<48x384xf32, #tpu.memory_space<vmem>>, vector<16xf32>,
        %parallel_loop3A_1034 = arith.index_cast %parallel_loop3A_856 : i32 to index
        %parallel_loop3A_1035 = arith.constant 304 : index
        %parallel_loop3A_1036 = tpu.vector_load %arg8[%parallel_loop3A_1034, %parallel_loop3A_1035] masked %eq3A_21 {strides = array<i32>} : memref<48x512xf32, #tpu.memory_space<vmem>>, vector<16xf32>, vector<16xi1>
        tpu.vector_store %arg8[%parallel_loop3A_1034, %parallel_loop3A_1035], %parallel_loop3A_1033 masked %eq3A_21 {strides = array<i32>} : memref<48x512xf32, #tpu.memory_space<vmem>>, vector<16xf32>, vector<16xi1>
        %parallel_loop3A_1037 = arith.index_cast %parallel_loop3A_856 : i32 to index
        %parallel_loop3A_1038 = arith.constant 240 : index
        %parallel_loop3A_1039 = tpu.vector_load %arg4[%parallel_loop3A_1037, %parallel_loop3A_1038] {strides = array<i32>} : memref<48x384xf32, #tpu.memory_space<vmem>>, vector<16xf32>,
        %parallel_loop3A_1040 = arith.index_cast %parallel_loop3A_856 : i32 to index
        %parallel_loop3A_1041 = arith.constant 120 : index
        %parallel_loop3A_1042 = tpu.vector_load %arg8[%parallel_loop3A_1040, %parallel_loop3A_1041] masked %eq3A_18 {strides = array<i32>} : memref<48x512xf32, #tpu.memory_space<vmem>>, vector<16xf32>, vector<16xi1>
        tpu.vector_store %arg8[%parallel_loop3A_1040, %parallel_loop3A_1041], %parallel_loop3A_1039 masked %eq3A_18 {strides = array<i32>} : memref<48x512xf32, #tpu.memory_space<vmem>>, vector<16xf32>, vector<16xi1>
        %parallel_loop3A_1043 = arith.index_cast %parallel_loop3A_856 : i32 to index
        %parallel_loop3A_1044 = arith.constant 240 : index
        %parallel_loop3A_1045 = tpu.vector_load %arg6[%parallel_loop3A_1043, %parallel_loop3A_1044] {strides = array<i32>} : memref<48x384xf32, #tpu.memory_space<vmem>>, vector<16xf32>,
        %parallel_loop3A_1046 = arith.index_cast %parallel_loop3A_856 : i32 to index
        %parallel_loop3A_1047 = arith.constant 312 : index
        %parallel_loop3A_1048 = tpu.vector_load %arg8[%parallel_loop3A_1046, %parallel_loop3A_1047] masked %eq3A_21 {strides = array<i32>} : memref<48x512xf32, #tpu.memory_space<vmem>>, vector<16xf32>, vector<16xi1>
        tpu.vector_store %arg8[%parallel_loop3A_1046, %parallel_loop3A_1047], %parallel_loop3A_1045 masked %eq3A_21 {strides = array<i32>} : memref<48x512xf32, #tpu.memory_space<vmem>>, vector<16xf32>, vector<16xi1>
        %parallel_loop3A_1049 = arith.index_cast %parallel_loop3A_856 : i32 to index
        %parallel_loop3A_1050 = arith.constant 256 : index
        %parallel_loop3A_1051 = tpu.vector_load %arg4[%parallel_loop3A_1049, %parallel_loop3A_1050] {strides = array<i32>} : memref<48x384xf32, #tpu.memory_space<vmem>>, vector<16xf32>,
        %parallel_loop3A_1052 = arith.index_cast %parallel_loop3A_856 : i32 to index
        %parallel_loop3A_1053 = arith.constant 128 : index
        %parallel_loop3A_1054 = tpu.vector_load %arg8[%parallel_loop3A_1052, %parallel_loop3A_1053] masked %eq3A_18 {strides = array<i32>} : memref<48x512xf32, #tpu.memory_space<vmem>>, vector<16xf32>, vector<16xi1>
        tpu.vector_store %arg8[%parallel_loop3A_1052, %parallel_loop3A_1053], %parallel_loop3A_1051 masked %eq3A_18 {strides = array<i32>} : memref<48x512xf32, #tpu.memory_space<vmem>>, vector<16xf32>, vector<16xi1>
        %parallel_loop3A_1055 = arith.index_cast %parallel_loop3A_856 : i32 to index
        %parallel_loop3A_1056 = arith.constant 256 : index
        %parallel_loop3A_1057 = tpu.vector_load %arg6[%parallel_loop3A_1055, %parallel_loop3A_1056] {strides = array<i32>} : memref<48x384xf32, #tpu.memory_space<vmem>>, vector<16xf32>,
        %parallel_loop3A_1058 = arith.index_cast %parallel_loop3A_856 : i32 to index
        %parallel_loop3A_1059 = arith.constant 320 : index
        %parallel_loop3A_1060 = tpu.vector_load %arg8[%parallel_loop3A_1058, %parallel_loop3A_1059] masked %eq3A_21 {strides = array<i32>} : memref<48x512xf32, #tpu.memory_space<vmem>>, vector<16xf32>, vector<16xi1>
        tpu.vector_store %arg8[%parallel_loop3A_1058, %parallel_loop3A_1059], %parallel_loop3A_1057 masked %eq3A_21 {strides = array<i32>} : memref<48x512xf32, #tpu.memory_space<vmem>>, vector<16xf32>, vector<16xi1>
        %parallel_loop3A_1061 = arith.index_cast %parallel_loop3A_856 : i32 to index
        %parallel_loop3A_1062 = arith.constant 272 : index
        %parallel_loop3A_1063 = tpu.vector_load %arg4[%parallel_loop3A_1061, %parallel_loop3A_1062] {strides = array<i32>} : memref<48x384xf32, #tpu.memory_space<vmem>>, vector<16xf32>,
        %parallel_loop3A_1064 = arith.index_cast %parallel_loop3A_856 : i32 to index
        %parallel_loop3A_1065 = arith.constant 136 : index
        %parallel_loop3A_1066 = tpu.vector_load %arg8[%parallel_loop3A_1064, %parallel_loop3A_1065] masked %eq3A_18 {strides = array<i32>} : memref<48x512xf32, #tpu.memory_space<vmem>>, vector<16xf32>, vector<16xi1>
        tpu.vector_store %arg8[%parallel_loop3A_1064, %parallel_loop3A_1065], %parallel_loop3A_1063 masked %eq3A_18 {strides = array<i32>} : memref<48x512xf32, #tpu.memory_space<vmem>>, vector<16xf32>, vector<16xi1>
        %parallel_loop3A_1067 = arith.index_cast %parallel_loop3A_856 : i32 to index
        %parallel_loop3A_1068 = arith.constant 272 : index
        %parallel_loop3A_1069 = tpu.vector_load %arg6[%parallel_loop3A_1067, %parallel_loop3A_1068] {strides = array<i32>} : memref<48x384xf32, #tpu.memory_space<vmem>>, vector<16xf32>,
        %parallel_loop3A_1070 = arith.index_cast %parallel_loop3A_856 : i32 to index
        %parallel_loop3A_1071 = arith.constant 328 : index
        %parallel_loop3A_1072 = tpu.vector_load %arg8[%parallel_loop3A_1070, %parallel_loop3A_1071] masked %eq3A_21 {strides = array<i32>} : memref<48x512xf32, #tpu.memory_space<vmem>>, vector<16xf32>, vector<16xi1>
        tpu.vector_store %arg8[%parallel_loop3A_1070, %parallel_loop3A_1071], %parallel_loop3A_1069 masked %eq3A_21 {strides = array<i32>} : memref<48x512xf32, #tpu.memory_space<vmem>>, vector<16xf32>, vector<16xi1>
        %parallel_loop3A_1073 = arith.index_cast %parallel_loop3A_856 : i32 to index
        %parallel_loop3A_1074 = arith.constant 288 : index
        %parallel_loop3A_1075 = tpu.vector_load %arg4[%parallel_loop3A_1073, %parallel_loop3A_1074] {strides = array<i32>} : memref<48x384xf32, #tpu.memory_space<vmem>>, vector<16xf32>,
        %parallel_loop3A_1076 = arith.index_cast %parallel_loop3A_856 : i32 to index
        %parallel_loop3A_1077 = arith.constant 144 : index
        %parallel_loop3A_1078 = tpu.vector_load %arg8[%parallel_loop3A_1076, %parallel_loop3A_1077] masked %eq3A_18 {strides = array<i32>} : memref<48x512xf32, #tpu.memory_space<vmem>>, vector<16xf32>, vector<16xi1>
        tpu.vector_store %arg8[%parallel_loop3A_1076, %parallel_loop3A_1077], %parallel_loop3A_1075 masked %eq3A_18 {strides = array<i32>} : memref<48x512xf32, #tpu.memory_space<vmem>>, vector<16xf32>, vector<16xi1>
        %parallel_loop3A_1079 = arith.index_cast %parallel_loop3A_856 : i32 to index
        %parallel_loop3A_1080 = arith.constant 288 : index
        %parallel_loop3A_1081 = tpu.vector_load %arg6[%parallel_loop3A_1079, %parallel_loop3A_1080] {strides = array<i32>} : memref<48x384xf32, #tpu.memory_space<vmem>>, vector<16xf32>,
        %parallel_loop3A_1082 = arith.index_cast %parallel_loop3A_856 : i32 to index
        %parallel_loop3A_1083 = arith.constant 336 : index
        %parallel_loop3A_1084 = tpu.vector_load %arg8[%parallel_loop3A_1082, %parallel_loop3A_1083] masked %eq3A_21 {strides = array<i32>} : memref<48x512xf32, #tpu.memory_space<vmem>>, vector<16xf32>, vector<16xi1>
        tpu.vector_store %arg8[%parallel_loop3A_1082, %parallel_loop3A_1083], %parallel_loop3A_1081 masked %eq3A_21 {strides = array<i32>} : memref<48x512xf32, #tpu.memory_space<vmem>>, vector<16xf32>, vector<16xi1>
        %parallel_loop3A_1085 = arith.index_cast %parallel_loop3A_856 : i32 to index
        %parallel_loop3A_1086 = arith.constant 304 : index
        %parallel_loop3A_1087 = tpu.vector_load %arg4[%parallel_loop3A_1085, %parallel_loop3A_1086] {strides = array<i32>} : memref<48x384xf32, #tpu.memory_space<vmem>>, vector<16xf32>,
        %parallel_loop3A_1088 = arith.index_cast %parallel_loop3A_856 : i32 to index
        %parallel_loop3A_1089 = arith.constant 152 : index
        %parallel_loop3A_1090 = tpu.vector_load %arg8[%parallel_loop3A_1088, %parallel_loop3A_1089] masked %eq3A_18 {strides = array<i32>} : memref<48x512xf32, #tpu.memory_space<vmem>>, vector<16xf32>, vector<16xi1>
        tpu.vector_store %arg8[%parallel_loop3A_1088, %parallel_loop3A_1089], %parallel_loop3A_1087 masked %eq3A_18 {strides = array<i32>} : memref<48x512xf32, #tpu.memory_space<vmem>>, vector<16xf32>, vector<16xi1>
        %parallel_loop3A_1091 = arith.index_cast %parallel_loop3A_856 : i32 to index
        %parallel_loop3A_1092 = arith.constant 304 : index
        %parallel_loop3A_1093 = tpu.vector_load %arg6[%parallel_loop3A_1091, %parallel_loop3A_1092] {strides = array<i32>} : memref<48x384xf32, #tpu.memory_space<vmem>>, vector<16xf32>,
        %parallel_loop3A_1094 = arith.index_cast %parallel_loop3A_856 : i32 to index
        %parallel_loop3A_1095 = arith.constant 344 : index
        %parallel_loop3A_1096 = tpu.vector_load %arg8[%parallel_loop3A_1094, %parallel_loop3A_1095] masked %eq3A_21 {strides = array<i32>} : memref<48x512xf32, #tpu.memory_space<vmem>>, vector<16xf32>, vector<16xi1>
        tpu.vector_store %arg8[%parallel_loop3A_1094, %parallel_loop3A_1095], %parallel_loop3A_1093 masked %eq3A_21 {strides = array<i32>} : memref<48x512xf32, #tpu.memory_space<vmem>>, vector<16xf32>, vector<16xi1>
        %parallel_loop3A_1097 = arith.index_cast %parallel_loop3A_856 : i32 to index
        %parallel_loop3A_1098 = arith.constant 320 : index
        %parallel_loop3A_1099 = tpu.vector_load %arg4[%parallel_loop3A_1097, %parallel_loop3A_1098] {strides = array<i32>} : memref<48x384xf32, #tpu.memory_space<vmem>>, vector<16xf32>,
        %parallel_loop3A_1100 = arith.index_cast %parallel_loop3A_856 : i32 to index
        %parallel_loop3A_1101 = arith.constant 160 : index
        %parallel_loop3A_1102 = tpu.vector_load %arg8[%parallel_loop3A_1100, %parallel_loop3A_1101] masked %eq3A_18 {strides = array<i32>} : memref<48x512xf32, #tpu.memory_space<vmem>>, vector<16xf32>, vector<16xi1>
        tpu.vector_store %arg8[%parallel_loop3A_1100, %parallel_loop3A_1101], %parallel_loop3A_1099 masked %eq3A_18 {strides = array<i32>} : memref<48x512xf32, #tpu.memory_space<vmem>>, vector<16xf32>, vector<16xi1>
        %parallel_loop3A_1103 = arith.index_cast %parallel_loop3A_856 : i32 to index
        %parallel_loop3A_1104 = arith.constant 320 : index
        %parallel_loop3A_1105 = tpu.vector_load %arg6[%parallel_loop3A_1103, %parallel_loop3A_1104] {strides = array<i32>} : memref<48x384xf32, #tpu.memory_space<vmem>>, vector<16xf32>,
        %parallel_loop3A_1106 = arith.index_cast %parallel_loop3A_856 : i32 to index
        %parallel_loop3A_1107 = arith.constant 352 : index
        %parallel_loop3A_1108 = tpu.vector_load %arg8[%parallel_loop3A_1106, %parallel_loop3A_1107] masked %eq3A_21 {strides = array<i32>} : memref<48x512xf32, #tpu.memory_space<vmem>>, vector<16xf32>, vector<16xi1>
        tpu.vector_store %arg8[%parallel_loop3A_1106, %parallel_loop3A_1107], %parallel_loop3A_1105 masked %eq3A_21 {strides = array<i32>} : memref<48x512xf32, #tpu.memory_space<vmem>>, vector<16xf32>, vector<16xi1>
        %parallel_loop3A_1109 = arith.index_cast %parallel_loop3A_856 : i32 to index
        %parallel_loop3A_1110 = arith.constant 336 : index
        %parallel_loop3A_1111 = tpu.vector_load %arg4[%parallel_loop3A_1109, %parallel_loop3A_1110] {strides = array<i32>} : memref<48x384xf32, #tpu.memory_space<vmem>>, vector<16xf32>,
        %parallel_loop3A_1112 = arith.index_cast %parallel_loop3A_856 : i32 to index
        %parallel_loop3A_1113 = arith.constant 168 : index
        %parallel_loop3A_1114 = tpu.vector_load %arg8[%parallel_loop3A_1112, %parallel_loop3A_1113] masked %eq3A_18 {strides = array<i32>} : memref<48x512xf32, #tpu.memory_space<vmem>>, vector<16xf32>, vector<16xi1>
        tpu.vector_store %arg8[%parallel_loop3A_1112, %parallel_loop3A_1113], %parallel_loop3A_1111 masked %eq3A_18 {strides = array<i32>} : memref<48x512xf32, #tpu.memory_space<vmem>>, vector<16xf32>, vector<16xi1>
        %parallel_loop3A_1115 = arith.index_cast %parallel_loop3A_856 : i32 to index
        %parallel_loop3A_1116 = arith.constant 336 : index
        %parallel_loop3A_1117 = tpu.vector_load %arg6[%parallel_loop3A_1115, %parallel_loop3A_1116] {strides = array<i32>} : memref<48x384xf32, #tpu.memory_space<vmem>>, vector<16xf32>,
        %parallel_loop3A_1118 = arith.index_cast %parallel_loop3A_856 : i32 to index
        %parallel_loop3A_1119 = arith.constant 360 : index
        %parallel_loop3A_1120 = tpu.vector_load %arg8[%parallel_loop3A_1118, %parallel_loop3A_1119] masked %eq3A_21 {strides = array<i32>} : memref<48x512xf32, #tpu.memory_space<vmem>>, vector<16xf32>, vector<16xi1>
        tpu.vector_store %arg8[%parallel_loop3A_1118, %parallel_loop3A_1119], %parallel_loop3A_1117 masked %eq3A_21 {strides = array<i32>} : memref<48x512xf32, #tpu.memory_space<vmem>>, vector<16xf32>, vector<16xi1>
        %parallel_loop3A_1121 = arith.index_cast %parallel_loop3A_856 : i32 to index
        %parallel_loop3A_1122 = arith.constant 352 : index
        %parallel_loop3A_1123 = tpu.vector_load %arg4[%parallel_loop3A_1121, %parallel_loop3A_1122] {strides = array<i32>} : memref<48x384xf32, #tpu.memory_space<vmem>>, vector<16xf32>,
        %parallel_loop3A_1124 = arith.index_cast %parallel_loop3A_856 : i32 to index
        %parallel_loop3A_1125 = arith.constant 176 : index
        %parallel_loop3A_1126 = tpu.vector_load %arg8[%parallel_loop3A_1124, %parallel_loop3A_1125] masked %eq3A_18 {strides = array<i32>} : memref<48x512xf32, #tpu.memory_space<vmem>>, vector<16xf32>, vector<16xi1>
        tpu.vector_store %arg8[%parallel_loop3A_1124, %parallel_loop3A_1125], %parallel_loop3A_1123 masked %eq3A_18 {strides = array<i32>} : memref<48x512xf32, #tpu.memory_space<vmem>>, vector<16xf32>, vector<16xi1>
        %parallel_loop3A_1127 = arith.index_cast %parallel_loop3A_856 : i32 to index
        %parallel_loop3A_1128 = arith.constant 352 : index
        %parallel_loop3A_1129 = tpu.vector_load %arg6[%parallel_loop3A_1127, %parallel_loop3A_1128] {strides = array<i32>} : memref<48x384xf32, #tpu.memory_space<vmem>>, vector<16xf32>,
        %parallel_loop3A_1130 = arith.index_cast %parallel_loop3A_856 : i32 to index
        %parallel_loop3A_1131 = arith.constant 368 : index
        %parallel_loop3A_1132 = tpu.vector_load %arg8[%parallel_loop3A_1130, %parallel_loop3A_1131] masked %eq3A_21 {strides = array<i32>} : memref<48x512xf32, #tpu.memory_space<vmem>>, vector<16xf32>, vector<16xi1>
        tpu.vector_store %arg8[%parallel_loop3A_1130, %parallel_loop3A_1131], %parallel_loop3A_1129 masked %eq3A_21 {strides = array<i32>} : memref<48x512xf32, #tpu.memory_space<vmem>>, vector<16xf32>, vector<16xi1>
        %parallel_loop3A_1133 = arith.index_cast %parallel_loop3A_856 : i32 to index
        %parallel_loop3A_1134 = arith.constant 368 : index
        %parallel_loop3A_1135 = tpu.vector_load %arg4[%parallel_loop3A_1133, %parallel_loop3A_1134] {strides = array<i32>} : memref<48x384xf32, #tpu.memory_space<vmem>>, vector<16xf32>,
        %parallel_loop3A_1136 = arith.index_cast %parallel_loop3A_856 : i32 to index
        %parallel_loop3A_1137 = arith.constant 184 : index
        %parallel_loop3A_1138 = tpu.vector_load %arg8[%parallel_loop3A_1136, %parallel_loop3A_1137] masked %eq3A_18 {strides = array<i32>} : memref<48x512xf32, #tpu.memory_space<vmem>>, vector<16xf32>, vector<16xi1>
        tpu.vector_store %arg8[%parallel_loop3A_1136, %parallel_loop3A_1137], %parallel_loop3A_1135 masked %eq3A_18 {strides = array<i32>} : memref<48x512xf32, #tpu.memory_space<vmem>>, vector<16xf32>, vector<16xi1>
        %parallel_loop3A_1139 = arith.index_cast %parallel_loop3A_856 : i32 to index
        %parallel_loop3A_1140 = arith.constant 368 : index
        %parallel_loop3A_1141 = tpu.vector_load %arg6[%parallel_loop3A_1139, %parallel_loop3A_1140] {strides = array<i32>} : memref<48x384xf32, #tpu.memory_space<vmem>>, vector<16xf32>,
        %parallel_loop3A_1142 = arith.index_cast %parallel_loop3A_856 : i32 to index
        %parallel_loop3A_1143 = arith.constant 376 : index
        %parallel_loop3A_1144 = tpu.vector_load %arg8[%parallel_loop3A_1142, %parallel_loop3A_1143] masked %eq3A_21 {strides = array<i32>} : memref<48x512xf32, #tpu.memory_space<vmem>>, vector<16xf32>, vector<16xi1>
        tpu.vector_store %arg8[%parallel_loop3A_1142, %parallel_loop3A_1143], %parallel_loop3A_1141 masked %eq3A_21 {strides = array<i32>} : memref<48x512xf32, #tpu.memory_space<vmem>>, vector<16xf32>, vector<16xi1>
      } {sc.loop_unroll_factor = 2 : i64, sc.parallel_access}
      %mul3A_535 = arith.constant 48 : i32
      %mul3A_536 = arith.muli %add3A, %mul3A_535 : i32
      %add3A_537 = arith.addi %mul3A_536, %add3A_429 : i32
      %jit3A_538 = arith.constant 384 : i32
      %div3A_539 = arith.divsi %add3A_537, %jit3A_538 : i32
      %sign3A_540 = arith.constant 0 : i32
      %sign3A_541 = arith.cmpi sgt, %add3A_537, %sign3A_540 : i32
      %sign3A_542 = arith.extui %sign3A_541 : i1 to i32
      %sign3A_543 = arith.constant 0 : i32
      %sign3A_544 = arith.cmpi slt, %add3A_537, %sign3A_543 : i32
      %sign3A_545 = arith.extui %sign3A_544 : i1 to i32
      %sign3A_546 = arith.subi %sign3A_542, %sign3A_545 : i32
      %sign3A_547 = arith.constant 0 : i32
      %sign3A_548 = arith.cmpi sgt, %jit3A_538, %sign3A_547 : i32
      %sign3A_549 = arith.extui %sign3A_548 : i1 to i32
      %sign3A_550 = arith.constant 0 : i32
      %sign3A_551 = arith.cmpi slt, %jit3A_538, %sign3A_550 : i32
      %sign3A_552 = arith.extui %sign3A_551 : i1 to i32
      %sign3A_553 = arith.subi %sign3A_549, %sign3A_552 : i32
      %ne3A_554 = arith.cmpi ne, %sign3A_546, %sign3A_553 : i32
      %rem3A_555 = arith.remsi %add3A_537, %jit3A_538 : i32
      %ne3A_556 = arith.constant 0 : i32
      %ne3A_557 = arith.cmpi ne, %rem3A_555, %ne3A_556 : i32
      %and3A_558 = arith.andi %ne3A_554, %ne3A_557 : i1
      %sub3A_559 = arith.constant 1 : i32
      %sub3A_560 = arith.subi %div3A_539, %sub3A_559 : i32
      %select_n3A_561 = arith.select %and3A_558, %sub3A_560, %div3A_539 : i32
      %jit3A_562 = arith.constant 384 : i32
      %eq3A_563 = arith.constant 0 : i32
      %eq3A_564 = arith.cmpi eq, %jit3A_562, %eq3A_563 : i32
      %jit3A_565 = arith.constant 1 : i32
      %select_n3A_566 = arith.select %eq3A_564, %jit3A_565, %jit3A_562 : i32
      %rem3A_567 = arith.remsi %add3A_537, %select_n3A_566 : i32
      %ne3A_568 = arith.constant 0 : i32
      %ne3A_569 = arith.cmpi ne, %rem3A_567, %ne3A_568 : i32
      %lt3A_570 = arith.constant 0 : i32
      %lt3A_571 = arith.cmpi slt, %rem3A_567, %lt3A_570 : i32
      %lt3A_572 = arith.constant 0 : i32
      %lt3A_573 = arith.cmpi slt, %select_n3A_566, %lt3A_572 : i32
      %ne3A_574 = arith.xori %lt3A_571, %lt3A_573 : i1
      %and3A_575 = arith.andi %ne3A_574, %ne3A_569 : i1
      %add3A_576 = arith.addi %rem3A_567, %select_n3A_566 : i32
      %select_n3A_577 = arith.select %and3A_575, %add3A_576, %rem3A_567 : i32
      %jit3A_578 = arith.constant 192 : i32
      %div3A_579 = arith.divsi %select_n3A_577, %jit3A_578 : i32
      %sign3A_580 = arith.constant 0 : i32
      %sign3A_581 = arith.cmpi sgt, %select_n3A_577, %sign3A_580 : i32
      %sign3A_582 = arith.extui %sign3A_581 : i1 to i32
      %sign3A_583 = arith.constant 0 : i32
      %sign3A_584 = arith.cmpi slt, %select_n3A_577, %sign3A_583 : i32
      %sign3A_585 = arith.extui %sign3A_584 : i1 to i32
      %sign3A_586 = arith.subi %sign3A_582, %sign3A_585 : i32
      %sign3A_587 = arith.constant 0 : i32
      %sign3A_588 = arith.cmpi sgt, %jit3A_578, %sign3A_587 : i32
      %sign3A_589 = arith.extui %sign3A_588 : i1 to i32
      %sign3A_590 = arith.constant 0 : i32
      %sign3A_591 = arith.cmpi slt, %jit3A_578, %sign3A_590 : i32
      %sign3A_592 = arith.extui %sign3A_591 : i1 to i32
      %sign3A_593 = arith.subi %sign3A_589, %sign3A_592 : i32
      %ne3A_594 = arith.cmpi ne, %sign3A_586, %sign3A_593 : i32
      %rem3A_595 = arith.remsi %select_n3A_577, %jit3A_578 : i32
      %ne3A_596 = arith.constant 0 : i32
      %ne3A_597 = arith.cmpi ne, %rem3A_595, %ne3A_596 : i32
      %and3A_598 = arith.andi %ne3A_594, %ne3A_597 : i1
      %sub3A_599 = arith.constant 1 : i32
      %sub3A_600 = arith.subi %div3A_579, %sub3A_599 : i32
      %select_n3A_601 = arith.select %and3A_598, %sub3A_600, %div3A_579 : i32
      %jit3A_602 = arith.constant 192 : i32
      %eq3A_603 = arith.constant 0 : i32
      %eq3A_604 = arith.cmpi eq, %jit3A_602, %eq3A_603 : i32
      %jit3A_605 = arith.constant 1 : i32
      %select_n3A_606 = arith.select %eq3A_604, %jit3A_605, %jit3A_602 : i32
      %rem3A_607 = arith.remsi %select_n3A_577, %select_n3A_606 : i32
      %ne3A_608 = arith.constant 0 : i32
      %ne3A_609 = arith.cmpi ne, %rem3A_607, %ne3A_608 : i32
      %lt3A_610 = arith.constant 0 : i32
      %lt3A_611 = arith.cmpi slt, %rem3A_607, %lt3A_610 : i32
      %lt3A_612 = arith.constant 0 : i32
      %lt3A_613 = arith.cmpi slt, %select_n3A_606, %lt3A_612 : i32
      %ne3A_614 = arith.xori %lt3A_611, %lt3A_613 : i1
      %and3A_615 = arith.andi %ne3A_614, %ne3A_609 : i1
      %add3A_616 = arith.addi %rem3A_607, %select_n3A_606 : i32
      %select_n3A_617 = arith.select %and3A_615, %add3A_616, %rem3A_607 : i32
      %mul3A_618 = arith.constant 2 : i32
      %mul3A_619 = arith.muli %mul3A_618, %select_n3A_617 : i32
      %mul3A_620 = arith.constant 48 : i32
      %mul3A_621 = arith.muli %select_n3A_601, %mul3A_620 : i32
      %mul3A_622 = arith.constant 192 : i32
      %mul3A_623 = arith.muli %mul3A_619, %mul3A_622 : i32
      %dma_start3A_624 = arith.constant 0 : i32
      %dma_start3A_625 = arith.constant 0 : i32
      %dma_start3A_626 = tpu.memref_slice %arg8[%dma_start3A_624, %dma_start3A_625] : memref<48x512xf32, #tpu.memory_space<vmem>> -> memref<48x384xf32, #tpu.memory_space<vmem>>
      %dma_start3A_627 = tpu.memref_slice %arg3[%select_n3A_561, %mul3A_621, %mul3A_623] : memref<4x96x73728xf32, #tpu.memory_space<hbm>> -> memref<1x48x384xf32, #tpu.memory_space<hbm>>
      %dma_start3A_628 = tpu.memref_squeeze %dma_start3A_627 : memref<1x48x384xf32, #tpu.memory_space<hbm>> -> memref<48x384xf32, #tpu.memory_space<hbm>>
      %dma_start3A_629 = tpu.memref_slice %arg3[%select_n3A_561, %mul3A_621, %mul3A_623] : memref<4x96x73728xf32, #tpu.memory_space<hbm>> -> memref<1x48x384xf32, #tpu.memory_space<hbm>>
      %dma_start3A_630 = tpu.memref_squeeze %dma_start3A_629 : memref<1x48x384xf32, #tpu.memory_space<hbm>> -> memref<48x384xf32, #tpu.memory_space<hbm>>
      %dma_start3A_631 = arith.constant 0 : i32
      %dma_start3A_632 = arith.constant 0 : i32
      %dma_start3A_633 = tpu.memref_slice %arg8[%dma_start3A_631, %dma_start3A_632] : memref<48x512xf32, #tpu.memory_space<vmem>> -> memref<48x384xf32, #tpu.memory_space<vmem>>
      tpu.enqueue_dma source(%dma_start3A_633 : memref<48x384xf32, #tpu.memory_space<vmem>>) target(%dma_start3A_630 : memref<48x384xf32, #tpu.memory_space<hbm>>) target_semaphore(%arg14 : memref<!tpu.dma_semaphore, #tpu.memory_space<semaphore_mem>>)
      %lt3A_634 = arith.constant 23 : i32
      %lt3A_635 = arith.cmpi slt, %scan3A_425, %lt3A_634 : i32
      %convert_element_type3A_636 = arith.extui %lt3A_635 : i1 to i32
      %cond3A_637 = arith.constant 0 : i32
      %cond3A_638 = arith.cmpi ne, %convert_element_type3A_636, %cond3A_637 : i32
      scf.if %cond3A_638 {
        %add3A_856 = arith.constant 2 : i32
        %add3A_857 = arith.addi %add3A_429, %add3A_856 : i32
        %mul3A_858 = arith.constant 48 : i32
        %mul3A_859 = arith.muli %add3A, %mul3A_858 : i32
        %add3A_860 = arith.addi %mul3A_859, %add3A_857 : i32
        %jit3A_861 = arith.constant 384 : i32
        %div3A_862 = arith.divsi %add3A_860, %jit3A_861 : i32
        %sign3A_863 = arith.constant 0 : i32
        %sign3A_864 = arith.cmpi sgt, %add3A_860, %sign3A_863 : i32
        %sign3A_865 = arith.extui %sign3A_864 : i1 to i32
        %sign3A_866 = arith.constant 0 : i32
        %sign3A_867 = arith.cmpi slt, %add3A_860, %sign3A_866 : i32
        %sign3A_868 = arith.extui %sign3A_867 : i1 to i32
        %sign3A_869 = arith.subi %sign3A_865, %sign3A_868 : i32
        %sign3A_870 = arith.constant 0 : i32
        %sign3A_871 = arith.cmpi sgt, %jit3A_861, %sign3A_870 : i32
        %sign3A_872 = arith.extui %sign3A_871 : i1 to i32
        %sign3A_873 = arith.constant 0 : i32
        %sign3A_874 = arith.cmpi slt, %jit3A_861, %sign3A_873 : i32
        %sign3A_875 = arith.extui %sign3A_874 : i1 to i32
        %sign3A_876 = arith.subi %sign3A_872, %sign3A_875 : i32
        %ne3A_877 = arith.cmpi ne, %sign3A_869, %sign3A_876 : i32
        %rem3A_878 = arith.remsi %add3A_860, %jit3A_861 : i32
        %ne3A_879 = arith.constant 0 : i32
        %ne3A_880 = arith.cmpi ne, %rem3A_878, %ne3A_879 : i32
        %and3A_881 = arith.andi %ne3A_877, %ne3A_880 : i1
        %sub3A_882 = arith.constant 1 : i32
        %sub3A_883 = arith.subi %div3A_862, %sub3A_882 : i32
        %select_n3A_884 = arith.select %and3A_881, %sub3A_883, %div3A_862 : i32
        %jit3A_885 = arith.constant 384 : i32
        %eq3A_886 = arith.constant 0 : i32
        %eq3A_887 = arith.cmpi eq, %jit3A_885, %eq3A_886 : i32
        %jit3A_888 = arith.constant 1 : i32
        %select_n3A_889 = arith.select %eq3A_887, %jit3A_888, %jit3A_885 : i32
        %rem3A_890 = arith.remsi %add3A_860, %select_n3A_889 : i32
        %ne3A_891 = arith.constant 0 : i32
        %ne3A_892 = arith.cmpi ne, %rem3A_890, %ne3A_891 : i32
        %lt3A_893 = arith.constant 0 : i32
        %lt3A_894 = arith.cmpi slt, %rem3A_890, %lt3A_893 : i32
        %lt3A_895 = arith.constant 0 : i32
        %lt3A_896 = arith.cmpi slt, %select_n3A_889, %lt3A_895 : i32
        %ne3A_897 = arith.xori %lt3A_894, %lt3A_896 : i1
        %and3A_898 = arith.andi %ne3A_897, %ne3A_892 : i1
        %add3A_899 = arith.addi %rem3A_890, %select_n3A_889 : i32
        %select_n3A_900 = arith.select %and3A_898, %add3A_899, %rem3A_890 : i32
        %jit3A_901 = arith.constant 192 : i32
        %div3A_902 = arith.divsi %select_n3A_900, %jit3A_901 : i32
        %sign3A_903 = arith.constant 0 : i32
        %sign3A_904 = arith.cmpi sgt, %select_n3A_900, %sign3A_903 : i32
        %sign3A_905 = arith.extui %sign3A_904 : i1 to i32
        %sign3A_906 = arith.constant 0 : i32
        %sign3A_907 = arith.cmpi slt, %select_n3A_900, %sign3A_906 : i32
        %sign3A_908 = arith.extui %sign3A_907 : i1 to i32
        %sign3A_909 = arith.subi %sign3A_905, %sign3A_908 : i32
        %sign3A_910 = arith.constant 0 : i32
        %sign3A_911 = arith.cmpi sgt, %jit3A_901, %sign3A_910 : i32
        %sign3A_912 = arith.extui %sign3A_911 : i1 to i32
        %sign3A_913 = arith.constant 0 : i32
        %sign3A_914 = arith.cmpi slt, %jit3A_901, %sign3A_913 : i32
        %sign3A_915 = arith.extui %sign3A_914 : i1 to i32
        %sign3A_916 = arith.subi %sign3A_912, %sign3A_915 : i32
        %ne3A_917 = arith.cmpi ne, %sign3A_909, %sign3A_916 : i32
        %rem3A_918 = arith.remsi %select_n3A_900, %jit3A_901 : i32
        %ne3A_919 = arith.constant 0 : i32
        %ne3A_920 = arith.cmpi ne, %rem3A_918, %ne3A_919 : i32
        %and3A_921 = arith.andi %ne3A_917, %ne3A_920 : i1
        %sub3A_922 = arith.constant 1 : i32
        %sub3A_923 = arith.subi %div3A_902, %sub3A_922 : i32
        %select_n3A_924 = arith.select %and3A_921, %sub3A_923, %div3A_902 : i32
        %jit3A_925 = arith.constant 192 : i32
        %eq3A_926 = arith.constant 0 : i32
        %eq3A_927 = arith.cmpi eq, %jit3A_925, %eq3A_926 : i32
        %jit3A_928 = arith.constant 1 : i32
        %select_n3A_929 = arith.select %eq3A_927, %jit3A_928, %jit3A_925 : i32
        %rem3A_930 = arith.remsi %select_n3A_900, %select_n3A_929 : i32
        %ne3A_931 = arith.constant 0 : i32
        %ne3A_932 = arith.cmpi ne, %rem3A_930, %ne3A_931 : i32
        %lt3A_933 = arith.constant 0 : i32
        %lt3A_934 = arith.cmpi slt, %rem3A_930, %lt3A_933 : i32
        %lt3A_935 = arith.constant 0 : i32
        %lt3A_936 = arith.cmpi slt, %select_n3A_929, %lt3A_935 : i32
        %ne3A_937 = arith.xori %lt3A_934, %lt3A_936 : i1
        %and3A_938 = arith.andi %ne3A_937, %ne3A_932 : i1
        %add3A_939 = arith.addi %rem3A_930, %select_n3A_929 : i32
        %select_n3A_940 = arith.select %and3A_938, %add3A_939, %rem3A_930 : i32
        %mul3A_941 = arith.constant 2 : i32
        %mul3A_942 = arith.muli %mul3A_941, %select_n3A_940 : i32
        %mul3A_943 = arith.constant 48 : i32
        %mul3A_944 = arith.muli %select_n3A_924, %mul3A_943 : i32
        %dma_start3A_945 = arith.constant 0 : i32
        %dma_start3A_946 = tpu.memref_slice %arg2[%select_n3A_884, %mul3A_942, %mul3A_944, %dma_start3A_945] : memref<4x384x96x384xf32, #tpu.memory_space<hbm>> -> memref<1x1x48x384xf32, #tpu.memory_space<hbm>>
        %dma_start3A_947 = tpu.memref_squeeze %dma_start3A_946 : memref<1x1x48x384xf32, #tpu.memory_space<hbm>> -> memref<48x384xf32, #tpu.memory_space<hbm>>
        %dma_start3A_948 = arith.constant 0 : i32
        %dma_start3A_949 = tpu.memref_slice %arg2[%select_n3A_884, %mul3A_942, %mul3A_944, %dma_start3A_948] : memref<4x384x96x384xf32, #tpu.memory_space<hbm>> -> memref<1x1x48x384xf32, #tpu.memory_space<hbm>>
        %dma_start3A_950 = tpu.memref_squeeze %dma_start3A_949 : memref<1x1x48x384xf32, #tpu.memory_space<hbm>> -> memref<48x384xf32, #tpu.memory_space<hbm>>
        tpu.enqueue_dma source(%dma_start3A_950 : memref<48x384xf32, #tpu.memory_space<hbm>>) target(%arg4 : memref<48x384xf32, #tpu.memory_space<vmem>>) target_semaphore(%arg10 : memref<!tpu.dma_semaphore, #tpu.memory_space<semaphore_mem>>)
        %add3A_951 = arith.constant 1 : i32
        %add3A_952 = arith.addi %mul3A_942, %add3A_951 : i32
        %dma_start3A_953 = arith.constant 0 : i32
        %dma_start3A_954 = tpu.memref_slice %arg2[%select_n3A_884, %add3A_952, %mul3A_944, %dma_start3A_953] : memref<4x384x96x384xf32, #tpu.memory_space<hbm>> -> memref<1x1x48x384xf32, #tpu.memory_space<hbm>>
        %dma_start3A_955 = tpu.memref_squeeze %dma_start3A_954 : memref<1x1x48x384xf32, #tpu.memory_space<hbm>> -> memref<48x384xf32, #tpu.memory_space<hbm>>
        %dma_start3A_956 = arith.constant 0 : i32
        %dma_start3A_957 = tpu.memref_slice %arg2[%select_n3A_884, %add3A_952, %mul3A_944, %dma_start3A_956] : memref<4x384x96x384xf32, #tpu.memory_space<hbm>> -> memref<1x1x48x384xf32, #tpu.memory_space<hbm>>
        %dma_start3A_958 = tpu.memref_squeeze %dma_start3A_957 : memref<1x1x48x384xf32, #tpu.memory_space<hbm>> -> memref<48x384xf32, #tpu.memory_space<hbm>>
        tpu.enqueue_dma source(%dma_start3A_958 : memref<48x384xf32, #tpu.memory_space<hbm>>) target(%arg6 : memref<48x384xf32, #tpu.memory_space<vmem>>) target_semaphore(%arg12 : memref<!tpu.dma_semaphore, #tpu.memory_space<semaphore_mem>>)
      } else {
      }
      %mul3A_639 = arith.constant 2 : i32
      %mul3A_640 = arith.muli %mul3A_639, %scan3A_425 : i32
      %add3A_641 = arith.constant 1 : i32
      %add3A_642 = arith.addi %mul3A_640, %add3A_641 : i32
      %mul3A_643 = arith.constant 48 : i32
      %mul3A_644 = arith.muli %add3A, %mul3A_643 : i32
      %add3A_645 = arith.addi %mul3A_644, %add3A_642 : i32
      %jit3A_646 = arith.constant 384 : i32
      %div3A_647 = arith.divsi %add3A_645, %jit3A_646 : i32
      %sign3A_648 = arith.constant 0 : i32
      %sign3A_649 = arith.cmpi sgt, %add3A_645, %sign3A_648 : i32
      %sign3A_650 = arith.extui %sign3A_649 : i1 to i32
      %sign3A_651 = arith.constant 0 : i32
      %sign3A_652 = arith.cmpi slt, %add3A_645, %sign3A_651 : i32
      %sign3A_653 = arith.extui %sign3A_652 : i1 to i32
      %sign3A_654 = arith.subi %sign3A_650, %sign3A_653 : i32
      %sign3A_655 = arith.constant 0 : i32
      %sign3A_656 = arith.cmpi sgt, %jit3A_646, %sign3A_655 : i32
      %sign3A_657 = arith.extui %sign3A_656 : i1 to i32
      %sign3A_658 = arith.constant 0 : i32
      %sign3A_659 = arith.cmpi slt, %jit3A_646, %sign3A_658 : i32
      %sign3A_660 = arith.extui %sign3A_659 : i1 to i32
      %sign3A_661 = arith.subi %sign3A_657, %sign3A_660 : i32
      %ne3A_662 = arith.cmpi ne, %sign3A_654, %sign3A_661 : i32
      %rem3A_663 = arith.remsi %add3A_645, %jit3A_646 : i32
      %ne3A_664 = arith.constant 0 : i32
      %ne3A_665 = arith.cmpi ne, %rem3A_663, %ne3A_664 : i32
      %and3A_666 = arith.andi %ne3A_662, %ne3A_665 : i1
      %sub3A_667 = arith.constant 1 : i32
      %sub3A_668 = arith.subi %div3A_647, %sub3A_667 : i32
      %select_n3A_669 = arith.select %and3A_666, %sub3A_668, %div3A_647 : i32
      %jit3A_670 = arith.constant 384 : i32
      %eq3A_671 = arith.constant 0 : i32
      %eq3A_672 = arith.cmpi eq, %jit3A_670, %eq3A_671 : i32
      %jit3A_673 = arith.constant 1 : i32
      %select_n3A_674 = arith.select %eq3A_672, %jit3A_673, %jit3A_670 : i32
      %rem3A_675 = arith.remsi %add3A_645, %select_n3A_674 : i32
      %ne3A_676 = arith.constant 0 : i32
      %ne3A_677 = arith.cmpi ne, %rem3A_675, %ne3A_676 : i32
      %lt3A_678 = arith.constant 0 : i32
      %lt3A_679 = arith.cmpi slt, %rem3A_675, %lt3A_678 : i32
      %lt3A_680 = arith.constant 0 : i32
      %lt3A_681 = arith.cmpi slt, %select_n3A_674, %lt3A_680 : i32
      %ne3A_682 = arith.xori %lt3A_679, %lt3A_681 : i1
      %and3A_683 = arith.andi %ne3A_682, %ne3A_677 : i1
      %add3A_684 = arith.addi %rem3A_675, %select_n3A_674 : i32
      %select_n3A_685 = arith.select %and3A_683, %add3A_684, %rem3A_675 : i32
      %jit3A_686 = arith.constant 192 : i32
      %div3A_687 = arith.divsi %select_n3A_685, %jit3A_686 : i32
      %sign3A_688 = arith.constant 0 : i32
      %sign3A_689 = arith.cmpi sgt, %select_n3A_685, %sign3A_688 : i32
      %sign3A_690 = arith.extui %sign3A_689 : i1 to i32
      %sign3A_691 = arith.constant 0 : i32
      %sign3A_692 = arith.cmpi slt, %select_n3A_685, %sign3A_691 : i32
      %sign3A_693 = arith.extui %sign3A_692 : i1 to i32
      %sign3A_694 = arith.subi %sign3A_690, %sign3A_693 : i32
      %sign3A_695 = arith.constant 0 : i32
      %sign3A_696 = arith.cmpi sgt, %jit3A_686, %sign3A_695 : i32
      %sign3A_697 = arith.extui %sign3A_696 : i1 to i32
      %sign3A_698 = arith.constant 0 : i32
      %sign3A_699 = arith.cmpi slt, %jit3A_686, %sign3A_698 : i32
      %sign3A_700 = arith.extui %sign3A_699 : i1 to i32
      %sign3A_701 = arith.subi %sign3A_697, %sign3A_700 : i32
      %ne3A_702 = arith.cmpi ne, %sign3A_694, %sign3A_701 : i32
      %rem3A_703 = arith.remsi %select_n3A_685, %jit3A_686 : i32
      %ne3A_704 = arith.constant 0 : i32
      %ne3A_705 = arith.cmpi ne, %rem3A_703, %ne3A_704 : i32
      %and3A_706 = arith.andi %ne3A_702, %ne3A_705 : i1
      %sub3A_707 = arith.constant 1 : i32
      %sub3A_708 = arith.subi %div3A_687, %sub3A_707 : i32
      %select_n3A_709 = arith.select %and3A_706, %sub3A_708, %div3A_687 : i32
      %jit3A_710 = arith.constant 192 : i32
      %eq3A_711 = arith.constant 0 : i32
      %eq3A_712 = arith.cmpi eq, %jit3A_710, %eq3A_711 : i32
      %jit3A_713 = arith.constant 1 : i32
      %select_n3A_714 = arith.select %eq3A_712, %jit3A_713, %jit3A_710 : i32
      %rem3A_715 = arith.remsi %select_n3A_685, %select_n3A_714 : i32
      %ne3A_716 = arith.constant 0 : i32
      %ne3A_717 = arith.cmpi ne, %rem3A_715, %ne3A_716 : i32
      %lt3A_718 = arith.constant 0 : i32
      %lt3A_719 = arith.cmpi slt, %rem3A_715, %lt3A_718 : i32
      %lt3A_720 = arith.constant 0 : i32
      %lt3A_721 = arith.cmpi slt, %select_n3A_714, %lt3A_720 : i32
      %ne3A_722 = arith.xori %lt3A_719, %lt3A_721 : i1
      %and3A_723 = arith.andi %ne3A_722, %ne3A_717 : i1
      %add3A_724 = arith.addi %rem3A_715, %select_n3A_714 : i32
      %select_n3A_725 = arith.select %and3A_723, %add3A_724, %rem3A_715 : i32
      %mul3A_726 = arith.constant 2 : i32
      %mul3A_727 = arith.muli %mul3A_726, %select_n3A_725 : i32
      %mul3A_728 = arith.constant 48 : i32
      %mul3A_729 = arith.muli %select_n3A_709, %mul3A_728 : i32
      %dma_wait3A_730 = arith.constant 0 : i32
      %dma_wait3A_731 = tpu.memref_slice %arg2[%select_n3A_669, %mul3A_727, %mul3A_729, %dma_wait3A_730] : memref<4x384x96x384xf32, #tpu.memory_space<hbm>> -> memref<1x1x48x384xf32, #tpu.memory_space<hbm>>
      %dma_wait3A_732 = tpu.memref_squeeze %dma_wait3A_731 : memref<1x1x48x384xf32, #tpu.memory_space<hbm>> -> memref<48x384xf32, #tpu.memory_space<hbm>>
      %dma_wait3A_733 = arith.constant 0 : i32
      %dma_wait3A_734 = tpu.memref_slice %arg2[%select_n3A_669, %mul3A_727, %mul3A_729, %dma_wait3A_733] : memref<4x384x96x384xf32, #tpu.memory_space<hbm>> -> memref<1x1x48x384xf32, #tpu.memory_space<hbm>>
      %dma_wait3A_735 = tpu.memref_squeeze %dma_wait3A_734 : memref<1x1x48x384xf32, #tpu.memory_space<hbm>> -> memref<48x384xf32, #tpu.memory_space<hbm>>
      tpu.wait_dma2 semaphore(%arg11 : memref<!tpu.dma_semaphore, #tpu.memory_space<semaphore_mem>>) src(%dma_wait3A_735 : memref<48x384xf32, #tpu.memory_space<hbm>>) dst(%arg5 : memref<48x384xf32, #tpu.memory_space<vmem>>)
      %add3A_736 = arith.constant 1 : i32
      %add3A_737 = arith.addi %mul3A_727, %add3A_736 : i32
      %dma_wait3A_738 = arith.constant 0 : i32
      %dma_wait3A_739 = tpu.memref_slice %arg2[%select_n3A_669, %add3A_737, %mul3A_729, %dma_wait3A_738] : memref<4x384x96x384xf32, #tpu.memory_space<hbm>> -> memref<1x1x48x384xf32, #tpu.memory_space<hbm>>
      %dma_wait3A_740 = tpu.memref_squeeze %dma_wait3A_739 : memref<1x1x48x384xf32, #tpu.memory_space<hbm>> -> memref<48x384xf32, #tpu.memory_space<hbm>>
      %dma_wait3A_741 = arith.constant 0 : i32
      %dma_wait3A_742 = tpu.memref_slice %arg2[%select_n3A_669, %add3A_737, %mul3A_729, %dma_wait3A_741] : memref<4x384x96x384xf32, #tpu.memory_space<hbm>> -> memref<1x1x48x384xf32, #tpu.memory_space<hbm>>
      %dma_wait3A_743 = tpu.memref_squeeze %dma_wait3A_742 : memref<1x1x48x384xf32, #tpu.memory_space<hbm>> -> memref<48x384xf32, #tpu.memory_space<hbm>>
      tpu.wait_dma2 semaphore(%arg13 : memref<!tpu.dma_semaphore, #tpu.memory_space<semaphore_mem>>) src(%dma_wait3A_743 : memref<48x384xf32, #tpu.memory_space<hbm>>) dst(%arg7 : memref<48x384xf32, #tpu.memory_space<vmem>>)
      %gt3A_744 = arith.constant 0 : i32
      %gt3A_745 = arith.cmpi sgt, %scan3A_425, %gt3A_744 : i32
      %convert_element_type3A_746 = arith.extui %gt3A_745 : i1 to i32
      %cond3A_747 = arith.constant 0 : i32
      %cond3A_748 = arith.cmpi ne, %convert_element_type3A_746, %cond3A_747 : i32
      scf.if %cond3A_748 {
        %sub3A_856 = arith.constant 2 : i32
        %sub3A_857 = arith.subi %add3A_642, %sub3A_856 : i32
        %mul3A_858 = arith.constant 48 : i32
        %mul3A_859 = arith.muli %add3A, %mul3A_858 : i32
        %add3A_860 = arith.addi %mul3A_859, %sub3A_857 : i32
        %jit3A_861 = arith.constant 384 : i32
        %div3A_862 = arith.divsi %add3A_860, %jit3A_861 : i32
        %sign3A_863 = arith.constant 0 : i32
        %sign3A_864 = arith.cmpi sgt, %add3A_860, %sign3A_863 : i32
        %sign3A_865 = arith.extui %sign3A_864 : i1 to i32
        %sign3A_866 = arith.constant 0 : i32
        %sign3A_867 = arith.cmpi slt, %add3A_860, %sign3A_866 : i32
        %sign3A_868 = arith.extui %sign3A_867 : i1 to i32
        %sign3A_869 = arith.subi %sign3A_865, %sign3A_868 : i32
        %sign3A_870 = arith.constant 0 : i32
        %sign3A_871 = arith.cmpi sgt, %jit3A_861, %sign3A_870 : i32
        %sign3A_872 = arith.extui %sign3A_871 : i1 to i32
        %sign3A_873 = arith.constant 0 : i32
        %sign3A_874 = arith.cmpi slt, %jit3A_861, %sign3A_873 : i32
        %sign3A_875 = arith.extui %sign3A_874 : i1 to i32
        %sign3A_876 = arith.subi %sign3A_872, %sign3A_875 : i32
        %ne3A_877 = arith.cmpi ne, %sign3A_869, %sign3A_876 : i32
        %rem3A_878 = arith.remsi %add3A_860, %jit3A_861 : i32
        %ne3A_879 = arith.constant 0 : i32
        %ne3A_880 = arith.cmpi ne, %rem3A_878, %ne3A_879 : i32
        %and3A_881 = arith.andi %ne3A_877, %ne3A_880 : i1
        %sub3A_882 = arith.constant 1 : i32
        %sub3A_883 = arith.subi %div3A_862, %sub3A_882 : i32
        %select_n3A_884 = arith.select %and3A_881, %sub3A_883, %div3A_862 : i32
        %jit3A_885 = arith.constant 384 : i32
        %eq3A_886 = arith.constant 0 : i32
        %eq3A_887 = arith.cmpi eq, %jit3A_885, %eq3A_886 : i32
        %jit3A_888 = arith.constant 1 : i32
        %select_n3A_889 = arith.select %eq3A_887, %jit3A_888, %jit3A_885 : i32
        %rem3A_890 = arith.remsi %add3A_860, %select_n3A_889 : i32
        %ne3A_891 = arith.constant 0 : i32
        %ne3A_892 = arith.cmpi ne, %rem3A_890, %ne3A_891 : i32
        %lt3A_893 = arith.constant 0 : i32
        %lt3A_894 = arith.cmpi slt, %rem3A_890, %lt3A_893 : i32
        %lt3A_895 = arith.constant 0 : i32
        %lt3A_896 = arith.cmpi slt, %select_n3A_889, %lt3A_895 : i32
        %ne3A_897 = arith.xori %lt3A_894, %lt3A_896 : i1
        %and3A_898 = arith.andi %ne3A_897, %ne3A_892 : i1
        %add3A_899 = arith.addi %rem3A_890, %select_n3A_889 : i32
        %select_n3A_900 = arith.select %and3A_898, %add3A_899, %rem3A_890 : i32
        %jit3A_901 = arith.constant 192 : i32
        %div3A_902 = arith.divsi %select_n3A_900, %jit3A_901 : i32
        %sign3A_903 = arith.constant 0 : i32
        %sign3A_904 = arith.cmpi sgt, %select_n3A_900, %sign3A_903 : i32
        %sign3A_905 = arith.extui %sign3A_904 : i1 to i32
        %sign3A_906 = arith.constant 0 : i32
        %sign3A_907 = arith.cmpi slt, %select_n3A_900, %sign3A_906 : i32
        %sign3A_908 = arith.extui %sign3A_907 : i1 to i32
        %sign3A_909 = arith.subi %sign3A_905, %sign3A_908 : i32
        %sign3A_910 = arith.constant 0 : i32
        %sign3A_911 = arith.cmpi sgt, %jit3A_901, %sign3A_910 : i32
        %sign3A_912 = arith.extui %sign3A_911 : i1 to i32
        %sign3A_913 = arith.constant 0 : i32
        %sign3A_914 = arith.cmpi slt, %jit3A_901, %sign3A_913 : i32
        %sign3A_915 = arith.extui %sign3A_914 : i1 to i32
        %sign3A_916 = arith.subi %sign3A_912, %sign3A_915 : i32
        %ne3A_917 = arith.cmpi ne, %sign3A_909, %sign3A_916 : i32
        %rem3A_918 = arith.remsi %select_n3A_900, %jit3A_901 : i32
        %ne3A_919 = arith.constant 0 : i32
        %ne3A_920 = arith.cmpi ne, %rem3A_918, %ne3A_919 : i32
        %and3A_921 = arith.andi %ne3A_917, %ne3A_920 : i1
        %sub3A_922 = arith.constant 1 : i32
        %sub3A_923 = arith.subi %div3A_902, %sub3A_922 : i32
        %select_n3A_924 = arith.select %and3A_921, %sub3A_923, %div3A_902 : i32
        %jit3A_925 = arith.constant 192 : i32
        %eq3A_926 = arith.constant 0 : i32
        %eq3A_927 = arith.cmpi eq, %jit3A_925, %eq3A_926 : i32
        %jit3A_928 = arith.constant 1 : i32
        %select_n3A_929 = arith.select %eq3A_927, %jit3A_928, %jit3A_925 : i32
        %rem3A_930 = arith.remsi %select_n3A_900, %select_n3A_929 : i32
        %ne3A_931 = arith.constant 0 : i32
        %ne3A_932 = arith.cmpi ne, %rem3A_930, %ne3A_931 : i32
        %lt3A_933 = arith.constant 0 : i32
        %lt3A_934 = arith.cmpi slt, %rem3A_930, %lt3A_933 : i32
        %lt3A_935 = arith.constant 0 : i32
        %lt3A_936 = arith.cmpi slt, %select_n3A_929, %lt3A_935 : i32
        %ne3A_937 = arith.xori %lt3A_934, %lt3A_936 : i1
        %and3A_938 = arith.andi %ne3A_937, %ne3A_932 : i1
        %add3A_939 = arith.addi %rem3A_930, %select_n3A_929 : i32
        %select_n3A_940 = arith.select %and3A_938, %add3A_939, %rem3A_930 : i32
        %mul3A_941 = arith.constant 2 : i32
        %mul3A_942 = arith.muli %mul3A_941, %select_n3A_940 : i32
        %mul3A_943 = arith.constant 48 : i32
        %mul3A_944 = arith.muli %select_n3A_924, %mul3A_943 : i32
        %mul3A_945 = arith.constant 192 : i32
        %mul3A_946 = arith.muli %mul3A_942, %mul3A_945 : i32
        %dma_wait3A_947 = arith.constant 0 : i32
        %dma_wait3A_948 = arith.constant 0 : i32
        %dma_wait3A_949 = tpu.memref_slice %arg9[%dma_wait3A_947, %dma_wait3A_948] : memref<48x512xf32, #tpu.memory_space<vmem>> -> memref<48x384xf32, #tpu.memory_space<vmem>>
        %dma_wait3A_950 = tpu.memref_slice %arg3[%select_n3A_884, %mul3A_944, %mul3A_946] : memref<4x96x73728xf32, #tpu.memory_space<hbm>> -> memref<1x48x384xf32, #tpu.memory_space<hbm>>
        %dma_wait3A_951 = tpu.memref_squeeze %dma_wait3A_950 : memref<1x48x384xf32, #tpu.memory_space<hbm>> -> memref<48x384xf32, #tpu.memory_space<hbm>>
        %dma_wait3A_952 = tpu.memref_slice %arg3[%select_n3A_884, %mul3A_944, %mul3A_946] : memref<4x96x73728xf32, #tpu.memory_space<hbm>> -> memref<1x48x384xf32, #tpu.memory_space<hbm>>
        %dma_wait3A_953 = tpu.memref_squeeze %dma_wait3A_952 : memref<1x48x384xf32, #tpu.memory_space<hbm>> -> memref<48x384xf32, #tpu.memory_space<hbm>>
        %dma_wait3A_954 = arith.constant 0 : i32
        %dma_wait3A_955 = arith.constant 0 : i32
        %dma_wait3A_956 = tpu.memref_slice %arg9[%dma_wait3A_954, %dma_wait3A_955] : memref<48x512xf32, #tpu.memory_space<vmem>> -> memref<48x384xf32, #tpu.memory_space<vmem>>
        tpu.wait_dma2 semaphore(%arg15 : memref<!tpu.dma_semaphore, #tpu.memory_space<semaphore_mem>>) src(%dma_wait3A_956 : memref<48x384xf32, #tpu.memory_space<vmem>>) dst(%dma_wait3A_953 : memref<48x384xf32, #tpu.memory_space<hbm>>)
      } else {
      }
      %parallel_loop3A_749 = arith.constant 0 : i32
      %parallel_loop3A_750 = arith.constant 48 : i32
      %parallel_loop3A_751 = arith.constant 1 : i32
      scf.for %parallel_loop3A_856 = %parallel_loop3A_749 to %parallel_loop3A_750 step %parallel_loop3A_751  : i32 {
        %parallel_loop3A_857 = arith.index_cast %parallel_loop3A_856 : i32 to index
        %parallel_loop3A_858 = arith.constant 0 : index
        %parallel_loop3A_859 = tpu.vector_load %arg5[%parallel_loop3A_857, %parallel_loop3A_858] {strides = array<i32>} : memref<48x384xf32, #tpu.memory_space<vmem>>, vector<16xf32>,
        %parallel_loop3A_860 = arith.index_cast %parallel_loop3A_856 : i32 to index
        %parallel_loop3A_861 = arith.constant 0 : index
        %parallel_loop3A_862 = tpu.vector_load %arg9[%parallel_loop3A_860, %parallel_loop3A_861] masked %eq3A_18 {strides = array<i32>} : memref<48x512xf32, #tpu.memory_space<vmem>>, vector<16xf32>, vector<16xi1>
        tpu.vector_store %arg9[%parallel_loop3A_860, %parallel_loop3A_861], %parallel_loop3A_859 masked %eq3A_18 {strides = array<i32>} : memref<48x512xf32, #tpu.memory_space<vmem>>, vector<16xf32>, vector<16xi1>
        %parallel_loop3A_863 = arith.index_cast %parallel_loop3A_856 : i32 to index
        %parallel_loop3A_864 = arith.constant 0 : index
        %parallel_loop3A_865 = tpu.vector_load %arg7[%parallel_loop3A_863, %parallel_loop3A_864] {strides = array<i32>} : memref<48x384xf32, #tpu.memory_space<vmem>>, vector<16xf32>,
        %parallel_loop3A_866 = arith.index_cast %parallel_loop3A_856 : i32 to index
        %parallel_loop3A_867 = arith.constant 192 : index
        %parallel_loop3A_868 = tpu.vector_load %arg9[%parallel_loop3A_866, %parallel_loop3A_867] masked %eq3A_21 {strides = array<i32>} : memref<48x512xf32, #tpu.memory_space<vmem>>, vector<16xf32>, vector<16xi1>
        tpu.vector_store %arg9[%parallel_loop3A_866, %parallel_loop3A_867], %parallel_loop3A_865 masked %eq3A_21 {strides = array<i32>} : memref<48x512xf32, #tpu.memory_space<vmem>>, vector<16xf32>, vector<16xi1>
        %parallel_loop3A_869 = arith.index_cast %parallel_loop3A_856 : i32 to index
        %parallel_loop3A_870 = arith.constant 16 : index
        %parallel_loop3A_871 = tpu.vector_load %arg5[%parallel_loop3A_869, %parallel_loop3A_870] {strides = array<i32>} : memref<48x384xf32, #tpu.memory_space<vmem>>, vector<16xf32>,
        %parallel_loop3A_872 = arith.index_cast %parallel_loop3A_856 : i32 to index
        %parallel_loop3A_873 = arith.constant 8 : index
        %parallel_loop3A_874 = tpu.vector_load %arg9[%parallel_loop3A_872, %parallel_loop3A_873] masked %eq3A_18 {strides = array<i32>} : memref<48x512xf32, #tpu.memory_space<vmem>>, vector<16xf32>, vector<16xi1>
        tpu.vector_store %arg9[%parallel_loop3A_872, %parallel_loop3A_873], %parallel_loop3A_871 masked %eq3A_18 {strides = array<i32>} : memref<48x512xf32, #tpu.memory_space<vmem>>, vector<16xf32>, vector<16xi1>
        %parallel_loop3A_875 = arith.index_cast %parallel_loop3A_856 : i32 to index
        %parallel_loop3A_876 = arith.constant 16 : index
        %parallel_loop3A_877 = tpu.vector_load %arg7[%parallel_loop3A_875, %parallel_loop3A_876] {strides = array<i32>} : memref<48x384xf32, #tpu.memory_space<vmem>>, vector<16xf32>,
        %parallel_loop3A_878 = arith.index_cast %parallel_loop3A_856 : i32 to index
        %parallel_loop3A_879 = arith.constant 200 : index
        %parallel_loop3A_880 = tpu.vector_load %arg9[%parallel_loop3A_878, %parallel_loop3A_879] masked %eq3A_21 {strides = array<i32>} : memref<48x512xf32, #tpu.memory_space<vmem>>, vector<16xf32>, vector<16xi1>
        tpu.vector_store %arg9[%parallel_loop3A_878, %parallel_loop3A_879], %parallel_loop3A_877 masked %eq3A_21 {strides = array<i32>} : memref<48x512xf32, #tpu.memory_space<vmem>>, vector<16xf32>, vector<16xi1>
        %parallel_loop3A_881 = arith.index_cast %parallel_loop3A_856 : i32 to index
        %parallel_loop3A_882 = arith.constant 32 : index
        %parallel_loop3A_883 = tpu.vector_load %arg5[%parallel_loop3A_881, %parallel_loop3A_882] {strides = array<i32>} : memref<48x384xf32, #tpu.memory_space<vmem>>, vector<16xf32>,
        %parallel_loop3A_884 = arith.index_cast %parallel_loop3A_856 : i32 to index
        %parallel_loop3A_885 = arith.constant 16 : index
        %parallel_loop3A_886 = tpu.vector_load %arg9[%parallel_loop3A_884, %parallel_loop3A_885] masked %eq3A_18 {strides = array<i32>} : memref<48x512xf32, #tpu.memory_space<vmem>>, vector<16xf32>, vector<16xi1>
        tpu.vector_store %arg9[%parallel_loop3A_884, %parallel_loop3A_885], %parallel_loop3A_883 masked %eq3A_18 {strides = array<i32>} : memref<48x512xf32, #tpu.memory_space<vmem>>, vector<16xf32>, vector<16xi1>
        %parallel_loop3A_887 = arith.index_cast %parallel_loop3A_856 : i32 to index
        %parallel_loop3A_888 = arith.constant 32 : index
        %parallel_loop3A_889 = tpu.vector_load %arg7[%parallel_loop3A_887, %parallel_loop3A_888] {strides = array<i32>} : memref<48x384xf32, #tpu.memory_space<vmem>>, vector<16xf32>,
        %parallel_loop3A_890 = arith.index_cast %parallel_loop3A_856 : i32 to index
        %parallel_loop3A_891 = arith.constant 208 : index
        %parallel_loop3A_892 = tpu.vector_load %arg9[%parallel_loop3A_890, %parallel_loop3A_891] masked %eq3A_21 {strides = array<i32>} : memref<48x512xf32, #tpu.memory_space<vmem>>, vector<16xf32>, vector<16xi1>
        tpu.vector_store %arg9[%parallel_loop3A_890, %parallel_loop3A_891], %parallel_loop3A_889 masked %eq3A_21 {strides = array<i32>} : memref<48x512xf32, #tpu.memory_space<vmem>>, vector<16xf32>, vector<16xi1>
        %parallel_loop3A_893 = arith.index_cast %parallel_loop3A_856 : i32 to index
        %parallel_loop3A_894 = arith.constant 48 : index
        %parallel_loop3A_895 = tpu.vector_load %arg5[%parallel_loop3A_893, %parallel_loop3A_894] {strides = array<i32>} : memref<48x384xf32, #tpu.memory_space<vmem>>, vector<16xf32>,
        %parallel_loop3A_896 = arith.index_cast %parallel_loop3A_856 : i32 to index
        %parallel_loop3A_897 = arith.constant 24 : index
        %parallel_loop3A_898 = tpu.vector_load %arg9[%parallel_loop3A_896, %parallel_loop3A_897] masked %eq3A_18 {strides = array<i32>} : memref<48x512xf32, #tpu.memory_space<vmem>>, vector<16xf32>, vector<16xi1>
        tpu.vector_store %arg9[%parallel_loop3A_896, %parallel_loop3A_897], %parallel_loop3A_895 masked %eq3A_18 {strides = array<i32>} : memref<48x512xf32, #tpu.memory_space<vmem>>, vector<16xf32>, vector<16xi1>
        %parallel_loop3A_899 = arith.index_cast %parallel_loop3A_856 : i32 to index
        %parallel_loop3A_900 = arith.constant 48 : index
        %parallel_loop3A_901 = tpu.vector_load %arg7[%parallel_loop3A_899, %parallel_loop3A_900] {strides = array<i32>} : memref<48x384xf32, #tpu.memory_space<vmem>>, vector<16xf32>,
        %parallel_loop3A_902 = arith.index_cast %parallel_loop3A_856 : i32 to index
        %parallel_loop3A_903 = arith.constant 216 : index
        %parallel_loop3A_904 = tpu.vector_load %arg9[%parallel_loop3A_902, %parallel_loop3A_903] masked %eq3A_21 {strides = array<i32>} : memref<48x512xf32, #tpu.memory_space<vmem>>, vector<16xf32>, vector<16xi1>
        tpu.vector_store %arg9[%parallel_loop3A_902, %parallel_loop3A_903], %parallel_loop3A_901 masked %eq3A_21 {strides = array<i32>} : memref<48x512xf32, #tpu.memory_space<vmem>>, vector<16xf32>, vector<16xi1>
        %parallel_loop3A_905 = arith.index_cast %parallel_loop3A_856 : i32 to index
        %parallel_loop3A_906 = arith.constant 64 : index
        %parallel_loop3A_907 = tpu.vector_load %arg5[%parallel_loop3A_905, %parallel_loop3A_906] {strides = array<i32>} : memref<48x384xf32, #tpu.memory_space<vmem>>, vector<16xf32>,
        %parallel_loop3A_908 = arith.index_cast %parallel_loop3A_856 : i32 to index
        %parallel_loop3A_909 = arith.constant 32 : index
        %parallel_loop3A_910 = tpu.vector_load %arg9[%parallel_loop3A_908, %parallel_loop3A_909] masked %eq3A_18 {strides = array<i32>} : memref<48x512xf32, #tpu.memory_space<vmem>>, vector<16xf32>, vector<16xi1>
        tpu.vector_store %arg9[%parallel_loop3A_908, %parallel_loop3A_909], %parallel_loop3A_907 masked %eq3A_18 {strides = array<i32>} : memref<48x512xf32, #tpu.memory_space<vmem>>, vector<16xf32>, vector<16xi1>
        %parallel_loop3A_911 = arith.index_cast %parallel_loop3A_856 : i32 to index
        %parallel_loop3A_912 = arith.constant 64 : index
        %parallel_loop3A_913 = tpu.vector_load %arg7[%parallel_loop3A_911, %parallel_loop3A_912] {strides = array<i32>} : memref<48x384xf32, #tpu.memory_space<vmem>>, vector<16xf32>,
        %parallel_loop3A_914 = arith.index_cast %parallel_loop3A_856 : i32 to index
        %parallel_loop3A_915 = arith.constant 224 : index
        %parallel_loop3A_916 = tpu.vector_load %arg9[%parallel_loop3A_914, %parallel_loop3A_915] masked %eq3A_21 {strides = array<i32>} : memref<48x512xf32, #tpu.memory_space<vmem>>, vector<16xf32>, vector<16xi1>
        tpu.vector_store %arg9[%parallel_loop3A_914, %parallel_loop3A_915], %parallel_loop3A_913 masked %eq3A_21 {strides = array<i32>} : memref<48x512xf32, #tpu.memory_space<vmem>>, vector<16xf32>, vector<16xi1>
        %parallel_loop3A_917 = arith.index_cast %parallel_loop3A_856 : i32 to index
        %parallel_loop3A_918 = arith.constant 80 : index
        %parallel_loop3A_919 = tpu.vector_load %arg5[%parallel_loop3A_917, %parallel_loop3A_918] {strides = array<i32>} : memref<48x384xf32, #tpu.memory_space<vmem>>, vector<16xf32>,
        %parallel_loop3A_920 = arith.index_cast %parallel_loop3A_856 : i32 to index
        %parallel_loop3A_921 = arith.constant 40 : index
        %parallel_loop3A_922 = tpu.vector_load %arg9[%parallel_loop3A_920, %parallel_loop3A_921] masked %eq3A_18 {strides = array<i32>} : memref<48x512xf32, #tpu.memory_space<vmem>>, vector<16xf32>, vector<16xi1>
        tpu.vector_store %arg9[%parallel_loop3A_920, %parallel_loop3A_921], %parallel_loop3A_919 masked %eq3A_18 {strides = array<i32>} : memref<48x512xf32, #tpu.memory_space<vmem>>, vector<16xf32>, vector<16xi1>
        %parallel_loop3A_923 = arith.index_cast %parallel_loop3A_856 : i32 to index
        %parallel_loop3A_924 = arith.constant 80 : index
        %parallel_loop3A_925 = tpu.vector_load %arg7[%parallel_loop3A_923, %parallel_loop3A_924] {strides = array<i32>} : memref<48x384xf32, #tpu.memory_space<vmem>>, vector<16xf32>,
        %parallel_loop3A_926 = arith.index_cast %parallel_loop3A_856 : i32 to index
        %parallel_loop3A_927 = arith.constant 232 : index
        %parallel_loop3A_928 = tpu.vector_load %arg9[%parallel_loop3A_926, %parallel_loop3A_927] masked %eq3A_21 {strides = array<i32>} : memref<48x512xf32, #tpu.memory_space<vmem>>, vector<16xf32>, vector<16xi1>
        tpu.vector_store %arg9[%parallel_loop3A_926, %parallel_loop3A_927], %parallel_loop3A_925 masked %eq3A_21 {strides = array<i32>} : memref<48x512xf32, #tpu.memory_space<vmem>>, vector<16xf32>, vector<16xi1>
        %parallel_loop3A_929 = arith.index_cast %parallel_loop3A_856 : i32 to index
        %parallel_loop3A_930 = arith.constant 96 : index
        %parallel_loop3A_931 = tpu.vector_load %arg5[%parallel_loop3A_929, %parallel_loop3A_930] {strides = array<i32>} : memref<48x384xf32, #tpu.memory_space<vmem>>, vector<16xf32>,
        %parallel_loop3A_932 = arith.index_cast %parallel_loop3A_856 : i32 to index
        %parallel_loop3A_933 = arith.constant 48 : index
        %parallel_loop3A_934 = tpu.vector_load %arg9[%parallel_loop3A_932, %parallel_loop3A_933] masked %eq3A_18 {strides = array<i32>} : memref<48x512xf32, #tpu.memory_space<vmem>>, vector<16xf32>, vector<16xi1>
        tpu.vector_store %arg9[%parallel_loop3A_932, %parallel_loop3A_933], %parallel_loop3A_931 masked %eq3A_18 {strides = array<i32>} : memref<48x512xf32, #tpu.memory_space<vmem>>, vector<16xf32>, vector<16xi1>
        %parallel_loop3A_935 = arith.index_cast %parallel_loop3A_856 : i32 to index
        %parallel_loop3A_936 = arith.constant 96 : index
        %parallel_loop3A_937 = tpu.vector_load %arg7[%parallel_loop3A_935, %parallel_loop3A_936] {strides = array<i32>} : memref<48x384xf32, #tpu.memory_space<vmem>>, vector<16xf32>,
        %parallel_loop3A_938 = arith.index_cast %parallel_loop3A_856 : i32 to index
        %parallel_loop3A_939 = arith.constant 240 : index
        %parallel_loop3A_940 = tpu.vector_load %arg9[%parallel_loop3A_938, %parallel_loop3A_939] masked %eq3A_21 {strides = array<i32>} : memref<48x512xf32, #tpu.memory_space<vmem>>, vector<16xf32>, vector<16xi1>
        tpu.vector_store %arg9[%parallel_loop3A_938, %parallel_loop3A_939], %parallel_loop3A_937 masked %eq3A_21 {strides = array<i32>} : memref<48x512xf32, #tpu.memory_space<vmem>>, vector<16xf32>, vector<16xi1>
        %parallel_loop3A_941 = arith.index_cast %parallel_loop3A_856 : i32 to index
        %parallel_loop3A_942 = arith.constant 112 : index
        %parallel_loop3A_943 = tpu.vector_load %arg5[%parallel_loop3A_941, %parallel_loop3A_942] {strides = array<i32>} : memref<48x384xf32, #tpu.memory_space<vmem>>, vector<16xf32>,
        %parallel_loop3A_944 = arith.index_cast %parallel_loop3A_856 : i32 to index
        %parallel_loop3A_945 = arith.constant 56 : index
        %parallel_loop3A_946 = tpu.vector_load %arg9[%parallel_loop3A_944, %parallel_loop3A_945] masked %eq3A_18 {strides = array<i32>} : memref<48x512xf32, #tpu.memory_space<vmem>>, vector<16xf32>, vector<16xi1>
        tpu.vector_store %arg9[%parallel_loop3A_944, %parallel_loop3A_945], %parallel_loop3A_943 masked %eq3A_18 {strides = array<i32>} : memref<48x512xf32, #tpu.memory_space<vmem>>, vector<16xf32>, vector<16xi1>
        %parallel_loop3A_947 = arith.index_cast %parallel_loop3A_856 : i32 to index
        %parallel_loop3A_948 = arith.constant 112 : index
        %parallel_loop3A_949 = tpu.vector_load %arg7[%parallel_loop3A_947, %parallel_loop3A_948] {strides = array<i32>} : memref<48x384xf32, #tpu.memory_space<vmem>>, vector<16xf32>,
        %parallel_loop3A_950 = arith.index_cast %parallel_loop3A_856 : i32 to index
        %parallel_loop3A_951 = arith.constant 248 : index
        %parallel_loop3A_952 = tpu.vector_load %arg9[%parallel_loop3A_950, %parallel_loop3A_951] masked %eq3A_21 {strides = array<i32>} : memref<48x512xf32, #tpu.memory_space<vmem>>, vector<16xf32>, vector<16xi1>
        tpu.vector_store %arg9[%parallel_loop3A_950, %parallel_loop3A_951], %parallel_loop3A_949 masked %eq3A_21 {strides = array<i32>} : memref<48x512xf32, #tpu.memory_space<vmem>>, vector<16xf32>, vector<16xi1>
        %parallel_loop3A_953 = arith.index_cast %parallel_loop3A_856 : i32 to index
        %parallel_loop3A_954 = arith.constant 128 : index
        %parallel_loop3A_955 = tpu.vector_load %arg5[%parallel_loop3A_953, %parallel_loop3A_954] {strides = array<i32>} : memref<48x384xf32, #tpu.memory_space<vmem>>, vector<16xf32>,
        %parallel_loop3A_956 = arith.index_cast %parallel_loop3A_856 : i32 to index
        %parallel_loop3A_957 = arith.constant 64 : index
        %parallel_loop3A_958 = tpu.vector_load %arg9[%parallel_loop3A_956, %parallel_loop3A_957] masked %eq3A_18 {strides = array<i32>} : memref<48x512xf32, #tpu.memory_space<vmem>>, vector<16xf32>, vector<16xi1>
        tpu.vector_store %arg9[%parallel_loop3A_956, %parallel_loop3A_957], %parallel_loop3A_955 masked %eq3A_18 {strides = array<i32>} : memref<48x512xf32, #tpu.memory_space<vmem>>, vector<16xf32>, vector<16xi1>
        %parallel_loop3A_959 = arith.index_cast %parallel_loop3A_856 : i32 to index
        %parallel_loop3A_960 = arith.constant 128 : index
        %parallel_loop3A_961 = tpu.vector_load %arg7[%parallel_loop3A_959, %parallel_loop3A_960] {strides = array<i32>} : memref<48x384xf32, #tpu.memory_space<vmem>>, vector<16xf32>,
        %parallel_loop3A_962 = arith.index_cast %parallel_loop3A_856 : i32 to index
        %parallel_loop3A_963 = arith.constant 256 : index
        %parallel_loop3A_964 = tpu.vector_load %arg9[%parallel_loop3A_962, %parallel_loop3A_963] masked %eq3A_21 {strides = array<i32>} : memref<48x512xf32, #tpu.memory_space<vmem>>, vector<16xf32>, vector<16xi1>
        tpu.vector_store %arg9[%parallel_loop3A_962, %parallel_loop3A_963], %parallel_loop3A_961 masked %eq3A_21 {strides = array<i32>} : memref<48x512xf32, #tpu.memory_space<vmem>>, vector<16xf32>, vector<16xi1>
        %parallel_loop3A_965 = arith.index_cast %parallel_loop3A_856 : i32 to index
        %parallel_loop3A_966 = arith.constant 144 : index
        %parallel_loop3A_967 = tpu.vector_load %arg5[%parallel_loop3A_965, %parallel_loop3A_966] {strides = array<i32>} : memref<48x384xf32, #tpu.memory_space<vmem>>, vector<16xf32>,
        %parallel_loop3A_968 = arith.index_cast %parallel_loop3A_856 : i32 to index
        %parallel_loop3A_969 = arith.constant 72 : index
        %parallel_loop3A_970 = tpu.vector_load %arg9[%parallel_loop3A_968, %parallel_loop3A_969] masked %eq3A_18 {strides = array<i32>} : memref<48x512xf32, #tpu.memory_space<vmem>>, vector<16xf32>, vector<16xi1>
        tpu.vector_store %arg9[%parallel_loop3A_968, %parallel_loop3A_969], %parallel_loop3A_967 masked %eq3A_18 {strides = array<i32>} : memref<48x512xf32, #tpu.memory_space<vmem>>, vector<16xf32>, vector<16xi1>
        %parallel_loop3A_971 = arith.index_cast %parallel_loop3A_856 : i32 to index
        %parallel_loop3A_972 = arith.constant 144 : index
        %parallel_loop3A_973 = tpu.vector_load %arg7[%parallel_loop3A_971, %parallel_loop3A_972] {strides = array<i32>} : memref<48x384xf32, #tpu.memory_space<vmem>>, vector<16xf32>,
        %parallel_loop3A_974 = arith.index_cast %parallel_loop3A_856 : i32 to index
        %parallel_loop3A_975 = arith.constant 264 : index
        %parallel_loop3A_976 = tpu.vector_load %arg9[%parallel_loop3A_974, %parallel_loop3A_975] masked %eq3A_21 {strides = array<i32>} : memref<48x512xf32, #tpu.memory_space<vmem>>, vector<16xf32>, vector<16xi1>
        tpu.vector_store %arg9[%parallel_loop3A_974, %parallel_loop3A_975], %parallel_loop3A_973 masked %eq3A_21 {strides = array<i32>} : memref<48x512xf32, #tpu.memory_space<vmem>>, vector<16xf32>, vector<16xi1>
        %parallel_loop3A_977 = arith.index_cast %parallel_loop3A_856 : i32 to index
        %parallel_loop3A_978 = arith.constant 160 : index
        %parallel_loop3A_979 = tpu.vector_load %arg5[%parallel_loop3A_977, %parallel_loop3A_978] {strides = array<i32>} : memref<48x384xf32, #tpu.memory_space<vmem>>, vector<16xf32>,
        %parallel_loop3A_980 = arith.index_cast %parallel_loop3A_856 : i32 to index
        %parallel_loop3A_981 = arith.constant 80 : index
        %parallel_loop3A_982 = tpu.vector_load %arg9[%parallel_loop3A_980, %parallel_loop3A_981] masked %eq3A_18 {strides = array<i32>} : memref<48x512xf32, #tpu.memory_space<vmem>>, vector<16xf32>, vector<16xi1>
        tpu.vector_store %arg9[%parallel_loop3A_980, %parallel_loop3A_981], %parallel_loop3A_979 masked %eq3A_18 {strides = array<i32>} : memref<48x512xf32, #tpu.memory_space<vmem>>, vector<16xf32>, vector<16xi1>
        %parallel_loop3A_983 = arith.index_cast %parallel_loop3A_856 : i32 to index
        %parallel_loop3A_984 = arith.constant 160 : index
        %parallel_loop3A_985 = tpu.vector_load %arg7[%parallel_loop3A_983, %parallel_loop3A_984] {strides = array<i32>} : memref<48x384xf32, #tpu.memory_space<vmem>>, vector<16xf32>,
        %parallel_loop3A_986 = arith.index_cast %parallel_loop3A_856 : i32 to index
        %parallel_loop3A_987 = arith.constant 272 : index
        %parallel_loop3A_988 = tpu.vector_load %arg9[%parallel_loop3A_986, %parallel_loop3A_987] masked %eq3A_21 {strides = array<i32>} : memref<48x512xf32, #tpu.memory_space<vmem>>, vector<16xf32>, vector<16xi1>
        tpu.vector_store %arg9[%parallel_loop3A_986, %parallel_loop3A_987], %parallel_loop3A_985 masked %eq3A_21 {strides = array<i32>} : memref<48x512xf32, #tpu.memory_space<vmem>>, vector<16xf32>, vector<16xi1>
        %parallel_loop3A_989 = arith.index_cast %parallel_loop3A_856 : i32 to index
        %parallel_loop3A_990 = arith.constant 176 : index
        %parallel_loop3A_991 = tpu.vector_load %arg5[%parallel_loop3A_989, %parallel_loop3A_990] {strides = array<i32>} : memref<48x384xf32, #tpu.memory_space<vmem>>, vector<16xf32>,
        %parallel_loop3A_992 = arith.index_cast %parallel_loop3A_856 : i32 to index
        %parallel_loop3A_993 = arith.constant 88 : index
        %parallel_loop3A_994 = tpu.vector_load %arg9[%parallel_loop3A_992, %parallel_loop3A_993] masked %eq3A_18 {strides = array<i32>} : memref<48x512xf32, #tpu.memory_space<vmem>>, vector<16xf32>, vector<16xi1>
        tpu.vector_store %arg9[%parallel_loop3A_992, %parallel_loop3A_993], %parallel_loop3A_991 masked %eq3A_18 {strides = array<i32>} : memref<48x512xf32, #tpu.memory_space<vmem>>, vector<16xf32>, vector<16xi1>
        %parallel_loop3A_995 = arith.index_cast %parallel_loop3A_856 : i32 to index
        %parallel_loop3A_996 = arith.constant 176 : index
        %parallel_loop3A_997 = tpu.vector_load %arg7[%parallel_loop3A_995, %parallel_loop3A_996] {strides = array<i32>} : memref<48x384xf32, #tpu.memory_space<vmem>>, vector<16xf32>,
        %parallel_loop3A_998 = arith.index_cast %parallel_loop3A_856 : i32 to index
        %parallel_loop3A_999 = arith.constant 280 : index
        %parallel_loop3A_1000 = tpu.vector_load %arg9[%parallel_loop3A_998, %parallel_loop3A_999] masked %eq3A_21 {strides = array<i32>} : memref<48x512xf32, #tpu.memory_space<vmem>>, vector<16xf32>, vector<16xi1>
        tpu.vector_store %arg9[%parallel_loop3A_998, %parallel_loop3A_999], %parallel_loop3A_997 masked %eq3A_21 {strides = array<i32>} : memref<48x512xf32, #tpu.memory_space<vmem>>, vector<16xf32>, vector<16xi1>
        %parallel_loop3A_1001 = arith.index_cast %parallel_loop3A_856 : i32 to index
        %parallel_loop3A_1002 = arith.constant 192 : index
        %parallel_loop3A_1003 = tpu.vector_load %arg5[%parallel_loop3A_1001, %parallel_loop3A_1002] {strides = array<i32>} : memref<48x384xf32, #tpu.memory_space<vmem>>, vector<16xf32>,
        %parallel_loop3A_1004 = arith.index_cast %parallel_loop3A_856 : i32 to index
        %parallel_loop3A_1005 = arith.constant 96 : index
        %parallel_loop3A_1006 = tpu.vector_load %arg9[%parallel_loop3A_1004, %parallel_loop3A_1005] masked %eq3A_18 {strides = array<i32>} : memref<48x512xf32, #tpu.memory_space<vmem>>, vector<16xf32>, vector<16xi1>
        tpu.vector_store %arg9[%parallel_loop3A_1004, %parallel_loop3A_1005], %parallel_loop3A_1003 masked %eq3A_18 {strides = array<i32>} : memref<48x512xf32, #tpu.memory_space<vmem>>, vector<16xf32>, vector<16xi1>
        %parallel_loop3A_1007 = arith.index_cast %parallel_loop3A_856 : i32 to index
        %parallel_loop3A_1008 = arith.constant 192 : index
        %parallel_loop3A_1009 = tpu.vector_load %arg7[%parallel_loop3A_1007, %parallel_loop3A_1008] {strides = array<i32>} : memref<48x384xf32, #tpu.memory_space<vmem>>, vector<16xf32>,
        %parallel_loop3A_1010 = arith.index_cast %parallel_loop3A_856 : i32 to index
        %parallel_loop3A_1011 = arith.constant 288 : index
        %parallel_loop3A_1012 = tpu.vector_load %arg9[%parallel_loop3A_1010, %parallel_loop3A_1011] masked %eq3A_21 {strides = array<i32>} : memref<48x512xf32, #tpu.memory_space<vmem>>, vector<16xf32>, vector<16xi1>
        tpu.vector_store %arg9[%parallel_loop3A_1010, %parallel_loop3A_1011], %parallel_loop3A_1009 masked %eq3A_21 {strides = array<i32>} : memref<48x512xf32, #tpu.memory_space<vmem>>, vector<16xf32>, vector<16xi1>
        %parallel_loop3A_1013 = arith.index_cast %parallel_loop3A_856 : i32 to index
        %parallel_loop3A_1014 = arith.constant 208 : index
        %parallel_loop3A_1015 = tpu.vector_load %arg5[%parallel_loop3A_1013, %parallel_loop3A_1014] {strides = array<i32>} : memref<48x384xf32, #tpu.memory_space<vmem>>, vector<16xf32>,
        %parallel_loop3A_1016 = arith.index_cast %parallel_loop3A_856 : i32 to index
        %parallel_loop3A_1017 = arith.constant 104 : index
        %parallel_loop3A_1018 = tpu.vector_load %arg9[%parallel_loop3A_1016, %parallel_loop3A_1017] masked %eq3A_18 {strides = array<i32>} : memref<48x512xf32, #tpu.memory_space<vmem>>, vector<16xf32>, vector<16xi1>
        tpu.vector_store %arg9[%parallel_loop3A_1016, %parallel_loop3A_1017], %parallel_loop3A_1015 masked %eq3A_18 {strides = array<i32>} : memref<48x512xf32, #tpu.memory_space<vmem>>, vector<16xf32>, vector<16xi1>
        %parallel_loop3A_1019 = arith.index_cast %parallel_loop3A_856 : i32 to index
        %parallel_loop3A_1020 = arith.constant 208 : index
        %parallel_loop3A_1021 = tpu.vector_load %arg7[%parallel_loop3A_1019, %parallel_loop3A_1020] {strides = array<i32>} : memref<48x384xf32, #tpu.memory_space<vmem>>, vector<16xf32>,
        %parallel_loop3A_1022 = arith.index_cast %parallel_loop3A_856 : i32 to index
        %parallel_loop3A_1023 = arith.constant 296 : index
        %parallel_loop3A_1024 = tpu.vector_load %arg9[%parallel_loop3A_1022, %parallel_loop3A_1023] masked %eq3A_21 {strides = array<i32>} : memref<48x512xf32, #tpu.memory_space<vmem>>, vector<16xf32>, vector<16xi1>
        tpu.vector_store %arg9[%parallel_loop3A_1022, %parallel_loop3A_1023], %parallel_loop3A_1021 masked %eq3A_21 {strides = array<i32>} : memref<48x512xf32, #tpu.memory_space<vmem>>, vector<16xf32>, vector<16xi1>
        %parallel_loop3A_1025 = arith.index_cast %parallel_loop3A_856 : i32 to index
        %parallel_loop3A_1026 = arith.constant 224 : index
        %parallel_loop3A_1027 = tpu.vector_load %arg5[%parallel_loop3A_1025, %parallel_loop3A_1026] {strides = array<i32>} : memref<48x384xf32, #tpu.memory_space<vmem>>, vector<16xf32>,
        %parallel_loop3A_1028 = arith.index_cast %parallel_loop3A_856 : i32 to index
        %parallel_loop3A_1029 = arith.constant 112 : index
        %parallel_loop3A_1030 = tpu.vector_load %arg9[%parallel_loop3A_1028, %parallel_loop3A_1029] masked %eq3A_18 {strides = array<i32>} : memref<48x512xf32, #tpu.memory_space<vmem>>, vector<16xf32>, vector<16xi1>
        tpu.vector_store %arg9[%parallel_loop3A_1028, %parallel_loop3A_1029], %parallel_loop3A_1027 masked %eq3A_18 {strides = array<i32>} : memref<48x512xf32, #tpu.memory_space<vmem>>, vector<16xf32>, vector<16xi1>
        %parallel_loop3A_1031 = arith.index_cast %parallel_loop3A_856 : i32 to index
        %parallel_loop3A_1032 = arith.constant 224 : index
        %parallel_loop3A_1033 = tpu.vector_load %arg7[%parallel_loop3A_1031, %parallel_loop3A_1032] {strides = array<i32>} : memref<48x384xf32, #tpu.memory_space<vmem>>, vector<16xf32>,
        %parallel_loop3A_1034 = arith.index_cast %parallel_loop3A_856 : i32 to index
        %parallel_loop3A_1035 = arith.constant 304 : index
        %parallel_loop3A_1036 = tpu.vector_load %arg9[%parallel_loop3A_1034, %parallel_loop3A_1035] masked %eq3A_21 {strides = array<i32>} : memref<48x512xf32, #tpu.memory_space<vmem>>, vector<16xf32>, vector<16xi1>
        tpu.vector_store %arg9[%parallel_loop3A_1034, %parallel_loop3A_1035], %parallel_loop3A_1033 masked %eq3A_21 {strides = array<i32>} : memref<48x512xf32, #tpu.memory_space<vmem>>, vector<16xf32>, vector<16xi1>
        %parallel_loop3A_1037 = arith.index_cast %parallel_loop3A_856 : i32 to index
        %parallel_loop3A_1038 = arith.constant 240 : index
        %parallel_loop3A_1039 = tpu.vector_load %arg5[%parallel_loop3A_1037, %parallel_loop3A_1038] {strides = array<i32>} : memref<48x384xf32, #tpu.memory_space<vmem>>, vector<16xf32>,
        %parallel_loop3A_1040 = arith.index_cast %parallel_loop3A_856 : i32 to index
        %parallel_loop3A_1041 = arith.constant 120 : index
        %parallel_loop3A_1042 = tpu.vector_load %arg9[%parallel_loop3A_1040, %parallel_loop3A_1041] masked %eq3A_18 {strides = array<i32>} : memref<48x512xf32, #tpu.memory_space<vmem>>, vector<16xf32>, vector<16xi1>
        tpu.vector_store %arg9[%parallel_loop3A_1040, %parallel_loop3A_1041], %parallel_loop3A_1039 masked %eq3A_18 {strides = array<i32>} : memref<48x512xf32, #tpu.memory_space<vmem>>, vector<16xf32>, vector<16xi1>
        %parallel_loop3A_1043 = arith.index_cast %parallel_loop3A_856 : i32 to index
        %parallel_loop3A_1044 = arith.constant 240 : index
        %parallel_loop3A_1045 = tpu.vector_load %arg7[%parallel_loop3A_1043, %parallel_loop3A_1044] {strides = array<i32>} : memref<48x384xf32, #tpu.memory_space<vmem>>, vector<16xf32>,
        %parallel_loop3A_1046 = arith.index_cast %parallel_loop3A_856 : i32 to index
        %parallel_loop3A_1047 = arith.constant 312 : index
        %parallel_loop3A_1048 = tpu.vector_load %arg9[%parallel_loop3A_1046, %parallel_loop3A_1047] masked %eq3A_21 {strides = array<i32>} : memref<48x512xf32, #tpu.memory_space<vmem>>, vector<16xf32>, vector<16xi1>
        tpu.vector_store %arg9[%parallel_loop3A_1046, %parallel_loop3A_1047], %parallel_loop3A_1045 masked %eq3A_21 {strides = array<i32>} : memref<48x512xf32, #tpu.memory_space<vmem>>, vector<16xf32>, vector<16xi1>
        %parallel_loop3A_1049 = arith.index_cast %parallel_loop3A_856 : i32 to index
        %parallel_loop3A_1050 = arith.constant 256 : index
        %parallel_loop3A_1051 = tpu.vector_load %arg5[%parallel_loop3A_1049, %parallel_loop3A_1050] {strides = array<i32>} : memref<48x384xf32, #tpu.memory_space<vmem>>, vector<16xf32>,
        %parallel_loop3A_1052 = arith.index_cast %parallel_loop3A_856 : i32 to index
        %parallel_loop3A_1053 = arith.constant 128 : index
        %parallel_loop3A_1054 = tpu.vector_load %arg9[%parallel_loop3A_1052, %parallel_loop3A_1053] masked %eq3A_18 {strides = array<i32>} : memref<48x512xf32, #tpu.memory_space<vmem>>, vector<16xf32>, vector<16xi1>
        tpu.vector_store %arg9[%parallel_loop3A_1052, %parallel_loop3A_1053], %parallel_loop3A_1051 masked %eq3A_18 {strides = array<i32>} : memref<48x512xf32, #tpu.memory_space<vmem>>, vector<16xf32>, vector<16xi1>
        %parallel_loop3A_1055 = arith.index_cast %parallel_loop3A_856 : i32 to index
        %parallel_loop3A_1056 = arith.constant 256 : index
        %parallel_loop3A_1057 = tpu.vector_load %arg7[%parallel_loop3A_1055, %parallel_loop3A_1056] {strides = array<i32>} : memref<48x384xf32, #tpu.memory_space<vmem>>, vector<16xf32>,
        %parallel_loop3A_1058 = arith.index_cast %parallel_loop3A_856 : i32 to index
        %parallel_loop3A_1059 = arith.constant 320 : index
        %parallel_loop3A_1060 = tpu.vector_load %arg9[%parallel_loop3A_1058, %parallel_loop3A_1059] masked %eq3A_21 {strides = array<i32>} : memref<48x512xf32, #tpu.memory_space<vmem>>, vector<16xf32>, vector<16xi1>
        tpu.vector_store %arg9[%parallel_loop3A_1058, %parallel_loop3A_1059], %parallel_loop3A_1057 masked %eq3A_21 {strides = array<i32>} : memref<48x512xf32, #tpu.memory_space<vmem>>, vector<16xf32>, vector<16xi1>
        %parallel_loop3A_1061 = arith.index_cast %parallel_loop3A_856 : i32 to index
        %parallel_loop3A_1062 = arith.constant 272 : index
        %parallel_loop3A_1063 = tpu.vector_load %arg5[%parallel_loop3A_1061, %parallel_loop3A_1062] {strides = array<i32>} : memref<48x384xf32, #tpu.memory_space<vmem>>, vector<16xf32>,
        %parallel_loop3A_1064 = arith.index_cast %parallel_loop3A_856 : i32 to index
        %parallel_loop3A_1065 = arith.constant 136 : index
        %parallel_loop3A_1066 = tpu.vector_load %arg9[%parallel_loop3A_1064, %parallel_loop3A_1065] masked %eq3A_18 {strides = array<i32>} : memref<48x512xf32, #tpu.memory_space<vmem>>, vector<16xf32>, vector<16xi1>
        tpu.vector_store %arg9[%parallel_loop3A_1064, %parallel_loop3A_1065], %parallel_loop3A_1063 masked %eq3A_18 {strides = array<i32>} : memref<48x512xf32, #tpu.memory_space<vmem>>, vector<16xf32>, vector<16xi1>
        %parallel_loop3A_1067 = arith.index_cast %parallel_loop3A_856 : i32 to index
        %parallel_loop3A_1068 = arith.constant 272 : index
        %parallel_loop3A_1069 = tpu.vector_load %arg7[%parallel_loop3A_1067, %parallel_loop3A_1068] {strides = array<i32>} : memref<48x384xf32, #tpu.memory_space<vmem>>, vector<16xf32>,
        %parallel_loop3A_1070 = arith.index_cast %parallel_loop3A_856 : i32 to index
        %parallel_loop3A_1071 = arith.constant 328 : index
        %parallel_loop3A_1072 = tpu.vector_load %arg9[%parallel_loop3A_1070, %parallel_loop3A_1071] masked %eq3A_21 {strides = array<i32>} : memref<48x512xf32, #tpu.memory_space<vmem>>, vector<16xf32>, vector<16xi1>
        tpu.vector_store %arg9[%parallel_loop3A_1070, %parallel_loop3A_1071], %parallel_loop3A_1069 masked %eq3A_21 {strides = array<i32>} : memref<48x512xf32, #tpu.memory_space<vmem>>, vector<16xf32>, vector<16xi1>
        %parallel_loop3A_1073 = arith.index_cast %parallel_loop3A_856 : i32 to index
        %parallel_loop3A_1074 = arith.constant 288 : index
        %parallel_loop3A_1075 = tpu.vector_load %arg5[%parallel_loop3A_1073, %parallel_loop3A_1074] {strides = array<i32>} : memref<48x384xf32, #tpu.memory_space<vmem>>, vector<16xf32>,
        %parallel_loop3A_1076 = arith.index_cast %parallel_loop3A_856 : i32 to index
        %parallel_loop3A_1077 = arith.constant 144 : index
        %parallel_loop3A_1078 = tpu.vector_load %arg9[%parallel_loop3A_1076, %parallel_loop3A_1077] masked %eq3A_18 {strides = array<i32>} : memref<48x512xf32, #tpu.memory_space<vmem>>, vector<16xf32>, vector<16xi1>
        tpu.vector_store %arg9[%parallel_loop3A_1076, %parallel_loop3A_1077], %parallel_loop3A_1075 masked %eq3A_18 {strides = array<i32>} : memref<48x512xf32, #tpu.memory_space<vmem>>, vector<16xf32>, vector<16xi1>
        %parallel_loop3A_1079 = arith.index_cast %parallel_loop3A_856 : i32 to index
        %parallel_loop3A_1080 = arith.constant 288 : index
        %parallel_loop3A_1081 = tpu.vector_load %arg7[%parallel_loop3A_1079, %parallel_loop3A_1080] {strides = array<i32>} : memref<48x384xf32, #tpu.memory_space<vmem>>, vector<16xf32>,
        %parallel_loop3A_1082 = arith.index_cast %parallel_loop3A_856 : i32 to index
        %parallel_loop3A_1083 = arith.constant 336 : index
        %parallel_loop3A_1084 = tpu.vector_load %arg9[%parallel_loop3A_1082, %parallel_loop3A_1083] masked %eq3A_21 {strides = array<i32>} : memref<48x512xf32, #tpu.memory_space<vmem>>, vector<16xf32>, vector<16xi1>
        tpu.vector_store %arg9[%parallel_loop3A_1082, %parallel_loop3A_1083], %parallel_loop3A_1081 masked %eq3A_21 {strides = array<i32>} : memref<48x512xf32, #tpu.memory_space<vmem>>, vector<16xf32>, vector<16xi1>
        %parallel_loop3A_1085 = arith.index_cast %parallel_loop3A_856 : i32 to index
        %parallel_loop3A_1086 = arith.constant 304 : index
        %parallel_loop3A_1087 = tpu.vector_load %arg5[%parallel_loop3A_1085, %parallel_loop3A_1086] {strides = array<i32>} : memref<48x384xf32, #tpu.memory_space<vmem>>, vector<16xf32>,
        %parallel_loop3A_1088 = arith.index_cast %parallel_loop3A_856 : i32 to index
        %parallel_loop3A_1089 = arith.constant 152 : index
        %parallel_loop3A_1090 = tpu.vector_load %arg9[%parallel_loop3A_1088, %parallel_loop3A_1089] masked %eq3A_18 {strides = array<i32>} : memref<48x512xf32, #tpu.memory_space<vmem>>, vector<16xf32>, vector<16xi1>
        tpu.vector_store %arg9[%parallel_loop3A_1088, %parallel_loop3A_1089], %parallel_loop3A_1087 masked %eq3A_18 {strides = array<i32>} : memref<48x512xf32, #tpu.memory_space<vmem>>, vector<16xf32>, vector<16xi1>
        %parallel_loop3A_1091 = arith.index_cast %parallel_loop3A_856 : i32 to index
        %parallel_loop3A_1092 = arith.constant 304 : index
        %parallel_loop3A_1093 = tpu.vector_load %arg7[%parallel_loop3A_1091, %parallel_loop3A_1092] {strides = array<i32>} : memref<48x384xf32, #tpu.memory_space<vmem>>, vector<16xf32>,
        %parallel_loop3A_1094 = arith.index_cast %parallel_loop3A_856 : i32 to index
        %parallel_loop3A_1095 = arith.constant 344 : index
        %parallel_loop3A_1096 = tpu.vector_load %arg9[%parallel_loop3A_1094, %parallel_loop3A_1095] masked %eq3A_21 {strides = array<i32>} : memref<48x512xf32, #tpu.memory_space<vmem>>, vector<16xf32>, vector<16xi1>
        tpu.vector_store %arg9[%parallel_loop3A_1094, %parallel_loop3A_1095], %parallel_loop3A_1093 masked %eq3A_21 {strides = array<i32>} : memref<48x512xf32, #tpu.memory_space<vmem>>, vector<16xf32>, vector<16xi1>
        %parallel_loop3A_1097 = arith.index_cast %parallel_loop3A_856 : i32 to index
        %parallel_loop3A_1098 = arith.constant 320 : index
        %parallel_loop3A_1099 = tpu.vector_load %arg5[%parallel_loop3A_1097, %parallel_loop3A_1098] {strides = array<i32>} : memref<48x384xf32, #tpu.memory_space<vmem>>, vector<16xf32>,
        %parallel_loop3A_1100 = arith.index_cast %parallel_loop3A_856 : i32 to index
        %parallel_loop3A_1101 = arith.constant 160 : index
        %parallel_loop3A_1102 = tpu.vector_load %arg9[%parallel_loop3A_1100, %parallel_loop3A_1101] masked %eq3A_18 {strides = array<i32>} : memref<48x512xf32, #tpu.memory_space<vmem>>, vector<16xf32>, vector<16xi1>
        tpu.vector_store %arg9[%parallel_loop3A_1100, %parallel_loop3A_1101], %parallel_loop3A_1099 masked %eq3A_18 {strides = array<i32>} : memref<48x512xf32, #tpu.memory_space<vmem>>, vector<16xf32>, vector<16xi1>
        %parallel_loop3A_1103 = arith.index_cast %parallel_loop3A_856 : i32 to index
        %parallel_loop3A_1104 = arith.constant 320 : index
        %parallel_loop3A_1105 = tpu.vector_load %arg7[%parallel_loop3A_1103, %parallel_loop3A_1104] {strides = array<i32>} : memref<48x384xf32, #tpu.memory_space<vmem>>, vector<16xf32>,
        %parallel_loop3A_1106 = arith.index_cast %parallel_loop3A_856 : i32 to index
        %parallel_loop3A_1107 = arith.constant 352 : index
        %parallel_loop3A_1108 = tpu.vector_load %arg9[%parallel_loop3A_1106, %parallel_loop3A_1107] masked %eq3A_21 {strides = array<i32>} : memref<48x512xf32, #tpu.memory_space<vmem>>, vector<16xf32>, vector<16xi1>
        tpu.vector_store %arg9[%parallel_loop3A_1106, %parallel_loop3A_1107], %parallel_loop3A_1105 masked %eq3A_21 {strides = array<i32>} : memref<48x512xf32, #tpu.memory_space<vmem>>, vector<16xf32>, vector<16xi1>
        %parallel_loop3A_1109 = arith.index_cast %parallel_loop3A_856 : i32 to index
        %parallel_loop3A_1110 = arith.constant 336 : index
        %parallel_loop3A_1111 = tpu.vector_load %arg5[%parallel_loop3A_1109, %parallel_loop3A_1110] {strides = array<i32>} : memref<48x384xf32, #tpu.memory_space<vmem>>, vector<16xf32>,
        %parallel_loop3A_1112 = arith.index_cast %parallel_loop3A_856 : i32 to index
        %parallel_loop3A_1113 = arith.constant 168 : index
        %parallel_loop3A_1114 = tpu.vector_load %arg9[%parallel_loop3A_1112, %parallel_loop3A_1113] masked %eq3A_18 {strides = array<i32>} : memref<48x512xf32, #tpu.memory_space<vmem>>, vector<16xf32>, vector<16xi1>
        tpu.vector_store %arg9[%parallel_loop3A_1112, %parallel_loop3A_1113], %parallel_loop3A_1111 masked %eq3A_18 {strides = array<i32>} : memref<48x512xf32, #tpu.memory_space<vmem>>, vector<16xf32>, vector<16xi1>
        %parallel_loop3A_1115 = arith.index_cast %parallel_loop3A_856 : i32 to index
        %parallel_loop3A_1116 = arith.constant 336 : index
        %parallel_loop3A_1117 = tpu.vector_load %arg7[%parallel_loop3A_1115, %parallel_loop3A_1116] {strides = array<i32>} : memref<48x384xf32, #tpu.memory_space<vmem>>, vector<16xf32>,
        %parallel_loop3A_1118 = arith.index_cast %parallel_loop3A_856 : i32 to index
        %parallel_loop3A_1119 = arith.constant 360 : index
        %parallel_loop3A_1120 = tpu.vector_load %arg9[%parallel_loop3A_1118, %parallel_loop3A_1119] masked %eq3A_21 {strides = array<i32>} : memref<48x512xf32, #tpu.memory_space<vmem>>, vector<16xf32>, vector<16xi1>
        tpu.vector_store %arg9[%parallel_loop3A_1118, %parallel_loop3A_1119], %parallel_loop3A_1117 masked %eq3A_21 {strides = array<i32>} : memref<48x512xf32, #tpu.memory_space<vmem>>, vector<16xf32>, vector<16xi1>
        %parallel_loop3A_1121 = arith.index_cast %parallel_loop3A_856 : i32 to index
        %parallel_loop3A_1122 = arith.constant 352 : index
        %parallel_loop3A_1123 = tpu.vector_load %arg5[%parallel_loop3A_1121, %parallel_loop3A_1122] {strides = array<i32>} : memref<48x384xf32, #tpu.memory_space<vmem>>, vector<16xf32>,
        %parallel_loop3A_1124 = arith.index_cast %parallel_loop3A_856 : i32 to index
        %parallel_loop3A_1125 = arith.constant 176 : index
        %parallel_loop3A_1126 = tpu.vector_load %arg9[%parallel_loop3A_1124, %parallel_loop3A_1125] masked %eq3A_18 {strides = array<i32>} : memref<48x512xf32, #tpu.memory_space<vmem>>, vector<16xf32>, vector<16xi1>
        tpu.vector_store %arg9[%parallel_loop3A_1124, %parallel_loop3A_1125], %parallel_loop3A_1123 masked %eq3A_18 {strides = array<i32>} : memref<48x512xf32, #tpu.memory_space<vmem>>, vector<16xf32>, vector<16xi1>
        %parallel_loop3A_1127 = arith.index_cast %parallel_loop3A_856 : i32 to index
        %parallel_loop3A_1128 = arith.constant 352 : index
        %parallel_loop3A_1129 = tpu.vector_load %arg7[%parallel_loop3A_1127, %parallel_loop3A_1128] {strides = array<i32>} : memref<48x384xf32, #tpu.memory_space<vmem>>, vector<16xf32>,
        %parallel_loop3A_1130 = arith.index_cast %parallel_loop3A_856 : i32 to index
        %parallel_loop3A_1131 = arith.constant 368 : index
        %parallel_loop3A_1132 = tpu.vector_load %arg9[%parallel_loop3A_1130, %parallel_loop3A_1131] masked %eq3A_21 {strides = array<i32>} : memref<48x512xf32, #tpu.memory_space<vmem>>, vector<16xf32>, vector<16xi1>
        tpu.vector_store %arg9[%parallel_loop3A_1130, %parallel_loop3A_1131], %parallel_loop3A_1129 masked %eq3A_21 {strides = array<i32>} : memref<48x512xf32, #tpu.memory_space<vmem>>, vector<16xf32>, vector<16xi1>
        %parallel_loop3A_1133 = arith.index_cast %parallel_loop3A_856 : i32 to index
        %parallel_loop3A_1134 = arith.constant 368 : index
        %parallel_loop3A_1135 = tpu.vector_load %arg5[%parallel_loop3A_1133, %parallel_loop3A_1134] {strides = array<i32>} : memref<48x384xf32, #tpu.memory_space<vmem>>, vector<16xf32>,
        %parallel_loop3A_1136 = arith.index_cast %parallel_loop3A_856 : i32 to index
        %parallel_loop3A_1137 = arith.constant 184 : index
        %parallel_loop3A_1138 = tpu.vector_load %arg9[%parallel_loop3A_1136, %parallel_loop3A_1137] masked %eq3A_18 {strides = array<i32>} : memref<48x512xf32, #tpu.memory_space<vmem>>, vector<16xf32>, vector<16xi1>
        tpu.vector_store %arg9[%parallel_loop3A_1136, %parallel_loop3A_1137], %parallel_loop3A_1135 masked %eq3A_18 {strides = array<i32>} : memref<48x512xf32, #tpu.memory_space<vmem>>, vector<16xf32>, vector<16xi1>
        %parallel_loop3A_1139 = arith.index_cast %parallel_loop3A_856 : i32 to index
        %parallel_loop3A_1140 = arith.constant 368 : index
        %parallel_loop3A_1141 = tpu.vector_load %arg7[%parallel_loop3A_1139, %parallel_loop3A_1140] {strides = array<i32>} : memref<48x384xf32, #tpu.memory_space<vmem>>, vector<16xf32>,
        %parallel_loop3A_1142 = arith.index_cast %parallel_loop3A_856 : i32 to index
        %parallel_loop3A_1143 = arith.constant 376 : index
        %parallel_loop3A_1144 = tpu.vector_load %arg9[%parallel_loop3A_1142, %parallel_loop3A_1143] masked %eq3A_21 {strides = array<i32>} : memref<48x512xf32, #tpu.memory_space<vmem>>, vector<16xf32>, vector<16xi1>
        tpu.vector_store %arg9[%parallel_loop3A_1142, %parallel_loop3A_1143], %parallel_loop3A_1141 masked %eq3A_21 {strides = array<i32>} : memref<48x512xf32, #tpu.memory_space<vmem>>, vector<16xf32>, vector<16xi1>
      } {sc.loop_unroll_factor = 2 : i64, sc.parallel_access}
      %mul3A_752 = arith.constant 48 : i32
      %mul3A_753 = arith.muli %add3A, %mul3A_752 : i32
      %add3A_754 = arith.addi %mul3A_753, %add3A_642 : i32
      %jit3A_755 = arith.constant 384 : i32
      %div3A_756 = arith.divsi %add3A_754, %jit3A_755 : i32
      %sign3A_757 = arith.constant 0 : i32
      %sign3A_758 = arith.cmpi sgt, %add3A_754, %sign3A_757 : i32
      %sign3A_759 = arith.extui %sign3A_758 : i1 to i32
      %sign3A_760 = arith.constant 0 : i32
      %sign3A_761 = arith.cmpi slt, %add3A_754, %sign3A_760 : i32
      %sign3A_762 = arith.extui %sign3A_761 : i1 to i32
      %sign3A_763 = arith.subi %sign3A_759, %sign3A_762 : i32
      %sign3A_764 = arith.constant 0 : i32
      %sign3A_765 = arith.cmpi sgt, %jit3A_755, %sign3A_764 : i32
      %sign3A_766 = arith.extui %sign3A_765 : i1 to i32
      %sign3A_767 = arith.constant 0 : i32
      %sign3A_768 = arith.cmpi slt, %jit3A_755, %sign3A_767 : i32
      %sign3A_769 = arith.extui %sign3A_768 : i1 to i32
      %sign3A_770 = arith.subi %sign3A_766, %sign3A_769 : i32
      %ne3A_771 = arith.cmpi ne, %sign3A_763, %sign3A_770 : i32
      %rem3A_772 = arith.remsi %add3A_754, %jit3A_755 : i32
      %ne3A_773 = arith.constant 0 : i32
      %ne3A_774 = arith.cmpi ne, %rem3A_772, %ne3A_773 : i32
      %and3A_775 = arith.andi %ne3A_771, %ne3A_774 : i1
      %sub3A_776 = arith.constant 1 : i32
      %sub3A_777 = arith.subi %div3A_756, %sub3A_776 : i32
      %select_n3A_778 = arith.select %and3A_775, %sub3A_777, %div3A_756 : i32
      %jit3A_779 = arith.constant 384 : i32
      %eq3A_780 = arith.constant 0 : i32
      %eq3A_781 = arith.cmpi eq, %jit3A_779, %eq3A_780 : i32
      %jit3A_782 = arith.constant 1 : i32
      %select_n3A_783 = arith.select %eq3A_781, %jit3A_782, %jit3A_779 : i32
      %rem3A_784 = arith.remsi %add3A_754, %select_n3A_783 : i32
      %ne3A_785 = arith.constant 0 : i32
      %ne3A_786 = arith.cmpi ne, %rem3A_784, %ne3A_785 : i32
      %lt3A_787 = arith.constant 0 : i32
      %lt3A_788 = arith.cmpi slt, %rem3A_784, %lt3A_787 : i32
      %lt3A_789 = arith.constant 0 : i32
      %lt3A_790 = arith.cmpi slt, %select_n3A_783, %lt3A_789 : i32
      %ne3A_791 = arith.xori %lt3A_788, %lt3A_790 : i1
      %and3A_792 = arith.andi %ne3A_791, %ne3A_786 : i1
      %add3A_793 = arith.addi %rem3A_784, %select_n3A_783 : i32
      %select_n3A_794 = arith.select %and3A_792, %add3A_793, %rem3A_784 : i32
      %jit3A_795 = arith.constant 192 : i32
      %div3A_796 = arith.divsi %select_n3A_794, %jit3A_795 : i32
      %sign3A_797 = arith.constant 0 : i32
      %sign3A_798 = arith.cmpi sgt, %select_n3A_794, %sign3A_797 : i32
      %sign3A_799 = arith.extui %sign3A_798 : i1 to i32
      %sign3A_800 = arith.constant 0 : i32
      %sign3A_801 = arith.cmpi slt, %select_n3A_794, %sign3A_800 : i32
      %sign3A_802 = arith.extui %sign3A_801 : i1 to i32
      %sign3A_803 = arith.subi %sign3A_799, %sign3A_802 : i32
      %sign3A_804 = arith.constant 0 : i32
      %sign3A_805 = arith.cmpi sgt, %jit3A_795, %sign3A_804 : i32
      %sign3A_806 = arith.extui %sign3A_805 : i1 to i32
      %sign3A_807 = arith.constant 0 : i32
      %sign3A_808 = arith.cmpi slt, %jit3A_795, %sign3A_807 : i32
      %sign3A_809 = arith.extui %sign3A_808 : i1 to i32
      %sign3A_810 = arith.subi %sign3A_806, %sign3A_809 : i32
      %ne3A_811 = arith.cmpi ne, %sign3A_803, %sign3A_810 : i32
      %rem3A_812 = arith.remsi %select_n3A_794, %jit3A_795 : i32
      %ne3A_813 = arith.constant 0 : i32
      %ne3A_814 = arith.cmpi ne, %rem3A_812, %ne3A_813 : i32
      %and3A_815 = arith.andi %ne3A_811, %ne3A_814 : i1
      %sub3A_816 = arith.constant 1 : i32
      %sub3A_817 = arith.subi %div3A_796, %sub3A_816 : i32
      %select_n3A_818 = arith.select %and3A_815, %sub3A_817, %div3A_796 : i32
      %jit3A_819 = arith.constant 192 : i32
      %eq3A_820 = arith.constant 0 : i32
      %eq3A_821 = arith.cmpi eq, %jit3A_819, %eq3A_820 : i32
      %jit3A_822 = arith.constant 1 : i32
      %select_n3A_823 = arith.select %eq3A_821, %jit3A_822, %jit3A_819 : i32
      %rem3A_824 = arith.remsi %select_n3A_794, %select_n3A_823 : i32
      %ne3A_825 = arith.constant 0 : i32
      %ne3A_826 = arith.cmpi ne, %rem3A_824, %ne3A_825 : i32
      %lt3A_827 = arith.constant 0 : i32
      %lt3A_828 = arith.cmpi slt, %rem3A_824, %lt3A_827 : i32
      %lt3A_829 = arith.constant 0 : i32
      %lt3A_830 = arith.cmpi slt, %select_n3A_823, %lt3A_829 : i32
      %ne3A_831 = arith.xori %lt3A_828, %lt3A_830 : i1
      %and3A_832 = arith.andi %ne3A_831, %ne3A_826 : i1
      %add3A_833 = arith.addi %rem3A_824, %select_n3A_823 : i32
      %select_n3A_834 = arith.select %and3A_832, %add3A_833, %rem3A_824 : i32
      %mul3A_835 = arith.constant 2 : i32
      %mul3A_836 = arith.muli %mul3A_835, %select_n3A_834 : i32
      %mul3A_837 = arith.constant 48 : i32
      %mul3A_838 = arith.muli %select_n3A_818, %mul3A_837 : i32
      %mul3A_839 = arith.constant 192 : i32
      %mul3A_840 = arith.muli %mul3A_836, %mul3A_839 : i32
      %dma_start3A_841 = arith.constant 0 : i32
      %dma_start3A_842 = arith.constant 0 : i32
      %dma_start3A_843 = tpu.memref_slice %arg9[%dma_start3A_841, %dma_start3A_842] : memref<48x512xf32, #tpu.memory_space<vmem>> -> memref<48x384xf32, #tpu.memory_space<vmem>>
      %dma_start3A_844 = tpu.memref_slice %arg3[%select_n3A_778, %mul3A_838, %mul3A_840] : memref<4x96x73728xf32, #tpu.memory_space<hbm>> -> memref<1x48x384xf32, #tpu.memory_space<hbm>>
      %dma_start3A_845 = tpu.memref_squeeze %dma_start3A_844 : memref<1x48x384xf32, #tpu.memory_space<hbm>> -> memref<48x384xf32, #tpu.memory_space<hbm>>
      %dma_start3A_846 = tpu.memref_slice %arg3[%select_n3A_778, %mul3A_838, %mul3A_840] : memref<4x96x73728xf32, #tpu.memory_space<hbm>> -> memref<1x48x384xf32, #tpu.memory_space<hbm>>
      %dma_start3A_847 = tpu.memref_squeeze %dma_start3A_846 : memref<1x48x384xf32, #tpu.memory_space<hbm>> -> memref<48x384xf32, #tpu.memory_space<hbm>>
      %dma_start3A_848 = arith.constant 0 : i32
      %dma_start3A_849 = arith.constant 0 : i32
      %dma_start3A_850 = tpu.memref_slice %arg9[%dma_start3A_848, %dma_start3A_849] : memref<48x512xf32, #tpu.memory_space<vmem>> -> memref<48x384xf32, #tpu.memory_space<vmem>>
      tpu.enqueue_dma source(%dma_start3A_850 : memref<48x384xf32, #tpu.memory_space<vmem>>) target(%dma_start3A_847 : memref<48x384xf32, #tpu.memory_space<hbm>>) target_semaphore(%arg15 : memref<!tpu.dma_semaphore, #tpu.memory_space<semaphore_mem>>)
      %lt3A_851 = arith.constant 23 : i32
      %lt3A_852 = arith.cmpi slt, %scan3A_425, %lt3A_851 : i32
      %convert_element_type3A_853 = arith.extui %lt3A_852 : i1 to i32
      %cond3A_854 = arith.constant 0 : i32
      %cond3A_855 = arith.cmpi ne, %convert_element_type3A_853, %cond3A_854 : i32
      scf.if %cond3A_855 {
        %add3A_856 = arith.constant 2 : i32
        %add3A_857 = arith.addi %add3A_642, %add3A_856 : i32
        %mul3A_858 = arith.constant 48 : i32
        %mul3A_859 = arith.muli %add3A, %mul3A_858 : i32
        %add3A_860 = arith.addi %mul3A_859, %add3A_857 : i32
        %jit3A_861 = arith.constant 384 : i32
        %div3A_862 = arith.divsi %add3A_860, %jit3A_861 : i32
        %sign3A_863 = arith.constant 0 : i32
        %sign3A_864 = arith.cmpi sgt, %add3A_860, %sign3A_863 : i32
        %sign3A_865 = arith.extui %sign3A_864 : i1 to i32
        %sign3A_866 = arith.constant 0 : i32
        %sign3A_867 = arith.cmpi slt, %add3A_860, %sign3A_866 : i32
        %sign3A_868 = arith.extui %sign3A_867 : i1 to i32
        %sign3A_869 = arith.subi %sign3A_865, %sign3A_868 : i32
        %sign3A_870 = arith.constant 0 : i32
        %sign3A_871 = arith.cmpi sgt, %jit3A_861, %sign3A_870 : i32
        %sign3A_872 = arith.extui %sign3A_871 : i1 to i32
        %sign3A_873 = arith.constant 0 : i32
        %sign3A_874 = arith.cmpi slt, %jit3A_861, %sign3A_873 : i32
        %sign3A_875 = arith.extui %sign3A_874 : i1 to i32
        %sign3A_876 = arith.subi %sign3A_872, %sign3A_875 : i32
        %ne3A_877 = arith.cmpi ne, %sign3A_869, %sign3A_876 : i32
        %rem3A_878 = arith.remsi %add3A_860, %jit3A_861 : i32
        %ne3A_879 = arith.constant 0 : i32
        %ne3A_880 = arith.cmpi ne, %rem3A_878, %ne3A_879 : i32
        %and3A_881 = arith.andi %ne3A_877, %ne3A_880 : i1
        %sub3A_882 = arith.constant 1 : i32
        %sub3A_883 = arith.subi %div3A_862, %sub3A_882 : i32
        %select_n3A_884 = arith.select %and3A_881, %sub3A_883, %div3A_862 : i32
        %jit3A_885 = arith.constant 384 : i32
        %eq3A_886 = arith.constant 0 : i32
        %eq3A_887 = arith.cmpi eq, %jit3A_885, %eq3A_886 : i32
        %jit3A_888 = arith.constant 1 : i32
        %select_n3A_889 = arith.select %eq3A_887, %jit3A_888, %jit3A_885 : i32
        %rem3A_890 = arith.remsi %add3A_860, %select_n3A_889 : i32
        %ne3A_891 = arith.constant 0 : i32
        %ne3A_892 = arith.cmpi ne, %rem3A_890, %ne3A_891 : i32
        %lt3A_893 = arith.constant 0 : i32
        %lt3A_894 = arith.cmpi slt, %rem3A_890, %lt3A_893 : i32
        %lt3A_895 = arith.constant 0 : i32
        %lt3A_896 = arith.cmpi slt, %select_n3A_889, %lt3A_895 : i32
        %ne3A_897 = arith.xori %lt3A_894, %lt3A_896 : i1
        %and3A_898 = arith.andi %ne3A_897, %ne3A_892 : i1
        %add3A_899 = arith.addi %rem3A_890, %select_n3A_889 : i32
        %select_n3A_900 = arith.select %and3A_898, %add3A_899, %rem3A_890 : i32
        %jit3A_901 = arith.constant 192 : i32
        %div3A_902 = arith.divsi %select_n3A_900, %jit3A_901 : i32
        %sign3A_903 = arith.constant 0 : i32
        %sign3A_904 = arith.cmpi sgt, %select_n3A_900, %sign3A_903 : i32
        %sign3A_905 = arith.extui %sign3A_904 : i1 to i32
        %sign3A_906 = arith.constant 0 : i32
        %sign3A_907 = arith.cmpi slt, %select_n3A_900, %sign3A_906 : i32
        %sign3A_908 = arith.extui %sign3A_907 : i1 to i32
        %sign3A_909 = arith.subi %sign3A_905, %sign3A_908 : i32
        %sign3A_910 = arith.constant 0 : i32
        %sign3A_911 = arith.cmpi sgt, %jit3A_901, %sign3A_910 : i32
        %sign3A_912 = arith.extui %sign3A_911 : i1 to i32
        %sign3A_913 = arith.constant 0 : i32
        %sign3A_914 = arith.cmpi slt, %jit3A_901, %sign3A_913 : i32
        %sign3A_915 = arith.extui %sign3A_914 : i1 to i32
        %sign3A_916 = arith.subi %sign3A_912, %sign3A_915 : i32
        %ne3A_917 = arith.cmpi ne, %sign3A_909, %sign3A_916 : i32
        %rem3A_918 = arith.remsi %select_n3A_900, %jit3A_901 : i32
        %ne3A_919 = arith.constant 0 : i32
        %ne3A_920 = arith.cmpi ne, %rem3A_918, %ne3A_919 : i32
        %and3A_921 = arith.andi %ne3A_917, %ne3A_920 : i1
        %sub3A_922 = arith.constant 1 : i32
        %sub3A_923 = arith.subi %div3A_902, %sub3A_922 : i32
        %select_n3A_924 = arith.select %and3A_921, %sub3A_923, %div3A_902 : i32
        %jit3A_925 = arith.constant 192 : i32
        %eq3A_926 = arith.constant 0 : i32
        %eq3A_927 = arith.cmpi eq, %jit3A_925, %eq3A_926 : i32
        %jit3A_928 = arith.constant 1 : i32
        %select_n3A_929 = arith.select %eq3A_927, %jit3A_928, %jit3A_925 : i32
        %rem3A_930 = arith.remsi %select_n3A_900, %select_n3A_929 : i32
        %ne3A_931 = arith.constant 0 : i32
        %ne3A_932 = arith.cmpi ne, %rem3A_930, %ne3A_931 : i32
        %lt3A_933 = arith.constant 0 : i32
        %lt3A_934 = arith.cmpi slt, %rem3A_930, %lt3A_933 : i32
        %lt3A_935 = arith.constant 0 : i32
        %lt3A_936 = arith.cmpi slt, %select_n3A_929, %lt3A_935 : i32
        %ne3A_937 = arith.xori %lt3A_934, %lt3A_936 : i1
        %and3A_938 = arith.andi %ne3A_937, %ne3A_932 : i1
        %add3A_939 = arith.addi %rem3A_930, %select_n3A_929 : i32
        %select_n3A_940 = arith.select %and3A_938, %add3A_939, %rem3A_930 : i32
        %mul3A_941 = arith.constant 2 : i32
        %mul3A_942 = arith.muli %mul3A_941, %select_n3A_940 : i32
        %mul3A_943 = arith.constant 48 : i32
        %mul3A_944 = arith.muli %select_n3A_924, %mul3A_943 : i32
        %dma_start3A_945 = arith.constant 0 : i32
        %dma_start3A_946 = tpu.memref_slice %arg2[%select_n3A_884, %mul3A_942, %mul3A_944, %dma_start3A_945] : memref<4x384x96x384xf32, #tpu.memory_space<hbm>> -> memref<1x1x48x384xf32, #tpu.memory_space<hbm>>
        %dma_start3A_947 = tpu.memref_squeeze %dma_start3A_946 : memref<1x1x48x384xf32, #tpu.memory_space<hbm>> -> memref<48x384xf32, #tpu.memory_space<hbm>>
        %dma_start3A_948 = arith.constant 0 : i32
        %dma_start3A_949 = tpu.memref_slice %arg2[%select_n3A_884, %mul3A_942, %mul3A_944, %dma_start3A_948] : memref<4x384x96x384xf32, #tpu.memory_space<hbm>> -> memref<1x1x48x384xf32, #tpu.memory_space<hbm>>
        %dma_start3A_950 = tpu.memref_squeeze %dma_start3A_949 : memref<1x1x48x384xf32, #tpu.memory_space<hbm>> -> memref<48x384xf32, #tpu.memory_space<hbm>>
        tpu.enqueue_dma source(%dma_start3A_950 : memref<48x384xf32, #tpu.memory_space<hbm>>) target(%arg5 : memref<48x384xf32, #tpu.memory_space<vmem>>) target_semaphore(%arg11 : memref<!tpu.dma_semaphore, #tpu.memory_space<semaphore_mem>>)
        %add3A_951 = arith.constant 1 : i32
        %add3A_952 = arith.addi %mul3A_942, %add3A_951 : i32
        %dma_start3A_953 = arith.constant 0 : i32
        %dma_start3A_954 = tpu.memref_slice %arg2[%select_n3A_884, %add3A_952, %mul3A_944, %dma_start3A_953] : memref<4x384x96x384xf32, #tpu.memory_space<hbm>> -> memref<1x1x48x384xf32, #tpu.memory_space<hbm>>
        %dma_start3A_955 = tpu.memref_squeeze %dma_start3A_954 : memref<1x1x48x384xf32, #tpu.memory_space<hbm>> -> memref<48x384xf32, #tpu.memory_space<hbm>>
        %dma_start3A_956 = arith.constant 0 : i32
        %dma_start3A_957 = tpu.memref_slice %arg2[%select_n3A_884, %add3A_952, %mul3A_944, %dma_start3A_956] : memref<4x384x96x384xf32, #tpu.memory_space<hbm>> -> memref<1x1x48x384xf32, #tpu.memory_space<hbm>>
        %dma_start3A_958 = tpu.memref_squeeze %dma_start3A_957 : memref<1x1x48x384xf32, #tpu.memory_space<hbm>> -> memref<48x384xf32, #tpu.memory_space<hbm>>
        tpu.enqueue_dma source(%dma_start3A_958 : memref<48x384xf32, #tpu.memory_space<hbm>>) target(%arg7 : memref<48x384xf32, #tpu.memory_space<vmem>>) target_semaphore(%arg13 : memref<!tpu.dma_semaphore, #tpu.memory_space<semaphore_mem>>)
      } else {
      }
    }
    %scan3A_225 = arith.constant 24 : i32
    %mul3A_226 = arith.constant 48 : i32
    %mul3A_227 = arith.muli %add3A, %mul3A_226 : i32
    %add3A_228 = arith.constant 46 : i32
    %add3A_229 = arith.addi %mul3A_227, %add3A_228 : i32
    %jit3A_230 = arith.constant 384 : i32
    %div3A_231 = arith.divsi %add3A_229, %jit3A_230 : i32
    %sign3A_232 = arith.constant 0 : i32
    %sign3A_233 = arith.cmpi sgt, %add3A_229, %sign3A_232 : i32
    %sign3A_234 = arith.extui %sign3A_233 : i1 to i32
    %sign3A_235 = arith.constant 0 : i32
    %sign3A_236 = arith.cmpi slt, %add3A_229, %sign3A_235 : i32
    %sign3A_237 = arith.extui %sign3A_236 : i1 to i32
    %sign3A_238 = arith.subi %sign3A_234, %sign3A_237 : i32
    %sign3A_239 = arith.constant 0 : i32
    %sign3A_240 = arith.cmpi sgt, %jit3A_230, %sign3A_239 : i32
    %sign3A_241 = arith.extui %sign3A_240 : i1 to i32
    %sign3A_242 = arith.constant 0 : i32
    %sign3A_243 = arith.cmpi slt, %jit3A_230, %sign3A_242 : i32
    %sign3A_244 = arith.extui %sign3A_243 : i1 to i32
    %sign3A_245 = arith.subi %sign3A_241, %sign3A_244 : i32
    %ne3A_246 = arith.cmpi ne, %sign3A_238, %sign3A_245 : i32
    %rem3A_247 = arith.remsi %add3A_229, %jit3A_230 : i32
    %ne3A_248 = arith.constant 0 : i32
    %ne3A_249 = arith.cmpi ne, %rem3A_247, %ne3A_248 : i32
    %and3A_250 = arith.andi %ne3A_246, %ne3A_249 : i1
    %sub3A_251 = arith.constant 1 : i32
    %sub3A_252 = arith.subi %div3A_231, %sub3A_251 : i32
    %select_n3A_253 = arith.select %and3A_250, %sub3A_252, %div3A_231 : i32
    %jit3A_254 = arith.constant 384 : i32
    %eq3A_255 = arith.constant 0 : i32
    %eq3A_256 = arith.cmpi eq, %jit3A_254, %eq3A_255 : i32
    %jit3A_257 = arith.constant 1 : i32
    %select_n3A_258 = arith.select %eq3A_256, %jit3A_257, %jit3A_254 : i32
    %rem3A_259 = arith.remsi %add3A_229, %select_n3A_258 : i32
    %ne3A_260 = arith.constant 0 : i32
    %ne3A_261 = arith.cmpi ne, %rem3A_259, %ne3A_260 : i32
    %lt3A_262 = arith.constant 0 : i32
    %lt3A_263 = arith.cmpi slt, %rem3A_259, %lt3A_262 : i32
    %lt3A_264 = arith.constant 0 : i32
    %lt3A_265 = arith.cmpi slt, %select_n3A_258, %lt3A_264 : i32
    %ne3A_266 = arith.xori %lt3A_263, %lt3A_265 : i1
    %and3A_267 = arith.andi %ne3A_266, %ne3A_261 : i1
    %add3A_268 = arith.addi %rem3A_259, %select_n3A_258 : i32
    %select_n3A_269 = arith.select %and3A_267, %add3A_268, %rem3A_259 : i32
    %jit3A_270 = arith.constant 192 : i32
    %div3A_271 = arith.divsi %select_n3A_269, %jit3A_270 : i32
    %sign3A_272 = arith.constant 0 : i32
    %sign3A_273 = arith.cmpi sgt, %select_n3A_269, %sign3A_272 : i32
    %sign3A_274 = arith.extui %sign3A_273 : i1 to i32
    %sign3A_275 = arith.constant 0 : i32
    %sign3A_276 = arith.cmpi slt, %select_n3A_269, %sign3A_275 : i32
    %sign3A_277 = arith.extui %sign3A_276 : i1 to i32
    %sign3A_278 = arith.subi %sign3A_274, %sign3A_277 : i32
    %sign3A_279 = arith.constant 0 : i32
    %sign3A_280 = arith.cmpi sgt, %jit3A_270, %sign3A_279 : i32
    %sign3A_281 = arith.extui %sign3A_280 : i1 to i32
    %sign3A_282 = arith.constant 0 : i32
    %sign3A_283 = arith.cmpi slt, %jit3A_270, %sign3A_282 : i32
    %sign3A_284 = arith.extui %sign3A_283 : i1 to i32
    %sign3A_285 = arith.subi %sign3A_281, %sign3A_284 : i32
    %ne3A_286 = arith.cmpi ne, %sign3A_278, %sign3A_285 : i32
    %rem3A_287 = arith.remsi %select_n3A_269, %jit3A_270 : i32
    %ne3A_288 = arith.constant 0 : i32
    %ne3A_289 = arith.cmpi ne, %rem3A_287, %ne3A_288 : i32
    %and3A_290 = arith.andi %ne3A_286, %ne3A_289 : i1
    %sub3A_291 = arith.constant 1 : i32
    %sub3A_292 = arith.subi %div3A_271, %sub3A_291 : i32
    %select_n3A_293 = arith.select %and3A_290, %sub3A_292, %div3A_271 : i32
    %jit3A_294 = arith.constant 192 : i32
    %eq3A_295 = arith.constant 0 : i32
    %eq3A_296 = arith.cmpi eq, %jit3A_294, %eq3A_295 : i32
    %jit3A_297 = arith.constant 1 : i32
    %select_n3A_298 = arith.select %eq3A_296, %jit3A_297, %jit3A_294 : i32
    %rem3A_299 = arith.remsi %select_n3A_269, %select_n3A_298 : i32
    %ne3A_300 = arith.constant 0 : i32
    %ne3A_301 = arith.cmpi ne, %rem3A_299, %ne3A_300 : i32
    %lt3A_302 = arith.constant 0 : i32
    %lt3A_303 = arith.cmpi slt, %rem3A_299, %lt3A_302 : i32
    %lt3A_304 = arith.constant 0 : i32
    %lt3A_305 = arith.cmpi slt, %select_n3A_298, %lt3A_304 : i32
    %ne3A_306 = arith.xori %lt3A_303, %lt3A_305 : i1
    %and3A_307 = arith.andi %ne3A_306, %ne3A_301 : i1
    %add3A_308 = arith.addi %rem3A_299, %select_n3A_298 : i32
    %select_n3A_309 = arith.select %and3A_307, %add3A_308, %rem3A_299 : i32
    %mul3A_310 = arith.constant 2 : i32
    %mul3A_311 = arith.muli %mul3A_310, %select_n3A_309 : i32
    %mul3A_312 = arith.constant 48 : i32
    %mul3A_313 = arith.muli %select_n3A_293, %mul3A_312 : i32
    %mul3A_314 = arith.constant 192 : i32
    %mul3A_315 = arith.muli %mul3A_311, %mul3A_314 : i32
    %dma_wait3A = arith.constant 0 : i32
    %dma_wait3A_316 = arith.constant 0 : i32
    %dma_wait3A_317 = tpu.memref_slice %arg8[%dma_wait3A, %dma_wait3A_316] : memref<48x512xf32, #tpu.memory_space<vmem>> -> memref<48x384xf32, #tpu.memory_space<vmem>>
    %dma_wait3A_318 = tpu.memref_slice %arg3[%select_n3A_253, %mul3A_313, %mul3A_315] : memref<4x96x73728xf32, #tpu.memory_space<hbm>> -> memref<1x48x384xf32, #tpu.memory_space<hbm>>
    %dma_wait3A_319 = tpu.memref_squeeze %dma_wait3A_318 : memref<1x48x384xf32, #tpu.memory_space<hbm>> -> memref<48x384xf32, #tpu.memory_space<hbm>>
    %dma_wait3A_320 = tpu.memref_slice %arg3[%select_n3A_253, %mul3A_313, %mul3A_315] : memref<4x96x73728xf32, #tpu.memory_space<hbm>> -> memref<1x48x384xf32, #tpu.memory_space<hbm>>
    %dma_wait3A_321 = tpu.memref_squeeze %dma_wait3A_320 : memref<1x48x384xf32, #tpu.memory_space<hbm>> -> memref<48x384xf32, #tpu.memory_space<hbm>>
    %dma_wait3A_322 = arith.constant 0 : i32
    %dma_wait3A_323 = arith.constant 0 : i32
    %dma_wait3A_324 = tpu.memref_slice %arg8[%dma_wait3A_322, %dma_wait3A_323] : memref<48x512xf32, #tpu.memory_space<vmem>> -> memref<48x384xf32, #tpu.memory_space<vmem>>
    tpu.wait_dma2 semaphore(%arg14 : memref<!tpu.dma_semaphore, #tpu.memory_space<semaphore_mem>>) src(%dma_wait3A_324 : memref<48x384xf32, #tpu.memory_space<vmem>>) dst(%dma_wait3A_321 : memref<48x384xf32, #tpu.memory_space<hbm>>)
    %mul3A_325 = arith.constant 48 : i32
    %mul3A_326 = arith.muli %add3A, %mul3A_325 : i32
    %add3A_327 = arith.constant 47 : i32
    %add3A_328 = arith.addi %mul3A_326, %add3A_327 : i32
    %jit3A_329 = arith.constant 384 : i32
    %div3A_330 = arith.divsi %add3A_328, %jit3A_329 : i32
    %sign3A_331 = arith.constant 0 : i32
    %sign3A_332 = arith.cmpi sgt, %add3A_328, %sign3A_331 : i32
    %sign3A_333 = arith.extui %sign3A_332 : i1 to i32
    %sign3A_334 = arith.constant 0 : i32
    %sign3A_335 = arith.cmpi slt, %add3A_328, %sign3A_334 : i32
    %sign3A_336 = arith.extui %sign3A_335 : i1 to i32
    %sign3A_337 = arith.subi %sign3A_333, %sign3A_336 : i32
    %sign3A_338 = arith.constant 0 : i32
    %sign3A_339 = arith.cmpi sgt, %jit3A_329, %sign3A_338 : i32
    %sign3A_340 = arith.extui %sign3A_339 : i1 to i32
    %sign3A_341 = arith.constant 0 : i32
    %sign3A_342 = arith.cmpi slt, %jit3A_329, %sign3A_341 : i32
    %sign3A_343 = arith.extui %sign3A_342 : i1 to i32
    %sign3A_344 = arith.subi %sign3A_340, %sign3A_343 : i32
    %ne3A_345 = arith.cmpi ne, %sign3A_337, %sign3A_344 : i32
    %rem3A_346 = arith.remsi %add3A_328, %jit3A_329 : i32
    %ne3A_347 = arith.constant 0 : i32
    %ne3A_348 = arith.cmpi ne, %rem3A_346, %ne3A_347 : i32
    %and3A_349 = arith.andi %ne3A_345, %ne3A_348 : i1
    %sub3A_350 = arith.constant 1 : i32
    %sub3A_351 = arith.subi %div3A_330, %sub3A_350 : i32
    %select_n3A_352 = arith.select %and3A_349, %sub3A_351, %div3A_330 : i32
    %jit3A_353 = arith.constant 384 : i32
    %eq3A_354 = arith.constant 0 : i32
    %eq3A_355 = arith.cmpi eq, %jit3A_353, %eq3A_354 : i32
    %jit3A_356 = arith.constant 1 : i32
    %select_n3A_357 = arith.select %eq3A_355, %jit3A_356, %jit3A_353 : i32
    %rem3A_358 = arith.remsi %add3A_328, %select_n3A_357 : i32
    %ne3A_359 = arith.constant 0 : i32
    %ne3A_360 = arith.cmpi ne, %rem3A_358, %ne3A_359 : i32
    %lt3A_361 = arith.constant 0 : i32
    %lt3A_362 = arith.cmpi slt, %rem3A_358, %lt3A_361 : i32
    %lt3A_363 = arith.constant 0 : i32
    %lt3A_364 = arith.cmpi slt, %select_n3A_357, %lt3A_363 : i32
    %ne3A_365 = arith.xori %lt3A_362, %lt3A_364 : i1
    %and3A_366 = arith.andi %ne3A_365, %ne3A_360 : i1
    %add3A_367 = arith.addi %rem3A_358, %select_n3A_357 : i32
    %select_n3A_368 = arith.select %and3A_366, %add3A_367, %rem3A_358 : i32
    %jit3A_369 = arith.constant 192 : i32
    %div3A_370 = arith.divsi %select_n3A_368, %jit3A_369 : i32
    %sign3A_371 = arith.constant 0 : i32
    %sign3A_372 = arith.cmpi sgt, %select_n3A_368, %sign3A_371 : i32
    %sign3A_373 = arith.extui %sign3A_372 : i1 to i32
    %sign3A_374 = arith.constant 0 : i32
    %sign3A_375 = arith.cmpi slt, %select_n3A_368, %sign3A_374 : i32
    %sign3A_376 = arith.extui %sign3A_375 : i1 to i32
    %sign3A_377 = arith.subi %sign3A_373, %sign3A_376 : i32
    %sign3A_378 = arith.constant 0 : i32
    %sign3A_379 = arith.cmpi sgt, %jit3A_369, %sign3A_378 : i32
    %sign3A_380 = arith.extui %sign3A_379 : i1 to i32
    %sign3A_381 = arith.constant 0 : i32
    %sign3A_382 = arith.cmpi slt, %jit3A_369, %sign3A_381 : i32
    %sign3A_383 = arith.extui %sign3A_382 : i1 to i32
    %sign3A_384 = arith.subi %sign3A_380, %sign3A_383 : i32
    %ne3A_385 = arith.cmpi ne, %sign3A_377, %sign3A_384 : i32
    %rem3A_386 = arith.remsi %select_n3A_368, %jit3A_369 : i32
    %ne3A_387 = arith.constant 0 : i32
    %ne3A_388 = arith.cmpi ne, %rem3A_386, %ne3A_387 : i32
    %and3A_389 = arith.andi %ne3A_385, %ne3A_388 : i1
    %sub3A_390 = arith.constant 1 : i32
    %sub3A_391 = arith.subi %div3A_370, %sub3A_390 : i32
    %select_n3A_392 = arith.select %and3A_389, %sub3A_391, %div3A_370 : i32
    %jit3A_393 = arith.constant 192 : i32
    %eq3A_394 = arith.constant 0 : i32
    %eq3A_395 = arith.cmpi eq, %jit3A_393, %eq3A_394 : i32
    %jit3A_396 = arith.constant 1 : i32
    %select_n3A_397 = arith.select %eq3A_395, %jit3A_396, %jit3A_393 : i32
    %rem3A_398 = arith.remsi %select_n3A_368, %select_n3A_397 : i32
    %ne3A_399 = arith.constant 0 : i32
    %ne3A_400 = arith.cmpi ne, %rem3A_398, %ne3A_399 : i32
    %lt3A_401 = arith.constant 0 : i32
    %lt3A_402 = arith.cmpi slt, %rem3A_398, %lt3A_401 : i32
    %lt3A_403 = arith.constant 0 : i32
    %lt3A_404 = arith.cmpi slt, %select_n3A_397, %lt3A_403 : i32
    %ne3A_405 = arith.xori %lt3A_402, %lt3A_404 : i1
    %and3A_406 = arith.andi %ne3A_405, %ne3A_400 : i1
    %add3A_407 = arith.addi %rem3A_398, %select_n3A_397 : i32
    %select_n3A_408 = arith.select %and3A_406, %add3A_407, %rem3A_398 : i32
    %mul3A_409 = arith.constant 2 : i32
    %mul3A_410 = arith.muli %mul3A_409, %select_n3A_408 : i32
    %mul3A_411 = arith.constant 48 : i32
    %mul3A_412 = arith.muli %select_n3A_392, %mul3A_411 : i32
    %mul3A_413 = arith.constant 192 : i32
    %mul3A_414 = arith.muli %mul3A_410, %mul3A_413 : i32
    %dma_wait3A_415 = arith.constant 0 : i32
    %dma_wait3A_416 = arith.constant 0 : i32
    %dma_wait3A_417 = tpu.memref_slice %arg9[%dma_wait3A_415, %dma_wait3A_416] : memref<48x512xf32, #tpu.memory_space<vmem>> -> memref<48x384xf32, #tpu.memory_space<vmem>>
    %dma_wait3A_418 = tpu.memref_slice %arg3[%select_n3A_352, %mul3A_412, %mul3A_414] : memref<4x96x73728xf32, #tpu.memory_space<hbm>> -> memref<1x48x384xf32, #tpu.memory_space<hbm>>
    %dma_wait3A_419 = tpu.memref_squeeze %dma_wait3A_418 : memref<1x48x384xf32, #tpu.memory_space<hbm>> -> memref<48x384xf32, #tpu.memory_space<hbm>>
    %dma_wait3A_420 = tpu.memref_slice %arg3[%select_n3A_352, %mul3A_412, %mul3A_414] : memref<4x96x73728xf32, #tpu.memory_space<hbm>> -> memref<1x48x384xf32, #tpu.memory_space<hbm>>
    %dma_wait3A_421 = tpu.memref_squeeze %dma_wait3A_420 : memref<1x48x384xf32, #tpu.memory_space<hbm>> -> memref<48x384xf32, #tpu.memory_space<hbm>>
    %dma_wait3A_422 = arith.constant 0 : i32
    %dma_wait3A_423 = arith.constant 0 : i32
    %dma_wait3A_424 = tpu.memref_slice %arg9[%dma_wait3A_422, %dma_wait3A_423] : memref<48x512xf32, #tpu.memory_space<vmem>> -> memref<48x384xf32, #tpu.memory_space<vmem>>
    tpu.wait_dma2 semaphore(%arg15 : memref<!tpu.dma_semaphore, #tpu.memory_space<semaphore_mem>>) src(%dma_wait3A_424 : memref<48x384xf32, #tpu.memory_space<vmem>>) dst(%dma_wait3A_421 : memref<48x384xf32, #tpu.memory_space<hbm>>)
    return
  }
}

</mosaic_0001>

<sc_bundles>
// kernel: kernel.3.cloned.1.call-start
scs
__scs_entry_jumppad:
0x0: {  	(pc) =	sbr.rel $0x88, $3  }
0x1: {  	(tag) =	ssettag $0x0;
	lr =	simm.s32 $0x1  }
0x2: {  	[smem:$0x3FA0] =	sst lr;
	_ =	strace $0xD0000000  }
0x3: {  	_ = 	snop  }
0x4: {  	_ = 	snop  }
0x5: {  	_ = 	snop  }
0x6: {  	_ = 	snop  }
0x7: {  	_ = 	snop  }
__scs_overlays_trampoline_lowered:
0x8: {  	[smem:$0x3FAF] =	sst s0  }
0x9: {  	[smem:$0x3FB0] =	sst s1  }
0xa: {  	[smem:$0x3FB1] =	sst s2  }
0xb: {  	[smem:$0x3FB2] =	sst s3  }
0xc: {  	[smem:$0x3FB3] =	sst s4  }
0xd: {  	[smem:$0x3FB4] =	sst s5  }
0xe: {  	[smem:$0x3FB5] =	sst s6  }
0xf: {  	[smem:$0x3FB6] =	sst s7  }
0x10: {  	[smem:$0x3FB7] =	sst s8  }
0x11: {  	[smem:$0x3FB8] =	sst s9;
	s0 =	simm.s32 @!p0 $0x0  }
0x12: {  	s1 =	sld [smem:$0x3F9E];
	s0 =	simm.s32 @p0 $0x1  }
0x13: {  	[smem:$0x3FB9] =	sst s0;
	s0 =	simm.s32 @!p1 $0x0  }
0x14: {  	s2 =	sld [smem:$0x3F9D];
	s0 =	simm.s32 @p1 $0x1  }
0x15: {  	[smem:$0x3FBA] =	sst s0;
	s0 =	simm.s32 @!p2 $0x0  }
0x16: {  	s3 =	sld [smem:$0x3FDB];
	s0 =	simm.s32 @p2 $0x1  }
0x17: {  	s4 =	simm.s32 $0x1BF5;
	[smem:$0x3FBC] =	sst s0  }
0x18: {  	s0 =	sld [smem:$0x3F9F];
	_ =	swait.ge [sflag:s4], $0x0  }
0x19: {  	s7 =	sld [smem:$0x3FA0]  }
0x1a: {  	s8 =	sadd.s32 $0xFFFFE003, lr  }
0x1b: {  	s9 =	sadd.s32 $0xFFFFFEF7, lr;
	s5 =	simm.s32 $0xFFFFFFFF;
	p2 =	slt.u32 s8, $0xFFFFF086  }
0x1c: {  	p1 =	slt.u32 s9, $0xF7A;
	s5 =	simm.s32 @!p2 $0x0  }
0x1d: {  	s5 =	simm.s32 @p1 $0x1;
	p0 =	seq.s32 s7, s2  }
0x1e: {  	s7 =	smul.u32 @!p0 $0xF7A, s2;
	p2 =	seq.s32 @!p0 s5, $0x0  }
0x1f: {  	s9 =	smul.u32 $0xF7A, s1;
	s8 =	simm.s32 @!p0 $0x1BF5;
	p2 =	por !p2, p0  }
0x20: {  	[sflag:s8] =	ssyncset.s32 @!p0 $0xFFFFF086;
	s6 =	sadd.s32 @!p0 s3, s7;
	s7 =	simm.s32 @!p0 $0x108  }
0x21: {  	s3 =	sadd.s32 s3, s9;
	s6 =	sadd.s32 @!p0 $0x88, s6;
	s7 =	simm.s32 @p2 $0x1082  }
0x22: {  	[simem:s7], [sflag:s8] =	dma.local @!p0 [hbm:s6], $0xF7A  }
0x23: {  	s9 =	sor.u32 $0xD0000000, s2;
	s6 =	simm.s32 $0x108;
	_ =	swait.ge @!p0 [sflag:s8], $0x0  }
0x24: {  	s3 =	sadd.s32 $0x88, s3;
	s6 =	simm.s32 @!p1 $0x1082;
	[sflag:s4] =	ssyncset.s32 $0xFFFFF086  }
0x25: {  	[simem:s6], [sflag:s4] =	dma.local [hbm:s3], $0xF7A  }
0x26: {  	[smem:$0x3FA0] =	sst s1;
	(tag) =	ssettag s2;
	_ =	strace s9  }
0x27: {  	s1 =	sld [smem:$0x3FB0]  }
0x28: {  	s2 =	sld [smem:$0x3FB1]  }
0x29: {  	s4 =	sld [smem:$0x3FB3]  }
0x2a: {  	p0 =	seq.s32 s5, $0x0;
	s5 =	sld [smem:$0x3FB4]  }
0x2b: {  	s6 =	sld [smem:$0x3FB5]  }
0x2c: {  	s7 =	sld [smem:$0x3FB6]  }
0x2d: {  	s3 =	simm.s32 $0x108;
	s8 =	sld [smem:$0x3FB7]  }
0x2e: {  	s3 =	simm.s32 @!p0 $0x1082;
	s9 =	sld [smem:$0x3FB8]  }
0x2f: {  	lr =	sadd.s32 s0, s3;
	s0 =	sld [smem:$0x3FAF]  }
0x30: {  	s3 =	sld [smem:$0x3FB2]  }
0x31: {  	[smem:$0x3FBB] =	sst s10  }
0x32: {  	s10 =	sld [smem:$0x3FB9];
	_ =	sdelay $0x3  }
0x33: {  	p0 =	seq.s32 s10, $0x1;
	s10 =	sld [smem:$0x3FBB];
	_ =	sdelay $0x3  }
0x34: {  	[smem:$0x3FBB] =	sst s10  }
0x35: {  	s10 =	sld [smem:$0x3FBA];
	_ =	sdelay $0x3  }
0x36: {  	p1 =	seq.s32 s10, $0x1;
	s10 =	sld [smem:$0x3FBB];
	_ =	sdelay $0x3  }
0x37: {  	[smem:$0x3FBB] =	sst s10  }
0x38: {  	s10 =	sld [smem:$0x3FBC]  }
0x39: {  	_ = 	snop;
	(pc) =	sbr.ind lr, $3  }
0x3a: {  	_ = 	snop  }
0x3b: {  	_ = 	snop  }
0x3c: {  	p2 =	seq.s32 s10, $0x1;
	s10 =	sld [smem:$0x3FBB]  }
0x3d: {  	_ =	shalt  }
0x3e: {  	_ =	shalt  }
0x3f: {  	_ =	shalt  }
0x40: {  	_ =	shalt  }
0x41: {  	_ =	shalt  }
0x42: {  	_ =	shalt  }
0x43: {  	_ =	shalt  }
0x44: {  	_ =	shalt  }
0x45: {  	_ =	shalt  }
0x46: {  	_ =	shalt  }
0x47: {  	_ =	shalt  }
0x48: {  	_ =	shalt  }
0x49: {  	_ =	shalt  }
0x4a: {  	_ =	shalt  }
0x4b: {  	_ =	shalt  }
0x4c: {  	_ =	shalt  }
0x4d: {  	_ =	shalt  }
0x4e: {  	_ =	shalt  }
0x4f: {  	_ =	shalt  }
0x50: {  	_ =	shalt  }
0x51: {  	_ =	shalt  }
0x52: {  	_ =	shalt  }
0x53: {  	_ =	shalt  }
0x54: {  	_ =	shalt  }
0x55: {  	_ =	shalt  }
0x56: {  	_ =	shalt  }
0x57: {  	_ =	shalt  }
0x58: {  	_ =	shalt  }
0x59: {  	_ =	shalt  }
0x5a: {  	_ =	shalt  }
0x5b: {  	_ =	shalt  }
0x5c: {  	_ =	shalt  }
0x5d: {  	_ =	shalt  }
0x5e: {  	_ =	shalt  }
0x5f: {  	_ =	shalt  }
0x60: {  	_ =	shalt  }
0x61: {  	_ =	shalt  }
0x62: {  	_ =	shalt  }
0x63: {  	_ =	shalt  }
0x64: {  	_ =	shalt  }
0x65: {  	_ =	shalt  }
0x66: {  	_ =	shalt  }
0x67: {  	_ =	shalt  }
0x68: {  	_ =	shalt  }
0x69: {  	_ =	shalt  }
0x6a: {  	_ =	shalt  }
0x6b: {  	_ =	shalt  }
0x6c: {  	_ =	shalt  }
0x6d: {  	_ =	shalt  }
0x6e: {  	_ =	shalt  }
0x6f: {  	_ =	shalt  }
0x70: {  	_ =	shalt  }
0x71: {  	_ =	shalt  }
0x72: {  	_ =	shalt  }
0x73: {  	_ =	shalt  }
0x74: {  	_ =	shalt  }
0x75: {  	_ =	shalt  }
0x76: {  	_ =	shalt  }
0x77: {  	_ =	shalt  }
0x78: {  	_ =	shalt  }
0x79: {  	_ =	shalt  }
0x7a: {  	_ =	shalt  }
0x7b: {  	_ =	shalt  }
0x7c: {  	_ =	shalt  }
0x7d: {  	_ =	shalt  }
0x7e: {  	_ =	shalt  }
0x7f: {  	_ =	shalt  }
0x80: {  	_ =	shalt  }
0x81: {  	_ =	shalt  }
0x82: {  	_ =	shalt  }
0x83: {  	_ =	shalt  }
0x84: {  	_ =	shalt  }
0x85: {  	_ =	shalt  }
0x86: {  	_ =	shalt  }
0x87: {  	_ =	shalt  }
.Lfunc_end0:
.L_simem_size_0:
called_computation_lowered:
.L_overlay_start_0:
0x88: {  	s2 =	sld [smem:$0x3FD9]  }
0x89: {  	s3 =	sld [smem:$0x3FFE];
	_ =	sdelay $0x1  }
0x8a: {  	s1 =	srdreg.scid  }
0x8b: {  	s0 =	sand.u32 $0x1, s1  }
0x8c: {  	s18 =	sshll.u32 s0, $0xA;
	s2 =	sadd.s32 s3, s2  }
0x8d: {  	s2 =	sadd.s32 s2, s18  }
0x8e: {  	[smem:$0x3FC7] =	sst s2  }
0x8f: {  	_ = 	snop  }
0x90: {  	s2 =	sld [smem:$0x3FC9]  }
0x91: {  	s19 =	sld [smem:$0x3FD0];
	(tm) =	ssettm $0x1  }
0x92: {  	s4 =	sld [smem:$0x3FFB];
	_ =	sdelay $0x3  }
0x93: {  	_ =	strace s4  }
0x94: {  	s4 =	sld [smem:$0x3FFC];
	_ =	sdelay $0x3  }
0x95: {  	_ =	strace s4  }
0x96: {  	s4 =	sld [smem:$0x3FFD];
	_ =	sdelay $0x3  }
0x97: {  	_ =	strace s4  }
0x98: {  	_ =	strace $0x8FFFFFFF  }
0x99: {  	s20 =	sld [smem:$0x3FDB];
	_ =	sdelay $0x1  }
0x9a: {  	s5 =	simm.s32 $_scs_section_size  }
0x9b: {  	s6 =	simm.s32 $_size__tile_overlayer_lowered;
	s7 =	simm.s32 $_tile_overlayer_lowered  }
0x9c: {  	s23 =	simm.s32 $0x1BFF;
	s22 =	sshll.u32 s7, $0x1;
	s4 =	sadd.s32 s5, s20  }
0x9d: {  	s8 =	simm.s32 $0x0;
	s21 =	sshll.u32 s6, $0x1;
	s6 =	sadd.s32 s22, s4  }
0x9e: {  	[timem:s8], [sflag:s23] =	dma.local [hbm:s6], s21  }
0x9f: {  	_ =	swait.ge [sflag:s23], s21  }
0xa0: {  	s5 =	ssub.s32 $0x0, s21;
	[sflag:s23] =	ssyncset.done $0x0  }
0xa1: {  	[sflag:s23] =	ssyncadd.s32 s5;
	_ =	sdelay $0x1  }
0xa2: {  	s24 =	simm.s32 $0x1B8B  }
0xa3: {  	_ =	swait.ge [sflag:s24], $0x1  }
0xa4: {  	[sflag:s24] =	ssyncset.done $0x0  }
0xa5: {  	s25 =	simm.s32 $0x1B8E;
	[sflag:s24] =	ssyncadd.s32 $0xFFFFFFFF  }
0xa6: {  	s26 =	simm.s32 $execute0_lowered;
	[smem:$0x3FD2] =	sst s25  }
0xa7: {  	s5 =	sshll.u32 s26, $0x1;
	_ =	strace $0x80000046;
	[dreg:$0x1] =	wrdreg $0xFFFFFFFF  }
0xa8: {  	s28 =	simm.s32 $_size_execute0_lowered;
	s4 =	sadd.s32 s4, s5;
	[dreg:$0x0] =	wrdreg $0x0  }
0xa9: {  	s5 =	sshll.u32 s28, $0x1;
	[dreg:$0x2] =	wrdreg s4  }
0xaa: {  	[dreg:$0x3] =	wrdreg s5  }
0xab: {  	[dreg:$0x4] =	wrdreg $0xC0  }
0xac: {  	_ =	task [dreg:s8], $0x5FFFF  }
0xad: {  	[dreg:$0x1] =	wrdreg $0xFFFFFFFF  }
0xae: {  	[dreg:$0x0] =	wrdreg $0x60  }
0xaf: {  	[dreg:$0x2] =	wrdreg s2  }
0xb0: {  	[dreg:$0x3] =	wrdreg s19  }
0xb1: {  	[dreg:$0x4] =	wrdreg $0x9  }
0xb2: {  	_ =	task.clear_ibuf [dreg:s8], $0x5FFFF;
	_ =	strace $0x90000046  }
0xb3: {  	s29 =	simm.s32 $0x9;
	_ =	strace $0x80000048  }
0xb4: {  	_ =	swait.ge [sflag:s29], $0x1  }
0xb5: {  	[sflag:s29] =	ssyncadd.s32 $0xFFFFFFFF  }
0xb6: {  	_ =	strace $0x90000048  }
0xb7: {  	_ =	sfence  }
0xb8: {  	s30 =	sld [smem:$0x0];
	_ =	sdelay $0x2  }
0xb9: {  	s31 =	sshll.u32 s1, $0xD;
	s1 =	sshrl.u32 s1, $0x2  }
0xba: {  	s3 =	sand.u32 $0x4000, s31;
	s1 =	sadd.s32 s1, s30  }
0xbb: {  	s0 =	sor.u32 s3, s0;
	s1 =	sshll.u32 s1, $0x11  }
0xbc: {  	s0 =	sor.u32 s1, s0  }
0xbd: {  	s0 =	sadd.s32 $0x8F2B, s0  }
0xbe: {  	[sflag:s0] =	ssyncadd.remote.s32 $0x1  }
0xbf: {  	_ =	sfence.sel $0xFFFF  }
0xc0: {  	[dreg:$0x0] =	wrdreg $0xFFFFFFFF;
	(pc) =	sbr.abs _section_cstart, $3  }
0xc1: {  	[dreg:$0x1] =	wrdreg $0xFFFFFFFF  }
0xc2: {  	_ =	task.clear_ibuf [dreg:s8], $0x2FFFF;
	_ =	strace $0x9FFFFFFF  }
0xc3: {  	(tm) =	ssettm $0x7FFFFFFF  }
tec
execute0_lowered:
.L_overlay_start_1:
0x0: {  	(tag) =	ssettag $0x1  }
0x1: {  	s0 =	srdreg.scid;
	s3 =	stileid.u32  }
0x2: {  	s0 =	sand.u32 $0x1, s0;
	s1 =	sshll.u32 s3, $0x1  }
0x3: {  	s1 =	sor.u32 s0, s1  }
0x4: {  	s8 =	rddreg [dreg:$0x0];
	s3 =	sshrl.u32 s3, $0x2;
	s7 =	smul.u32 $0x30, s1  }
0x5: {  	s9 =	simm.s32 $0x0;
	s0 =	ssub.s32 $0x2, s0;
	s3 =	smul.u32 $0xD80000, s3  }
0x6: {  	[smem:$0x7FF] =	sst s9;
	s5 =	sshrl.u32 s0, $0x1;
	s1 =	smulhi.u32 $0xAAAAAAAB, s7  }
0x7: {  	_ =	strace $0x80000047;
	s0 =	ssub.s32 s0, s5;
	s6 =	sor.u32 $0x1, s7  }
0x8: {  	s30 =	sor.u32 $0x2, s7;
	s2 =	smulhi.u32 $0xAAAAAAAB, s6;
	s1 =	sshrl.u32 s1, $0x8  }
0x9: {  	[smem:$0x7FB] =	sst s7;
	s31 =	sor.u32 $0x3, s7;
	s1 =	smul.u32 $0x180, s1  }
0xa: {  	s0 =	smax.u32 s0, $0x1;
	[smem:$0x7F5] =	sst s6;
	s2 =	sshrl.u32 s2, $0x8  }
0xb: {  	[smem:$0x7FA] =	sst s30;
	s2 =	smul.u32 $0x180, s2;
	s1 =	ssub.s32 s7, s1  }
0xc: {  	[smem:$0x7FC] =	sst s31;
	s4 =	sadd.s32 $0xFFFFFF40, s1;
	p0 =	sgt.u32 s1, $0xBF  }
0xd: {  	s2 =	ssub.s32 s6, s2;
	s4 =	smin.u32 s1, s4;
	s1 =	simm.s32 $0x4800  }
0xe: {  	vm0 =	vcmask $0xF0C;
	vm1 =	vcmask $0x704;
	s6 =	sadd.s32 $0xFFFFFF40, s2;
	s4 =	smul.u32 $0x12000, s4;
	s1 =	simm.s32 @!p0 $0x0  }
0xf: {  	vm0 =	vmor vm1, vm0;
	vm1 =	vcmask $0x1714;
	s6 =	smin.u32 s2, s6;
	p0 =	sgt.u32 s2, $0xBF;
	s2 =	simm.s32 $0x4800  }
0x10: {  	vm2 =	vcmask $0xB08;
	vm0 =	vmor vm0, vm1;
	vm1 =	vcmask $0x1F1C;
	s6 =	smul.u32 $0x12000, s6;
	s2 =	simm.s32 @!p0 $0x0;
	s24 =	sadd.s32 s3, s4  }
0x11: {  	vm3 =	vcmask $0x300;
	vm0 =	vmor vm0, vm1;
	vm1 =	vcmask $0x2724;
	[smem:$0x7FD] =	sst s0;
	s2 =	sor.u32 s3, s2;
	s5 =	sor.u32 s1, s24  }
0x12: {  	vm0 =	vmor vm0, vm1;
	vm1 =	vmor vm3, vm2;
	vm2 =	vcmask $0x1310;
	s1 =	sor.u32 s1, s3;
	s2 =	sadd.s32 s6, s2;
	s25 =	sshrl.u32 s5, $0x3  }
0x13: {  	vm3 =	vcmask $0x2F2C;
	vm1 =	vmor vm1, vm2;
	vm2 =	vcmask $0x1B18;
	s1 =	sadd.s32 s1, s4;
	s26 =	sadd.s32 $0x9000, s2;
	s2 =	sshrl.u32 s2, $0x3  }
.Ltmp0:
0x14: {  	vm0 =	vmor vm0, vm3;
	vm1 =	vmor vm1, vm2;
	vm2 =	vcmask $0x2320;
	s3 =	sadd.s32 s8, s25;
	s1 =	sor.u32 $0x9000, s1;
	(pc) =	sbr.rel .LBB2_1-.Ltmp0, $4  }
0x15: {  	vm3 =	vcmask $0x3734;
	vm1 =	vmor vm1, vm2;
	vm2 =	vcmask $0x2B28;
	s28 =	sadd.s32 s8, s2;
	[smem:$0x7F6] =	sst s3;
	s1 =	sshrl.u32 s1, $0x3  }
0x16: {  	vm0 =	vmor vm0, vm3;
	vm1 =	vmor vm1, vm2;
	vm2 =	vcmask $0x3330;
	s3 =	sshrl.u32 s26, $0x3;
	[smem:$0x7F8] =	sst s28;
	s1 =	sadd.s32 s8, s1  }
0x17: {  	vm3 =	vcmask $0x3F3C;
	vm1 =	vmor vm1, vm2;
	vm2 =	vcmask $0x3B38;
	s29 =	sadd.s32 s8, s3;
	[smem:$0x7F7] =	sst s1  }
0x18: {  	vm0 =	vmor vm0, vm3;
	vm1 =	vmor vm1, vm2;
	s2 =	simm.s32 $0x0;
	[smem:$0x7F9] =	sst s29  }
.LBB2_8:
0x19: {  	s0 =	simm.s32 $0x5  }
0x1a: {  	_ =	swait.ge [sflag:s0], $0x4800  }
0x1b: {  	[sflag:s0] =	ssyncset.done $0x0  }
0x1c: {  	s1 =	simm.s32 $0x6;
	[sflag:s0] =	ssyncadd.s32 $0xFFFFB800  }
0x1d: {  	_ =	swait.ge [sflag:s1], $0x4800  }
0x1e: {  	s2 =	sld [smem:$0x7F4]  }
0x1f: {  	s31 =	sld [smem:$0x7FD];
	_ =	sdelay $0x1  }
0x20: {  	s2 =	sadd.s32 $0x1, s2  }
0x21: {  	p0 =	sne.s32 s2, s31  }
.Ltmp1:
0x22: {  	_ = 	snop;
	(pc) =	sbr.rel @!p0 .LBB2_9-.Ltmp1, $3  }
0x23: {  	_ =	sdelay $0x1  }
0x24: {  	[sflag:s1] =	ssyncset.done $0x0  }
0x25: {  	[sflag:s1] =	ssyncadd.s32 $0xFFFFB800  }
.LBB2_1:
0x26: {  	s0 =	sld [smem:$0x7F6];
	_ =	sdelay $0x1  }
0x27: {  	s26 =	sld [smem:$0x7F7]  }
0x28: {  	[tilespmem:s9], [sflag:$0x1] =	stream.linear.gather [hbm4b:s0+s9], $0x4800, $0x38;
	[tilespmem:$0x1E000] =	vst v63  }
0x29: {  	s1 =	simm.s32 $0x9000;
	s29 =	sld [smem:$0x7F8]  }
0x2a: {  	[tilespmem:s1], [sflag:$0x3] =	stream.linear.gather [hbm4b:s26+s9], $0x4800, $0x38;
	[tilespmem:$0x1E000] =	vst v63  }
0x2b: {  	s28 =	simm.s32 $0x4800;
	s30 =	sld [smem:$0x7F9]  }
0x2c: {  	[tilespmem:s28], [sflag:$0x2] =	stream.linear.gather [hbm4b:s29+s9], $0x4800, $0x38;
	[tilespmem:$0x1E000] =	vst v63  }
0x2d: {  	[smem:$0x7F4] =	sst s2;
	s31 =	simm.s32 $0xD800;
	s14 =	simm.s32 $0x0  }
0x2e: {  	[tilespmem:s31], [sflag:$0x4] =	stream.linear.gather [hbm4b:s30+s9], $0x4800, $0x38;
	[tilespmem:$0x1E000] =	vst v63  }
.LBB2_2:
0x2f: {  	s0 =	simm.s32 $0x1  }
0x30: {  	_ =	swait.ge [sflag:s0], $0x4800  }
0x31: {  	[sflag:s0] =	ssyncset.done $0x0  }
0x32: {  	s15 =	simm.s32 $0x3;
	[sflag:s0] =	ssyncadd.s32 $0xFFFFB800  }
0x33: {  	_ =	swait.ge [sflag:s15], $0x4800  }
0x34: {  	p0 =	seq.s32 s14, $0x0;
	s1 =	simm.s32 $0x0;
	[sflag:s15] =	ssyncset.done $0x0  }
0x35: {  	s2 =	simm.s32 $0x0;
	s0 =	simm.s32 @!p0 $0x5;
	[sflag:s15] =	ssyncadd.s32 $0xFFFFB800  }
0x36: {  	s5 =	smul.u32 $0xC00, s2;
	s2 =	sand.u32 $0x300, s1;
	_ =	swait.ge @!p0 [sflag:s0], $0x4800  }
0x37: {  	s3 =	sor.u32 $0x80, s2;
	[sflag:s0] =	ssyncset.done @!p0 $0x0  }
0x38: {  	s4 =	sor.u32 s5, s3;
	[sflag:s0] =	ssyncadd.s32 @!p0 $0xFFFFB800  }
0x39: {  	s1 =	sor.u32 s2, s5;
	v0 =	vld [tilespmem:s4+$0x0]  }
0x3a: {  	s16 =	simm.s32 $0x0;
	v1 =	vld [tilespmem:s1+$0x0]  }
0x3b: {  	s0 =	sand.u32 $0x3FFFF000, s16  }
0x3c: {  	s0 =	sadd.s32 $0x12000, s0  }
0x3d: {  	s13 =	sor.u32 s3, s0  }
0x3e: {  	s0 =	sor.u32 s2, s0;
	[tilespmem:s13+$0x0] =	vst.msk vm0, v0  }
0x3f: {  	[tilespmem:s0+$0x0] =	vst.msk vm0, v1;
	v0 =	vld [tilespmem:s4+$0x9000]  }
0x40: {  	v1 =	vld [tilespmem:s1+$0x9000];
	_ =	sdelay $0x2  }
0x41: {  	s6 =	sor.u32 $0x440, s13  }
0x42: {  	s17 =	sor.u32 $0x440, s0;
	[tilespmem:s6+$0x0] =	vst.msk vm1, v0  }
0x43: {  	[tilespmem:s17+$0x0] =	vst.msk vm1, v1;
	v0 =	vld [tilespmem:s4+$0x10]  }
0x44: {  	v1 =	vld [tilespmem:s1+$0x10];
	_ =	sdelay $0x2  }
0x45: {  	s18 =	sor.u32 $0x8, s13  }
0x46: {  	s19 =	sor.u32 $0x8, s0;
	[tilespmem:s18+$0x0] =	vst.msk vm0, v0  }
0x47: {  	[tilespmem:s19+$0x0] =	vst.msk vm0, v1;
	v0 =	vld [tilespmem:s4+$0x9010]  }
0x48: {  	v1 =	vld [tilespmem:s1+$0x9010];
	_ =	sdelay $0x2  }
0x49: {  	s20 =	sor.u32 $0x448, s13  }
0x4a: {  	s21 =	sor.u32 $0x448, s0;
	[tilespmem:s20+$0x0] =	vst.msk vm1, v0  }
0x4b: {  	[tilespmem:s21+$0x0] =	vst.msk vm1, v1;
	v0 =	vld [tilespmem:s4+$0x20]  }
0x4c: {  	v1 =	vld [tilespmem:s1+$0x20];
	_ =	sdelay $0x2  }
0x4d: {  	s22 =	sor.u32 $0x10, s13  }
0x4e: {  	s23 =	sor.u32 $0x10, s0;
	[tilespmem:s22+$0x0] =	vst.msk vm0, v0  }
0x4f: {  	[tilespmem:s23+$0x0] =	vst.msk vm0, v1;
	v0 =	vld [tilespmem:s4+$0x9020]  }
0x50: {  	v1 =	vld [tilespmem:s1+$0x9020];
	_ =	sdelay $0x2  }
0x51: {  	s24 =	sor.u32 $0x450, s13  }
0x52: {  	s25 =	sor.u32 $0x450, s0;
	[tilespmem:s24+$0x0] =	vst.msk vm1, v0  }
0x53: {  	[tilespmem:s25+$0x0] =	vst.msk vm1, v1;
	v0 =	vld [tilespmem:s4+$0x30]  }
0x54: {  	v1 =	vld [tilespmem:s1+$0x30];
	_ =	sdelay $0x2  }
0x55: {  	s26 =	sor.u32 $0x18, s13  }
0x56: {  	s7 =	sor.u32 $0x18, s0;
	[tilespmem:s26+$0x0] =	vst.msk vm0, v0  }
0x57: {  	[tilespmem:s7+$0x0] =	vst.msk vm0, v1;
	v0 =	vld [tilespmem:s4+$0x9030]  }
0x58: {  	v1 =	vld [tilespmem:s1+$0x9030];
	_ =	sdelay $0x2  }
0x59: {  	s8 =	sor.u32 $0x458, s13  }
0x5a: {  	s9 =	sor.u32 $0x458, s0;
	[tilespmem:s8+$0x0] =	vst.msk vm1, v0  }
0x5b: {  	[tilespmem:s9+$0x0] =	vst.msk vm1, v1;
	v0 =	vld [tilespmem:s4+$0x40]  }
0x5c: {  	v1 =	vld [tilespmem:s1+$0x40];
	_ =	sdelay $0x2  }
0x5d: {  	s10 =	sor.u32 $0x20, s13  }
0x5e: {  	s11 =	sor.u32 $0x20, s0;
	[tilespmem:s10+$0x0] =	vst.msk vm0, v0  }
0x5f: {  	[tilespmem:s11+$0x0] =	vst.msk vm0, v1;
	v0 =	vld [tilespmem:s4+$0x9040]  }
0x60: {  	v1 =	vld [tilespmem:s1+$0x9040];
	_ =	sdelay $0x2  }
0x61: {  	s12 =	sor.u32 $0x460, s13  }
0x62: {  	s15 =	sor.u32 $0x460, s0;
	[tilespmem:s12+$0x0] =	vst.msk vm1, v0  }
0x63: {  	[tilespmem:s15+$0x0] =	vst.msk vm1, v1;
	v0 =	vld [tilespmem:s4+$0x50]  }
0x64: {  	v1 =	vld [tilespmem:s1+$0x50];
	_ =	sdelay $0x2  }
0x65: {  	s16 =	sor.u32 $0x28, s13  }
0x66: {  	s17 =	sor.u32 $0x28, s0;
	[tilespmem:s16+$0x0] =	vst.msk vm0, v0  }
0x67: {  	[tilespmem:s17+$0x0] =	vst.msk vm0, v1;
	v0 =	vld [tilespmem:s4+$0x9050]  }
0x68: {  	v1 =	vld [tilespmem:s1+$0x9050];
	_ =	sdelay $0x2  }
0x69: {  	s18 =	sor.u32 $0x468, s13  }
0x6a: {  	s19 =	sor.u32 $0x468, s0;
	[tilespmem:s18+$0x0] =	vst.msk vm1, v0  }
0x6b: {  	[tilespmem:s19+$0x0] =	vst.msk vm1, v1;
	v0 =	vld [tilespmem:s4+$0x60]  }
0x6c: {  	v1 =	vld [tilespmem:s1+$0x60];
	_ =	sdelay $0x2  }
0x6d: {  	s20 =	sor.u32 $0x30, s13  }
0x6e: {  	s21 =	sor.u32 $0x30, s0;
	[tilespmem:s20+$0x0] =	vst.msk vm0, v0  }
0x6f: {  	[tilespmem:s21+$0x0] =	vst.msk vm0, v1;
	v0 =	vld [tilespmem:s4+$0x9060]  }
0x70: {  	v1 =	vld [tilespmem:s1+$0x9060];
	_ =	sdelay $0x2  }
0x71: {  	s22 =	sor.u32 $0x470, s13  }
0x72: {  	s23 =	sor.u32 $0x470, s0;
	[tilespmem:s22+$0x0] =	vst.msk vm1, v0  }
0x73: {  	[tilespmem:s23+$0x0] =	vst.msk vm1, v1;
	v0 =	vld [tilespmem:s4+$0x70]  }
0x74: {  	v1 =	vld [tilespmem:s1+$0x70];
	_ =	sdelay $0x2  }
0x75: {  	s24 =	sor.u32 $0x38, s13  }
0x76: {  	s7 =	sor.u32 $0x38, s0;
	[tilespmem:s24+$0x0] =	vst.msk vm0, v0  }
0x77: {  	[tilespmem:s7+$0x0] =	vst.msk vm0, v1;
	v0 =	vld [tilespmem:s4+$0x9070]  }
0x78: {  	s25 =	simm.s32 $0x0;
	s26 =	simm.s32 $0x100;
	v1 =	vld [tilespmem:s1+$0x9070]  }
0x79: {  	s9 =	sand.u32 $0x300, s26;
	s18 =	smul.u32 $0xC00, s25  }
0x7a: {  	s8 =	sor.u32 $0x478, s13;
	s22 =	sor.u32 $0x80, s9  }
0x7b: {  	s10 =	sadd.s32 $0x400, s5;
	s11 =	simm.s32 $0x400;
	s6 =	sor.u32 s18, s22  }
0x7c: {  	s12 =	sor.u32 $0x478, s0;
	v2 =	vld [tilespmem:s6+$0x0];
	s1 =	sand.u32 $0x3FFFF000, s11;
	s11 =	sor.u32 s9, s18;
	[tilespmem:s8+$0x0] =	vst.msk vm1, v0  }
0x7d: {  	s8 =	sor.u32 s3, s10;
	[tilespmem:s12+$0x0] =	vst.msk vm1, v1;
	v1 =	vld [tilespmem:s11+$0x0]  }
0x7e: {  	v0 =	vld [tilespmem:s8+$0x0]  }
0x7f: {  	s4 =	sor.u32 s2, s10;
	s1 =	sadd.s32 $0x12000, s1  }
0x80: {  	s20 =	sor.u32 s22, s1;
	v3 =	vld [tilespmem:s4+$0x0]  }
0x81: {  	s1 =	sor.u32 s9, s1;
	[tilespmem:s20+$0x0] =	vst.msk vm0, v2  }
0x82: {  	s15 =	sor.u32 $0x40, s13;
	v2 =	vld [tilespmem:s6+$0x9000];
	[tilespmem:s1+$0x0] =	vst.msk vm0, v1  }
0x83: {  	[tilespmem:s15+$0x0] =	vst.msk vm0, v0;
	v1 =	vld [tilespmem:s11+$0x9000]  }
0x84: {  	s16 =	sor.u32 $0x40, s0;
	v0 =	vld [tilespmem:s8+$0x9000]  }
0x85: {  	[tilespmem:s16+$0x0] =	vst.msk vm0, v3  }
0x86: {  	s17 =	sor.u32 $0x440, s20;
	v3 =	vld [tilespmem:s4+$0x9000]  }
0x87: {  	s21 =	sor.u32 $0x440, s1;
	[tilespmem:s17+$0x0] =	vst.msk vm1, v2  }
0x88: {  	s19 =	sor.u32 $0x800, s13;
	v2 =	vld [tilespmem:s6+$0x10];
	[tilespmem:s21+$0x0] =	vst.msk vm1, v1  }
0x89: {  	[tilespmem:s19+$0x0] =	vst.msk vm1, v0;
	v1 =	vld [tilespmem:s11+$0x10]  }
0x8a: {  	s10 =	sor.u32 $0x800, s0;
	v0 =	vld [tilespmem:s8+$0x10]  }
0x8b: {  	[tilespmem:s10+$0x0] =	vst.msk vm1, v3  }
0x8c: {  	s23 =	sor.u32 $0x8, s20;
	v3 =	vld [tilespmem:s4+$0x10]  }
0x8d: {  	s25 =	sor.u32 $0x8, s1;
	[tilespmem:s23+$0x0] =	vst.msk vm0, v2  }
0x8e: {  	s24 =	sor.u32 $0x48, s13;
	v2 =	vld [tilespmem:s6+$0x9010];
	[tilespmem:s25+$0x0] =	vst.msk vm0, v1  }
0x8f: {  	[tilespmem:s24+$0x0] =	vst.msk vm0, v0;
	v1 =	vld [tilespmem:s11+$0x9010]  }
0x90: {  	s26 =	sor.u32 $0x48, s0;
	v0 =	vld [tilespmem:s8+$0x9010]  }
0x91: {  	[tilespmem:s26+$0x0] =	vst.msk vm0, v3  }
0x92: {  	s12 =	sor.u32 $0x448, s20;
	v3 =	vld [tilespmem:s4+$0x9010]  }
0x93: {  	s16 =	sor.u32 $0x448, s1;
	[tilespmem:s12+$0x0] =	vst.msk vm1, v2  }
0x94: {  	s15 =	sor.u32 $0x808, s13;
	v2 =	vld [tilespmem:s6+$0x20];
	[tilespmem:s16+$0x0] =	vst.msk vm1, v1  }
0x95: {  	[tilespmem:s15+$0x0] =	vst.msk vm1, v0;
	v1 =	vld [tilespmem:s11+$0x20]  }
0x96: {  	s17 =	sor.u32 $0x808, s0;
	v0 =	vld [tilespmem:s8+$0x20]  }
0x97: {  	[tilespmem:s17+$0x0] =	vst.msk vm1, v3  }
0x98: {  	s19 =	sor.u32 $0x10, s20;
	v3 =	vld [tilespmem:s4+$0x20]  }
0x99: {  	s23 =	sor.u32 $0x10, s1;
	[tilespmem:s19+$0x0] =	vst.msk vm0, v2  }
0x9a: {  	s21 =	sor.u32 $0x50, s13;
	v2 =	vld [tilespmem:s6+$0x9020];
	[tilespmem:s23+$0x0] =	vst.msk vm0, v1  }
0x9b: {  	[tilespmem:s21+$0x0] =	vst.msk vm0, v0;
	v1 =	vld [tilespmem:s11+$0x9020]  }
0x9c: {  	s24 =	sor.u32 $0x50, s0;
	v0 =	vld [tilespmem:s8+$0x9020]  }
0x9d: {  	[tilespmem:s24+$0x0] =	vst.msk vm0, v3  }
0x9e: {  	s25 =	sor.u32 $0x450, s20;
	v3 =	vld [tilespmem:s4+$0x9020]  }
0x9f: {  	s10 =	sor.u32 $0x450, s1;
	[tilespmem:s25+$0x0] =	vst.msk vm1, v2  }
0xa0: {  	s26 =	sor.u32 $0x810, s13;
	v2 =	vld [tilespmem:s6+$0x30];
	[tilespmem:s10+$0x0] =	vst.msk vm1, v1  }
0xa1: {  	[tilespmem:s26+$0x0] =	vst.msk vm1, v0;
	v1 =	vld [tilespmem:s11+$0x30]  }
0xa2: {  	s12 =	sor.u32 $0x810, s0;
	v0 =	vld [tilespmem:s8+$0x30]  }
0xa3: {  	[tilespmem:s12+$0x0] =	vst.msk vm1, v3  }
0xa4: {  	s15 =	sor.u32 $0x18, s20;
	v3 =	vld [tilespmem:s4+$0x30]  }
0xa5: {  	s17 =	sor.u32 $0x18, s1;
	[tilespmem:s15+$0x0] =	vst.msk vm0, v2  }
0xa6: {  	s16 =	sor.u32 $0x58, s13;
	v2 =	vld [tilespmem:s6+$0x9030];
	[tilespmem:s17+$0x0] =	vst.msk vm0, v1  }
0xa7: {  	[tilespmem:s16+$0x0] =	vst.msk vm0, v0;
	v1 =	vld [tilespmem:s11+$0x9030]  }
0xa8: {  	s19 =	sor.u32 $0x58, s0;
	v0 =	vld [tilespmem:s8+$0x9030]  }
0xa9: {  	[tilespmem:s19+$0x0] =	vst.msk vm0, v3  }
0xaa: {  	s21 =	sor.u32 $0x458, s20;
	v3 =	vld [tilespmem:s4+$0x9030]  }
0xab: {  	s24 =	sor.u32 $0x458, s1;
	[tilespmem:s21+$0x0] =	vst.msk vm1, v2  }
0xac: {  	s23 =	sor.u32 $0x818, s13;
	v2 =	vld [tilespmem:s6+$0x40];
	[tilespmem:s24+$0x0] =	vst.msk vm1, v1  }
0xad: {  	[tilespmem:s23+$0x0] =	vst.msk vm1, v0;
	v1 =	vld [tilespmem:s11+$0x40]  }
0xae: {  	s25 =	sor.u32 $0x818, s0;
	v0 =	vld [tilespmem:s8+$0x40]  }
0xaf: {  	[tilespmem:s25+$0x0] =	vst.msk vm1, v3  }
0xb0: {  	s26 =	sor.u32 $0x20, s20;
	v3 =	vld [tilespmem:s4+$0x40]  }
0xb1: {  	s12 =	sor.u32 $0x20, s1;
	[tilespmem:s26+$0x0] =	vst.msk vm0, v2  }
0xb2: {  	s10 =	sor.u32 $0x60, s13;
	v2 =	vld [tilespmem:s6+$0x9040];
	[tilespmem:s12+$0x0] =	vst.msk vm0, v1  }
0xb3: {  	[tilespmem:s10+$0x0] =	vst.msk vm0, v0;
	v1 =	vld [tilespmem:s11+$0x9040]  }
0xb4: {  	s15 =	sor.u32 $0x60, s0;
	v0 =	vld [tilespmem:s8+$0x9040]  }
0xb5: {  	[tilespmem:s15+$0x0] =	vst.msk vm0, v3  }
0xb6: {  	s16 =	sor.u32 $0x460, s20;
	v3 =	vld [tilespmem:s4+$0x9040]  }
0xb7: {  	s19 =	sor.u32 $0x460, s1;
	[tilespmem:s16+$0x0] =	vst.msk vm1, v2  }
0xb8: {  	s17 =	sor.u32 $0x820, s13;
	v2 =	vld [tilespmem:s6+$0x50];
	[tilespmem:s19+$0x0] =	vst.msk vm1, v1  }
0xb9: {  	[tilespmem:s17+$0x0] =	vst.msk vm1, v0;
	v1 =	vld [tilespmem:s11+$0x50]  }
0xba: {  	s21 =	sor.u32 $0x820, s0;
	v0 =	vld [tilespmem:s8+$0x50]  }
0xbb: {  	[tilespmem:s21+$0x0] =	vst.msk vm1, v3  }
0xbc: {  	s23 =	sor.u32 $0x28, s20;
	v3 =	vld [tilespmem:s4+$0x50]  }
0xbd: {  	s25 =	sor.u32 $0x28, s1;
	[tilespmem:s23+$0x0] =	vst.msk vm0, v2  }
0xbe: {  	s24 =	sor.u32 $0x68, s13;
	v2 =	vld [tilespmem:s6+$0x9050];
	[tilespmem:s25+$0x0] =	vst.msk vm0, v1  }
0xbf: {  	[tilespmem:s24+$0x0] =	vst.msk vm0, v0;
	v1 =	vld [tilespmem:s11+$0x9050]  }
0xc0: {  	s26 =	sor.u32 $0x68, s0;
	v0 =	vld [tilespmem:s8+$0x9050]  }
0xc1: {  	[tilespmem:s26+$0x0] =	vst.msk vm0, v3  }
0xc2: {  	s12 =	sor.u32 $0x468, s20;
	v3 =	vld [tilespmem:s4+$0x9050]  }
0xc3: {  	s16 =	sor.u32 $0x468, s1;
	[tilespmem:s12+$0x0] =	vst.msk vm1, v2  }
0xc4: {  	s15 =	sor.u32 $0x828, s13;
	v2 =	vld [tilespmem:s6+$0x60];
	[tilespmem:s16+$0x0] =	vst.msk vm1, v1  }
0xc5: {  	[tilespmem:s15+$0x0] =	vst.msk vm1, v0;
	v1 =	vld [tilespmem:s11+$0x60]  }
0xc6: {  	s17 =	sor.u32 $0x828, s0;
	v0 =	vld [tilespmem:s8+$0x60]  }
0xc7: {  	[tilespmem:s17+$0x0] =	vst.msk vm1, v3  }
0xc8: {  	s19 =	sor.u32 $0x30, s20;
	v3 =	vld [tilespmem:s4+$0x60]  }
0xc9: {  	s23 =	sor.u32 $0x30, s1;
	[tilespmem:s19+$0x0] =	vst.msk vm0, v2  }
0xca: {  	s21 =	sor.u32 $0x70, s13;
	v2 =	vld [tilespmem:s6+$0x9060];
	[tilespmem:s23+$0x0] =	vst.msk vm0, v1  }
0xcb: {  	[tilespmem:s21+$0x0] =	vst.msk vm0, v0;
	v1 =	vld [tilespmem:s11+$0x9060]  }
0xcc: {  	s24 =	sor.u32 $0x70, s0;
	v0 =	vld [tilespmem:s8+$0x9060]  }
0xcd: {  	[tilespmem:s24+$0x0] =	vst.msk vm0, v3  }
0xce: {  	s25 =	sor.u32 $0x470, s20;
	v3 =	vld [tilespmem:s4+$0x9060]  }
0xcf: {  	s10 =	sor.u32 $0x470, s1;
	[tilespmem:s25+$0x0] =	vst.msk vm1, v2  }
0xd0: {  	s26 =	sor.u32 $0x830, s13;
	v2 =	vld [tilespmem:s6+$0x70];
	[tilespmem:s10+$0x0] =	vst.msk vm1, v1  }
0xd1: {  	[tilespmem:s26+$0x0] =	vst.msk vm1, v0;
	v1 =	vld [tilespmem:s11+$0x70]  }
0xd2: {  	s12 =	sor.u32 $0x830, s0;
	v0 =	vld [tilespmem:s8+$0x70]  }
0xd3: {  	s19 =	simm.s32 $0x200;
	s15 =	simm.s32 $0x0;
	[tilespmem:s12+$0x0] =	vst.msk vm1, v3  }
0xd4: {  	s16 =	sor.u32 $0x38, s20;
	s23 =	sand.u32 $0x300, s19;
	s21 =	smul.u32 $0xC00, s15;
	v3 =	vld [tilespmem:s4+$0x70]  }
0xd5: {  	s29 =	sor.u32 $0x80, s23;
	s24 =	sor.u32 $0x38, s1;
	[tilespmem:s16+$0x0] =	vst.msk vm0, v2  }
0xd6: {  	s17 =	sor.u32 $0x78, s13;
	v2 =	vld [tilespmem:s6+$0x9070];
	s10 =	sor.u32 s21, s29;
	[tilespmem:s24+$0x0] =	vst.msk vm0, v1  }
0xd7: {  	[tilespmem:s17+$0x0] =	vst.msk vm0, v0;
	v0 =	vld [tilespmem:s10+$0x0]  }
0xd8: {  	s25 =	simm.s32 $0x800;
	s26 =	sor.u32 $0x78, s0;
	v1 =	vld [tilespmem:s11+$0x9070]  }
0xd9: {  	s7 =	sand.u32 $0x3FFFF000, s25;
	[tilespmem:s26+$0x0] =	vst.msk vm0, v3;
	v4 =	vld [tilespmem:s8+$0x9070]  }
0xda: {  	s15 =	sor.u32 $0x478, s20;
	s16 =	sadd.s32 $0x12000, s7;
	s12 =	sadd.s32 $0x400, s18;
	v3 =	vld [tilespmem:s4+$0x9070]  }
0xdb: {  	[tilespmem:s15+$0x0] =	vst.msk vm1, v2;
	s4 =	sor.u32 s22, s12;
	s8 =	sor.u32 s29, s16  }
0xdc: {  	s6 =	sor.u32 s23, s21;
	s24 =	sor.u32 $0x478, s1;
	v2 =	vld [tilespmem:s4+$0x0];
	[tilespmem:s8+$0x0] =	vst.msk vm0, v0  }
0xdd: {  	s17 =	sor.u32 $0x838, s13;
	[tilespmem:s24+$0x0] =	vst.msk vm1, v1;
	v1 =	vld [tilespmem:s6+$0x0]  }
0xde: {  	s5 =	sadd.s32 $0x800, s5;
	s25 =	sor.u32 $0x838, s0;
	s12 =	sor.u32 s9, s12;
	[tilespmem:s17+$0x0] =	vst.msk vm1, v4;
	v0 =	vld [tilespmem:s10+$0x9000]  }
0xdf: {  	s28 =	sor.u32 s3, s5;
	[tilespmem:s25+$0x0] =	vst.msk vm1, v3;
	v3 =	vld [tilespmem:s12+$0x0]  }
0xe0: {  	s26 =	sor.u32 $0x40, s20;
	v4 =	vld [tilespmem:s28+$0x0]  }
0xe1: {  	s24 =	sor.u32 s2, s5;
	[tilespmem:s26+$0x0] =	vst.msk vm0, v2;
	s26 =	sor.u32 s23, s16  }
0xe2: {  	s3 =	sor.u32 $0x440, s8;
	v5 =	vld [tilespmem:s24+$0x0];
	[tilespmem:s26+$0x0] =	vst.msk vm0, v1  }
0xe3: {  	s7 =	sor.u32 $0x40, s1;
	v2 =	vld [tilespmem:s4+$0x9000];
	[tilespmem:s3+$0x0] =	vst.msk vm1, v0  }
0xe4: {  	s5 =	sor.u32 $0x400, s13;
	[tilespmem:s7+$0x0] =	vst.msk vm0, v3;
	v0 =	vld [tilespmem:s10+$0x10]  }
0xe5: {  	[tilespmem:s5+$0x0] =	vst.msk vm0, v4;
	v4 =	vld [tilespmem:s6+$0x9000]  }
0xe6: {  	s11 =	sor.u32 $0x400, s0;
	v3 =	vld [tilespmem:s12+$0x9000]  }
0xe7: {  	s15 =	sor.u32 $0x800, s20;
	[tilespmem:s11+$0x0] =	vst.msk vm0, v5;
	v1 =	vld [tilespmem:s28+$0x9000]  }
0xe8: {  	s16 =	sor.u32 $0x8, s8;
	v5 =	vld [tilespmem:s24+$0x9000];
	[tilespmem:s15+$0x0] =	vst.msk vm1, v2  }
0xe9: {  	s25 =	sor.u32 $0x440, s26;
	v2 =	vld [tilespmem:s4+$0x10];
	[tilespmem:s16+$0x0] =	vst.msk vm0, v0  }
0xea: {  	s5 =	sor.u32 $0x800, s1;
	[tilespmem:s25+$0x0] =	vst.msk vm1, v4;
	v0 =	vld [tilespmem:s10+$0x9010]  }
0xeb: {  	s17 =	sor.u32 $0x840, s13;
	[tilespmem:s5+$0x0] =	vst.msk vm1, v3;
	v4 =	vld [tilespmem:s6+$0x10]  }
0xec: {  	s7 =	sor.u32 $0x840, s0;
	[tilespmem:s17+$0x0] =	vst.msk vm1, v1;
	v3 =	vld [tilespmem:s12+$0x10]  }
0xed: {  	s11 =	sor.u32 $0x48, s20;
	[tilespmem:s7+$0x0] =	vst.msk vm1, v5;
	v1 =	vld [tilespmem:s28+$0x10]  }
0xee: {  	s15 =	sor.u32 $0x448, s8;
	v5 =	vld [tilespmem:s24+$0x10];
	[tilespmem:s11+$0x0] =	vst.msk vm0, v2  }
0xef: {  	s17 =	sor.u32 $0x8, s26;
	v2 =	vld [tilespmem:s4+$0x9010];
	[tilespmem:s15+$0x0] =	vst.msk vm1, v0  }
0xf0: {  	s25 =	sor.u32 $0x48, s1;
	[tilespmem:s17+$0x0] =	vst.msk vm0, v4;
	v0 =	vld [tilespmem:s10+$0x20]  }
0xf1: {  	s16 =	sor.u32 $0x408, s13;
	[tilespmem:s25+$0x0] =	vst.msk vm0, v3;
	v4 =	vld [tilespmem:s6+$0x9010]  }
0xf2: {  	s5 =	sor.u32 $0x408, s0;
	[tilespmem:s16+$0x0] =	vst.msk vm0, v1;
	v3 =	vld [tilespmem:s12+$0x9010]  }
0xf3: {  	s7 =	sor.u32 $0x808, s20;
	[tilespmem:s5+$0x0] =	vst.msk vm0, v5;
	v1 =	vld [tilespmem:s28+$0x9010]  }
0xf4: {  	s11 =	sor.u32 $0x10, s8;
	v5 =	vld [tilespmem:s24+$0x9010];
	[tilespmem:s7+$0x0] =	vst.msk vm1, v2  }
0xf5: {  	s16 =	sor.u32 $0x448, s26;
	v2 =	vld [tilespmem:s4+$0x20];
	[tilespmem:s11+$0x0] =	vst.msk vm0, v0  }
0xf6: {  	s17 =	sor.u32 $0x808, s1;
	[tilespmem:s16+$0x0] =	vst.msk vm1, v4;
	v0 =	vld [tilespmem:s10+$0x9020]  }
0xf7: {  	s15 =	sor.u32 $0x848, s13;
	[tilespmem:s17+$0x0] =	vst.msk vm1, v3;
	v4 =	vld [tilespmem:s6+$0x20]  }
0xf8: {  	s25 =	sor.u32 $0x848, s0;
	[tilespmem:s15+$0x0] =	vst.msk vm1, v1;
	v3 =	vld [tilespmem:s12+$0x20]  }
0xf9: {  	s5 =	sor.u32 $0x50, s20;
	[tilespmem:s25+$0x0] =	vst.msk vm1, v5;
	v1 =	vld [tilespmem:s28+$0x20]  }
0xfa: {  	s7 =	sor.u32 $0x450, s8;
	v5 =	vld [tilespmem:s24+$0x20];
	[tilespmem:s5+$0x0] =	vst.msk vm0, v2  }
0xfb: {  	s15 =	sor.u32 $0x10, s26;
	v2 =	vld [tilespmem:s4+$0x9020];
	[tilespmem:s7+$0x0] =	vst.msk vm1, v0  }
0xfc: {  	s16 =	sor.u32 $0x50, s1;
	[tilespmem:s15+$0x0] =	vst.msk vm0, v4;
	v0 =	vld [tilespmem:s10+$0x30]  }
0xfd: {  	s11 =	sor.u32 $0x410, s13;
	[tilespmem:s16+$0x0] =	vst.msk vm0, v3;
	v4 =	vld [tilespmem:s6+$0x9020]  }
0xfe: {  	s17 =	sor.u32 $0x410, s0;
	[tilespmem:s11+$0x0] =	vst.msk vm0, v1;
	v3 =	vld [tilespmem:s12+$0x9020]  }
0xff: {  	s25 =	sor.u32 $0x810, s20;
	[tilespmem:s17+$0x0] =	vst.msk vm0, v5;
	v1 =	vld [tilespmem:s28+$0x9020]  }
0x100: {  	s3 =	sor.u32 $0x18, s8;
	v5 =	vld [tilespmem:s24+$0x9020];
	[tilespmem:s25+$0x0] =	vst.msk vm1, v2  }
0x101: {  	s7 =	sor.u32 $0x450, s26;
	v2 =	vld [tilespmem:s4+$0x30];
	[tilespmem:s3+$0x0] =	vst.msk vm0, v0  }
0x102: {  	s11 =	sor.u32 $0x810, s1;
	[tilespmem:s7+$0x0] =	vst.msk vm1, v4;
	v0 =	vld [tilespmem:s10+$0x9030]  }
0x103: {  	s5 =	sor.u32 $0x850, s13;
	[tilespmem:s11+$0x0] =	vst.msk vm1, v3;
	v4 =	vld [tilespmem:s6+$0x30]  }
0x104: {  	s15 =	sor.u32 $0x850, s0;
	[tilespmem:s5+$0x0] =	vst.msk vm1, v1;
	v3 =	vld [tilespmem:s12+$0x30]  }
0x105: {  	s16 =	sor.u32 $0x58, s20;
	[tilespmem:s15+$0x0] =	vst.msk vm1, v5;
	v1 =	vld [tilespmem:s28+$0x30]  }
0x106: {  	s17 =	sor.u32 $0x458, s8;
	v5 =	vld [tilespmem:s24+$0x30];
	[tilespmem:s16+$0x0] =	vst.msk vm0, v2  }
0x107: {  	s5 =	sor.u32 $0x18, s26;
	v2 =	vld [tilespmem:s4+$0x9030];
	[tilespmem:s17+$0x0] =	vst.msk vm1, v0  }
0x108: {  	s7 =	sor.u32 $0x58, s1;
	[tilespmem:s5+$0x0] =	vst.msk vm0, v4;
	v0 =	vld [tilespmem:s10+$0x40]  }
0x109: {  	s25 =	sor.u32 $0x418, s13;
	[tilespmem:s7+$0x0] =	vst.msk vm0, v3;
	v4 =	vld [tilespmem:s6+$0x9030]  }
0x10a: {  	s11 =	sor.u32 $0x418, s0;
	[tilespmem:s25+$0x0] =	vst.msk vm0, v1;
	v3 =	vld [tilespmem:s12+$0x9030]  }
0x10b: {  	s15 =	sor.u32 $0x818, s20;
	[tilespmem:s11+$0x0] =	vst.msk vm0, v5;
	v1 =	vld [tilespmem:s28+$0x9030]  }
0x10c: {  	s16 =	sor.u32 $0x20, s8;
	v5 =	vld [tilespmem:s24+$0x9030];
	[tilespmem:s15+$0x0] =	vst.msk vm1, v2  }
0x10d: {  	s25 =	sor.u32 $0x458, s26;
	[tilespmem:s16+$0x0] =	vst.msk vm0, v0  }
0x10e: {  	s5 =	sor.u32 $0x818, s1;
	v2 =	vld [tilespmem:s4+$0x40];
	[tilespmem:s25+$0x0] =	vst.msk vm1, v4  }
0x10f: {  	s17 =	sor.u32 $0x858, s13;
	[tilespmem:s5+$0x0] =	vst.msk vm1, v3;
	v0 =	vld [tilespmem:s10+$0x9040]  }
0x110: {  	s7 =	sor.u32 $0x858, s0;
	[tilespmem:s17+$0x0] =	vst.msk vm1, v1;
	v4 =	vld [tilespmem:s6+$0x40]  }
0x111: {  	v3 =	vld [tilespmem:s12+$0x40];
	[tilespmem:s7+$0x0] =	vst.msk vm1, v5  }
0x112: {  	s11 =	sor.u32 $0x60, s20;
	v1 =	vld [tilespmem:s28+$0x40];
	[smem:$0x7D1] =	sst s14  }
0x113: {  	[tilespmem:s11+$0x0] =	vst.msk vm0, v2  }
0x114: {  	s3 =	sld [smem:$0x7FB]  }
0x115: {  	s14 =	sshll.u32 s14, $0x1  }
0x116: {  	s15 =	sor.u32 $0x460, s8;
	v5 =	vld [tilespmem:s24+$0x40];
	[smem:$0x7D2] =	sst s14  }
0x117: {  	s25 =	sor.u32 $0x20, s26;
	[tilespmem:s15+$0x0] =	vst.msk vm1, v0;
	s3 =	sadd.s32 s3, s14  }
0x118: {  	s16 =	sor.u32 $0x420, s13;
	v2 =	vld [tilespmem:s4+$0x9040];
	[tilespmem:s25+$0x0] =	vst.msk vm0, v4;
	s17 =	smulhi.u32 $0xAAAAAAAB, s3  }
0x119: {  	s11 =	sor.u32 $0x60, s1;
	[tilespmem:s16+$0x0] =	vst.msk vm0, v1;
	v0 =	vld [tilespmem:s10+$0x50]  }
0x11a: {  	[tilespmem:s11+$0x0] =	vst.msk vm0, v3;
	v1 =	vld [tilespmem:s28+$0x9040];
	s14 =	sshrl.u32 s17, $0x8  }
0x11b: {  	s15 =	sor.u32 $0x420, s0;
	v4 =	vld [tilespmem:s6+$0x9040];
	[smem:$0x7D3] =	sst s14  }
0x11c: {  	s17 =	sor.u32 $0x820, s20;
	s16 =	smul.u32 $0x180, s14;
	[tilespmem:s15+$0x0] =	vst.msk vm0, v5  }
0x11d: {  	s25 =	sor.u32 $0x28, s8;
	v3 =	vld [tilespmem:s12+$0x9040];
	[tilespmem:s17+$0x0] =	vst.msk vm1, v2  }
0x11e: {  	s5 =	sor.u32 $0x860, s13;
	[tilespmem:s25+$0x0] =	vst.msk vm0, v0;
	v5 =	vld [tilespmem:s24+$0x9040];
	s7 =	ssub.s32 s3, s16  }
0x11f: {  	v2 =	vld [tilespmem:s4+$0x50];
	[tilespmem:s5+$0x0] =	vst.msk vm1, v1;
	s11 =	sadd.s32 $0xFFFFFF40, s7  }
0x120: {  	v0 =	vld [tilespmem:s10+$0x9050];
	[smem:$0x7D4] =	sst s7;
	s2 =	smin.u32 s7, s11  }
0x121: {  	s14 =	sor.u32 $0x460, s26;
	[smem:$0x7D5] =	sst s2  }
0x122: {  	s16 =	sor.u32 $0x820, s1;
	[tilespmem:s14+$0x0] =	vst.msk vm1, v4  }
0x123: {  	s15 =	sor.u32 $0x860, s0;
	s17 =	sor.u32 $0x68, s20;
	v1 =	vld [tilespmem:s28+$0x50];
	[tilespmem:s16+$0x0] =	vst.msk vm1, v3  }
0x124: {  	s3 =	sor.u32 $0x438, s0;
	s7 =	sor.u32 $0x868, s0;
	s2 =	sor.u32 $0x870, s0;
	[tilespmem:s15+$0x0] =	vst.msk vm1, v5  }
0x125: {  	s14 =	sor.u32 $0x428, s0;
	s16 =	sor.u32 $0x430, s0;
	s0 =	sor.u32 $0x878, s0;
	v3 =	vld [tilespmem:s6+$0x50];
	[tilespmem:s17+$0x0] =	vst.msk vm0, v2  }
0x126: {  	s25 =	sor.u32 $0x468, s8;
	v4 =	vld [tilespmem:s12+$0x50];
	[smem:$0x7D6] =	sst s0  }
0x127: {  	s5 =	sor.u32 $0x428, s13;
	v2 =	vld [tilespmem:s24+$0x50];
	[tilespmem:s25+$0x0] =	vst.msk vm1, v0  }
0x128: {  	v0 =	vld [tilespmem:s4+$0x9050];
	s25 =	sor.u32 $0x78, s1;
	[tilespmem:s5+$0x0] =	vst.msk vm0, v1  }
0x129: {  	v1 =	vld [tilespmem:s10+$0x60];
	[smem:$0x7D7] =	sst s25;
	s25 =	sor.u32 $0x28, s26  }
0x12a: {  	[tilespmem:s25+$0x0] =	vst.msk vm0, v3;
	s25 =	sor.u32 $0x400, s1  }
0x12b: {  	v3 =	vld [tilespmem:s28+$0x9050];
	[smem:$0x7D8] =	sst s25;
	s25 =	sor.u32 $0x840, s1  }
0x12c: {  	s15 =	sor.u32 $0x68, s1;
	[smem:$0x7D9] =	sst s25  }
0x12d: {  	[tilespmem:s15+$0x0] =	vst.msk vm0, v4;
	s15 =	sor.u32 $0x408, s1  }
0x12e: {  	s25 =	sor.u32 $0x848, s1;
	v4 =	vld [tilespmem:s6+$0x9050];
	[smem:$0x7DA] =	sst s15  }
0x12f: {  	[smem:$0x7DB] =	sst s25;
	s15 =	sor.u32 $0x410, s1  }
0x130: {  	[smem:$0x7DC] =	sst s15  }
0x131: {  	s25 =	sor.u32 $0x850, s1;
	[tilespmem:s14+$0x0] =	vst.msk vm0, v2  }
0x132: {  	v2 =	vld [tilespmem:s12+$0x9050];
	s14 =	sor.u32 $0x418, s1;
	[smem:$0x7DD] =	sst s25  }
0x133: {  	s15 =	sor.u32 $0x828, s20;
	[smem:$0x7DE] =	sst s14  }
0x134: {  	s25 =	sor.u32 $0x858, s1;
	[tilespmem:s15+$0x0] =	vst.msk vm1, v0  }
0x135: {  	s14 =	sor.u32 $0x420, s1;
	v0 =	vld [tilespmem:s24+$0x9050];
	[smem:$0x7DF] =	sst s25  }
0x136: {  	s15 =	sor.u32 $0x30, s8;
	[dreg:$0x1a] =	wrdreg s14  }
0x137: {  	s25 =	sor.u32 $0x860, s1;
	[tilespmem:s15+$0x0] =	vst.msk vm0, v1  }
0x138: {  	s14 =	sor.u32 $0x428, s1;
	v1 =	vld [tilespmem:s4+$0x60];
	[dreg:$0x8] =	wrdreg s25  }
0x139: {  	s15 =	sor.u32 $0x868, s13;
	[dreg:$0x7] =	wrdreg s14  }
0x13a: {  	s25 =	sor.u32 $0x868, s1;
	[tilespmem:s15+$0x0] =	vst.msk vm1, v3  }
0x13b: {  	s5 =	sor.u32 $0x468, s26;
	v3 =	vld [tilespmem:s10+$0x9060];
	[dreg:$0x6] =	wrdreg s25  }
0x13c: {  	s15 =	sor.u32 $0x438, s1;
	[tilespmem:s5+$0x0] =	vst.msk vm1, v4  }
0x13d: {  	s17 =	sor.u32 $0x828, s1;
	[dreg:$0x4] =	wrdreg s15  }
0x13e: {  	v4 =	vld [tilespmem:s28+$0x60];
	[tilespmem:s17+$0x0] =	vst.msk vm1, v2;
	s17 =	sor.u32 $0x38, s26  }
0x13f: {  	v2 =	vld [tilespmem:s6+$0x60];
	[smem:$0x7E0] =	sst s17  }
0x140: {  	[tilespmem:s7+$0x0] =	vst.msk vm1, v0;
	s7 =	sor.u32 $0x478, s26  }
0x141: {  	s17 =	sor.u32 $0x40, s26;
	v0 =	vld [tilespmem:s12+$0x60];
	[smem:$0x7E1] =	sst s7  }
0x142: {  	s5 =	sor.u32 $0x70, s20;
	[smem:$0x7E2] =	sst s17  }
0x143: {  	s7 =	sor.u32 $0x800, s26;
	[tilespmem:s5+$0x0] =	vst.msk vm0, v1  }
0x144: {  	s17 =	sor.u32 $0x48, s26;
	v1 =	vld [tilespmem:s24+$0x60];
	[smem:$0x7E3] =	sst s7  }
0x145: {  	s5 =	sor.u32 $0x470, s8;
	[smem:$0x7E4] =	sst s17  }
0x146: {  	s7 =	sor.u32 $0x808, s26;
	[tilespmem:s5+$0x0] =	vst.msk vm1, v3  }
0x147: {  	s17 =	sor.u32 $0x50, s26;
	v3 =	vld [tilespmem:s4+$0x9060];
	[smem:$0x7E5] =	sst s7  }
0x148: {  	s31 =	sor.u32 $0x838, s1;
	s5 =	sor.u32 $0x430, s13;
	[smem:$0x7E6] =	sst s17  }
0x149: {  	s30 =	sor.u32 $0x430, s1;
	s11 =	sor.u32 $0x70, s1;
	s17 =	sor.u32 $0x810, s26;
	[tilespmem:s5+$0x0] =	vst.msk vm0, v4  }
0x14a: {  	s0 =	sor.u32 $0x830, s1;
	s7 =	sor.u32 $0x58, s26;
	v4 =	vld [tilespmem:s10+$0x70];
	[smem:$0x7E7] =	sst s17  }
0x14b: {  	s25 =	sor.u32 $0x870, s1;
	[smem:$0x7E8] =	sst s7;
	s17 =	sor.u32 $0x818, s26  }
0x14c: {  	s15 =	sor.u32 $0x878, s1;
	s1 =	sor.u32 $0x30, s26;
	[smem:$0x7E9] =	sst s17  }
0x14d: {  	s5 =	sor.u32 $0x60, s26;
	[tilespmem:s1+$0x0] =	vst.msk vm0, v2  }
0x14e: {  	s7 =	sor.u32 $0x820, s26;
	v2 =	vld [tilespmem:s28+$0x9060];
	[smem:$0x7EA] =	sst s5  }
0x14f: {  	s17 =	sor.u32 $0x68, s26;
	[smem:$0x7EB] =	sst s7  }
0x150: {  	[smem:$0x7EC] =	sst s17  }
0x151: {  	s5 =	sor.u32 $0x828, s26;
	[tilespmem:s11+$0x0] =	vst.msk vm0, v0  }
0x152: {  	s7 =	sor.u32 $0x70, s26;
	v0 =	vld [tilespmem:s6+$0x9060];
	[smem:$0x7ED] =	sst s5  }
0x153: {  	s11 =	sor.u32 $0x830, s26;
	[smem:$0x7EE] =	sst s7  }
0x154: {  	[smem:$0x7EF] =	sst s11  }
0x155: {  	[tilespmem:s16+$0x0] =	vst.msk vm0, v1;
	s16 =	sor.u32 $0x78, s26  }
0x156: {  	s17 =	sor.u32 $0x838, s26;
	v1 =	vld [tilespmem:s12+$0x9060];
	[smem:$0x7F0] =	sst s16  }
0x157: {  	s5 =	sor.u32 $0x830, s20;
	[smem:$0x7F1] =	sst s17  }
0x158: {  	s7 =	sor.u32 $0x400, s26;
	[tilespmem:s5+$0x0] =	vst.msk vm1, v3  }
0x159: {  	s11 =	sor.u32 $0x840, s26;
	v3 =	vld [tilespmem:s24+$0x9060];
	[smem:$0x7F2] =	sst s7  }
0x15a: {  	s16 =	sor.u32 $0x38, s8;
	[smem:$0x7F3] =	sst s11  }
0x15b: {  	s17 =	sor.u32 $0x408, s26;
	[tilespmem:s16+$0x0] =	vst.msk vm0, v4  }
0x15c: {  	s5 =	sor.u32 $0x848, s26;
	v5 =	vld [tilespmem:s4+$0x70];
	[dreg:$0x1f] =	wrdreg s17  }
0x15d: {  	s7 =	sor.u32 $0x870, s13;
	[dreg:$0x1d] =	wrdreg s5  }
0x15e: {  	[tilespmem:s7+$0x0] =	vst.msk vm1, v2;
	v2 =	vld [tilespmem:s10+$0x9070];
	s10 =	sor.u32 $0x410, s26  }
0x15f: {  	s11 =	sor.u32 $0x850, s26;
	[dreg:$0x1c] =	wrdreg s10  }
0x160: {  	s16 =	sor.u32 $0x418, s26;
	[dreg:$0x1b] =	wrdreg s11  }
0x161: {  	s14 =	sor.u32 $0x470, s26;
	[dreg:$0x18] =	wrdreg s16  }
0x162: {  	s17 =	sor.u32 $0x858, s26;
	[tilespmem:s14+$0x0] =	vst.msk vm1, v0  }
0x163: {  	s5 =	sor.u32 $0x420, s26;
	v0 =	vld [tilespmem:s28+$0x70];
	[dreg:$0x17] =	wrdreg s17  }
0x164: {  	s7 =	sor.u32 $0x860, s26;
	[dreg:$0x16] =	wrdreg s5  }
0x165: {  	[dreg:$0x11] =	wrdreg s7  }
0x166: {  	s10 =	sor.u32 $0x428, s26;
	[tilespmem:s0+$0x0] =	vst.msk vm1, v1  }
0x167: {  	s16 =	sor.u32 $0x430, s26;
	s11 =	sor.u32 $0x78, s20;
	v4 =	vld [tilespmem:s6+$0x70];
	[dreg:$0x10] =	wrdreg s10  }
0x168: {  	s14 =	sor.u32 $0x438, s26;
	s17 =	sor.u32 $0x868, s26;
	s7 =	sor.u32 $0x870, s26;
	[tilespmem:s2+$0x0] =	vst.msk vm1, v3;
	v3 =	vld [tilespmem:s12+$0x70]  }
0x169: {  	s10 =	simm.s32 $0x4;
	[tilespmem:s11+$0x0] =	vst.msk vm0, v5;
	s11 =	sor.u32 $0x878, s26;
	s2 =	sor.u32 $0x438, s13;
	v1 =	vld [tilespmem:s24+$0x70]  }
.LBB2_3:
0x16a: {  	[smem:$0x7B1] =	sst s11  }
0x16b: {  	[smem:$0x7AE] =	sst s15  }
0x16c: {  	[smem:$0x7CA] =	sst s16  }
0x16d: {  	[smem:$0x7C5] =	sst s17  }
0x16e: {  	[smem:$0x7C9] =	sst s30  }
0x16f: {  	[smem:$0x7CE] =	sst s25  }
0x170: {  	[smem:$0x7CF] =	sst s7  }
0x171: {  	s1 =	sld [smem:$0x7E0]  }
0x172: {  	s10 =	sadd.s32 $0x2, s10;
	s19 =	sadd.s32 $0x100, s19;
	s25 =	sld [smem:$0x7F0]  }
0x173: {  	s5 =	smov.u32 s29;
	s16 =	sld [smem:$0x7D7];
	s17 =	sor.u32 $0x478, s8  }
0x174: {  	s7 =	sor.u32 $0x838, s20;
	s0 =	sshrl.u32 s10, $0x3;
	[dreg:$0x3] =	wrdreg s19  }
0x175: {  	v5 =	vld [tilespmem:s4+$0x9070];
	s29 =	sand.u32 $0x300, s19;
	s0 =	smul.u32 $0xC00, s0;
	[tilespmem:s2+$0x0] =	vst.msk vm0, v0;
	s26 =	smov.u32 s25  }
0x176: {  	s19 =	sor.u32 $0x80, s29;
	s11 =	sadd.s32 $0x800, s18;
	[tilespmem:s1+$0x0] =	vst.msk vm0, v4;
	v0 =	vld [tilespmem:s28+$0x9070];
	[smem:$0x7D7] =	sst s26  }
0x177: {  	v4 =	vld [tilespmem:s6+$0x9070];
	[tilespmem:s16+$0x0] =	vst.msk vm0, v3;
	s26 =	sor.u32 s0, s19;
	s28 =	sor.u32 s22, s11;
	s16 =	sld [smem:$0x7E1]  }
0x178: {  	[tilespmem:s17+$0x0] =	vst.msk vm1, v2;
	s17 =	smov.u32 s21;
	v3 =	vld [tilespmem:s12+$0x9070];
	s12 =	sor.u32 $0x878, s13;
	s13 =	sshll.u32 s10, $0x9  }
0x179: {  	s18 =	smov.u32 s0;
	[smem:$0x7B0] =	sst s17;
	s15 =	sand.u32 $0x3FFFF000, s13  }
0x17a: {  	s22 =	smov.u32 s23;
	[tilespmem:s3+$0x0] =	vst.msk vm0, v1;
	[smem:$0x7AC] =	sst s18;
	s1 =	sadd.s32 $0x12000, s15  }
0x17b: {  	s3 =	sadd.s32 $0x400, s21;
	v2 =	vld [tilespmem:s26+$0x0];
	[tilespmem:s7+$0x0] =	vst.msk vm1, v5;
	s21 =	sld [smem:$0x7D6];
	s7 =	sor.u32 s29, s1  }
0x17c: {  	[smem:$0x7B6] =	sst s22;
	s25 =	sor.u32 $0x10, s7  }
0x17d: {  	v1 =	vld [tilespmem:s24+$0x9070];
	s24 =	sor.u32 s9, s11;
	s11 =	sor.u32 $0x450, s7;
	[smem:$0x7AD] =	sst s25  }
0x17e: {  	[tilespmem:s16+$0x0] =	vst.msk vm1, v4;
	s16 =	sor.u32 $0x18, s7;
	[smem:$0x7B2] =	sst s11  }
0x17f: {  	s17 =	sor.u32 $0x458, s7;
	[smem:$0x7B4] =	sst s16  }
0x180: {  	s18 =	sor.u32 $0x20, s7;
	[smem:$0x7B7] =	sst s17  }
0x181: {  	s22 =	sor.u32 $0x28, s7;
	[smem:$0x7BA] =	sst s18  }
0x182: {  	s4 =	sor.u32 s5, s3;
	s2 =	sor.u32 $0x470, s7;
	[smem:$0x7C0] =	sst s22  }
0x183: {  	v5 =	vld [tilespmem:s4+$0x0];
	[tilespmem:s12+$0x0] =	vst.msk vm1, v0;
	s12 =	sor.u32 s23, s3;
	[smem:$0x7CC] =	sst s2  }
0x184: {  	s3 =	sor.u32 s19, s1;
	s1 =	sor.u32 $0x70, s7;
	s18 =	sld [smem:$0x7D8]  }
0x185: {  	[smem:$0x7C8] =	sst s1  }
0x186: {  	s25 =	sor.u32 $0x30, s7;
	s2 =	sld [smem:$0x7E3]  }
0x187: {  	s6 =	sor.u32 s29, s0;
	s11 =	sor.u32 $0x38, s7;
	[smem:$0x7C7] =	sst s25  }
0x188: {  	v4 =	vld [tilespmem:s6+$0x0];
	[tilespmem:s31+$0x0] =	vst.msk vm1, v3;
	s16 =	sor.u32 $0x478, s7;
	[smem:$0x7E0] =	sst s11  }
0x189: {  	v3 =	vld [tilespmem:s12+$0x0];
	[tilespmem:s21+$0x0] =	vst.msk vm1, v1;
	s21 =	sor.u32 $0x460, s7;
	[smem:$0x7E1] =	sst s16  }
0x18a: {  	s25 =	sor.u32 $0x50, s7;
	[smem:$0x7BD] =	sst s21  }
0x18b: {  	s23 =	sor.u32 $0x40, s8;
	v0 =	vld [tilespmem:s28+$0x0];
	[tilespmem:s3+$0x0] =	vst.msk vm0, v2;
	s16 =	sor.u32 $0x58, s7;
	[smem:$0x7AF] =	sst s25  }
0x18c: {  	v2 =	vld [tilespmem:s26+$0x9000];
	[tilespmem:s23+$0x0] =	vst.msk vm0, v5;
	s23 =	sor.u32 $0x468, s7;
	[smem:$0x7B5] =	sst s16  }
0x18d: {  	s25 =	sor.u32 $0x828, s7;
	[smem:$0x7C3] =	sst s23  }
0x18e: {  	s16 =	sor.u32 $0x78, s7;
	[smem:$0x7C4] =	sst s25  }
0x18f: {  	[smem:$0x7F0] =	sst s16;
	s16 =	sor.u32 $0x858, s7  }
0x190: {  	s9 =	sor.u32 $0x400, s20;
	v5 =	vld [tilespmem:s4+$0x9000];
	[smem:$0x7B9] =	sst s16  }
0x191: {  	v1 =	vld [tilespmem:s24+$0x0];
	s21 =	sor.u32 $0x40, s7;
	[tilespmem:s9+$0x0] =	vst.msk vm0, v0;
	s9 =	sld [smem:$0x7E2]  }
0x192: {  	s17 =	sor.u32 $0x440, s3;
	s16 =	sor.u32 $0x428, s7;
	[tilespmem:s7+$0x0] =	vst.msk vm0, v4;
	[smem:$0x7E2] =	sst s21;
	v0 =	vld [tilespmem:s28+$0x9000]  }
0x193: {  	[smem:$0x7C2] =	sst s16;
	s16 =	sor.u32 $0x430, s7;
	v4 =	vld [tilespmem:s6+$0x9000];
	[tilespmem:s17+$0x0] =	vst.msk vm1, v2  }
0x194: {  	s22 =	sor.u32 $0x800, s8;
	[smem:$0x7CB] =	sst s16;
	v2 =	vld [tilespmem:s26+$0x10];
	[tilespmem:s9+$0x0] =	vst.msk vm0, v3  }
0x195: {  	s17 =	sor.u32 $0x818, s7;
	s16 =	sld [smem:$0x7DA];
	[tilespmem:s22+$0x0] =	vst.msk vm1, v5;
	v3 =	vld [tilespmem:s12+$0x9000]  }
0x196: {  	s23 =	sor.u32 $0x840, s20;
	[smem:$0x7B8] =	sst s17;
	s9 =	sor.u32 $0x810, s7;
	[tilespmem:s18+$0x0] =	vst.msk vm0, v1;
	v5 =	vld [tilespmem:s4+$0x10]  }
0x197: {  	s0 =	sor.u32 $0x440, s7;
	[smem:$0x7B3] =	sst s9;
	s18 =	sor.u32 $0x60, s7;
	v1 =	vld [tilespmem:s24+$0x9000];
	[tilespmem:s23+$0x0] =	vst.msk vm1, v0  }
0x198: {  	s17 =	sor.u32 $0x8, s3;
	[smem:$0x7BB] =	sst s18;
	[tilespmem:s0+$0x0] =	vst.msk vm1, v4;
	v0 =	vld [tilespmem:s28+$0x10]  }
0x199: {  	s22 =	sor.u32 $0x820, s7;
	s18 =	sld [smem:$0x7D9];
	[tilespmem:s17+$0x0] =	vst.msk vm0, v2  }
0x19a: {  	[smem:$0x7BE] =	sst s22;
	s22 =	sor.u32 $0x48, s8;
	s23 =	sor.u32 $0x68, s7;
	v4 =	vld [tilespmem:s6+$0x10];
	[tilespmem:s2+$0x0] =	vst.msk vm1, v3  }
0x19b: {  	[smem:$0x7C1] =	sst s23;
	v2 =	vld [tilespmem:s26+$0x9010];
	[tilespmem:s22+$0x0] =	vst.msk vm0, v5;
	s22 =	sor.u32 $0x420, s7  }
0x19c: {  	s23 =	sor.u32 $0x408, s20;
	v3 =	vld [tilespmem:s12+$0x10];
	[tilespmem:s18+$0x0] =	vst.msk vm1, v1;
	[smem:$0x7BC] =	sst s22;
	s22 =	sor.u32 $0x868, s7  }
0x19d: {  	v5 =	vld [tilespmem:s4+$0x9010];
	[smem:$0x7C6] =	sst s22;
	[tilespmem:s23+$0x0] =	vst.msk vm0, v0;
	s23 =	sor.u32 $0x860, s7  }
0x19e: {  	s13 =	sor.u32 $0x8, s7;
	v1 =	vld [tilespmem:s24+$0x10];
	[smem:$0x7BF] =	sst s23  }
0x19f: {  	s15 =	sor.u32 $0x448, s7;
	s22 =	sor.u32 $0x870, s7;
	s23 =	sld [smem:$0x7E4]  }
0x1a0: {  	s11 =	sor.u32 $0x48, s7;
	s9 =	sor.u32 $0x830, s7;
	[tilespmem:s13+$0x0] =	vst.msk vm0, v4;
	[smem:$0x7D0] =	sst s22  }
0x1a1: {  	s22 =	smov.u32 s5;
	s5 =	smov.u32 s11;
	s11 =	sld [smem:$0x7F1];
	v4 =	vld [tilespmem:s6+$0x9010]  }
0x1a2: {  	s31 =	sor.u32 $0x808, s7;
	s21 =	sor.u32 $0x800, s7;
	[smem:$0x7CD] =	sst s9;
	[tilespmem:s23+$0x0] =	vst.msk vm0, v3  }
0x1a3: {  	[smem:$0x7E4] =	sst s5;
	s5 =	smov.u32 s31;
	s23 =	sor.u32 $0x448, s3;
	v3 =	vld [tilespmem:s12+$0x9010];
	[tilespmem:s16+$0x0] =	vst.msk vm0, v1  }
0x1a4: {  	v0 =	vld [tilespmem:s28+$0x9010];
	s31 =	smov.u32 s11;
	s11 =	sld [smem:$0x7F2];
	[tilespmem:s23+$0x0] =	vst.msk vm1, v2;
	s23 =	sor.u32 $0x808, s8  }
0x1a5: {  	v2 =	vld [tilespmem:s26+$0x20];
	[tilespmem:s23+$0x0] =	vst.msk vm1, v5;
	s23 =	smov.u32 s29;
	s29 =	smov.u32 s19;
	s19 =	rddreg [dreg:$0x3]  }
0x1a6: {  	v1 =	vld [tilespmem:s24+$0x9010];
	[tilespmem:s15+$0x0] =	vst.msk vm1, v4;
	s15 =	smov.u32 s21;
	s21 =	sld [smem:$0x7AC]  }
0x1a7: {  	[smem:$0x7E3] =	sst s15  }
0x1a8: {  	s15 =	sld [smem:$0x7E5]  }
0x1a9: {  	s9 =	sor.u32 $0x400, s7;
	[smem:$0x7E5] =	sst s5  }
0x1aa: {  	s2 =	sor.u32 $0x838, s7;
	s18 =	smov.u32 s14;
	s5 =	sld [smem:$0x7DB]  }
0x1ab: {  	s13 =	sor.u32 $0x848, s20;
	v4 =	vld [tilespmem:s6+$0x20];
	[tilespmem:s15+$0x0] =	vst.msk vm1, v3;
	s15 =	smov.u32 s2;
	s2 =	rddreg [dreg:$0x1d]  }
0x1ac: {  	v5 =	vld [tilespmem:s4+$0x20];
	[tilespmem:s13+$0x0] =	vst.msk vm1, v0;
	s13 =	smov.u32 s20;
	s20 =	smov.u32 s8;
	[smem:$0x7F1] =	sst s15  }
0x1ad: {  	s8 =	smov.u32 s3;
	v0 =	vld [tilespmem:s28+$0x20];
	s15 =	smov.u32 s11;
	s11 =	sld [smem:$0x7F3]  }
0x1ae: {  	s3 =	sor.u32 $0x10, s8;
	v3 =	vld [tilespmem:s12+$0x20];
	[tilespmem:s5+$0x0] =	vst.msk vm1, v1;
	s5 =	smov.u32 s9;
	[smem:$0x7D8] =	sst s15  }
0x1af: {  	s14 =	sor.u32 $0x840, s7;
	[tilespmem:s3+$0x0] =	vst.msk vm0, v2;
	s3 =	smov.u32 s2;
	[smem:$0x7F2] =	sst s5  }
0x1b0: {  	s9 =	sor.u32 $0x50, s20;
	s5 =	smov.u32 s14;
	[smem:$0x7DB] =	sst s3  }
0x1b1: {  	v2 =	vld [tilespmem:s26+$0x9020];
	[tilespmem:s9+$0x0] =	vst.msk vm0, v5;
	s9 =	sor.u32 $0x410, s13;
	[smem:$0x7F3] =	sst s5  }
0x1b2: {  	s1 =	sor.u32 $0x848, s7;
	v5 =	vld [tilespmem:s4+$0x9020];
	[tilespmem:s9+$0x0] =	vst.msk vm0, v0;
	s9 =	rddreg [dreg:$0x4]  }
0x1b3: {  	s5 =	smov.u32 s1;
	s1 =	sld [smem:$0x7B2]  }
0x1b4: {  	s15 =	smov.u32 s11;
	s11 =	rddreg [dreg:$0x1f]  }
0x1b5: {  	[dreg:$0x1d] =	wrdreg s5  }
0x1b6: {  	s5 =	sld [smem:$0x7B1]  }
0x1b7: {  	[smem:$0x7D9] =	sst s15  }
0x1b8: {  	s0 =	sor.u32 $0x408, s7;
	s14 =	smov.u32 s11;
	s11 =	sld [smem:$0x7AD]  }
0x1b9: {  	s15 =	smov.u32 s0;
	s0 =	sld [smem:$0x7AF]  }
0x1ba: {  	[smem:$0x7DA] =	sst s14  }
0x1bb: {  	[dreg:$0x1f] =	wrdreg s15  }
0x1bc: {  	s15 =	sld [smem:$0x7AE]  }
0x1bd: {  	s14 =	smov.u32 s18;
	s18 =	sld [smem:$0x7E6]  }
0x1be: {  	s30 =	sor.u32 $0x410, s7;
	s25 =	sor.u32 $0x850, s7;
	[dreg:$0x4] =	wrdreg s14  }
0x1bf: {  	s17 =	sor.u32 $0x418, s7;
	s2 =	smov.u32 s0;
	s0 =	sld [smem:$0x7B8]  }
0x1c0: {  	s16 =	sor.u32 $0x438, s7;
	s7 =	sor.u32 $0x878, s7;
	[smem:$0x7E6] =	sst s2  }
0x1c1: {  	v1 =	vld [tilespmem:s24+$0x20];
	[tilespmem:s11+$0x0] =	vst.msk vm0, v4;
	s11 =	smov.u32 s7;
	s7 =	smov.u32 s30;
	s2 =	rddreg [dreg:$0x1c]  }
0x1c2: {  	s14 =	smov.u32 s16;
	s16 =	smov.u32 s15;
	[dreg:$0x1c] =	wrdreg s7  }
0x1c3: {  	s3 =	smov.u32 s9;
	v0 =	vld [tilespmem:s28+$0x9020];
	s9 =	sor.u32 $0x450, s8;
	[smem:$0x7D6] =	sst s16  }
0x1c4: {  	[tilespmem:s9+$0x0] =	vst.msk vm1, v2;
	v4 =	vld [tilespmem:s6+$0x9020];
	s15 =	smov.u32 s5;
	s16 =	sld [smem:$0x7DC];
	s5 =	smov.u32 s2  }
0x1c5: {  	s9 =	sor.u32 $0x810, s20;
	v2 =	vld [tilespmem:s26+$0x30];
	[tilespmem:s18+$0x0] =	vst.msk vm0, v3;
	[smem:$0x7DC] =	sst s5  }
0x1c6: {  	[tilespmem:s9+$0x0] =	vst.msk vm1, v5;
	v3 =	vld [tilespmem:s12+$0x9020];
	s5 =	sld [smem:$0x7B3]  }
0x1c7: {  	s2 =	sld [smem:$0x7E7];
	[tilespmem:s16+$0x0] =	vst.msk vm0, v1;
	s16 =	sor.u32 $0x850, s13  }
0x1c8: {  	v5 =	vld [tilespmem:s4+$0x30];
	[tilespmem:s16+$0x0] =	vst.msk vm1, v0;
	s16 =	sld [smem:$0x7DD]  }
0x1c9: {  	v1 =	vld [tilespmem:s24+$0x9020];
	[tilespmem:s1+$0x0] =	vst.msk vm1, v4;
	s7 =	smov.u32 s5;
	s1 =	sld [smem:$0x7E8]  }
0x1ca: {  	[smem:$0x7E7] =	sst s7  }
0x1cb: {  	v4 =	vld [tilespmem:s6+$0x30];
	[tilespmem:s2+$0x0] =	vst.msk vm1, v3;
	s2 =	rddreg [dreg:$0x1b]  }
0x1cc: {  	s7 =	smov.u32 s25;
	s25 =	sld [smem:$0x7B4]  }
0x1cd: {  	s9 =	sor.u32 $0x18, s8;
	v0 =	vld [tilespmem:s28+$0x30];
	s5 =	smov.u32 s2;
	s2 =	sld [smem:$0x7B5]  }
0x1ce: {  	[tilespmem:s9+$0x0] =	vst.msk vm0, v2;
	s9 =	sor.u32 $0x58, s20;
	[dreg:$0x1b] =	wrdreg s7  }
0x1cf: {  	v2 =	vld [tilespmem:s26+$0x9030];
	[tilespmem:s9+$0x0] =	vst.msk vm0, v5;
	s9 =	sld [smem:$0x7DE]  }
0x1d0: {  	v3 =	vld [tilespmem:s12+$0x30];
	[smem:$0x7DD] =	sst s5;
	s5 =	smov.u32 s2  }
0x1d1: {  	[tilespmem:s16+$0x0] =	vst.msk vm1, v1;
	s16 =	sor.u32 $0x418, s13;
	[smem:$0x7E8] =	sst s5  }
0x1d2: {  	v5 =	vld [tilespmem:s4+$0x9030];
	[tilespmem:s16+$0x0] =	vst.msk vm0, v0;
	s16 =	rddreg [dreg:$0x18]  }
0x1d3: {  	v1 =	vld [tilespmem:s24+$0x30];
	s5 =	smov.u32 s17;
	s17 =	sld [smem:$0x7B7]  }
0x1d4: {  	[tilespmem:s25+$0x0] =	vst.msk vm0, v4;
	v0 =	vld [tilespmem:s28+$0x9030];
	[dreg:$0x18] =	wrdreg s5  }
0x1d5: {  	s7 =	sor.u32 $0x458, s8;
	v4 =	vld [tilespmem:s6+$0x9030];
	[tilespmem:s1+$0x0] =	vst.msk vm0, v3;
	s25 =	smov.u32 s16;
	s5 =	sld [smem:$0x7DF]  }
0x1d6: {  	[tilespmem:s7+$0x0] =	vst.msk vm1, v2;
	s7 =	sor.u32 $0x818, s20;
	[smem:$0x7DE] =	sst s25  }
0x1d7: {  	s2 =	smov.u32 s0;
	v2 =	vld [tilespmem:s26+$0x40];
	[tilespmem:s7+$0x0] =	vst.msk vm1, v5;
	s25 =	sld [smem:$0x7E9]  }
0x1d8: {  	s16 =	sor.u32 $0x858, s13;
	v3 =	vld [tilespmem:s12+$0x9030];
	[smem:$0x7E9] =	sst s2;
	[tilespmem:s9+$0x0] =	vst.msk vm0, v1  }
0x1d9: {  	s7 =	rddreg [dreg:$0x17];
	v5 =	vld [tilespmem:s4+$0x40];
	[tilespmem:s16+$0x0] =	vst.msk vm1, v0  }
0x1da: {  	v1 =	vld [tilespmem:s24+$0x9030];
	[tilespmem:s17+$0x0] =	vst.msk vm1, v4;
	s16 =	smov.u32 s7;
	s17 =	sld [smem:$0x7B9]  }
0x1db: {  	[smem:$0x7DF] =	sst s16  }
0x1dc: {  	v0 =	vld [tilespmem:s28+$0x40];
	s16 =	sld [smem:$0x7BB]  }
0x1dd: {  	s0 =	sor.u32 $0x20, s8;
	s7 =	sld [smem:$0x7EA];
	v4 =	vld [tilespmem:s6+$0x40];
	[tilespmem:s25+$0x0] =	vst.msk vm1, v3;
	s25 =	smov.u32 s17  }
0x1de: {  	s1 =	sor.u32 $0x60, s20;
	[tilespmem:s0+$0x0] =	vst.msk vm0, v2;
	v3 =	vld [tilespmem:s12+$0x40];
	[dreg:$0x17] =	wrdreg s25  }
0x1df: {  	v2 =	vld [tilespmem:s26+$0x9040];
	[tilespmem:s1+$0x0] =	vst.msk vm0, v5;
	s17 =	smov.u32 s16;
	s16 =	sld [smem:$0x7BC]  }
0x1e0: {  	v5 =	vld [tilespmem:s4+$0x9040];
	[tilespmem:s5+$0x0] =	vst.msk vm1, v1;
	s5 =	sld [smem:$0x7BA]  }
0x1e1: {  	s2 =	sor.u32 $0x420, s13;
	[smem:$0x7EA] =	sst s17  }
0x1e2: {  	[tilespmem:s2+$0x0] =	vst.msk vm0, v0;
	s2 =	rddreg [dreg:$0x1a]  }
0x1e3: {  	s25 =	sor.u32 $0x460, s8;
	v1 =	vld [tilespmem:s24+$0x40];
	s17 =	smov.u32 s16;
	[tilespmem:s5+$0x0] =	vst.msk vm0, v4;
	s5 =	rddreg [dreg:$0x16]  }
0x1e4: {  	v0 =	vld [tilespmem:s28+$0x9040];
	[tilespmem:s25+$0x0] =	vst.msk vm1, v2;
	s25 =	sor.u32 $0x820, s20;
	[dreg:$0x16] =	wrdreg s17  }
0x1e5: {  	v2 =	vld [tilespmem:s26+$0x50];
	[tilespmem:s25+$0x0] =	vst.msk vm1, v5;
	s25 =	rddreg [dreg:$0x8]  }
0x1e6: {  	v4 =	vld [tilespmem:s6+$0x9040];
	[tilespmem:s7+$0x0] =	vst.msk vm0, v3;
	s7 =	smov.u32 s5;
	s5 =	sld [smem:$0x7EB]  }
0x1e7: {  	[dreg:$0x1a] =	wrdreg s7  }
0x1e8: {  	v5 =	vld [tilespmem:s4+$0x50];
	s7 =	sld [smem:$0x7BE]  }
0x1e9: {  	s1 =	sor.u32 $0x860, s13;
	v3 =	vld [tilespmem:s12+$0x9040];
	[tilespmem:s2+$0x0] =	vst.msk vm0, v1;
	s2 =	sld [smem:$0x7BD]  }
0x1ea: {  	[tilespmem:s1+$0x0] =	vst.msk vm1, v0;
	s1 =	rddreg [dreg:$0x11]  }
0x1eb: {  	s17 =	sor.u32 $0x28, s8;
	s16 =	smov.u32 s7;
	s7 =	sld [smem:$0x7BF]  }
0x1ec: {  	v0 =	vld [tilespmem:s28+$0x50];
	[tilespmem:s17+$0x0] =	vst.msk vm0, v2;
	[smem:$0x7EB] =	sst s16  }
0x1ed: {  	v1 =	vld [tilespmem:s24+$0x9040];
	s17 =	sor.u32 $0x68, s20;
	[tilespmem:s2+$0x0] =	vst.msk vm1, v4;
	s2 =	sld [smem:$0x7EC]  }
0x1ee: {  	v2 =	vld [tilespmem:s26+$0x9050];
	[tilespmem:s17+$0x0] =	vst.msk vm0, v5;
	s17 =	rddreg [dreg:$0x10]  }
0x1ef: {  	v4 =	vld [tilespmem:s6+$0x50];
	[tilespmem:s5+$0x0] =	vst.msk vm1, v3;
	s5 =	smov.u32 s1;
	s1 =	sld [smem:$0x7C0]  }
0x1f0: {  	[dreg:$0x8] =	wrdreg s5  }
0x1f1: {  	s16 =	smov.u32 s7;
	s5 =	sld [smem:$0x7C1]  }
0x1f2: {  	v3 =	vld [tilespmem:s12+$0x50];
	[tilespmem:s25+$0x0] =	vst.msk vm1, v1;
	[dreg:$0x11] =	wrdreg s16;
	s25 =	sor.u32 $0x428, s13  }
0x1f3: {  	v5 =	vld [tilespmem:s4+$0x9050];
	s16 =	rddreg [dreg:$0x7];
	[tilespmem:s25+$0x0] =	vst.msk vm0, v0;
	s25 =	smov.u32 s17  }
0x1f4: {  	[dreg:$0x7] =	wrdreg s25  }
0x1f5: {  	v1 =	vld [tilespmem:s24+$0x50];
	s7 =	smov.u32 s5;
	s5 =	sld [smem:$0x7C2]  }
0x1f6: {  	s0 =	sor.u32 $0x468, s8;
	s25 =	sld [smem:$0x7C3]  }
0x1f7: {  	v0 =	vld [tilespmem:s28+$0x9050];
	[tilespmem:s0+$0x0] =	vst.msk vm1, v2;
	s0 =	sld [smem:$0x7C8]  }
0x1f8: {  	[tilespmem:s1+$0x0] =	vst.msk vm0, v4;
	[smem:$0x7EC] =	sst s7;
	v2 =	vld [tilespmem:s26+$0x60]  }
0x1f9: {  	s1 =	sld [smem:$0x7ED];
	v4 =	vld [tilespmem:s6+$0x9050];
	[tilespmem:s2+$0x0] =	vst.msk vm0, v3  }
0x1fa: {  	s2 =	sld [smem:$0x7C4];
	v3 =	vld [tilespmem:s12+$0x9050];
	s7 =	smov.u32 s5;
	[tilespmem:s16+$0x0] =	vst.msk vm0, v1;
	s16 =	sor.u32 $0x828, s20  }
0x1fb: {  	s17 =	sor.u32 $0x868, s13;
	[dreg:$0x10] =	wrdreg s7;
	v1 =	vld [tilespmem:s24+$0x9050];
	[tilespmem:s16+$0x0] =	vst.msk vm1, v5  }
0x1fc: {  	v5 =	vld [tilespmem:s4+$0x60];
	[tilespmem:s17+$0x0] =	vst.msk vm1, v0;
	s17 =	sld [smem:$0x7C5]  }
0x1fd: {  	s5 =	smov.u32 s2;
	s2 =	sld [smem:$0x7C6]  }
0x1fe: {  	s7 =	sor.u32 $0x30, s8;
	s16 =	rddreg [dreg:$0x6];
	[tilespmem:s25+$0x0] =	vst.msk vm1, v4;
	v0 =	vld [tilespmem:s28+$0x60]  }
0x1ff: {  	[smem:$0x7ED] =	sst s5;
	[tilespmem:s7+$0x0] =	vst.msk vm0, v2;
	v4 =	vld [tilespmem:s6+$0x60];
	s25 =	smov.u32 s17  }
0x200: {  	[tilespmem:s1+$0x0] =	vst.msk vm1, v3;
	v2 =	vld [tilespmem:s26+$0x9060];
	s17 =	smov.u32 s2;
	s2 =	smov.u32 s0;
	s0 =	sld [smem:$0x7CD]  }
0x201: {  	s5 =	sor.u32 $0x70, s20;
	v3 =	vld [tilespmem:s12+$0x60];
	[tilespmem:s16+$0x0] =	vst.msk vm1, v1;
	s16 =	sld [smem:$0x7C7]  }
0x202: {  	s7 =	sor.u32 $0x430, s13;
	[dreg:$0x6] =	wrdreg s25;
	v1 =	vld [tilespmem:s24+$0x60];
	[tilespmem:s5+$0x0] =	vst.msk vm0, v5  }
0x203: {  	s25 =	sld [smem:$0x7EE];
	v5 =	vld [tilespmem:s4+$0x9060];
	[tilespmem:s7+$0x0] =	vst.msk vm0, v0  }
0x204: {  	s5 =	sor.u32 $0x470, s8;
	s7 =	sld [smem:$0x7C9];
	[tilespmem:s16+$0x0] =	vst.msk vm0, v4  }
0x205: {  	v0 =	vld [tilespmem:s28+$0x9060];
	s16 =	sld [smem:$0x7CA];
	[tilespmem:s5+$0x0] =	vst.msk vm1, v2  }
0x206: {  	v4 =	vld [tilespmem:s6+$0x9060];
	[tilespmem:s25+$0x0] =	vst.msk vm0, v3;
	s25 =	sld [smem:$0x7CB]  }
0x207: {  	[smem:$0x7EE] =	sst s2;
	v2 =	vld [tilespmem:s26+$0x70]  }
0x208: {  	s2 =	sor.u32 $0x830, s20;
	v3 =	vld [tilespmem:s12+$0x9060];
	[tilespmem:s7+$0x0] =	vst.msk vm0, v1;
	s30 =	smov.u32 s16;
	s7 =	sld [smem:$0x7CC]  }
0x209: {  	s16 =	smov.u32 s25;
	[tilespmem:s2+$0x0] =	vst.msk vm1, v5;
	s25 =	sld [smem:$0x7EF];
	s2 =	smov.u32 s0  }
0x20a: {  	s5 =	sor.u32 $0x870, s13;
	v1 =	vld [tilespmem:s24+$0x9060];
	[smem:$0x7EF] =	sst s2  }
0x20b: {  	p1 =	slt.u32 s10, $0x2E;
	v5 =	vld [tilespmem:s4+$0x70];
	[tilespmem:s5+$0x0] =	vst.msk vm1, v0;
	s5 =	sld [smem:$0x7CE]  }
.Ltmp2:
0x20c: {  	s0 =	sor.u32 $0x38, s8;
	s2 =	sld [smem:$0x7D0];
	[tilespmem:s7+$0x0] =	vst.msk vm1, v4;
	v0 =	vld [tilespmem:s28+$0x70];
	(pc) =	sbr.rel @p1 .LBB2_3-.Ltmp2, $4  }
0x20d: {  	s7 =	sld [smem:$0x7CF];
	[tilespmem:s0+$0x0] =	vst.msk vm0, v2;
	v4 =	vld [tilespmem:s6+$0x70]  }
0x20e: {  	s18 =	sld [smem:$0x7B0];
	[tilespmem:s25+$0x0] =	vst.msk vm1, v3;
	v2 =	vld [tilespmem:s26+$0x9070]  }
0x20f: {  	s9 =	sld [smem:$0x7B6];
	v3 =	vld [tilespmem:s12+$0x70];
	[tilespmem:s5+$0x0] =	vst.msk vm1, v1;
	s5 =	sor.u32 $0x78, s20  }
0x210: {  	s25 =	smov.u32 s7;
	s7 =	smov.u32 s2;
	s2 =	sor.u32 $0x438, s13;
	v1 =	vld [tilespmem:s24+$0x70];
	[tilespmem:s5+$0x0] =	vst.msk vm0, v5  }
0x211: {  	s0 =	sld [smem:$0x7E0];
	_ =	sdelay $0x2  }
0x212: {  	[tilespmem:s0+$0x0] =	vst.msk vm0, v4  }
0x213: {  	s0 =	sld [smem:$0x7D7];
	_ =	sdelay $0x1  }
0x214: {  	v5 =	vld [tilespmem:s4+$0x9070]  }
0x215: {  	v4 =	vld [tilespmem:s6+$0x9070];
	[tilespmem:s0+$0x0] =	vst.msk vm0, v3  }
0x216: {  	v3 =	vld [tilespmem:s12+$0x9070];
	s12 =	sor.u32 $0x478, s8  }
0x217: {  	s1 =	sadd.s32 $0x400, s21;
	[tilespmem:s12+$0x0] =	vst.msk vm1, v2  }
0x218: {  	s0 =	sor.u32 s29, s1;
	s19 =	sld [smem:$0x7E1]  }
0x219: {  	s5 =	sor.u32 $0x838, s20;
	v2 =	vld [tilespmem:s0+$0x0]  }
0x21a: {  	s26 =	sadd.s32 $0x800, s18;
	[tilespmem:s5+$0x0] =	vst.msk vm1, v5  }
0x21b: {  	s6 =	sor.u32 s22, s26;
	[tilespmem:s19+$0x0] =	vst.msk vm1, v4  }
0x21c: {  	s1 =	sor.u32 s23, s1;
	[tilespmem:s31+$0x0] =	vst.msk vm1, v3;
	v3 =	vld [tilespmem:s6+$0x0]  }
0x21d: {  	s5 =	sor.u32 $0x40, s8;
	v4 =	vld [tilespmem:s1+$0x0]  }
0x21e: {  	[tilespmem:s5+$0x0] =	vst.msk vm0, v2  }
0x21f: {  	s5 =	sld [smem:$0x7E2]  }
0x220: {  	s10 =	sor.u32 $0x400, s20;
	s4 =	sor.u32 s9, s26;
	v2 =	vld [tilespmem:s0+$0x9000]  }
0x221: {  	v5 =	vld [tilespmem:s4+$0x0];
	[tilespmem:s10+$0x0] =	vst.msk vm0, v3  }
0x222: {  	[tilespmem:s5+$0x0] =	vst.msk vm0, v4  }
0x223: {  	s5 =	sld [smem:$0x7D8]  }
0x224: {  	s12 =	sor.u32 $0x800, s8;
	v3 =	vld [tilespmem:s6+$0x9000]  }
0x225: {  	v4 =	vld [tilespmem:s1+$0x9000];
	[tilespmem:s12+$0x0] =	vst.msk vm1, v2  }
0x226: {  	[tilespmem:s5+$0x0] =	vst.msk vm0, v5  }
0x227: {  	s5 =	sld [smem:$0x7E3]  }
0x228: {  	s18 =	sor.u32 $0x840, s20;
	v2 =	vld [tilespmem:s0+$0x10]  }
0x229: {  	v5 =	vld [tilespmem:s4+$0x9000];
	[tilespmem:s18+$0x0] =	vst.msk vm1, v3  }
0x22a: {  	[tilespmem:s5+$0x0] =	vst.msk vm1, v4  }
0x22b: {  	s5 =	sld [smem:$0x7D9]  }
0x22c: {  	s19 =	sor.u32 $0x48, s8;
	v3 =	vld [tilespmem:s6+$0x10]  }
0x22d: {  	v4 =	vld [tilespmem:s1+$0x10];
	[tilespmem:s19+$0x0] =	vst.msk vm0, v2  }
0x22e: {  	[tilespmem:s5+$0x0] =	vst.msk vm1, v5  }
0x22f: {  	s5 =	sld [smem:$0x7E4]  }
0x230: {  	s22 =	sor.u32 $0x408, s20;
	v2 =	vld [tilespmem:s0+$0x9010]  }
0x231: {  	v5 =	vld [tilespmem:s4+$0x10];
	[tilespmem:s22+$0x0] =	vst.msk vm0, v3  }
0x232: {  	[tilespmem:s5+$0x0] =	vst.msk vm0, v4  }
0x233: {  	s5 =	sld [smem:$0x7DA]  }
0x234: {  	s26 =	sor.u32 $0x808, s8;
	v3 =	vld [tilespmem:s6+$0x9010]  }
0x235: {  	v4 =	vld [tilespmem:s1+$0x9010];
	[tilespmem:s26+$0x0] =	vst.msk vm1, v2  }
0x236: {  	[tilespmem:s5+$0x0] =	vst.msk vm0, v5  }
0x237: {  	s5 =	sld [smem:$0x7E5]  }
0x238: {  	s9 =	sor.u32 $0x848, s20;
	v2 =	vld [tilespmem:s0+$0x20]  }
0x239: {  	v5 =	vld [tilespmem:s4+$0x9010];
	[tilespmem:s9+$0x0] =	vst.msk vm1, v3  }
0x23a: {  	[tilespmem:s5+$0x0] =	vst.msk vm1, v4  }
0x23b: {  	s5 =	sld [smem:$0x7DB]  }
0x23c: {  	s10 =	sor.u32 $0x50, s8;
	v3 =	vld [tilespmem:s6+$0x20]  }
0x23d: {  	v4 =	vld [tilespmem:s1+$0x20];
	[tilespmem:s10+$0x0] =	vst.msk vm0, v2  }
0x23e: {  	[tilespmem:s5+$0x0] =	vst.msk vm1, v5  }
0x23f: {  	s5 =	sld [smem:$0x7E6]  }
0x240: {  	s12 =	sor.u32 $0x410, s20;
	v2 =	vld [tilespmem:s0+$0x9020]  }
0x241: {  	v5 =	vld [tilespmem:s4+$0x20];
	[tilespmem:s12+$0x0] =	vst.msk vm0, v3  }
0x242: {  	[tilespmem:s5+$0x0] =	vst.msk vm0, v4  }
0x243: {  	s5 =	sld [smem:$0x7DC]  }
0x244: {  	s18 =	sor.u32 $0x810, s8;
	v3 =	vld [tilespmem:s6+$0x9020]  }
0x245: {  	v4 =	vld [tilespmem:s1+$0x9020];
	[tilespmem:s18+$0x0] =	vst.msk vm1, v2  }
0x246: {  	[tilespmem:s5+$0x0] =	vst.msk vm0, v5  }
0x247: {  	s5 =	sld [smem:$0x7E7]  }
0x248: {  	s19 =	sor.u32 $0x850, s20;
	v2 =	vld [tilespmem:s0+$0x30]  }
0x249: {  	v5 =	vld [tilespmem:s4+$0x9020];
	[tilespmem:s19+$0x0] =	vst.msk vm1, v3  }
0x24a: {  	[tilespmem:s5+$0x0] =	vst.msk vm1, v4  }
0x24b: {  	s5 =	sld [smem:$0x7DD]  }
0x24c: {  	s22 =	sor.u32 $0x58, s8;
	v3 =	vld [tilespmem:s6+$0x30]  }
0x24d: {  	v4 =	vld [tilespmem:s1+$0x30];
	[tilespmem:s22+$0x0] =	vst.msk vm0, v2  }
0x24e: {  	[tilespmem:s5+$0x0] =	vst.msk vm1, v5  }
0x24f: {  	s5 =	sld [smem:$0x7E8]  }
0x250: {  	s26 =	sor.u32 $0x418, s20;
	v2 =	vld [tilespmem:s0+$0x9030]  }
0x251: {  	v5 =	vld [tilespmem:s4+$0x30];
	[tilespmem:s26+$0x0] =	vst.msk vm0, v3  }
0x252: {  	[tilespmem:s5+$0x0] =	vst.msk vm0, v4  }
0x253: {  	s5 =	sld [smem:$0x7DE]  }
0x254: {  	s9 =	sor.u32 $0x818, s8;
	v3 =	vld [tilespmem:s6+$0x9030];
	[tilespmem:s2+$0x0] =	vst.msk vm0, v0  }
0x255: {  	v4 =	vld [tilespmem:s1+$0x9030];
	[tilespmem:s9+$0x0] =	vst.msk vm1, v2  }
0x256: {  	[tilespmem:s5+$0x0] =	vst.msk vm0, v5  }
0x257: {  	v5 =	vld [tilespmem:s28+$0x9070];
	s2 =	sld [smem:$0x7E9]  }
0x258: {  	s10 =	sor.u32 $0x858, s20;
	v2 =	vld [tilespmem:s0+$0x40];
	[tilespmem:s3+$0x0] =	vst.msk vm0, v1  }
0x259: {  	v0 =	vld [tilespmem:s4+$0x9030];
	[tilespmem:s10+$0x0] =	vst.msk vm1, v3  }
0x25a: {  	[tilespmem:s2+$0x0] =	vst.msk vm1, v4  }
0x25b: {  	s12 =	sor.u32 $0x878, s13;
	s2 =	sld [smem:$0x7DF]  }
0x25c: {  	s13 =	sor.u32 $0x60, s8;
	[tilespmem:s12+$0x0] =	vst.msk vm1, v5  }
0x25d: {  	v1 =	vld [tilespmem:s1+$0x40];
	[tilespmem:s13+$0x0] =	vst.msk vm0, v2  }
0x25e: {  	[tilespmem:s2+$0x0] =	vst.msk vm1, v0  }
0x25f: {  	s2 =	sld [smem:$0x7EA]  }
0x260: {  	v0 =	vld [tilespmem:s6+$0x40]  }
0x261: {  	v4 =	vld [tilespmem:s24+$0x9070]  }
0x262: {  	[tilespmem:s2+$0x0] =	vst.msk vm0, v1;
	v1 =	vld [tilespmem:s0+$0x9040]  }
0x263: {  	v3 =	vld [tilespmem:s4+$0x40];
	s2 =	sld [smem:$0x7D6]  }
0x264: {  	s18 =	sor.u32 $0x420, s20  }
0x265: {  	[tilespmem:s18+$0x0] =	vst.msk vm0, v0  }
0x266: {  	s19 =	sor.u32 $0x820, s8;
	[tilespmem:s2+$0x0] =	vst.msk vm1, v4  }
0x267: {  	v2 =	vld [tilespmem:s1+$0x9040];
	s2 =	rddreg [dreg:$0x1a];
	[tilespmem:s19+$0x0] =	vst.msk vm1, v1  }
0x268: {  	[tilespmem:s2+$0x0] =	vst.msk vm0, v3  }
0x269: {  	v1 =	vld [tilespmem:s0+$0x50];
	s2 =	sld [smem:$0x7EB];
	_ =	sdelay $0x2  }
0x26a: {  	[tilespmem:s2+$0x0] =	vst.msk vm1, v2  }
0x26b: {  	s22 =	sor.u32 $0x68, s8;
	v2 =	vld [tilespmem:s1+$0x50]  }
0x26c: {  	[tilespmem:s22+$0x0] =	vst.msk vm0, v1  }
0x26d: {  	s2 =	sld [smem:$0x7EC];
	v1 =	vld [tilespmem:s0+$0x9050];
	_ =	sdelay $0x2  }
0x26e: {  	[tilespmem:s2+$0x0] =	vst.msk vm0, v2  }
0x26f: {  	s24 =	sor.u32 $0x828, s8;
	v2 =	vld [tilespmem:s1+$0x9050]  }
0x270: {  	[tilespmem:s24+$0x0] =	vst.msk vm1, v1  }
0x271: {  	s2 =	sld [smem:$0x7ED];
	v1 =	vld [tilespmem:s0+$0x60];
	_ =	sdelay $0x2  }
0x272: {  	[tilespmem:s2+$0x0] =	vst.msk vm1, v2  }
0x273: {  	s26 =	sor.u32 $0x70, s8;
	v2 =	vld [tilespmem:s1+$0x60]  }
0x274: {  	[tilespmem:s26+$0x0] =	vst.msk vm0, v1  }
0x275: {  	s2 =	sld [smem:$0x7EE];
	v1 =	vld [tilespmem:s0+$0x9060];
	_ =	sdelay $0x2  }
0x276: {  	[tilespmem:s2+$0x0] =	vst.msk vm0, v2  }
0x277: {  	s28 =	sor.u32 $0x830, s8;
	v2 =	vld [tilespmem:s1+$0x9060]  }
0x278: {  	[tilespmem:s28+$0x0] =	vst.msk vm1, v1  }
0x279: {  	s2 =	sld [smem:$0x7EF];
	v1 =	vld [tilespmem:s0+$0x70];
	_ =	sdelay $0x2  }
0x27a: {  	[tilespmem:s2+$0x0] =	vst.msk vm1, v2  }
0x27b: {  	s3 =	sor.u32 $0x78, s8;
	v2 =	vld [tilespmem:s1+$0x70]  }
0x27c: {  	[tilespmem:s3+$0x0] =	vst.msk vm0, v1  }
0x27d: {  	v1 =	vld [tilespmem:s0+$0x9070];
	s5 =	sld [smem:$0x7F0];
	_ =	sdelay $0x2  }
0x27e: {  	[tilespmem:s5+$0x0] =	vst.msk vm0, v2  }
0x27f: {  	s9 =	sadd.s32 $0x800, s21;
	s10 =	sor.u32 $0x838, s8;
	v2 =	vld [tilespmem:s1+$0x9070]  }
0x280: {  	[tilespmem:s10+$0x0] =	vst.msk vm1, v1;
	s1 =	sor.u32 s29, s9  }
0x281: {  	s2 =	sld [smem:$0x7F1];
	v1 =	vld [tilespmem:s1+$0x0];
	_ =	sdelay $0x2  }
0x282: {  	s0 =	sor.u32 s23, s9;
	[tilespmem:s2+$0x0] =	vst.msk vm1, v2  }
0x283: {  	s12 =	sor.u32 $0x400, s8;
	v2 =	vld [tilespmem:s0+$0x0]  }
0x284: {  	[tilespmem:s12+$0x0] =	vst.msk vm0, v1  }
0x285: {  	s2 =	sld [smem:$0x7F2];
	v1 =	vld [tilespmem:s1+$0x9000];
	_ =	sdelay $0x2  }
0x286: {  	[tilespmem:s2+$0x0] =	vst.msk vm0, v2  }
0x287: {  	s13 =	sor.u32 $0x840, s8;
	v2 =	vld [tilespmem:s0+$0x9000]  }
0x288: {  	[tilespmem:s13+$0x0] =	vst.msk vm1, v1  }
0x289: {  	s2 =	sld [smem:$0x7F3]  }
0x28a: {  	v1 =	vld [tilespmem:s1+$0x10];
	_ =	sdelay $0x1  }
0x28b: {  	[tilespmem:s2+$0x0] =	vst.msk vm1, v2  }
0x28c: {  	v2 =	vld [tilespmem:s0+$0x10]  }
0x28d: {  	s18 =	sor.u32 $0x408, s8  }
0x28e: {  	[tilespmem:s18+$0x0] =	vst.msk vm0, v1  }
0x28f: {  	v1 =	vld [tilespmem:s1+$0x9010]  }
0x290: {  	s2 =	rddreg [dreg:$0x1f]  }
0x291: {  	[tilespmem:s2+$0x0] =	vst.msk vm0, v2  }
0x292: {  	v2 =	vld [tilespmem:s0+$0x9010]  }
0x293: {  	s19 =	sor.u32 $0x848, s8  }
0x294: {  	[tilespmem:s19+$0x0] =	vst.msk vm1, v1  }
0x295: {  	v1 =	vld [tilespmem:s1+$0x20]  }
0x296: {  	s2 =	rddreg [dreg:$0x1d]  }
0x297: {  	[tilespmem:s2+$0x0] =	vst.msk vm1, v2  }
0x298: {  	v2 =	vld [tilespmem:s0+$0x20]  }
0x299: {  	s21 =	sor.u32 $0x410, s8  }
0x29a: {  	[tilespmem:s21+$0x0] =	vst.msk vm0, v1  }
0x29b: {  	v1 =	vld [tilespmem:s1+$0x9020]  }
0x29c: {  	s2 =	rddreg [dreg:$0x1c]  }
0x29d: {  	[tilespmem:s2+$0x0] =	vst.msk vm0, v2  }
0x29e: {  	v2 =	vld [tilespmem:s0+$0x9020]  }
0x29f: {  	s22 =	sor.u32 $0x850, s8  }
0x2a0: {  	[tilespmem:s22+$0x0] =	vst.msk vm1, v1  }
0x2a1: {  	v1 =	vld [tilespmem:s1+$0x30]  }
0x2a2: {  	s2 =	rddreg [dreg:$0x1b]  }
0x2a3: {  	[tilespmem:s2+$0x0] =	vst.msk vm1, v2  }
0x2a4: {  	v2 =	vld [tilespmem:s0+$0x30]  }
0x2a5: {  	s23 =	sor.u32 $0x418, s8  }
0x2a6: {  	[tilespmem:s23+$0x0] =	vst.msk vm0, v1  }
0x2a7: {  	v1 =	vld [tilespmem:s1+$0x9030]  }
0x2a8: {  	s2 =	rddreg [dreg:$0x18]  }
0x2a9: {  	[tilespmem:s2+$0x0] =	vst.msk vm0, v2  }
0x2aa: {  	v2 =	vld [tilespmem:s0+$0x9030]  }
0x2ab: {  	s24 =	sor.u32 $0x858, s8  }
0x2ac: {  	[tilespmem:s24+$0x0] =	vst.msk vm1, v1  }
0x2ad: {  	v1 =	vld [tilespmem:s1+$0x40]  }
0x2ae: {  	s2 =	rddreg [dreg:$0x17]  }
0x2af: {  	[tilespmem:s2+$0x0] =	vst.msk vm1, v2  }
0x2b0: {  	v2 =	vld [tilespmem:s0+$0x40]  }
0x2b1: {  	s26 =	sor.u32 $0x420, s8  }
0x2b2: {  	v0 =	vld [tilespmem:s6+$0x9040];
	[tilespmem:s26+$0x0] =	vst.msk vm0, v1  }
0x2b3: {  	v1 =	vld [tilespmem:s1+$0x9040]  }
0x2b4: {  	v3 =	vld [tilespmem:s4+$0x9040];
	s2 =	rddreg [dreg:$0x16]  }
0x2b5: {  	[tilespmem:s2+$0x0] =	vst.msk vm0, v2  }
0x2b6: {  	s28 =	sor.u32 $0x860, s20;
	v2 =	vld [tilespmem:s0+$0x9040]  }
0x2b7: {  	s5 =	sor.u32 $0x860, s8;
	[tilespmem:s28+$0x0] =	vst.msk vm1, v0  }
0x2b8: {  	v0 =	vld [tilespmem:s6+$0x50];
	s3 =	rddreg [dreg:$0x8];
	[tilespmem:s5+$0x0] =	vst.msk vm1, v1  }
0x2b9: {  	[tilespmem:s3+$0x0] =	vst.msk vm1, v3;
	v1 =	vld [tilespmem:s1+$0x50]  }
0x2ba: {  	v3 =	vld [tilespmem:s4+$0x50];
	s2 =	rddreg [dreg:$0x11]  }
0x2bb: {  	[tilespmem:s2+$0x0] =	vst.msk vm1, v2  }
0x2bc: {  	s9 =	sor.u32 $0x428, s20;
	v2 =	vld [tilespmem:s0+$0x50]  }
0x2bd: {  	s10 =	sor.u32 $0x428, s8;
	[tilespmem:s9+$0x0] =	vst.msk vm0, v0  }
0x2be: {  	s2 =	rddreg [dreg:$0x7];
	[tilespmem:s10+$0x0] =	vst.msk vm0, v1  }
0x2bf: {  	v0 =	vld [tilespmem:s6+$0x9050];
	[tilespmem:s2+$0x0] =	vst.msk vm0, v3  }
0x2c0: {  	v1 =	vld [tilespmem:s1+$0x9050];
	s2 =	rddreg [dreg:$0x10]  }
0x2c1: {  	v3 =	vld [tilespmem:s4+$0x9050];
	[tilespmem:s2+$0x0] =	vst.msk vm0, v2  }
0x2c2: {  	v2 =	vld [tilespmem:s0+$0x9050]  }
0x2c3: {  	s12 =	sor.u32 $0x868, s20  }
0x2c4: {  	s13 =	sor.u32 $0x868, s8;
	[tilespmem:s12+$0x0] =	vst.msk vm1, v0  }
0x2c5: {  	v0 =	vld [tilespmem:s6+$0x60];
	s2 =	rddreg [dreg:$0x6];
	[tilespmem:s13+$0x0] =	vst.msk vm1, v1  }
0x2c6: {  	[tilespmem:s2+$0x0] =	vst.msk vm1, v3;
	v1 =	vld [tilespmem:s1+$0x60]  }
0x2c7: {  	v3 =	vld [tilespmem:s4+$0x60];
	[tilespmem:s17+$0x0] =	vst.msk vm1, v2  }
0x2c8: {  	v2 =	vld [tilespmem:s0+$0x60]  }
0x2c9: {  	s17 =	sor.u32 $0x430, s20  }
0x2ca: {  	s18 =	sor.u32 $0x430, s8;
	[tilespmem:s17+$0x0] =	vst.msk vm0, v0  }
0x2cb: {  	[tilespmem:s18+$0x0] =	vst.msk vm0, v1;
	v0 =	vld [tilespmem:s6+$0x9060]  }
0x2cc: {  	[tilespmem:s30+$0x0] =	vst.msk vm0, v3;
	v1 =	vld [tilespmem:s1+$0x9060]  }
0x2cd: {  	v3 =	vld [tilespmem:s4+$0x9060];
	[tilespmem:s16+$0x0] =	vst.msk vm0, v2  }
0x2ce: {  	v2 =	vld [tilespmem:s0+$0x9060]  }
0x2cf: {  	s19 =	sor.u32 $0x870, s20  }
0x2d0: {  	s21 =	sor.u32 $0x870, s8;
	[tilespmem:s19+$0x0] =	vst.msk vm1, v0  }
0x2d1: {  	[tilespmem:s21+$0x0] =	vst.msk vm1, v1;
	v0 =	vld [tilespmem:s6+$0x70]  }
0x2d2: {  	[tilespmem:s25+$0x0] =	vst.msk vm1, v3;
	v1 =	vld [tilespmem:s1+$0x70]  }
0x2d3: {  	v3 =	vld [tilespmem:s4+$0x70];
	[tilespmem:s7+$0x0] =	vst.msk vm1, v2  }
0x2d4: {  	v2 =	vld [tilespmem:s0+$0x70]  }
0x2d5: {  	s22 =	sor.u32 $0x438, s20  }
0x2d6: {  	s23 =	sor.u32 $0x438, s8;
	[tilespmem:s22+$0x0] =	vst.msk vm0, v0  }
0x2d7: {  	s2 =	rddreg [dreg:$0x4];
	[tilespmem:s23+$0x0] =	vst.msk vm0, v1  }
0x2d8: {  	[tilespmem:s2+$0x0] =	vst.msk vm0, v3  }
0x2d9: {  	[tilespmem:s14+$0x0] =	vst.msk vm0, v2  }
0x2da: {  	s24 =	sld [smem:$0x7D4]  }
0x2db: {  	v0 =	vld [tilespmem:s6+$0x9070];
	s25 =	sld [smem:$0x7D3]  }
0x2dc: {  	v1 =	vld [tilespmem:s1+$0x9070];
	s28 =	sld [smem:$0x7D5]  }
0x2dd: {  	v3 =	vld [tilespmem:s4+$0x9070]  }
0x2de: {  	s1 =	simm.s32 $0x360000;
	v2 =	vld [tilespmem:s0+$0x9070];
	p1 =	sgt.u32 s24, $0xBF;
	s0 =	smul.u32 $0x6C0000, s25  }
0x2df: {  	s26 =	sor.u32 $0x878, s20;
	s3 =	smul.u32 $0xC00, s28;
	s1 =	simm.s32 @!p1 $0x0  }
0x2e0: {  	s4 =	sor.u32 $0x878, s8;
	[tilespmem:s26+$0x0] =	vst.msk vm1, v0;
	s0 =	sadd.s32 s0, s1  }
0x2e1: {  	[tilespmem:s4+$0x0] =	vst.msk vm1, v1;
	s0 =	sadd.s32 s3, s0  }
0x2e2: {  	s5 =	rddreg [dreg:$0x1];
	[tilespmem:s15+$0x0] =	vst.msk vm1, v3;
	s0 =	sshrl.u32 s0, $0x3  }
0x2e3: {  	s7 =	simm.s32 $0x12000;
	s6 =	simm.s32 $0x0;
	[tilespmem:s11+$0x0] =	vst.msk vm1, v2;
	s0 =	sadd.s32 s5, s0  }
0x2e4: {  	[hbm4b:s0+s6] =	stream.linear.scatter [tilespmem:s7], [sflag:$0x5], $0xC00, $0x38;
	[tilespmem:$0x1E000] =	vst v63  }
0x2e5: {  	s9 =	simm.s32 $0x13000;
	s8 =	sadd.s32 $0x12000, s0  }
0x2e6: {  	[hbm4b:s8+s6] =	stream.linear.scatter [tilespmem:s9], [sflag:$0x5], $0xC00, $0x38;
	[tilespmem:$0x1E000] =	vst v63  }
0x2e7: {  	s11 =	simm.s32 $0x14000;
	s14 =	sld [smem:$0x7D1];
	s10 =	sadd.s32 $0x24000, s0  }
0x2e8: {  	[hbm4b:s10+s6] =	stream.linear.scatter [tilespmem:s11], [sflag:$0x5], $0xC00, $0x38;
	[tilespmem:$0x1E000] =	vst v63  }
0x2e9: {  	s13 =	simm.s32 $0x15000;
	s1 =	sld [smem:$0x7FA];
	s12 =	sadd.s32 $0x36000, s0  }
0x2ea: {  	[hbm4b:s12+s6] =	stream.linear.scatter [tilespmem:s13], [sflag:$0x5], $0xC00, $0x38;
	[tilespmem:$0x1E000] =	vst v63  }
0x2eb: {  	s13 =	sld [smem:$0x7D2];
	_ =	sdelay $0x1  }
0x2ec: {  	p1 =	seq.s32 s14, $0x17  }
0x2ed: {  	s1 =	sadd.s32 @!p1 s13, s1  }
0x2ee: {  	s16 =	simm.s32 $0x16000;
	s15 =	sadd.s32 $0x48000, s0;
	s3 =	smulhi.u32 @!p1 $0xAAAAAAAB, s1  }
0x2ef: {  	[hbm4b:s15+s6] =	stream.linear.scatter [tilespmem:s16], [sflag:$0x5], $0xC00, $0x38;
	[tilespmem:$0x1E000] =	vst v63  }
0x2f0: {  	s2 =	sshrl.u32 @!p1 s3, $0x8  }
0x2f1: {  	s17 =	simm.s32 $0x17000;
	s0 =	sadd.s32 $0x5A000, s0;
	s3 =	smul.u32 @!p1 $0x180, s2  }
0x2f2: {  	[hbm4b:s0+s6] =	stream.linear.scatter [tilespmem:s17], [sflag:$0x5], $0xC00, $0x38;
	[tilespmem:$0x1E000] =	vst v63  }
0x2f3: {  	s0 =	ssub.s32 @!p1 s1, s3  }
0x2f4: {  	s1 =	smul.u32 @!p1 $0xD80000, s2;
	s2 =	sadd.s32 @!p1 $0xFFFFFF40, s0;
	p2 =	sgt.u32 @!p1 s0, $0xBF  }
0x2f5: {  	s0 =	smin.u32 @!p1 s0, s2;
	s2 =	simm.s32 @!p1 $0x4800;
	p2 =	por !p2, p1  }
0x2f6: {  	s0 =	smul.u32 @!p1 $0x12000, s0;
	s2 =	simm.s32 @p2 $0x0  }
0x2f7: {  	s1 =	sor.u32 @!p1 s1, s2  }
0x2f8: {  	s0 =	sadd.s32 @!p1 s0, s1  }
0x2f9: {  	s3 =	rddreg [dreg:$0x0];
	s1 =	sshrl.u32 @!p1 s0, $0x3;
	s0 =	sadd.s32 @!p1 $0x9000, s0  }
0x2fa: {  	s2 =	simm.s32 @!p1 $0x0;
	s1 =	sadd.s32 @!p1 s3, s1;
	s0 =	sshrl.u32 @!p1 s0, $0x3  }
0x2fb: {  	[tilespmem:s2], [sflag:$0x1] =	stream.linear.gather @!p1 [hbm4b:s1+s2], $0x4800, $0x38;
	[tilespmem:$0x1E000] =	vst v63  }
0x2fc: {  	s18 =	simm.s32 $0x2;
	s0 =	sadd.s32 @!p1 s3, s0;
	s1 =	simm.s32 @!p1 $0x9000  }
0x2fd: {  	[tilespmem:s1], [sflag:$0x3] =	stream.linear.gather @!p1 [hbm4b:s0+s2], $0x4800, $0x38;
	[tilespmem:$0x1E000] =	vst v63  }
0x2fe: {  	_ =	swait.ge [sflag:s18], $0x4800  }
0x2ff: {  	[sflag:s18] =	ssyncset.done $0x0  }
0x300: {  	s19 =	simm.s32 $0x4;
	[sflag:s18] =	ssyncadd.s32 $0xFFFFB800  }
0x301: {  	_ =	swait.ge [sflag:s19], $0x4800  }
0x302: {  	s20 =	simm.s32 $0x0;
	[sflag:s19] =	ssyncset.done $0x0  }
0x303: {  	s21 =	simm.s32 $0x0;
	s0 =	simm.s32 @!p0 $0x6;
	[sflag:s19] =	ssyncadd.s32 $0xFFFFB800  }
0x304: {  	s11 =	smul.u32 $0xC00, s21;
	s3 =	sand.u32 $0x300, s20;
	_ =	swait.ge @!p0 [sflag:s0], $0x4800  }
0x305: {  	s2 =	sor.u32 $0x80, s3;
	[sflag:s0] =	ssyncset.done @!p0 $0x0  }
0x306: {  	s5 =	sor.u32 s11, s2;
	[sflag:s0] =	ssyncadd.s32 @!p0 $0xFFFFB800  }
0x307: {  	s1 =	sor.u32 s3, s11;
	v0 =	vld [tilespmem:s5+$0x4800]  }
0x308: {  	s22 =	simm.s32 $0x0;
	v1 =	vld [tilespmem:s1+$0x4800]  }
0x309: {  	s0 =	sand.u32 $0x3FFFF000, s22  }
0x30a: {  	s0 =	sadd.s32 $0x18000, s0  }
0x30b: {  	s15 =	sor.u32 s2, s0  }
0x30c: {  	s0 =	sor.u32 s3, s0;
	[tilespmem:s15+$0x0] =	vst.msk vm0, v0  }
0x30d: {  	[tilespmem:s0+$0x0] =	vst.msk vm0, v1;
	v0 =	vld [tilespmem:s5+$0xD800]  }
0x30e: {  	v1 =	vld [tilespmem:s1+$0xD800];
	_ =	sdelay $0x2  }
0x30f: {  	s23 =	sor.u32 $0x440, s15  }
0x310: {  	s24 =	sor.u32 $0x440, s0;
	[tilespmem:s23+$0x0] =	vst.msk vm1, v0  }
0x311: {  	[tilespmem:s24+$0x0] =	vst.msk vm1, v1;
	v0 =	vld [tilespmem:s5+$0x4810]  }
0x312: {  	v1 =	vld [tilespmem:s1+$0x4810];
	_ =	sdelay $0x2  }
0x313: {  	s25 =	sor.u32 $0x8, s15  }
0x314: {  	s26 =	sor.u32 $0x8, s0;
	[tilespmem:s25+$0x0] =	vst.msk vm0, v0  }
0x315: {  	[tilespmem:s26+$0x0] =	vst.msk vm0, v1;
	v0 =	vld [tilespmem:s5+$0xD810]  }
0x316: {  	v1 =	vld [tilespmem:s1+$0xD810];
	_ =	sdelay $0x2  }
0x317: {  	s28 =	sor.u32 $0x448, s15  }
0x318: {  	s6 =	sor.u32 $0x448, s0;
	[tilespmem:s28+$0x0] =	vst.msk vm1, v0  }
0x319: {  	[tilespmem:s6+$0x0] =	vst.msk vm1, v1;
	v0 =	vld [tilespmem:s5+$0x4820]  }
0x31a: {  	v1 =	vld [tilespmem:s1+$0x4820];
	_ =	sdelay $0x2  }
0x31b: {  	s7 =	sor.u32 $0x10, s15  }
0x31c: {  	s8 =	sor.u32 $0x10, s0;
	[tilespmem:s7+$0x0] =	vst.msk vm0, v0  }
0x31d: {  	[tilespmem:s8+$0x0] =	vst.msk vm0, v1;
	v0 =	vld [tilespmem:s5+$0xD820]  }
0x31e: {  	v1 =	vld [tilespmem:s1+$0xD820];
	_ =	sdelay $0x2  }
0x31f: {  	s9 =	sor.u32 $0x450, s15  }
0x320: {  	s10 =	sor.u32 $0x450, s0;
	[tilespmem:s9+$0x0] =	vst.msk vm1, v0  }
0x321: {  	[tilespmem:s10+$0x0] =	vst.msk vm1, v1;
	v0 =	vld [tilespmem:s5+$0x4830]  }
0x322: {  	v1 =	vld [tilespmem:s1+$0x4830];
	_ =	sdelay $0x2  }
0x323: {  	s12 =	sor.u32 $0x18, s15  }
0x324: {  	s14 =	sor.u32 $0x18, s0;
	[tilespmem:s12+$0x0] =	vst.msk vm0, v0  }
0x325: {  	[tilespmem:s14+$0x0] =	vst.msk vm0, v1;
	v0 =	vld [tilespmem:s5+$0xD830]  }
0x326: {  	v1 =	vld [tilespmem:s1+$0xD830];
	_ =	sdelay $0x2  }
0x327: {  	s16 =	sor.u32 $0x458, s15  }
0x328: {  	s17 =	sor.u32 $0x458, s0;
	[tilespmem:s16+$0x0] =	vst.msk vm1, v0  }
0x329: {  	[tilespmem:s17+$0x0] =	vst.msk vm1, v1;
	v0 =	vld [tilespmem:s5+$0x4840]  }
0x32a: {  	v1 =	vld [tilespmem:s1+$0x4840];
	_ =	sdelay $0x2  }
0x32b: {  	s18 =	sor.u32 $0x20, s15  }
0x32c: {  	s19 =	sor.u32 $0x20, s0;
	[tilespmem:s18+$0x0] =	vst.msk vm0, v0  }
0x32d: {  	[tilespmem:s19+$0x0] =	vst.msk vm0, v1;
	v0 =	vld [tilespmem:s5+$0xD840]  }
0x32e: {  	v1 =	vld [tilespmem:s1+$0xD840];
	_ =	sdelay $0x2  }
0x32f: {  	s20 =	sor.u32 $0x460, s15  }
0x330: {  	s21 =	sor.u32 $0x460, s0;
	[tilespmem:s20+$0x0] =	vst.msk vm1, v0  }
0x331: {  	[tilespmem:s21+$0x0] =	vst.msk vm1, v1;
	v0 =	vld [tilespmem:s5+$0x4850]  }
0x332: {  	v1 =	vld [tilespmem:s1+$0x4850];
	_ =	sdelay $0x2  }
0x333: {  	s22 =	sor.u32 $0x28, s15  }
0x334: {  	s23 =	sor.u32 $0x28, s0;
	[tilespmem:s22+$0x0] =	vst.msk vm0, v0  }
0x335: {  	[tilespmem:s23+$0x0] =	vst.msk vm0, v1;
	v0 =	vld [tilespmem:s5+$0xD850]  }
0x336: {  	v1 =	vld [tilespmem:s1+$0xD850];
	_ =	sdelay $0x2  }
0x337: {  	s24 =	sor.u32 $0x468, s15  }
0x338: {  	s25 =	sor.u32 $0x468, s0;
	[tilespmem:s24+$0x0] =	vst.msk vm1, v0  }
0x339: {  	[tilespmem:s25+$0x0] =	vst.msk vm1, v1;
	v0 =	vld [tilespmem:s5+$0x4860]  }
0x33a: {  	v1 =	vld [tilespmem:s1+$0x4860];
	_ =	sdelay $0x2  }
0x33b: {  	s26 =	sor.u32 $0x30, s15  }
0x33c: {  	s28 =	sor.u32 $0x30, s0;
	[tilespmem:s26+$0x0] =	vst.msk vm0, v0  }
0x33d: {  	[tilespmem:s28+$0x0] =	vst.msk vm0, v1;
	v0 =	vld [tilespmem:s5+$0xD860]  }
0x33e: {  	v1 =	vld [tilespmem:s1+$0xD860];
	_ =	sdelay $0x2  }
0x33f: {  	s6 =	sor.u32 $0x470, s15  }
0x340: {  	s7 =	sor.u32 $0x470, s0;
	[tilespmem:s6+$0x0] =	vst.msk vm1, v0  }
0x341: {  	[tilespmem:s7+$0x0] =	vst.msk vm1, v1;
	v0 =	vld [tilespmem:s5+$0x4870]  }
0x342: {  	v1 =	vld [tilespmem:s1+$0x4870];
	_ =	sdelay $0x2  }
0x343: {  	s8 =	sor.u32 $0x38, s15  }
0x344: {  	s12 =	sor.u32 $0x38, s0;
	[tilespmem:s8+$0x0] =	vst.msk vm0, v0  }
0x345: {  	[tilespmem:s12+$0x0] =	vst.msk vm0, v1;
	v0 =	vld [tilespmem:s5+$0xD870]  }
0x346: {  	s9 =	simm.s32 $0x0;
	s10 =	simm.s32 $0x100;
	v1 =	vld [tilespmem:s1+$0xD870]  }
0x347: {  	s14 =	sand.u32 $0x300, s10;
	s16 =	smul.u32 $0xC00, s9  }
0x348: {  	s17 =	sor.u32 $0x80, s14  }
0x349: {  	s18 =	sor.u32 $0x478, s15;
	s1 =	sor.u32 s16, s17  }
0x34a: {  	s19 =	sadd.s32 $0x400, s11;
	s21 =	sor.u32 $0x478, s0;
	s12 =	sor.u32 s14, s16;
	v2 =	vld [tilespmem:s1+$0x4800];
	[tilespmem:s18+$0x0] =	vst.msk vm1, v0  }
0x34b: {  	s20 =	simm.s32 $0x400;
	s7 =	sor.u32 s2, s19;
	[tilespmem:s21+$0x0] =	vst.msk vm1, v1;
	v1 =	vld [tilespmem:s12+$0x4800]  }
0x34c: {  	s4 =	sand.u32 $0x3FFFF000, s20;
	v0 =	vld [tilespmem:s7+$0x4800]  }
0x34d: {  	s4 =	sadd.s32 $0x18000, s4  }
0x34e: {  	s31 =	sor.u32 s17, s4;
	s5 =	sor.u32 s3, s19;
	[smem:$0x7AA] =	sst s17  }
0x34f: {  	s8 =	sor.u32 s14, s4;
	v3 =	vld [tilespmem:s5+$0x4800];
	[tilespmem:s31+$0x0] =	vst.msk vm0, v2  }
0x350: {  	s22 =	sor.u32 $0x40, s15;
	v2 =	vld [tilespmem:s1+$0xD800];
	[tilespmem:s8+$0x0] =	vst.msk vm0, v1  }
0x351: {  	[tilespmem:s22+$0x0] =	vst.msk vm0, v0;
	v1 =	vld [tilespmem:s12+$0xD800]  }
0x352: {  	v0 =	vld [tilespmem:s7+$0xD800]  }
0x353: {  	s23 =	sor.u32 $0x40, s0  }
0x354: {  	s24 =	sor.u32 $0x440, s31;
	[tilespmem:s23+$0x0] =	vst.msk vm0, v3  }
0x355: {  	s26 =	sor.u32 $0x440, s8;
	v3 =	vld [tilespmem:s5+$0xD800];
	[tilespmem:s24+$0x0] =	vst.msk vm1, v2  }
0x356: {  	s25 =	sor.u32 $0x800, s15;
	v2 =	vld [tilespmem:s1+$0x4810];
	[tilespmem:s26+$0x0] =	vst.msk vm1, v1  }
0x357: {  	[tilespmem:s25+$0x0] =	vst.msk vm1, v0;
	v1 =	vld [tilespmem:s12+$0x4810]  }
0x358: {  	v0 =	vld [tilespmem:s7+$0x4810]  }
0x359: {  	s28 =	sor.u32 $0x800, s0  }
0x35a: {  	s10 =	sor.u32 $0x8, s31;
	[tilespmem:s28+$0x0] =	vst.msk vm1, v3  }
0x35b: {  	s18 =	sor.u32 $0x8, s8;
	v3 =	vld [tilespmem:s5+$0x4810];
	[tilespmem:s10+$0x0] =	vst.msk vm0, v2  }
0x35c: {  	s9 =	smov.u32 s17;
	s17 =	sor.u32 $0x48, s15;
	v2 =	vld [tilespmem:s1+$0xD810];
	[tilespmem:s18+$0x0] =	vst.msk vm0, v1  }
0x35d: {  	[tilespmem:s17+$0x0] =	vst.msk vm0, v0;
	v1 =	vld [tilespmem:s12+$0xD810]  }
0x35e: {  	v0 =	vld [tilespmem:s7+$0xD810]  }
0x35f: {  	s19 =	sor.u32 $0x48, s0  }
0x360: {  	s20 =	sor.u32 $0x448, s31;
	[tilespmem:s19+$0x0] =	vst.msk vm0, v3  }
0x361: {  	s22 =	sor.u32 $0x448, s8;
	v3 =	vld [tilespmem:s5+$0xD810];
	[tilespmem:s20+$0x0] =	vst.msk vm1, v2  }
0x362: {  	s21 =	sor.u32 $0x808, s15;
	v2 =	vld [tilespmem:s1+$0x4820];
	[tilespmem:s22+$0x0] =	vst.msk vm1, v1  }
0x363: {  	[tilespmem:s21+$0x0] =	vst.msk vm1, v0;
	v1 =	vld [tilespmem:s12+$0x4820]  }
0x364: {  	v0 =	vld [tilespmem:s7+$0x4820]  }
0x365: {  	s23 =	sor.u32 $0x808, s0  }
0x366: {  	s24 =	sor.u32 $0x10, s31;
	[tilespmem:s23+$0x0] =	vst.msk vm1, v3  }
0x367: {  	s26 =	sor.u32 $0x10, s8;
	v3 =	vld [tilespmem:s5+$0x4820];
	[tilespmem:s24+$0x0] =	vst.msk vm0, v2  }
0x368: {  	s25 =	sor.u32 $0x50, s15;
	v2 =	vld [tilespmem:s1+$0xD820];
	[tilespmem:s26+$0x0] =	vst.msk vm0, v1  }
0x369: {  	[tilespmem:s25+$0x0] =	vst.msk vm0, v0;
	v1 =	vld [tilespmem:s12+$0xD820]  }
0x36a: {  	v0 =	vld [tilespmem:s7+$0xD820]  }
0x36b: {  	s28 =	sor.u32 $0x50, s0  }
0x36c: {  	s6 =	sor.u32 $0x450, s31;
	[tilespmem:s28+$0x0] =	vst.msk vm0, v3  }
0x36d: {  	s17 =	sor.u32 $0x450, s8;
	v3 =	vld [tilespmem:s5+$0xD820];
	[tilespmem:s6+$0x0] =	vst.msk vm1, v2  }
0x36e: {  	s10 =	sor.u32 $0x810, s15;
	v2 =	vld [tilespmem:s1+$0x4830];
	[tilespmem:s17+$0x0] =	vst.msk vm1, v1  }
0x36f: {  	[tilespmem:s10+$0x0] =	vst.msk vm1, v0;
	v1 =	vld [tilespmem:s12+$0x4830]  }
0x370: {  	v0 =	vld [tilespmem:s7+$0x4830]  }
0x371: {  	s18 =	sor.u32 $0x810, s0  }
0x372: {  	s19 =	sor.u32 $0x18, s31;
	[tilespmem:s18+$0x0] =	vst.msk vm1, v3  }
0x373: {  	s21 =	sor.u32 $0x18, s8;
	v3 =	vld [tilespmem:s5+$0x4830];
	[tilespmem:s19+$0x0] =	vst.msk vm0, v2  }
0x374: {  	s20 =	sor.u32 $0x58, s15;
	v2 =	vld [tilespmem:s1+$0xD830];
	[tilespmem:s21+$0x0] =	vst.msk vm0, v1  }
0x375: {  	[tilespmem:s20+$0x0] =	vst.msk vm0, v0;
	v1 =	vld [tilespmem:s12+$0xD830]  }
0x376: {  	v0 =	vld [tilespmem:s7+$0xD830]  }
0x377: {  	s22 =	sor.u32 $0x58, s0  }
0x378: {  	s23 =	sor.u32 $0x458, s31;
	[tilespmem:s22+$0x0] =	vst.msk vm0, v3  }
0x379: {  	s25 =	sor.u32 $0x458, s8;
	v3 =	vld [tilespmem:s5+$0xD830];
	[tilespmem:s23+$0x0] =	vst.msk vm1, v2  }
0x37a: {  	s24 =	sor.u32 $0x818, s15;
	v2 =	vld [tilespmem:s1+$0x4840];
	[tilespmem:s25+$0x0] =	vst.msk vm1, v1  }
0x37b: {  	[tilespmem:s24+$0x0] =	vst.msk vm1, v0;
	v1 =	vld [tilespmem:s12+$0x4840]  }
0x37c: {  	v0 =	vld [tilespmem:s7+$0x4840]  }
0x37d: {  	s26 =	sor.u32 $0x818, s0  }
0x37e: {  	s28 =	sor.u32 $0x20, s31;
	[tilespmem:s26+$0x0] =	vst.msk vm1, v3  }
0x37f: {  	s10 =	sor.u32 $0x20, s8;
	v3 =	vld [tilespmem:s5+$0x4840];
	[tilespmem:s28+$0x0] =	vst.msk vm0, v2  }
0x380: {  	s6 =	sor.u32 $0x60, s15;
	v2 =	vld [tilespmem:s1+$0xD840];
	[tilespmem:s10+$0x0] =	vst.msk vm0, v1  }
0x381: {  	[tilespmem:s6+$0x0] =	vst.msk vm0, v0;
	v1 =	vld [tilespmem:s12+$0xD840]  }
0x382: {  	v0 =	vld [tilespmem:s7+$0xD840]  }
0x383: {  	s17 =	sor.u32 $0x60, s0  }
0x384: {  	s18 =	sor.u32 $0x460, s31;
	[tilespmem:s17+$0x0] =	vst.msk vm0, v3  }
0x385: {  	s20 =	sor.u32 $0x460, s8;
	v3 =	vld [tilespmem:s5+$0xD840];
	[tilespmem:s18+$0x0] =	vst.msk vm1, v2  }
0x386: {  	s19 =	sor.u32 $0x820, s15;
	v2 =	vld [tilespmem:s1+$0x4850];
	[tilespmem:s20+$0x0] =	vst.msk vm1, v1  }
0x387: {  	[tilespmem:s19+$0x0] =	vst.msk vm1, v0;
	v1 =	vld [tilespmem:s12+$0x4850]  }
0x388: {  	v0 =	vld [tilespmem:s7+$0x4850]  }
0x389: {  	s21 =	sor.u32 $0x820, s0  }
0x38a: {  	s22 =	sor.u32 $0x28, s31;
	[tilespmem:s21+$0x0] =	vst.msk vm1, v3  }
0x38b: {  	s24 =	sor.u32 $0x28, s8;
	v3 =	vld [tilespmem:s5+$0x4850];
	[tilespmem:s22+$0x0] =	vst.msk vm0, v2  }
0x38c: {  	s23 =	sor.u32 $0x68, s15;
	v2 =	vld [tilespmem:s1+$0xD850];
	[tilespmem:s24+$0x0] =	vst.msk vm0, v1  }
0x38d: {  	[tilespmem:s23+$0x0] =	vst.msk vm0, v0;
	v1 =	vld [tilespmem:s12+$0xD850]  }
0x38e: {  	v0 =	vld [tilespmem:s7+$0xD850]  }
0x38f: {  	s25 =	sor.u32 $0x68, s0  }
0x390: {  	s26 =	sor.u32 $0x468, s31;
	[tilespmem:s25+$0x0] =	vst.msk vm0, v3  }
0x391: {  	s6 =	sor.u32 $0x468, s8;
	v3 =	vld [tilespmem:s5+$0xD850];
	[tilespmem:s26+$0x0] =	vst.msk vm1, v2  }
0x392: {  	s28 =	sor.u32 $0x828, s15;
	v2 =	vld [tilespmem:s1+$0x4860];
	[tilespmem:s6+$0x0] =	vst.msk vm1, v1  }
0x393: {  	[tilespmem:s28+$0x0] =	vst.msk vm1, v0;
	v1 =	vld [tilespmem:s12+$0x4860]  }
0x394: {  	v0 =	vld [tilespmem:s7+$0x4860]  }
0x395: {  	s10 =	sor.u32 $0x828, s0  }
0x396: {  	s17 =	sor.u32 $0x30, s31;
	[tilespmem:s10+$0x0] =	vst.msk vm1, v3  }
0x397: {  	s19 =	sor.u32 $0x30, s8;
	v3 =	vld [tilespmem:s5+$0x4860];
	[tilespmem:s17+$0x0] =	vst.msk vm0, v2  }
0x398: {  	s18 =	sor.u32 $0x70, s15;
	v2 =	vld [tilespmem:s1+$0xD860];
	[tilespmem:s19+$0x0] =	vst.msk vm0, v1  }
0x399: {  	[tilespmem:s18+$0x0] =	vst.msk vm0, v0;
	v1 =	vld [tilespmem:s12+$0xD860]  }
0x39a: {  	v0 =	vld [tilespmem:s7+$0xD860]  }
0x39b: {  	s20 =	sor.u32 $0x70, s0  }
0x39c: {  	s21 =	sor.u32 $0x470, s31;
	[tilespmem:s20+$0x0] =	vst.msk vm0, v3  }
0x39d: {  	s23 =	sor.u32 $0x470, s8;
	v3 =	vld [tilespmem:s5+$0xD860];
	[tilespmem:s21+$0x0] =	vst.msk vm1, v2  }
0x39e: {  	s22 =	sor.u32 $0x830, s15;
	v2 =	vld [tilespmem:s1+$0x4870];
	[tilespmem:s23+$0x0] =	vst.msk vm1, v1  }
0x39f: {  	[tilespmem:s22+$0x0] =	vst.msk vm1, v0;
	v1 =	vld [tilespmem:s12+$0x4870]  }
0x3a0: {  	v0 =	vld [tilespmem:s7+$0x4870]  }
0x3a1: {  	s24 =	sor.u32 $0x830, s0;
	s25 =	simm.s32 $0x0;
	s22 =	simm.s32 $0x200  }
0x3a2: {  	s26 =	sor.u32 $0x38, s31;
	s20 =	smul.u32 $0xC00, s25;
	[tilespmem:s24+$0x0] =	vst.msk vm1, v3;
	s24 =	sand.u32 $0x300, s22  }
0x3a3: {  	s6 =	sor.u32 $0x38, s8;
	v3 =	vld [tilespmem:s5+$0x4870];
	[tilespmem:s26+$0x0] =	vst.msk vm0, v2;
	s25 =	sor.u32 $0x80, s24  }
0x3a4: {  	s28 =	sor.u32 $0x78, s15;
	v2 =	vld [tilespmem:s1+$0xD870];
	s10 =	sor.u32 s20, s25;
	[tilespmem:s6+$0x0] =	vst.msk vm0, v1  }
0x3a5: {  	[tilespmem:s28+$0x0] =	vst.msk vm0, v0;
	v0 =	vld [tilespmem:s10+$0x4800]  }
0x3a6: {  	v1 =	vld [tilespmem:s12+$0xD870]  }
0x3a7: {  	s17 =	sor.u32 $0x78, s0;
	v4 =	vld [tilespmem:s7+$0xD870];
	s7 =	simm.s32 $0x800  }
0x3a8: {  	s19 =	sor.u32 $0x478, s31;
	[tilespmem:s17+$0x0] =	vst.msk vm0, v3;
	s18 =	sand.u32 $0x3FFFF000, s7  }
0x3a9: {  	s21 =	sadd.s32 $0x400, s16;
	[dreg:$0x5] =	wrdreg s16;
	s1 =	sadd.s32 $0x18000, s18  }
0x3aa: {  	s29 =	sor.u32 s9, s21;
	v3 =	vld [tilespmem:s5+$0xD870];
	[tilespmem:s19+$0x0] =	vst.msk vm1, v2;
	s7 =	sor.u32 s25, s1  }
0x3ab: {  	s26 =	sadd.s32 $0x800, s11;
	s28 =	sor.u32 $0x478, s8;
	v2 =	vld [tilespmem:s29+$0x4800];
	[tilespmem:s7+$0x0] =	vst.msk vm0, v0  }
0x3ac: {  	s23 =	sor.u32 $0x838, s15;
	s19 =	sor.u32 s2, s26;
	s2 =	sor.u32 s24, s20;
	[tilespmem:s28+$0x0] =	vst.msk vm1, v1;
	v0 =	vld [tilespmem:s10+$0xD800]  }
0x3ad: {  	v1 =	vld [tilespmem:s2+$0x4800];
	[tilespmem:s23+$0x0] =	vst.msk vm1, v4  }
0x3ae: {  	s9 =	sor.u32 $0x838, s0;
	s30 =	sor.u32 s14, s21;
	v4 =	vld [tilespmem:s19+$0x4800]  }
0x3af: {  	s12 =	sor.u32 $0x40, s31;
	s16 =	sor.u32 s3, s26;
	[tilespmem:s9+$0x0] =	vst.msk vm1, v3;
	v3 =	vld [tilespmem:s30+$0x4800]  }
0x3b0: {  	s17 =	sor.u32 $0x440, s7;
	v5 =	vld [tilespmem:s16+$0x4800];
	[tilespmem:s12+$0x0] =	vst.msk vm0, v2  }
0x3b1: {  	s28 =	sor.u32 s24, s1;
	v2 =	vld [tilespmem:s29+$0xD800];
	[tilespmem:s17+$0x0] =	vst.msk vm1, v0  }
0x3b2: {  	s18 =	sor.u32 $0x400, s15;
	[tilespmem:s28+$0x0] =	vst.msk vm0, v1;
	v0 =	vld [tilespmem:s10+$0x4810]  }
0x3b3: {  	s21 =	sor.u32 $0x40, s8;
	[tilespmem:s18+$0x0] =	vst.msk vm0, v4;
	v4 =	vld [tilespmem:s2+$0xD800]  }
0x3b4: {  	s23 =	sor.u32 $0x400, s0;
	v1 =	vld [tilespmem:s19+$0xD800];
	[tilespmem:s21+$0x0] =	vst.msk vm0, v3  }
0x3b5: {  	s26 =	sor.u32 $0x800, s31;
	v3 =	vld [tilespmem:s30+$0xD800];
	[tilespmem:s23+$0x0] =	vst.msk vm0, v5  }
0x3b6: {  	s3 =	sor.u32 $0x8, s7;
	v5 =	vld [tilespmem:s16+$0xD800];
	[tilespmem:s26+$0x0] =	vst.msk vm1, v2  }
0x3b7: {  	s5 =	sor.u32 $0x440, s28;
	v2 =	vld [tilespmem:s29+$0x4810];
	[tilespmem:s3+$0x0] =	vst.msk vm0, v0  }
0x3b8: {  	s4 =	sor.u32 $0x840, s15;
	[tilespmem:s5+$0x0] =	vst.msk vm1, v4;
	v0 =	vld [tilespmem:s10+$0xD810]  }
0x3b9: {  	s6 =	sor.u32 $0x800, s8;
	[tilespmem:s4+$0x0] =	vst.msk vm1, v1;
	v4 =	vld [tilespmem:s2+$0x4810]  }
0x3ba: {  	s9 =	sor.u32 $0x840, s0;
	v1 =	vld [tilespmem:s19+$0x4810];
	[tilespmem:s6+$0x0] =	vst.msk vm1, v3  }
0x3bb: {  	s11 =	sor.u32 $0x48, s31;
	v3 =	vld [tilespmem:s30+$0x4810];
	[tilespmem:s9+$0x0] =	vst.msk vm1, v5  }
0x3bc: {  	s12 =	sor.u32 $0x448, s7;
	v5 =	vld [tilespmem:s16+$0x4810];
	[tilespmem:s11+$0x0] =	vst.msk vm0, v2  }
0x3bd: {  	s18 =	sor.u32 $0x8, s28;
	v2 =	vld [tilespmem:s29+$0xD810];
	[tilespmem:s12+$0x0] =	vst.msk vm1, v0  }
0x3be: {  	s17 =	sor.u32 $0x408, s15;
	[tilespmem:s18+$0x0] =	vst.msk vm0, v4;
	v0 =	vld [tilespmem:s10+$0x4820]  }
0x3bf: {  	s21 =	sor.u32 $0x48, s8;
	[tilespmem:s17+$0x0] =	vst.msk vm0, v1;
	v4 =	vld [tilespmem:s2+$0xD810]  }
0x3c0: {  	s23 =	sor.u32 $0x408, s0;
	v1 =	vld [tilespmem:s19+$0xD810];
	[tilespmem:s21+$0x0] =	vst.msk vm0, v3  }
0x3c1: {  	s26 =	sor.u32 $0x808, s31;
	v3 =	vld [tilespmem:s30+$0xD810];
	[tilespmem:s23+$0x0] =	vst.msk vm0, v5  }
0x3c2: {  	s3 =	sor.u32 $0x10, s7;
	v5 =	vld [tilespmem:s16+$0xD810];
	[tilespmem:s26+$0x0] =	vst.msk vm1, v2  }
0x3c3: {  	s5 =	sor.u32 $0x448, s28;
	v2 =	vld [tilespmem:s29+$0x4820];
	[tilespmem:s3+$0x0] =	vst.msk vm0, v0  }
0x3c4: {  	s4 =	sor.u32 $0x848, s15;
	[tilespmem:s5+$0x0] =	vst.msk vm1, v4;
	v0 =	vld [tilespmem:s10+$0xD820]  }
0x3c5: {  	s6 =	sor.u32 $0x808, s8;
	[tilespmem:s4+$0x0] =	vst.msk vm1, v1;
	v4 =	vld [tilespmem:s2+$0x4820]  }
0x3c6: {  	s9 =	sor.u32 $0x848, s0;
	v1 =	vld [tilespmem:s19+$0x4820];
	[tilespmem:s6+$0x0] =	vst.msk vm1, v3  }
0x3c7: {  	s11 =	sor.u32 $0x50, s31;
	v3 =	vld [tilespmem:s30+$0x4820];
	[tilespmem:s9+$0x0] =	vst.msk vm1, v5  }
0x3c8: {  	s12 =	sor.u32 $0x450, s7;
	v5 =	vld [tilespmem:s16+$0x4820];
	[tilespmem:s11+$0x0] =	vst.msk vm0, v2  }
0x3c9: {  	s18 =	sor.u32 $0x10, s28;
	v2 =	vld [tilespmem:s29+$0xD820];
	[tilespmem:s12+$0x0] =	vst.msk vm1, v0  }
0x3ca: {  	s17 =	sor.u32 $0x410, s15;
	[tilespmem:s18+$0x0] =	vst.msk vm0, v4;
	v0 =	vld [tilespmem:s10+$0x4830]  }
0x3cb: {  	s21 =	sor.u32 $0x50, s8;
	[tilespmem:s17+$0x0] =	vst.msk vm0, v1;
	v4 =	vld [tilespmem:s2+$0xD820]  }
0x3cc: {  	s23 =	sor.u32 $0x410, s0;
	v1 =	vld [tilespmem:s19+$0xD820];
	[tilespmem:s21+$0x0] =	vst.msk vm0, v3  }
0x3cd: {  	s26 =	sor.u32 $0x810, s31;
	v3 =	vld [tilespmem:s30+$0xD820];
	[tilespmem:s23+$0x0] =	vst.msk vm0, v5  }
0x3ce: {  	s3 =	sor.u32 $0x18, s7;
	v5 =	vld [tilespmem:s16+$0xD820];
	[tilespmem:s26+$0x0] =	vst.msk vm1, v2  }
0x3cf: {  	s5 =	sor.u32 $0x450, s28;
	v2 =	vld [tilespmem:s29+$0x4830];
	[tilespmem:s3+$0x0] =	vst.msk vm0, v0  }
0x3d0: {  	s4 =	sor.u32 $0x850, s15;
	[tilespmem:s5+$0x0] =	vst.msk vm1, v4;
	v0 =	vld [tilespmem:s10+$0xD830]  }
0x3d1: {  	s6 =	sor.u32 $0x810, s8;
	[tilespmem:s4+$0x0] =	vst.msk vm1, v1;
	v4 =	vld [tilespmem:s2+$0x4830]  }
0x3d2: {  	s9 =	sor.u32 $0x850, s0;
	v1 =	vld [tilespmem:s19+$0x4830];
	[tilespmem:s6+$0x0] =	vst.msk vm1, v3  }
0x3d3: {  	s11 =	sor.u32 $0x58, s31;
	v3 =	vld [tilespmem:s30+$0x4830];
	[tilespmem:s9+$0x0] =	vst.msk vm1, v5  }
0x3d4: {  	s12 =	sor.u32 $0x458, s7;
	v5 =	vld [tilespmem:s16+$0x4830];
	[tilespmem:s11+$0x0] =	vst.msk vm0, v2  }
0x3d5: {  	s18 =	sor.u32 $0x18, s28;
	v2 =	vld [tilespmem:s29+$0xD830];
	[tilespmem:s12+$0x0] =	vst.msk vm1, v0  }
0x3d6: {  	s17 =	sor.u32 $0x418, s15;
	[tilespmem:s18+$0x0] =	vst.msk vm0, v4;
	v0 =	vld [tilespmem:s10+$0x4840]  }
0x3d7: {  	s21 =	sor.u32 $0x58, s8;
	[tilespmem:s17+$0x0] =	vst.msk vm0, v1;
	v4 =	vld [tilespmem:s2+$0xD830]  }
0x3d8: {  	s23 =	sor.u32 $0x418, s0;
	v1 =	vld [tilespmem:s19+$0xD830];
	[tilespmem:s21+$0x0] =	vst.msk vm0, v3  }
0x3d9: {  	s26 =	sor.u32 $0x818, s31;
	v3 =	vld [tilespmem:s30+$0xD830];
	[tilespmem:s23+$0x0] =	vst.msk vm0, v5  }
0x3da: {  	s3 =	sor.u32 $0x20, s7;
	v5 =	vld [tilespmem:s16+$0xD830];
	[tilespmem:s26+$0x0] =	vst.msk vm1, v2  }
0x3db: {  	s5 =	sor.u32 $0x458, s28;
	v2 =	vld [tilespmem:s29+$0x4840];
	[tilespmem:s3+$0x0] =	vst.msk vm0, v0  }
0x3dc: {  	s4 =	sor.u32 $0x858, s15;
	[tilespmem:s5+$0x0] =	vst.msk vm1, v4  }
0x3dd: {  	s6 =	sor.u32 $0x818, s8;
	[tilespmem:s4+$0x0] =	vst.msk vm1, v1  }
0x3de: {  	s9 =	sor.u32 $0x858, s0;
	[tilespmem:s6+$0x0] =	vst.msk vm1, v3  }
0x3df: {  	s11 =	sor.u32 $0x60, s31;
	v0 =	vld [tilespmem:s10+$0xD840];
	[tilespmem:s9+$0x0] =	vst.msk vm1, v5  }
0x3e0: {  	v4 =	vld [tilespmem:s2+$0x4840];
	[tilespmem:s11+$0x0] =	vst.msk vm0, v2  }
0x3e1: {  	v1 =	vld [tilespmem:s19+$0x4840];
	s3 =	sld [smem:$0x7F5]  }
0x3e2: {  	v3 =	vld [tilespmem:s30+$0x4840]  }
0x3e3: {  	s12 =	sor.u32 $0x460, s7  }
0x3e4: {  	s18 =	sor.u32 $0x20, s28;
	v5 =	vld [tilespmem:s16+$0x4840];
	[tilespmem:s12+$0x0] =	vst.msk vm1, v0;
	s3 =	sadd.s32 s13, s3  }
0x3e5: {  	v2 =	vld [tilespmem:s29+$0xD840];
	[tilespmem:s18+$0x0] =	vst.msk vm0, v4;
	s13 =	sor.u32 $0x420, s15;
	s17 =	smulhi.u32 $0xAAAAAAAB, s3  }
0x3e6: {  	s21 =	sor.u32 $0x60, s8;
	v0 =	vld [tilespmem:s10+$0x4850];
	[tilespmem:s13+$0x0] =	vst.msk vm0, v1  }
0x3e7: {  	[tilespmem:s21+$0x0] =	vst.msk vm0, v3;
	v1 =	vld [tilespmem:s19+$0xD840];
	s23 =	sshrl.u32 s17, $0x8  }
0x3e8: {  	s26 =	sor.u32 $0x420, s0;
	v4 =	vld [tilespmem:s2+$0xD840];
	[smem:$0x789] =	sst s23  }
0x3e9: {  	s9 =	sor.u32 $0x820, s31;
	s6 =	smul.u32 $0x180, s23;
	[tilespmem:s26+$0x0] =	vst.msk vm0, v5  }
0x3ea: {  	s11 =	sor.u32 $0x28, s7;
	v3 =	vld [tilespmem:s30+$0xD840];
	[tilespmem:s9+$0x0] =	vst.msk vm1, v2  }
0x3eb: {  	s12 =	sor.u32 $0x860, s15;
	[tilespmem:s11+$0x0] =	vst.msk vm0, v0;
	v5 =	vld [tilespmem:s16+$0xD840];
	s5 =	ssub.s32 s3, s6  }
0x3ec: {  	v2 =	vld [tilespmem:s29+$0x4850];
	s13 =	sadd.s32 $0xFFFFFF40, s5;
	[tilespmem:s12+$0x0] =	vst.msk vm1, v1  }
0x3ed: {  	v0 =	vld [tilespmem:s10+$0xD850];
	[smem:$0x78A] =	sst s5;
	s1 =	smin.u32 s5, s13  }
0x3ee: {  	s17 =	sor.u32 $0x460, s28;
	[smem:$0x78B] =	sst s1  }
0x3ef: {  	s21 =	sor.u32 $0x820, s8;
	[tilespmem:s17+$0x0] =	vst.msk vm1, v4  }
0x3f0: {  	s18 =	sor.u32 $0x860, s0;
	[tilespmem:s21+$0x0] =	vst.msk vm1, v3  }
0x3f1: {  	s23 =	sor.u32 $0x870, s0;
	s26 =	sor.u32 $0x68, s31;
	v1 =	vld [tilespmem:s19+$0x4850];
	[tilespmem:s18+$0x0] =	vst.msk vm1, v5  }
0x3f2: {  	s6 =	sor.u32 $0x428, s0;
	s5 =	sor.u32 $0x868, s0;
	v3 =	vld [tilespmem:s2+$0x4850];
	[smem:$0x7AB] =	sst s23  }
0x3f3: {  	s1 =	sor.u32 $0x438, s0;
	s17 =	sor.u32 $0x430, s0;
	s0 =	sor.u32 $0x878, s0;
	[tilespmem:s26+$0x0] =	vst.msk vm0, v2  }
0x3f4: {  	s4 =	sor.u32 $0x468, s7;
	v4 =	vld [tilespmem:s30+$0x4850];
	[dreg:$0x14] =	wrdreg s0  }
0x3f5: {  	s9 =	sor.u32 $0x428, s15;
	v2 =	vld [tilespmem:s16+$0x4850];
	[tilespmem:s4+$0x0] =	vst.msk vm1, v0  }
0x3f6: {  	s12 =	sor.u32 $0x78, s8;
	v0 =	vld [tilespmem:s29+$0xD850];
	[tilespmem:s9+$0x0] =	vst.msk vm0, v1  }
0x3f7: {  	s18 =	sor.u32 $0x28, s28;
	v1 =	vld [tilespmem:s10+$0x4860];
	[smem:$0x78C] =	sst s12  }
0x3f8: {  	s21 =	sor.u32 $0x838, s8;
	[tilespmem:s18+$0x0] =	vst.msk vm0, v3  }
0x3f9: {  	s23 =	sor.u32 $0x400, s8;
	v3 =	vld [tilespmem:s19+$0xD850];
	[smem:$0x78D] =	sst s21  }
0x3fa: {  	s26 =	sor.u32 $0x840, s8;
	[smem:$0x78E] =	sst s23  }
0x3fb: {  	s3 =	sor.u32 $0x68, s8;
	[smem:$0x78F] =	sst s26  }
0x3fc: {  	[tilespmem:s3+$0x0] =	vst.msk vm0, v4;
	s3 =	sor.u32 $0x408, s8  }
0x3fd: {  	s12 =	sor.u32 $0x848, s8;
	v4 =	vld [tilespmem:s2+$0xD850];
	[smem:$0x790] =	sst s3  }
0x3fe: {  	s13 =	sor.u32 $0x410, s8;
	[dreg:$0x13] =	wrdreg s12  }
0x3ff: {  	[dreg:$0xd] =	wrdreg s13  }
0x400: {  	s18 =	sor.u32 $0x850, s8;
	[tilespmem:s6+$0x0] =	vst.msk vm0, v2  }
0x401: {  	s21 =	sor.u32 $0x418, s8;
	v2 =	vld [tilespmem:s30+$0xD850];
	[dreg:$0xb] =	wrdreg s18  }
0x402: {  	s23 =	sor.u32 $0x828, s31;
	[dreg:$0xa] =	wrdreg s21  }
0x403: {  	s26 =	sor.u32 $0x858, s8;
	[tilespmem:s23+$0x0] =	vst.msk vm1, v0  }
0x404: {  	s3 =	sor.u32 $0x30, s7;
	v0 =	vld [tilespmem:s16+$0xD850];
	[dreg:$0x9] =	wrdreg s26  }
0x405: {  	s12 =	sor.u32 $0x868, s15;
	[tilespmem:s3+$0x0] =	vst.msk vm0, v1  }
0x406: {  	s13 =	sor.u32 $0x468, s28;
	v1 =	vld [tilespmem:s29+$0x4860];
	[tilespmem:s12+$0x0] =	vst.msk vm1, v3  }
0x407: {  	s11 =	sor.u32 $0x828, s8;
	[tilespmem:s13+$0x0] =	vst.msk vm1, v4;
	v3 =	vld [tilespmem:s10+$0xD860]  }
0x408: {  	s3 =	sor.u32 $0x38, s28;
	v4 =	vld [tilespmem:s19+$0x4860];
	[tilespmem:s11+$0x0] =	vst.msk vm1, v2  }
0x409: {  	v2 =	vld [tilespmem:s2+$0x4860];
	[smem:$0x791] =	sst s3  }
0x40a: {  	s3 =	sor.u32 $0x478, s28;
	[tilespmem:s5+$0x0] =	vst.msk vm1, v0  }
0x40b: {  	v0 =	vld [tilespmem:s30+$0x4860];
	[smem:$0x792] =	sst s3;
	s3 =	sor.u32 $0x40, s28  }
0x40c: {  	[smem:$0x793] =	sst s3;
	s3 =	sor.u32 $0x70, s31  }
0x40d: {  	[tilespmem:s3+$0x0] =	vst.msk vm0, v1;
	s3 =	sor.u32 $0x800, s28  }
0x40e: {  	v1 =	vld [tilespmem:s16+$0x4860];
	[smem:$0x794] =	sst s3;
	s3 =	sor.u32 $0x48, s28  }
0x40f: {  	[smem:$0x795] =	sst s3;
	s3 =	sor.u32 $0x470, s7  }
0x410: {  	[tilespmem:s3+$0x0] =	vst.msk vm1, v3;
	s3 =	sor.u32 $0x808, s28  }
0x411: {  	v3 =	vld [tilespmem:s29+$0xD860];
	[smem:$0x796] =	sst s3;
	s3 =	sor.u32 $0x50, s28  }
0x412: {  	[smem:$0x797] =	sst s3;
	s3 =	sor.u32 $0x430, s15  }
0x413: {  	[tilespmem:s3+$0x0] =	vst.msk vm0, v4;
	s3 =	sor.u32 $0x810, s28  }
0x414: {  	v4 =	vld [tilespmem:s10+$0x4870];
	[smem:$0x798] =	sst s3;
	s3 =	sor.u32 $0x58, s28  }
0x415: {  	[smem:$0x799] =	sst s3;
	s3 =	sor.u32 $0x818, s28  }
0x416: {  	s6 =	sor.u32 $0x30, s28;
	[smem:$0x79A] =	sst s3  }
0x417: {  	s3 =	sor.u32 $0x60, s28;
	[tilespmem:s6+$0x0] =	vst.msk vm0, v2  }
0x418: {  	v2 =	vld [tilespmem:s19+$0xD860];
	s6 =	sor.u32 $0x820, s28;
	[smem:$0x79B] =	sst s3  }
0x419: {  	[smem:$0x79C] =	sst s6;
	s3 =	sor.u32 $0x68, s28  }
0x41a: {  	s4 =	sor.u32 $0x70, s8;
	[smem:$0x79D] =	sst s3  }
0x41b: {  	s6 =	sor.u32 $0x828, s28;
	[tilespmem:s4+$0x0] =	vst.msk vm0, v0  }
0x41c: {  	s3 =	sor.u32 $0x70, s28;
	v0 =	vld [tilespmem:s2+$0xD860];
	[smem:$0x79E] =	sst s6  }
0x41d: {  	s5 =	sor.u32 $0x830, s28;
	[smem:$0x79F] =	sst s3  }
0x41e: {  	[smem:$0x7A0] =	sst s5  }
0x41f: {  	s6 =	sor.u32 $0x78, s28;
	[tilespmem:s17+$0x0] =	vst.msk vm0, v1  }
0x420: {  	v1 =	vld [tilespmem:s30+$0xD860];
	s17 =	sor.u32 $0x838, s28;
	[smem:$0x7A1] =	sst s6  }
0x421: {  	s3 =	sor.u32 $0x830, s31;
	[smem:$0x7A2] =	sst s17  }
0x422: {  	s5 =	sor.u32 $0x400, s28;
	[tilespmem:s3+$0x0] =	vst.msk vm1, v3  }
0x423: {  	s6 =	sor.u32 $0x840, s28;
	v5 =	vld [tilespmem:s16+$0xD860];
	[smem:$0x7A3] =	sst s5  }
0x424: {  	s17 =	sor.u32 $0x38, s7;
	[smem:$0x7A4] =	sst s6  }
0x425: {  	s3 =	sor.u32 $0x408, s28;
	[tilespmem:s17+$0x0] =	vst.msk vm0, v4  }
0x426: {  	s5 =	sor.u32 $0x848, s28;
	v6 =	vld [tilespmem:s29+$0x4870];
	[smem:$0x7A5] =	sst s3  }
0x427: {  	s6 =	sor.u32 $0x870, s15;
	[smem:$0x7A6] =	sst s5  }
0x428: {  	[tilespmem:s6+$0x0] =	vst.msk vm1, v2;
	v3 =	vld [tilespmem:s10+$0xD870];
	s10 =	sor.u32 $0x410, s28  }
0x429: {  	s17 =	sor.u32 $0x850, s28;
	[smem:$0x7A7] =	sst s10  }
0x42a: {  	s3 =	sor.u32 $0x418, s28;
	[smem:$0x7A8] =	sst s17  }
0x42b: {  	s11 =	sor.u32 $0x470, s28;
	[smem:$0x7A9] =	sst s3  }
0x42c: {  	s5 =	sor.u32 $0x858, s28;
	[tilespmem:s11+$0x0] =	vst.msk vm1, v0  }
0x42d: {  	s6 =	sor.u32 $0x420, s28;
	v0 =	vld [tilespmem:s19+$0x4870];
	[dreg:$0x1e] =	wrdreg s5  }
0x42e: {  	s10 =	sor.u32 $0x860, s28;
	[dreg:$0x19] =	wrdreg s6  }
0x42f: {  	s0 =	sor.u32 $0x830, s8;
	[dreg:$0x15] =	wrdreg s10  }
0x430: {  	s9 =	sor.u32 $0x420, s8;
	s11 =	sor.u32 $0x428, s28;
	s17 =	sld [smem:$0x7AA];
	[tilespmem:s0+$0x0] =	vst.msk vm1, v1  }
0x431: {  	s18 =	sor.u32 $0x860, s8;
	s21 =	sor.u32 $0x430, s8;
	v4 =	vld [tilespmem:s2+$0x4870];
	[dreg:$0x12] =	wrdreg s11  }
0x432: {  	s4 =	smov.u32 s1;
	s1 =	sor.u32 $0x868, s28;
	s5 =	sld [smem:$0x7AB]  }
0x433: {  	s23 =	sor.u32 $0x868, s8;
	s3 =	sor.u32 $0x430, s28;
	[dreg:$0xf] =	wrdreg s1  }
0x434: {  	s26 =	sor.u32 $0x428, s8;
	s13 =	sor.u32 $0x870, s8;
	[dreg:$0xe] =	wrdreg s3  }
0x435: {  	s12 =	sor.u32 $0x438, s8;
	s8 =	sor.u32 $0x878, s8;
	s6 =	sor.u32 $0x870, s28;
	[tilespmem:s5+$0x0] =	vst.msk vm1, v5  }
0x436: {  	s10 =	sor.u32 $0x78, s31;
	s11 =	sor.u32 $0x438, s28;
	v2 =	vld [tilespmem:s30+$0x4870];
	[dreg:$0xc] =	wrdreg s6  }
0x437: {  	s5 =	sor.u32 $0x438, s15;
	s6 =	sor.u32 $0x878, s28;
	[tilespmem:s10+$0x0] =	vst.msk vm0, v6;
	v1 =	vld [tilespmem:s16+$0x4870];
	s10 =	simm.s32 $0x4  }
.LBB2_5:
0x438: {  	[smem:$0x766] =	sst s11  }
0x439: {  	[smem:$0x773] =	sst s9  }
0x43a: {  	[smem:$0x777] =	sst s18  }
0x43b: {  	[smem:$0x767] =	sst s8  }
0x43c: {  	[smem:$0x77F] =	sst s23  }
0x43d: {  	[smem:$0x783] =	sst s21  }
0x43e: {  	[smem:$0x787] =	sst s13  }
0x43f: {  	[smem:$0x77B] =	sst s26  }
0x440: {  	s1 =	sld [smem:$0x791]  }
0x441: {  	s21 =	sld [smem:$0x78C]  }
0x442: {  	s10 =	sadd.s32 $0x2, s10;
	v5 =	vld [tilespmem:s29+$0xD870];
	s3 =	sld [smem:$0x7A1]  }
0x443: {  	s22 =	sadd.s32 $0x100, s22;
	s8 =	smov.u32 s25;
	s0 =	sshrl.u32 s10, $0x3;
	[tilespmem:s5+$0x0] =	vst.msk vm0, v0  }
0x444: {  	s23 =	sor.u32 $0x478, s7;
	s25 =	sand.u32 $0x300, s22;
	s0 =	smul.u32 $0xC00, s0;
	[tilespmem:s1+$0x0] =	vst.msk vm0, v4  }
0x445: {  	s11 =	sld [smem:$0x792];
	s26 =	sor.u32 $0x80, s25;
	s28 =	smov.u32 s3;
	v4 =	vld [tilespmem:s2+$0xD870];
	[tilespmem:s21+$0x0] =	vst.msk vm0, v2  }
0x446: {  	s13 =	sor.u32 $0x838, s31;
	v0 =	vld [tilespmem:s19+$0xD870];
	[smem:$0x78C] =	sst s28;
	s28 =	sor.u32 s0, s26;
	[tilespmem:s23+$0x0] =	vst.msk vm1, v3  }
0x447: {  	s21 =	sor.u32 $0x878, s15;
	s15 =	smov.u32 s0;
	v3 =	vld [tilespmem:s28+$0x4800];
	[tilespmem:s13+$0x0] =	vst.msk vm1, v5;
	s13 =	sld [smem:$0x78D]  }
0x448: {  	s23 =	sshll.u32 s10, $0x9;
	v2 =	vld [tilespmem:s30+$0xD870];
	[tilespmem:s4+$0x0] =	vst.msk vm0, v1;
	[smem:$0x763] =	sst s15  }
0x449: {  	s4 =	sadd.s32 $0x400, s20;
	s9 =	sand.u32 $0x3FFFF000, s23;
	v1 =	vld [tilespmem:s16+$0xD870];
	s16 =	rddreg [dreg:$0x5]  }
0x44a: {  	s29 =	sor.u32 s8, s4;
	s30 =	sor.u32 s24, s4;
	s18 =	sadd.s32 $0x800, s16  }
0x44b: {  	s1 =	sadd.s32 $0x18000, s9;
	s4 =	sld [smem:$0x793];
	s19 =	sor.u32 s17, s18  }
0x44c: {  	s16 =	sor.u32 s14, s18;
	s14 =	smov.u32 s20;
	s17 =	rddreg [dreg:$0x14]  }
0x44d: {  	s15 =	sor.u32 s25, s1;
	s18 =	smov.u32 s24;
	[dreg:$0x5] =	wrdreg s14  }
0x44e: {  	s23 =	sor.u32 $0x448, s15;
	[smem:$0x764] =	sst s18  }
0x44f: {  	s24 =	sor.u32 $0x10, s15;
	[smem:$0x762] =	sst s23  }
0x450: {  	s9 =	sor.u32 $0x450, s15;
	[smem:$0x765] =	sst s24  }
0x451: {  	s3 =	sor.u32 $0x830, s15;
	[smem:$0x769] =	sst s9  }
0x452: {  	[tilespmem:s11+$0x0] =	vst.msk vm1, v4;
	s11 =	sor.u32 $0x18, s15;
	[smem:$0x786] =	sst s3  }
0x453: {  	s14 =	sor.u32 $0x20, s15;
	[smem:$0x76C] =	sst s11  }
0x454: {  	s18 =	sor.u32 $0x28, s15;
	[smem:$0x771] =	sst s14  }
0x455: {  	s23 =	sor.u32 $0x30, s15;
	[smem:$0x779] =	sst s18  }
0x456: {  	s24 =	sor.u32 $0x470, s15;
	[smem:$0x781] =	sst s23  }
0x457: {  	s2 =	sor.u32 s25, s0;
	s9 =	sor.u32 $0x478, s15;
	[smem:$0x785] =	sst s24  }
0x458: {  	v4 =	vld [tilespmem:s2+$0x4800];
	[tilespmem:s13+$0x0] =	vst.msk vm1, v2;
	s13 =	sor.u32 $0x458, s15;
	[smem:$0x792] =	sst s9  }
0x459: {  	[smem:$0x76E] =	sst s13  }
0x45a: {  	s14 =	sor.u32 $0x40, s15;
	s13 =	sld [smem:$0x78E]  }
0x45b: {  	s23 =	sor.u32 $0x810, s15;
	[smem:$0x793] =	sst s14  }
0x45c: {  	v5 =	vld [tilespmem:s29+$0x4800];
	s24 =	sor.u32 $0x58, s15;
	[smem:$0x76A] =	sst s23  }
0x45d: {  	[tilespmem:s21+$0x0] =	vst.msk vm1, v0;
	s9 =	sor.u32 $0x60, s15;
	[smem:$0x76D] =	sst s24  }
0x45e: {  	s20 =	sor.u32 s26, s1;
	v0 =	vld [tilespmem:s19+$0x4800];
	[smem:$0x772] =	sst s9  }
0x45f: {  	[tilespmem:s20+$0x0] =	vst.msk vm0, v3;
	s24 =	sld [smem:$0x794]  }
0x460: {  	s21 =	sor.u32 $0x40, s7;
	v2 =	vld [tilespmem:s30+$0x4800];
	[tilespmem:s17+$0x0] =	vst.msk vm1, v1;
	s17 =	sor.u32 $0x460, s15;
	s9 =	sld [smem:$0x78F]  }
0x461: {  	v3 =	vld [tilespmem:s28+$0xD800];
	s23 =	sor.u32 $0x70, s15;
	[tilespmem:s21+$0x0] =	vst.msk vm0, v5;
	[smem:$0x775] =	sst s17  }
0x462: {  	s5 =	sor.u32 $0x400, s31;
	s21 =	sor.u32 $0x468, s15;
	[smem:$0x782] =	sst s23;
	v5 =	vld [tilespmem:s29+$0xD800]  }
0x463: {  	v1 =	vld [tilespmem:s16+$0x4800];
	s23 =	sor.u32 $0x850, s15;
	[smem:$0x77D] =	sst s21;
	[tilespmem:s5+$0x0] =	vst.msk vm0, v0  }
0x464: {  	s21 =	sor.u32 $0x50, s15;
	[smem:$0x76B] =	sst s23;
	[tilespmem:s15+$0x0] =	vst.msk vm0, v4;
	v0 =	vld [tilespmem:s19+$0xD800]  }
0x465: {  	s11 =	sor.u32 $0x440, s20;
	s23 =	sor.u32 $0x860, s15;
	[smem:$0x768] =	sst s21;
	v4 =	vld [tilespmem:s2+$0xD800];
	[tilespmem:s4+$0x0] =	vst.msk vm0, v2  }
0x466: {  	s17 =	sor.u32 $0x800, s7;
	[smem:$0x778] =	sst s23;
	[tilespmem:s11+$0x0] =	vst.msk vm1, v3;
	v2 =	vld [tilespmem:s30+$0xD800]  }
0x467: {  	s1 =	sor.u32 $0x440, s15;
	s21 =	sor.u32 $0x828, s15;
	s23 =	sld [smem:$0x795];
	v3 =	vld [tilespmem:s28+$0x4810];
	[tilespmem:s17+$0x0] =	vst.msk vm1, v5  }
0x468: {  	s18 =	sor.u32 $0x840, s31;
	s5 =	sor.u32 $0x38, s15;
	[smem:$0x77E] =	sst s21;
	[tilespmem:s13+$0x0] =	vst.msk vm0, v1;
	v5 =	vld [tilespmem:s29+$0x4810]  }
0x469: {  	s0 =	sor.u32 $0x8, s15;
	[smem:$0x791] =	sst s5;
	s5 =	sor.u32 $0x818, s15;
	[tilespmem:s18+$0x0] =	vst.msk vm1, v0  }
0x46a: {  	s3 =	sor.u32 $0x840, s15;
	s4 =	sor.u32 $0x78, s15;
	[smem:$0x76F] =	sst s5;
	v1 =	vld [tilespmem:s16+$0xD800];
	[tilespmem:s1+$0x0] =	vst.msk vm1, v4  }
0x46b: {  	[smem:$0x7A1] =	sst s4;
	s5 =	sor.u32 $0x8, s20;
	s17 =	sor.u32 $0x820, s15;
	v4 =	vld [tilespmem:s2+$0x4810];
	[tilespmem:s24+$0x0] =	vst.msk vm1, v2  }
0x46c: {  	[smem:$0x776] =	sst s17;
	s17 =	sor.u32 $0x48, s7;
	s18 =	sor.u32 $0x68, s15;
	v0 =	vld [tilespmem:s19+$0x4810];
	[tilespmem:s5+$0x0] =	vst.msk vm0, v3  }
0x46d: {  	s14 =	sor.u32 $0x48, s15;
	[smem:$0x77A] =	sst s18;
	v3 =	vld [tilespmem:s28+$0xD810];
	[tilespmem:s17+$0x0] =	vst.msk vm0, v5;
	s17 =	sor.u32 $0x858, s15  }
0x46e: {  	s21 =	smov.u32 s12;
	v2 =	vld [tilespmem:s30+$0x4810];
	[smem:$0x770] =	sst s17;
	s17 =	sor.u32 $0x428, s15  }
0x46f: {  	s12 =	sor.u32 $0x838, s15;
	[smem:$0x77C] =	sst s17;
	s17 =	sor.u32 $0x430, s15  }
0x470: {  	s11 =	sor.u32 $0x808, s15;
	s18 =	sor.u32 $0x408, s31;
	[tilespmem:s9+$0x0] =	vst.msk vm1, v1;
	v5 =	vld [tilespmem:s29+$0xD810];
	[smem:$0x784] =	sst s17  }
0x471: {  	[tilespmem:s18+$0x0] =	vst.msk vm0, v0;
	s18 =	sor.u32 $0x420, s15;
	s17 =	smov.u32 s8;
	s8 =	sld [smem:$0x762]  }
0x472: {  	s13 =	sor.u32 $0x800, s15;
	v1 =	vld [tilespmem:s16+$0x4810];
	[tilespmem:s0+$0x0] =	vst.msk vm0, v4;
	[smem:$0x774] =	sst s18;
	s18 =	sor.u32 $0x868, s15  }
0x473: {  	v4 =	vld [tilespmem:s2+$0xD810];
	[tilespmem:s23+$0x0] =	vst.msk vm0, v2;
	s23 =	sor.u32 $0x448, s20;
	[smem:$0x780] =	sst s18;
	s18 =	sor.u32 $0x870, s15  }
0x474: {  	s4 =	sor.u32 $0x408, s15;
	v0 =	vld [tilespmem:s19+$0xD810];
	[tilespmem:s23+$0x0] =	vst.msk vm1, v3;
	s23 =	sor.u32 $0x808, s7;
	[smem:$0x788] =	sst s18  }
0x475: {  	s1 =	sor.u32 $0x410, s15;
	s18 =	sld [smem:$0x790];
	v3 =	vld [tilespmem:s28+$0x4820];
	[tilespmem:s23+$0x0] =	vst.msk vm1, v5;
	s23 =	smov.u32 s25  }
0x476: {  	v2 =	vld [tilespmem:s30+$0xD810];
	s25 =	smov.u32 s26;
	s26 =	smov.u32 s13;
	s13 =	sld [smem:$0x796]  }
0x477: {  	s24 =	sor.u32 $0x400, s15;
	s5 =	sor.u32 $0x418, s15;
	[smem:$0x794] =	sst s26  }
0x478: {  	s9 =	smov.u32 s6;
	s26 =	smov.u32 s14;
	s14 =	sld [smem:$0x764]  }
0x479: {  	s6 =	sor.u32 $0x848, s15;
	s0 =	sor.u32 $0x878, s15;
	[smem:$0x795] =	sst s26;
	[tilespmem:s18+$0x0] =	vst.msk vm0, v1  }
0x47a: {  	s26 =	smov.u32 s11;
	s11 =	smov.u32 s12;
	s12 =	rddreg [dreg:$0x13];
	v1 =	vld [tilespmem:s16+$0xD810];
	[tilespmem:s8+$0x0] =	vst.msk vm1, v4  }
0x47b: {  	s18 =	sor.u32 $0x438, s15;
	s15 =	sor.u32 $0x848, s31;
	v4 =	vld [tilespmem:s2+$0x4820];
	[tilespmem:s13+$0x0] =	vst.msk vm1, v2;
	s13 =	sld [smem:$0x7A2]  }
0x47c: {  	v5 =	vld [tilespmem:s29+$0x4820];
	[smem:$0x796] =	sst s26;
	[tilespmem:s15+$0x0] =	vst.msk vm1, v0  }
0x47d: {  	s15 =	smov.u32 s31;
	s31 =	smov.u32 s7;
	v0 =	vld [tilespmem:s19+$0x4820];
	[smem:$0x7A2] =	sst s11  }
0x47e: {  	s7 =	smov.u32 s20;
	s26 =	smov.u32 s13;
	s13 =	sld [smem:$0x7A3]  }
0x47f: {  	s11 =	sor.u32 $0x10, s7;
	v2 =	vld [tilespmem:s30+$0x4820];
	[smem:$0x78D] =	sst s26;
	[tilespmem:s12+$0x0] =	vst.msk vm1, v1;
	s12 =	smov.u32 s24  }
0x480: {  	[tilespmem:s11+$0x0] =	vst.msk vm0, v3;
	s11 =	sor.u32 $0x50, s31;
	[smem:$0x7A3] =	sst s12  }
0x481: {  	v3 =	vld [tilespmem:s28+$0xD820];
	[tilespmem:s11+$0x0] =	vst.msk vm0, v5;
	s12 =	sor.u32 $0x410, s15;
	s26 =	smov.u32 s13;
	s13 =	sld [smem:$0x7A4]  }
0x482: {  	v5 =	vld [tilespmem:s29+$0xD820];
	[tilespmem:s12+$0x0] =	vst.msk vm0, v0;
	s12 =	sld [smem:$0x765]  }
0x483: {  	[smem:$0x78E] =	sst s26  }
0x484: {  	s11 =	smov.u32 s6;
	s26 =	smov.u32 s3;
	s3 =	sld [smem:$0x7A6]  }
0x485: {  	[smem:$0x7A6] =	sst s11  }
0x486: {  	s11 =	smov.u32 s18;
	s18 =	rddreg [dreg:$0xd]  }
0x487: {  	[smem:$0x7A4] =	sst s26  }
0x488: {  	s26 =	smov.u32 s4;
	s4 =	smov.u32 s21;
	s21 =	sld [smem:$0x767]  }
0x489: {  	s24 =	smov.u32 s13;
	s13 =	sld [smem:$0x7A5]  }
0x48a: {  	[smem:$0x7A5] =	sst s26  }
0x48b: {  	s26 =	sld [smem:$0x797]  }
0x48c: {  	[smem:$0x78F] =	sst s24  }
0x48d: {  	s8 =	smov.u32 s3;
	s3 =	sld [smem:$0x768]  }
0x48e: {  	[dreg:$0x13] =	wrdreg s8  }
0x48f: {  	v1 =	vld [tilespmem:s16+$0x4820];
	[tilespmem:s12+$0x0] =	vst.msk vm0, v4;
	s24 =	smov.u32 s23;
	s23 =	smov.u32 s13;
	s13 =	sld [smem:$0x766]  }
0x490: {  	v4 =	vld [tilespmem:s2+$0xD820];
	[tilespmem:s26+$0x0] =	vst.msk vm0, v2;
	s26 =	smov.u32 s1;
	s1 =	sld [smem:$0x76C]  }
0x491: {  	[smem:$0x790] =	sst s23  }
0x492: {  	s23 =	smov.u32 s21;
	s21 =	sld [smem:$0x7A7]  }
0x493: {  	[smem:$0x7A7] =	sst s26  }
0x494: {  	v2 =	vld [tilespmem:s30+$0xD820];
	[tilespmem:s18+$0x0] =	vst.msk vm0, v1;
	s18 =	sld [smem:$0x798]  }
0x495: {  	s8 =	smov.u32 s3;
	[dreg:$0x14] =	wrdreg s23  }
0x496: {  	v0 =	vld [tilespmem:s19+$0xD820];
	[smem:$0x797] =	sst s8;
	s12 =	smov.u32 s13;
	s13 =	sor.u32 $0x450, s7  }
0x497: {  	[tilespmem:s13+$0x0] =	vst.msk vm1, v3;
	s13 =	sld [smem:$0x769]  }
0x498: {  	s23 =	smov.u32 s21;
	s21 =	sld [smem:$0x76A]  }
0x499: {  	s3 =	sor.u32 $0x810, s31;
	v1 =	vld [tilespmem:s16+$0xD820];
	[dreg:$0xd] =	wrdreg s23  }
0x49a: {  	s8 =	smov.u32 s9;
	s9 =	sor.u32 $0x850, s15;
	v3 =	vld [tilespmem:s28+$0x4830];
	[tilespmem:s3+$0x0] =	vst.msk vm1, v5;
	s3 =	rddreg [dreg:$0xb]  }
0x49b: {  	v5 =	vld [tilespmem:s29+$0x4830];
	[tilespmem:s9+$0x0] =	vst.msk vm1, v0;
	s9 =	sld [smem:$0x7A8];
	s23 =	smov.u32 s21  }
0x49c: {  	[tilespmem:s13+$0x0] =	vst.msk vm1, v4;
	[smem:$0x798] =	sst s23  }
0x49d: {  	v4 =	vld [tilespmem:s2+$0x4830];
	[tilespmem:s18+$0x0] =	vst.msk vm1, v2;
	s18 =	sld [smem:$0x76B]  }
0x49e: {  	v2 =	vld [tilespmem:s30+$0x4830];
	[tilespmem:s3+$0x0] =	vst.msk vm1, v1;
	s3 =	sld [smem:$0x799]  }
0x49f: {  	s26 =	sor.u32 $0x18, s7;
	s13 =	smov.u32 s9;
	s9 =	sld [smem:$0x76D]  }
0x4a0: {  	v0 =	vld [tilespmem:s19+$0x4830];
	s23 =	sor.u32 $0x58, s31;
	[dreg:$0xb] =	wrdreg s13;
	[tilespmem:s26+$0x0] =	vst.msk vm0, v3  }
0x4a1: {  	s21 =	smov.u32 s18;
	v3 =	vld [tilespmem:s28+$0xD830];
	[tilespmem:s23+$0x0] =	vst.msk vm0, v5;
	s23 =	sld [smem:$0x7A9]  }
0x4a2: {  	[smem:$0x7A8] =	sst s21  }
0x4a3: {  	s13 =	smov.u32 s9;
	s21 =	rddreg [dreg:$0xa]  }
0x4a4: {  	v1 =	vld [tilespmem:s16+$0x4830];
	s26 =	sor.u32 $0x418, s15;
	[smem:$0x799] =	sst s13  }
0x4a5: {  	v5 =	vld [tilespmem:s29+$0xD830];
	[tilespmem:s26+$0x0] =	vst.msk vm0, v0;
	s13 =	sld [smem:$0x76E]  }
0x4a6: {  	[tilespmem:s1+$0x0] =	vst.msk vm0, v4;
	s1 =	sld [smem:$0x771];
	s26 =	smov.u32 s23  }
0x4a7: {  	v4 =	vld [tilespmem:s2+$0xD830];
	[tilespmem:s3+$0x0] =	vst.msk vm0, v2;
	s3 =	smov.u32 s5;
	[dreg:$0xa] =	wrdreg s26  }
0x4a8: {  	v0 =	vld [tilespmem:s19+$0xD830];
	[smem:$0x7A9] =	sst s3  }
0x4a9: {  	v2 =	vld [tilespmem:s30+$0xD830];
	[tilespmem:s21+$0x0] =	vst.msk vm0, v1;
	s21 =	sld [smem:$0x76F]  }
0x4aa: {  	s18 =	sor.u32 $0x458, s7;
	s3 =	sld [smem:$0x79B]  }
0x4ab: {  	s5 =	sor.u32 $0x818, s31;
	[tilespmem:s18+$0x0] =	vst.msk vm1, v3;
	v1 =	vld [tilespmem:s16+$0xD830];
	s18 =	sld [smem:$0x79A]  }
0x4ac: {  	s9 =	sor.u32 $0x858, s15;
	v3 =	vld [tilespmem:s28+$0x4840];
	[tilespmem:s5+$0x0] =	vst.msk vm1, v5;
	s5 =	rddreg [dreg:$0x9]  }
0x4ad: {  	v5 =	vld [tilespmem:s29+$0x4840];
	[tilespmem:s9+$0x0] =	vst.msk vm1, v0;
	s23 =	smov.u32 s21;
	s9 =	rddreg [dreg:$0x1e]  }
0x4ae: {  	[tilespmem:s13+$0x0] =	vst.msk vm1, v4;
	[smem:$0x79A] =	sst s23  }
0x4af: {  	s13 =	smov.u32 s9;
	v4 =	vld [tilespmem:s2+$0x4840];
	[tilespmem:s18+$0x0] =	vst.msk vm1, v2;
	s18 =	sld [smem:$0x770]  }
0x4b0: {  	v0 =	vld [tilespmem:s19+$0x4840];
	[dreg:$0x9] =	wrdreg s13  }
0x4b1: {  	s26 =	sor.u32 $0x20, s7;
	v2 =	vld [tilespmem:s30+$0x4840];
	[tilespmem:s5+$0x0] =	vst.msk vm1, v1;
	s5 =	sld [smem:$0x772]  }
0x4b2: {  	s23 =	sor.u32 $0x60, s31;
	[tilespmem:s26+$0x0] =	vst.msk vm0, v3;
	s21 =	smov.u32 s18;
	s18 =	sld [smem:$0x773]  }
0x4b3: {  	v3 =	vld [tilespmem:s28+$0xD840];
	[tilespmem:s23+$0x0] =	vst.msk vm0, v5;
	s23 =	sld [smem:$0x774]  }
0x4b4: {  	v1 =	vld [tilespmem:s16+$0x4840];
	[dreg:$0x1e] =	wrdreg s21  }
0x4b5: {  	s26 =	sor.u32 $0x420, s15;
	s21 =	rddreg [dreg:$0x19]  }
0x4b6: {  	v5 =	vld [tilespmem:s29+$0xD840];
	[tilespmem:s26+$0x0] =	vst.msk vm0, v0;
	s9 =	smov.u32 s5;
	s5 =	sld [smem:$0x775]  }
0x4b7: {  	[tilespmem:s1+$0x0] =	vst.msk vm0, v4;
	v0 =	vld [tilespmem:s19+$0xD840];
	[smem:$0x79B] =	sst s9;
	s26 =	smov.u32 s23  }
0x4b8: {  	v4 =	vld [tilespmem:s2+$0xD840];
	[tilespmem:s3+$0x0] =	vst.msk vm0, v2;
	[dreg:$0x19] =	wrdreg s26  }
0x4b9: {  	v2 =	vld [tilespmem:s30+$0xD840];
	[tilespmem:s18+$0x0] =	vst.msk vm0, v1;
	s18 =	sld [smem:$0x776]  }
0x4ba: {  	s13 =	sor.u32 $0x460, s7;
	s26 =	sld [smem:$0x777]  }
0x4bb: {  	s1 =	sor.u32 $0x820, s31;
	[tilespmem:s13+$0x0] =	vst.msk vm1, v3;
	v1 =	vld [tilespmem:s16+$0xD840];
	s13 =	sld [smem:$0x79C]  }
0x4bc: {  	s3 =	sor.u32 $0x860, s15;
	v3 =	vld [tilespmem:s28+$0x4850];
	[tilespmem:s1+$0x0] =	vst.msk vm1, v5;
	s1 =	sld [smem:$0x79D]  }
0x4bd: {  	v5 =	vld [tilespmem:s29+$0x4850];
	[tilespmem:s3+$0x0] =	vst.msk vm1, v0;
	s3 =	rddreg [dreg:$0x15]  }
0x4be: {  	s9 =	smov.u32 s21;
	[tilespmem:s5+$0x0] =	vst.msk vm1, v4;
	s5 =	sld [smem:$0x778]  }
0x4bf: {  	s21 =	smov.u32 s18;
	v0 =	vld [tilespmem:s19+$0x4850];
	s18 =	smov.u32 s3;
	s3 =	sld [smem:$0x77A]  }
0x4c0: {  	[smem:$0x79C] =	sst s21;
	v4 =	vld [tilespmem:s2+$0x4850];
	[tilespmem:s13+$0x0] =	vst.msk vm1, v2  }
0x4c1: {  	s23 =	sor.u32 $0x28, s7;
	s21 =	sor.u32 $0x68, s31;
	v2 =	vld [tilespmem:s30+$0x4850];
	[tilespmem:s26+$0x0] =	vst.msk vm1, v1;
	s26 =	sld [smem:$0x779]  }
0x4c2: {  	s13 =	smov.u32 s5;
	[tilespmem:s23+$0x0] =	vst.msk vm0, v3;
	v1 =	vld [tilespmem:s16+$0x4850];
	s5 =	smov.u32 s3;
	s3 =	sld [smem:$0x77E]  }
0x4c3: {  	s23 =	sor.u32 $0x428, s15;
	[dreg:$0x15] =	wrdreg s13;
	v3 =	vld [tilespmem:s28+$0xD850];
	[tilespmem:s21+$0x0] =	vst.msk vm0, v5  }
0x4c4: {  	[smem:$0x79D] =	sst s5;
	v5 =	vld [tilespmem:s29+$0xD850];
	[tilespmem:s23+$0x0] =	vst.msk vm0, v0  }
0x4c5: {  	s21 =	sld [smem:$0x77B];
	[tilespmem:s26+$0x0] =	vst.msk vm0, v4;
	v0 =	vld [tilespmem:s19+$0xD850]  }
0x4c6: {  	v4 =	vld [tilespmem:s2+$0xD850];
	[tilespmem:s1+$0x0] =	vst.msk vm0, v2;
	s1 =	sld [smem:$0x77C]  }
0x4c7: {  	s23 =	rddreg [dreg:$0x12]  }
0x4c8: {  	s13 =	sor.u32 $0x468, s7;
	s26 =	smov.u32 s23;
	s23 =	sld [smem:$0x77D];
	v2 =	vld [tilespmem:s30+$0xD850];
	[tilespmem:s21+$0x0] =	vst.msk vm0, v1  }
0x4c9: {  	[tilespmem:s13+$0x0] =	vst.msk vm1, v3;
	s13 =	sor.u32 $0x828, s31;
	v1 =	vld [tilespmem:s16+$0xD850];
	s5 =	smov.u32 s1;
	s1 =	sld [smem:$0x79E]  }
0x4ca: {  	s21 =	sor.u32 $0x868, s15;
	v3 =	vld [tilespmem:s28+$0x4860];
	[tilespmem:s13+$0x0] =	vst.msk vm1, v5;
	s13 =	sld [smem:$0x77F]  }
0x4cb: {  	[dreg:$0x12] =	wrdreg s5;
	v5 =	vld [tilespmem:s29+$0x4860];
	[tilespmem:s21+$0x0] =	vst.msk vm1, v0  }
0x4cc: {  	s21 =	rddreg [dreg:$0xf];
	[tilespmem:s23+$0x0] =	vst.msk vm1, v4  }
0x4cd: {  	v4 =	vld [tilespmem:s2+$0x4860];
	[tilespmem:s1+$0x0] =	vst.msk vm1, v2;
	s1 =	sld [smem:$0x780]  }
0x4ce: {  	s5 =	smov.u32 s3;
	s3 =	sld [smem:$0x79F];
	v0 =	vld [tilespmem:s19+$0x4860]  }
0x4cf: {  	s6 =	smov.u32 s0;
	[smem:$0x79E] =	sst s5  }
0x4d0: {  	s0 =	sor.u32 $0x30, s7;
	v2 =	vld [tilespmem:s30+$0x4860];
	[tilespmem:s13+$0x0] =	vst.msk vm1, v1;
	s5 =	smov.u32 s1;
	s1 =	sld [smem:$0x781]  }
0x4d1: {  	s13 =	sor.u32 $0x70, s31;
	[tilespmem:s0+$0x0] =	vst.msk vm0, v3;
	v1 =	vld [tilespmem:s16+$0x4860];
	[dreg:$0xf] =	wrdreg s5  }
0x4d2: {  	s23 =	smov.u32 s21;
	s21 =	sor.u32 $0x430, s15;
	v3 =	vld [tilespmem:s28+$0xD860];
	[tilespmem:s13+$0x0] =	vst.msk vm0, v5;
	s5 =	sld [smem:$0x782]  }
0x4d3: {  	v5 =	vld [tilespmem:s29+$0xD860];
	[tilespmem:s21+$0x0] =	vst.msk vm0, v0;
	s21 =	sld [smem:$0x783]  }
0x4d4: {  	[tilespmem:s1+$0x0] =	vst.msk vm0, v4;
	s1 =	sld [smem:$0x785]  }
0x4d5: {  	v0 =	vld [tilespmem:s19+$0xD860];
	s13 =	smov.u32 s5;
	s5 =	sld [smem:$0x784]  }
0x4d6: {  	v4 =	vld [tilespmem:s2+$0xD860];
	[tilespmem:s3+$0x0] =	vst.msk vm0, v2;
	s3 =	rddreg [dreg:$0xe]  }
0x4d7: {  	s0 =	sor.u32 $0x470, s7;
	[smem:$0x79F] =	sst s13;
	v2 =	vld [tilespmem:s30+$0xD860];
	[tilespmem:s21+$0x0] =	vst.msk vm0, v1;
	s21 =	smov.u32 s3  }
0x4d8: {  	[tilespmem:s0+$0x0] =	vst.msk vm1, v3;
	s3 =	sld [smem:$0x7A0];
	v1 =	vld [tilespmem:s16+$0xD860];
	s13 =	smov.u32 s5;
	s5 =	sor.u32 $0x830, s31  }
0x4d9: {  	v3 =	vld [tilespmem:s28+$0x4870];
	[dreg:$0xe] =	wrdreg s13;
	[tilespmem:s5+$0x0] =	vst.msk vm1, v5;
	s13 =	sor.u32 $0x870, s15  }
0x4da: {  	s5 =	sld [smem:$0x786];
	v5 =	vld [tilespmem:s29+$0x4870];
	[tilespmem:s13+$0x0] =	vst.msk vm1, v0  }
0x4db: {  	p0 =	slt.u32 s10, $0x2E;
	[tilespmem:s1+$0x0] =	vst.msk vm1, v4;
	s1 =	sld [smem:$0x788]  }
.Ltmp3:
0x4dc: {  	v4 =	vld [tilespmem:s2+$0x4870];
	[tilespmem:s3+$0x0] =	vst.msk vm1, v2;
	s3 =	sld [smem:$0x787];
	(pc) =	sbr.rel @p0 .LBB2_5-.Ltmp3, $4  }
0x4dd: {  	s0 =	sor.u32 $0x38, s7;
	v0 =	vld [tilespmem:s19+$0x4870];
	s13 =	smov.u32 s5;
	s5 =	rddreg [dreg:$0xc]  }
0x4de: {  	v2 =	vld [tilespmem:s30+$0x4870];
	[tilespmem:s0+$0x0] =	vst.msk vm0, v3;
	[smem:$0x7A0] =	sst s13;
	s13 =	smov.u32 s5;
	s5 =	smov.u32 s1  }
0x4df: {  	v3 =	vld [tilespmem:s28+$0xD870];
	[tilespmem:s3+$0x0] =	vst.msk vm1, v1;
	[dreg:$0xc] =	wrdreg s5;
	s5 =	sor.u32 $0x78, s31  }
0x4e0: {  	s20 =	sld [smem:$0x763];
	v1 =	vld [tilespmem:s16+$0x4870];
	[tilespmem:s5+$0x0] =	vst.msk vm0, v5;
	s5 =	sor.u32 $0x438, s15  }
0x4e1: {  	s0 =	sld [smem:$0x791];
	_ =	sdelay $0x2  }
0x4e2: {  	[tilespmem:s0+$0x0] =	vst.msk vm0, v4  }
0x4e3: {  	s3 =	sor.u32 $0x478, s7;
	s1 =	sadd.s32 $0x400, s20;
	v4 =	vld [tilespmem:s2+$0xD870]  }
0x4e4: {  	[tilespmem:s3+$0x0] =	vst.msk vm1, v3;
	s0 =	sor.u32 s25, s1  }
0x4e5: {  	s10 =	sld [smem:$0x792];
	v3 =	vld [tilespmem:s0+$0x4800];
	_ =	sdelay $0x2  }
0x4e6: {  	s1 =	sor.u32 s24, s1;
	[tilespmem:s10+$0x0] =	vst.msk vm1, v4  }
0x4e7: {  	s22 =	sor.u32 $0x40, s7;
	v4 =	vld [tilespmem:s1+$0x4800]  }
0x4e8: {  	[tilespmem:s22+$0x0] =	vst.msk vm0, v3  }
0x4e9: {  	s2 =	sld [smem:$0x793];
	v3 =	vld [tilespmem:s0+$0xD800];
	_ =	sdelay $0x2  }
0x4ea: {  	[tilespmem:s2+$0x0] =	vst.msk vm0, v4  }
0x4eb: {  	s28 =	sor.u32 $0x800, s7;
	v4 =	vld [tilespmem:s1+$0xD800]  }
0x4ec: {  	[tilespmem:s28+$0x0] =	vst.msk vm1, v3  }
0x4ed: {  	s2 =	sld [smem:$0x794];
	v3 =	vld [tilespmem:s0+$0x4810];
	_ =	sdelay $0x2  }
0x4ee: {  	[tilespmem:s2+$0x0] =	vst.msk vm1, v4  }
0x4ef: {  	s3 =	sor.u32 $0x48, s7;
	v4 =	vld [tilespmem:s1+$0x4810]  }
0x4f0: {  	[tilespmem:s3+$0x0] =	vst.msk vm0, v3  }
0x4f1: {  	s2 =	sld [smem:$0x795];
	v3 =	vld [tilespmem:s0+$0xD810];
	_ =	sdelay $0x2  }
0x4f2: {  	[tilespmem:s2+$0x0] =	vst.msk vm0, v4  }
0x4f3: {  	s10 =	sor.u32 $0x808, s7;
	v4 =	vld [tilespmem:s1+$0xD810]  }
0x4f4: {  	[tilespmem:s10+$0x0] =	vst.msk vm1, v3  }
0x4f5: {  	s2 =	sld [smem:$0x796];
	v3 =	vld [tilespmem:s0+$0x4820];
	_ =	sdelay $0x2  }
0x4f6: {  	[tilespmem:s2+$0x0] =	vst.msk vm1, v4  }
0x4f7: {  	s22 =	sor.u32 $0x50, s7;
	v4 =	vld [tilespmem:s1+$0x4820]  }
0x4f8: {  	[tilespmem:s22+$0x0] =	vst.msk vm0, v3  }
0x4f9: {  	s2 =	sld [smem:$0x797];
	v3 =	vld [tilespmem:s0+$0xD820];
	_ =	sdelay $0x2  }
0x4fa: {  	[tilespmem:s2+$0x0] =	vst.msk vm0, v4  }
0x4fb: {  	s28 =	sor.u32 $0x810, s7;
	v4 =	vld [tilespmem:s1+$0xD820]  }
0x4fc: {  	[tilespmem:s28+$0x0] =	vst.msk vm1, v3  }
0x4fd: {  	s2 =	sld [smem:$0x798];
	v3 =	vld [tilespmem:s0+$0x4830];
	_ =	sdelay $0x2  }
0x4fe: {  	[tilespmem:s2+$0x0] =	vst.msk vm1, v4  }
0x4ff: {  	s3 =	sor.u32 $0x58, s7;
	v4 =	vld [tilespmem:s1+$0x4830]  }
0x500: {  	[tilespmem:s3+$0x0] =	vst.msk vm0, v3  }
0x501: {  	s2 =	sld [smem:$0x799];
	v3 =	vld [tilespmem:s0+$0xD830];
	_ =	sdelay $0x2  }
0x502: {  	[tilespmem:s2+$0x0] =	vst.msk vm0, v4  }
0x503: {  	s10 =	sor.u32 $0x818, s7;
	v4 =	vld [tilespmem:s1+$0xD830]  }
0x504: {  	[tilespmem:s10+$0x0] =	vst.msk vm1, v3  }
0x505: {  	s2 =	sld [smem:$0x79A];
	v3 =	vld [tilespmem:s0+$0x4840];
	_ =	sdelay $0x2  }
0x506: {  	[tilespmem:s2+$0x0] =	vst.msk vm1, v4  }
0x507: {  	s22 =	sor.u32 $0x60, s7;
	v4 =	vld [tilespmem:s1+$0x4840]  }
0x508: {  	[tilespmem:s22+$0x0] =	vst.msk vm0, v3  }
0x509: {  	s2 =	sld [smem:$0x79B];
	v3 =	vld [tilespmem:s0+$0xD840];
	_ =	sdelay $0x2  }
0x50a: {  	[tilespmem:s2+$0x0] =	vst.msk vm0, v4  }
0x50b: {  	s28 =	sor.u32 $0x820, s7;
	v4 =	vld [tilespmem:s1+$0xD840]  }
0x50c: {  	[tilespmem:s28+$0x0] =	vst.msk vm1, v3  }
0x50d: {  	s2 =	sld [smem:$0x79C];
	v3 =	vld [tilespmem:s0+$0x4850];
	_ =	sdelay $0x2  }
0x50e: {  	[tilespmem:s2+$0x0] =	vst.msk vm1, v4  }
0x50f: {  	s3 =	sor.u32 $0x68, s7;
	v4 =	vld [tilespmem:s1+$0x4850]  }
0x510: {  	[tilespmem:s3+$0x0] =	vst.msk vm0, v3  }
0x511: {  	s2 =	sld [smem:$0x79D];
	v3 =	vld [tilespmem:s0+$0xD850];
	_ =	sdelay $0x2  }
0x512: {  	[tilespmem:s2+$0x0] =	vst.msk vm0, v4  }
0x513: {  	s10 =	sor.u32 $0x828, s7;
	v4 =	vld [tilespmem:s1+$0xD850]  }
0x514: {  	[tilespmem:s10+$0x0] =	vst.msk vm1, v3  }
0x515: {  	s2 =	sld [smem:$0x79E];
	v3 =	vld [tilespmem:s0+$0x4860];
	_ =	sdelay $0x2  }
0x516: {  	[tilespmem:s2+$0x0] =	vst.msk vm1, v4  }
0x517: {  	s22 =	sor.u32 $0x70, s7;
	v4 =	vld [tilespmem:s1+$0x4860]  }
0x518: {  	[tilespmem:s22+$0x0] =	vst.msk vm0, v3  }
0x519: {  	s2 =	sld [smem:$0x79F];
	v3 =	vld [tilespmem:s0+$0xD860];
	_ =	sdelay $0x2  }
0x51a: {  	[tilespmem:s2+$0x0] =	vst.msk vm0, v4  }
0x51b: {  	s28 =	sor.u32 $0x830, s7;
	v4 =	vld [tilespmem:s1+$0xD860]  }
0x51c: {  	[tilespmem:s28+$0x0] =	vst.msk vm1, v3  }
0x51d: {  	s2 =	sld [smem:$0x7A0]  }
0x51e: {  	v3 =	vld [tilespmem:s0+$0x4870];
	_ =	sdelay $0x1  }
0x51f: {  	[tilespmem:s2+$0x0] =	vst.msk vm1, v4  }
0x520: {  	s2 =	sld [smem:$0x78C]  }
0x521: {  	v5 =	vld [tilespmem:s29+$0xD870];
	s29 =	sor.u32 $0x78, s7  }
0x522: {  	v4 =	vld [tilespmem:s1+$0x4870];
	[tilespmem:s29+$0x0] =	vst.msk vm0, v3  }
0x523: {  	[tilespmem:s2+$0x0] =	vst.msk vm0, v2  }
0x524: {  	s3 =	sld [smem:$0x7A1];
	_ =	sdelay $0x1  }
0x525: {  	v3 =	vld [tilespmem:s0+$0xD870]  }
0x526: {  	s10 =	sor.u32 $0x838, s31;
	v2 =	vld [tilespmem:s30+$0xD870];
	[tilespmem:s3+$0x0] =	vst.msk vm0, v4  }
0x527: {  	s0 =	rddreg [dreg:$0x5];
	[tilespmem:s10+$0x0] =	vst.msk vm1, v5  }
0x528: {  	v4 =	vld [tilespmem:s1+$0xD870];
	s1 =	sld [smem:$0x78D]  }
0x529: {  	s3 =	sor.u32 $0x838, s7;
	s0 =	sadd.s32 $0x800, s0  }
0x52a: {  	[tilespmem:s3+$0x0] =	vst.msk vm1, v3;
	s2 =	sor.u32 s17, s0  }
0x52b: {  	v58 =	vld [tilespmem:s2+$0x4800];
	[tilespmem:s1+$0x0] =	vst.msk vm1, v2  }
0x52c: {  	s0 =	sor.u32 s14, s0;
	s14 =	sadd.s32 $0x800, s20;
	s10 =	sld [smem:$0x7A2]  }
0x52d: {  	s3 =	sor.u32 s25, s14  }
0x52e: {  	v60 =	vld [tilespmem:s3+$0x4800]  }
0x52f: {  	s17 =	sor.u32 $0x400, s31;
	v59 =	vld [tilespmem:s0+$0x4800];
	[tilespmem:s10+$0x0] =	vst.msk vm1, v4  }
0x530: {  	[tilespmem:s17+$0x0] =	vst.msk vm0, v58  }
0x531: {  	s10 =	smov.u32 s4;
	s4 =	sld [smem:$0x78E]  }
0x532: {  	s20 =	sor.u32 $0x400, s7;
	s1 =	sor.u32 s24, s14;
	v2 =	vld [tilespmem:s2+$0xD800]  }
0x533: {  	v61 =	vld [tilespmem:s1+$0x4800];
	[tilespmem:s20+$0x0] =	vst.msk vm0, v60  }
0x534: {  	[tilespmem:s4+$0x0] =	vst.msk vm0, v59  }
0x535: {  	s4 =	sld [smem:$0x7A3]  }
0x536: {  	s22 =	sor.u32 $0x840, s31;
	v4 =	vld [tilespmem:s3+$0xD800]  }
0x537: {  	v3 =	vld [tilespmem:s0+$0xD800];
	[tilespmem:s22+$0x0] =	vst.msk vm1, v2  }
0x538: {  	[tilespmem:s4+$0x0] =	vst.msk vm0, v61  }
0x539: {  	s4 =	sld [smem:$0x78F]  }
0x53a: {  	s24 =	sor.u32 $0x840, s7;
	v2 =	vld [tilespmem:s2+$0x4810]  }
0x53b: {  	v5 =	vld [tilespmem:s1+$0xD800];
	[tilespmem:s24+$0x0] =	vst.msk vm1, v4  }
0x53c: {  	[tilespmem:s4+$0x0] =	vst.msk vm1, v3  }
0x53d: {  	s4 =	sld [smem:$0x7A4]  }
0x53e: {  	s25 =	sor.u32 $0x408, s31;
	v4 =	vld [tilespmem:s3+$0x4810]  }
0x53f: {  	v3 =	vld [tilespmem:s0+$0x4810];
	[tilespmem:s25+$0x0] =	vst.msk vm0, v2  }
0x540: {  	[tilespmem:s4+$0x0] =	vst.msk vm1, v5  }
0x541: {  	s4 =	sld [smem:$0x790]  }
0x542: {  	s28 =	sor.u32 $0x408, s7;
	v2 =	vld [tilespmem:s2+$0xD810]  }
0x543: {  	v5 =	vld [tilespmem:s1+$0x4810];
	[tilespmem:s28+$0x0] =	vst.msk vm0, v4  }
0x544: {  	v4 =	vld [tilespmem:s3+$0xD810];
	[tilespmem:s4+$0x0] =	vst.msk vm0, v3  }
0x545: {  	v3 =	vld [tilespmem:s0+$0xD810];
	s4 =	sld [smem:$0x7A5]  }
0x546: {  	s29 =	sor.u32 $0x848, s31  }
0x547: {  	[tilespmem:s29+$0x0] =	vst.msk vm1, v2  }
0x548: {  	s30 =	sor.u32 $0x848, s7;
	v2 =	vld [tilespmem:s2+$0x4820];
	[tilespmem:s4+$0x0] =	vst.msk vm0, v5  }
0x549: {  	v5 =	vld [tilespmem:s1+$0xD810];
	s4 =	rddreg [dreg:$0x13];
	[tilespmem:s30+$0x0] =	vst.msk vm1, v4  }
0x54a: {  	[tilespmem:s4+$0x0] =	vst.msk vm1, v3;
	v4 =	vld [tilespmem:s3+$0x4820]  }
0x54b: {  	v3 =	vld [tilespmem:s0+$0x4820];
	s4 =	sld [smem:$0x7A6]  }
0x54c: {  	s14 =	sor.u32 $0x410, s31  }
0x54d: {  	[tilespmem:s14+$0x0] =	vst.msk vm0, v2  }
0x54e: {  	s17 =	sor.u32 $0x410, s7;
	v2 =	vld [tilespmem:s2+$0xD820];
	[tilespmem:s4+$0x0] =	vst.msk vm1, v5  }
0x54f: {  	v5 =	vld [tilespmem:s1+$0x4820];
	s4 =	rddreg [dreg:$0xd];
	[tilespmem:s17+$0x0] =	vst.msk vm0, v4  }
0x550: {  	[tilespmem:s4+$0x0] =	vst.msk vm0, v3;
	v4 =	vld [tilespmem:s3+$0xD820]  }
0x551: {  	v3 =	vld [tilespmem:s0+$0xD820];
	s4 =	sld [smem:$0x7A7]  }
0x552: {  	s20 =	sor.u32 $0x850, s31  }
0x553: {  	[tilespmem:s20+$0x0] =	vst.msk vm1, v2  }
0x554: {  	s22 =	sor.u32 $0x850, s7;
	v2 =	vld [tilespmem:s2+$0x4830];
	[tilespmem:s4+$0x0] =	vst.msk vm0, v5  }
0x555: {  	v5 =	vld [tilespmem:s1+$0xD820];
	s4 =	rddreg [dreg:$0xb];
	[tilespmem:s22+$0x0] =	vst.msk vm1, v4  }
0x556: {  	[tilespmem:s4+$0x0] =	vst.msk vm1, v3;
	v4 =	vld [tilespmem:s3+$0x4830]  }
0x557: {  	v3 =	vld [tilespmem:s0+$0x4830];
	s4 =	sld [smem:$0x7A8]  }
0x558: {  	s24 =	sor.u32 $0x418, s31  }
0x559: {  	[tilespmem:s24+$0x0] =	vst.msk vm0, v2  }
0x55a: {  	s25 =	sor.u32 $0x418, s7;
	[tilespmem:s4+$0x0] =	vst.msk vm1, v5  }
0x55b: {  	v5 =	vld [tilespmem:s1+$0x4830];
	s4 =	rddreg [dreg:$0xa];
	[tilespmem:s25+$0x0] =	vst.msk vm0, v4  }
0x55c: {  	[tilespmem:s4+$0x0] =	vst.msk vm0, v3  }
0x55d: {  	v2 =	vld [tilespmem:s2+$0xD830];
	s4 =	sld [smem:$0x7A9]  }
0x55e: {  	v4 =	vld [tilespmem:s3+$0xD830]  }
0x55f: {  	v3 =	vld [tilespmem:s0+$0xD830]  }
0x560: {  	[tilespmem:s4+$0x0] =	vst.msk vm0, v5  }
0x561: {  	s28 =	sor.u32 $0x858, s31;
	v5 =	vld [tilespmem:s1+$0xD830]  }
0x562: {  	s29 =	sor.u32 $0x858, s7;
	[tilespmem:s28+$0x0] =	vst.msk vm1, v2  }
0x563: {  	v2 =	vld [tilespmem:s2+$0x4840];
	s4 =	rddreg [dreg:$0x9];
	[tilespmem:s29+$0x0] =	vst.msk vm1, v4  }
0x564: {  	[tilespmem:s4+$0x0] =	vst.msk vm1, v3;
	v4 =	vld [tilespmem:s3+$0x4840]  }
0x565: {  	v3 =	vld [tilespmem:s0+$0x4840];
	s4 =	rddreg [dreg:$0x1e]  }
0x566: {  	[tilespmem:s4+$0x0] =	vst.msk vm1, v5  }
0x567: {  	s30 =	sor.u32 $0x420, s31;
	v5 =	vld [tilespmem:s1+$0x4840]  }
0x568: {  	s14 =	sor.u32 $0x420, s7;
	[tilespmem:s30+$0x0] =	vst.msk vm0, v2  }
0x569: {  	v2 =	vld [tilespmem:s2+$0xD840];
	[tilespmem:s14+$0x0] =	vst.msk vm0, v4  }
0x56a: {  	[tilespmem:s9+$0x0] =	vst.msk vm0, v3;
	v4 =	vld [tilespmem:s3+$0xD840]  }
0x56b: {  	v3 =	vld [tilespmem:s0+$0xD840];
	s4 =	rddreg [dreg:$0x19]  }
0x56c: {  	[tilespmem:s4+$0x0] =	vst.msk vm0, v5  }
0x56d: {  	s17 =	sor.u32 $0x860, s31;
	v5 =	vld [tilespmem:s1+$0xD840]  }
0x56e: {  	s20 =	sor.u32 $0x860, s7;
	[tilespmem:s17+$0x0] =	vst.msk vm1, v2  }
0x56f: {  	v2 =	vld [tilespmem:s2+$0x4850];
	[tilespmem:s20+$0x0] =	vst.msk vm1, v4  }
0x570: {  	[tilespmem:s18+$0x0] =	vst.msk vm1, v3;
	v4 =	vld [tilespmem:s3+$0x4850]  }
0x571: {  	v3 =	vld [tilespmem:s0+$0x4850];
	s4 =	rddreg [dreg:$0x15]  }
0x572: {  	[tilespmem:s4+$0x0] =	vst.msk vm1, v5  }
0x573: {  	s22 =	sor.u32 $0x428, s31;
	v5 =	vld [tilespmem:s1+$0x4850]  }
0x574: {  	s24 =	sor.u32 $0x428, s7;
	[tilespmem:s22+$0x0] =	vst.msk vm0, v2  }
0x575: {  	v2 =	vld [tilespmem:s2+$0xD850];
	[tilespmem:s24+$0x0] =	vst.msk vm0, v4  }
0x576: {  	[tilespmem:s26+$0x0] =	vst.msk vm0, v3;
	v4 =	vld [tilespmem:s3+$0xD850]  }
0x577: {  	v3 =	vld [tilespmem:s0+$0xD850];
	s4 =	rddreg [dreg:$0x12]  }
0x578: {  	[tilespmem:s4+$0x0] =	vst.msk vm0, v5  }
0x579: {  	s25 =	sor.u32 $0x868, s31;
	v5 =	vld [tilespmem:s1+$0xD850]  }
0x57a: {  	s26 =	sor.u32 $0x868, s7;
	[tilespmem:s25+$0x0] =	vst.msk vm1, v2  }
0x57b: {  	v2 =	vld [tilespmem:s2+$0x4860];
	[tilespmem:s26+$0x0] =	vst.msk vm1, v4  }
0x57c: {  	[tilespmem:s23+$0x0] =	vst.msk vm1, v3;
	v4 =	vld [tilespmem:s3+$0x4860]  }
0x57d: {  	v3 =	vld [tilespmem:s0+$0x4860];
	s4 =	rddreg [dreg:$0xf]  }
0x57e: {  	[tilespmem:s4+$0x0] =	vst.msk vm1, v5  }
0x57f: {  	s28 =	sor.u32 $0x430, s31;
	v5 =	vld [tilespmem:s1+$0x4860]  }
0x580: {  	s29 =	sor.u32 $0x430, s7;
	[tilespmem:s28+$0x0] =	vst.msk vm0, v2  }
0x581: {  	v2 =	vld [tilespmem:s2+$0xD860];
	[tilespmem:s29+$0x0] =	vst.msk vm0, v4  }
0x582: {  	[tilespmem:s21+$0x0] =	vst.msk vm0, v3;
	v4 =	vld [tilespmem:s3+$0xD860]  }
0x583: {  	v3 =	vld [tilespmem:s0+$0xD860];
	s4 =	rddreg [dreg:$0xe]  }
0x584: {  	[tilespmem:s4+$0x0] =	vst.msk vm0, v5  }
0x585: {  	s30 =	sor.u32 $0x870, s31;
	v5 =	vld [tilespmem:s1+$0xD860]  }
0x586: {  	s9 =	sor.u32 $0x870, s7;
	[tilespmem:s30+$0x0] =	vst.msk vm1, v2  }
0x587: {  	v2 =	vld [tilespmem:s2+$0x4870];
	[tilespmem:s9+$0x0] =	vst.msk vm1, v4  }
0x588: {  	[tilespmem:s13+$0x0] =	vst.msk vm1, v3;
	v4 =	vld [tilespmem:s3+$0x4870]  }
0x589: {  	v3 =	vld [tilespmem:s0+$0x4870];
	s4 =	rddreg [dreg:$0xc];
	[tilespmem:s5+$0x0] =	vst.msk vm0, v0  }
0x58a: {  	v63 =	vld [tilespmem:s19+$0xD870];
	[tilespmem:s4+$0x0] =	vst.msk vm1, v5  }
0x58b: {  	s13 =	sor.u32 $0x438, s31;
	[tilespmem:s10+$0x0] =	vst.msk vm0, v1;
	v62 =	vld [tilespmem:s1+$0x4870]  }
0x58c: {  	s14 =	sor.u32 $0x438, s7;
	[tilespmem:s13+$0x0] =	vst.msk vm0, v2  }
0x58d: {  	[tilespmem:s14+$0x0] =	vst.msk vm0, v4  }
0x58e: {  	s15 =	sor.u32 $0x878, s15;
	v1 =	vld [tilespmem:s16+$0xD870];
	[tilespmem:s12+$0x0] =	vst.msk vm0, v3  }
0x58f: {  	[tilespmem:s15+$0x0] =	vst.msk vm1, v63  }
0x590: {  	[tilespmem:s11+$0x0] =	vst.msk vm0, v62  }
0x591: {  	v3 =	vld [tilespmem:s0+$0xD870];
	s0 =	sld [smem:$0x78A]  }
0x592: {  	v2 =	vld [tilespmem:s2+$0xD870];
	s2 =	rddreg [dreg:$0x14]  }
0x593: {  	s16 =	sld [smem:$0x789];
	[tilespmem:s2+$0x0] =	vst.msk vm1, v1  }
0x594: {  	s18 =	sld [smem:$0x78B]  }
0x595: {  	v4 =	vld [tilespmem:s3+$0xD870]  }
0x596: {  	v0 =	vld [tilespmem:s1+$0xD870];
	s1 =	simm.s32 $0x360000;
	p0 =	sgt.u32 s0, $0xBF;
	s0 =	smul.u32 $0x6C0000, s16  }
0x597: {  	s17 =	sor.u32 $0x878, s31;
	s1 =	simm.s32 @!p0 $0x0;
	s3 =	smul.u32 $0xC00, s18  }
0x598: {  	[tilespmem:s17+$0x0] =	vst.msk vm1, v2;
	s0 =	sadd.s32 s0, s1  }
0x599: {  	s19 =	sor.u32 $0x878, s7;
	[tilespmem:s8+$0x0] =	vst.msk vm1, v3;
	s0 =	sadd.s32 s3, s0  }
0x59a: {  	s20 =	rddreg [dreg:$0x1];
	[tilespmem:s19+$0x0] =	vst.msk vm1, v4;
	s0 =	sshrl.u32 s0, $0x3  }
0x59b: {  	s21 =	simm.s32 $0x18000;
	s9 =	simm.s32 $0x0;
	[tilespmem:s6+$0x0] =	vst.msk vm1, v0;
	s0 =	sadd.s32 s20, s0  }
0x59c: {  	[hbm4b:s0+s9] =	stream.linear.scatter [tilespmem:s21], [sflag:$0x6], $0xC00, $0x38;
	[tilespmem:$0x1E000] =	vst v63  }
0x59d: {  	s23 =	simm.s32 $0x19000;
	s22 =	sadd.s32 $0x12000, s0  }
0x59e: {  	[hbm4b:s22+s9] =	stream.linear.scatter [tilespmem:s23], [sflag:$0x6], $0xC00, $0x38;
	[tilespmem:$0x1E000] =	vst v63  }
0x59f: {  	s25 =	simm.s32 $0x1A000;
	s24 =	sadd.s32 $0x24000, s0  }
0x5a0: {  	[hbm4b:s24+s9] =	stream.linear.scatter [tilespmem:s25], [sflag:$0x6], $0xC00, $0x38;
	[tilespmem:$0x1E000] =	vst v63  }
0x5a1: {  	s28 =	simm.s32 $0x1B000;
	s26 =	sadd.s32 $0x36000, s0  }
0x5a2: {  	[hbm4b:s26+s9] =	stream.linear.scatter [tilespmem:s28], [sflag:$0x6], $0xC00, $0x38;
	[tilespmem:$0x1E000] =	vst v63  }
.Ltmp4:
0x5a3: {  	_ = 	snop;
	(pc) =	sbr.rel @p1 .LBB2_8-.Ltmp4, $4  }
0x5a4: {  	s30 =	simm.s32 $0x1C000;
	s29 =	sadd.s32 $0x48000, s0  }
0x5a5: {  	[hbm4b:s29+s9] =	stream.linear.scatter [tilespmem:s30], [sflag:$0x6], $0xC00, $0x38;
	[tilespmem:$0x1E000] =	vst v63  }
0x5a6: {  	s31 =	simm.s32 $0x1D000;
	s0 =	sadd.s32 $0x5A000, s0  }
0x5a7: {  	[hbm4b:s0+s9] =	stream.linear.scatter [tilespmem:s31], [sflag:$0x6], $0xC00, $0x38;
	[tilespmem:$0x1E000] =	vst v63  }
0x5a8: {  	s0 =	sld [smem:$0x7FC]  }
0x5a9: {  	s1 =	sld [smem:$0x7D2];
	_ =	sdelay $0x2  }
0x5aa: {  	s0 =	sadd.s32 s1, s0  }
0x5ab: {  	s1 =	smulhi.u32 $0xAAAAAAAB, s0;
	_ =	sdelay $0x1  }
0x5ac: {  	s1 =	sshrl.u32 s1, $0x8  }
0x5ad: {  	s2 =	smul.u32 $0x180, s1;
	_ =	sdelay $0x1  }
0x5ae: {  	s0 =	ssub.s32 s0, s2  }
0x5af: {  	s1 =	smul.u32 $0xD80000, s1;
	s2 =	sadd.s32 $0xFFFFFF40, s0  }
0x5b0: {  	p0 =	sgt.u32 s0, $0xBF;
	s2 =	smin.u32 s0, s2;
	s0 =	simm.s32 $0x4800  }
0x5b1: {  	s2 =	smul.u32 $0x12000, s2;
	s0 =	simm.s32 @!p0 $0x0  }
0x5b2: {  	s30 =	rddreg [dreg:$0x0];
	s0 =	sor.u32 s1, s0  }
0x5b3: {  	s14 =	sld [smem:$0x7D1];
	s0 =	sadd.s32 s2, s0  }
.Ltmp5:
0x5b4: {  	s29 =	sshrl.u32 s0, $0x3;
	s0 =	sadd.s32 $0x9000, s0;
	(pc) =	sbr.rel .LBB2_2-.Ltmp5, $4  }
0x5b5: {  	s3 =	simm.s32 $0x4800;
	s1 =	sadd.s32 s30, s29;
	s0 =	sshrl.u32 s0, $0x3  }
0x5b6: {  	[tilespmem:s3], [sflag:$0x2] =	stream.linear.gather [hbm4b:s1+s9], $0x4800, $0x38;
	[tilespmem:$0x1E000] =	vst v63  }
0x5b7: {  	s31 =	simm.s32 $0xD800;
	s14 =	sadd.s32 $0x1, s14;
	s0 =	sadd.s32 s30, s0  }
0x5b8: {  	[tilespmem:s31], [sflag:$0x4] =	stream.linear.gather [hbm4b:s0+s9], $0x4800, $0x38;
	[tilespmem:$0x1E000] =	vst v63  }
.LBB2_9:
0x5b9: {  	_ =	sfence.sel $0x180000  }
0x5ba: {  	[bflag:$0x0] =	sbarrier.arrive $0xFFFF  }
0x5bb: {  	_ =	strace $0x90000047  }
0x5bc: {  	s0 =	stileid.u32;
	[bflag:$0x2] =	sbarrier.arrive $0xFFFF  }
0x5bd: {  	p0 =	sne.s32 s0, $0x0;
	s0 =	rddreg [dreg:$0x2]  }
0x5be: {  	s0 =	sadd.s32 @!p0 $0x100000, s0  }
0x5bf: {  	[sflag:s0] =	ssyncadd.tile.s32 @!p0 $0x1;
	_ =	shalt  }
.Lfunc_end2:
_tile_overlayer_lowered:
.L_overlay_start_2:
0x5c0: {  	(tag) =	ssettag $0x2  }
0x5c1: {  	s0 =	rddreg [dreg:$0x0];
	s2 =	stileid.u32  }
0x5c2: {  	s1 =	rddreg [dreg:$0x1];
	p0 =	sne.s32 s2, $0x0  }
0x5c3: {  	s3 =	rddreg [dreg:$0x2];
	[bflag:$0x3] =	sbarrier.arrive $0xFFFF;
	s2 =	simm.s32 @!p0 $0x1C07  }
0x5c4: {  	[timem:s3], [sflag:s2] =	dma.local @!p0 [hbm:s0], s1  }
0x5c5: {  	s0 =	simm.s32 @!p0 $0x7  }
0x5c6: {  	_ =	swait.ge @!p0 [sflag:s0], s1  }
0x5c7: {  	s1 =	ssub.s32 @!p0 $0x0, s1;
	[sflag:s0] =	ssyncset.done @!p0 $0x0  }
0x5c8: {  	[sflag:s0] =	ssyncadd.s32 @!p0 s1  }
0x5c9: {  	[bflag:$0x3] =	sbarrier.arrive $0xFFFF  }
0x5ca: {  	_ =	shalt  }

</sc_bundles>
